<compile_context>
chip_gen: v7x
topology: tpu7x:2x2x1
jax: 0.10.2.dev20260603
libtpu: 0.0.44.dev20260713+nightly
codegen_flags: <defaults>
</compile_context>

<pallas_src>
import functools

import jax
import jax.numpy as jnp
from jax import lax
from jax.experimental import pallas as pl
from jax.experimental.pallas import tpu as pltpu
from jax.experimental.pallas import tpu_sc as plsc

NUM_VOCAB = 1000000
EMBDIM = 32
BATCH = 16384

_NC = 2
_NS = 16
_NW = _NC * _NS
_B_PER_W = BATCH // _NW
_NCHUNK = 4
_CHUNK = _B_PER_W // _NCHUNK
_LANES = 16
_WAVE = 8
_NWAVES = _B_PER_W // _WAVE

_mesh = plsc.VectorSubcoreMesh(core_axis_name="c", subcore_axis_name="s")


@functools.partial(
    pl.kernel,
    mesh=_mesh,
    out_type=jax.ShapeDtypeStruct((EMBDIM, BATCH), jnp.float32),
    scratch_types=[
        pltpu.VMEM((_NCHUNK + 1, _CHUNK), jnp.int32),
        pltpu.VMEM((3, _WAVE, 4, 8, 128), jnp.float32),
        pltpu.VMEM((EMBDIM, _B_PER_W), jnp.float32),
        pltpu.SemaphoreType.DMA((3, _WAVE)),
    ],
    compiler_params=pltpu.CompilerParams(needs_layout_passes=False),
)
def _emb_lookup(idx_hbm, tabT_hbm, outT_hbm, idx_v, banks, outv, sems):
    wid = lax.axis_index("s") * _NC + lax.axis_index("c")
    tabT3 = tabT_hbm.reshape(4, 8, NUM_VOCAB)

    pltpu.sync_copy(idx_hbm.at[wid], idx_v.at[pl.ds(0, _NCHUNK)])

    row16 = lax.iota(jnp.int32, _LANES)

    def load_wave_vec(w):
        o = w * _WAVE
        return idx_v[o >> 7, pl.ds(o & 127, _LANES)]

    def fire_wave(v16, bank):
        for k in range(_WAVE):
            v = v16[k]
            col0 = pl.multiple_of((v >> 7) * 128, 128)
            for p in range(4):
                pltpu.async_copy(
                    tabT3.at[p, :, pl.ds(col0, 128)],
                    banks.at[bank, k, p],
                    sems.at[bank, k],
                )

    v16_0 = load_wave_vec(0)
    fire_wave(v16_0, 0)
    v16_1 = load_wave_vec(1)
    fire_wave(v16_1, 1)

    def body(w, carry):
        v16_cur, v16_nxt = carry
        bank = lax.rem(w, 3)
        v16_nxt2 = load_wave_vec(w + 2)

        @pl.when(w + 2 < _NWAVES)
        def _():
            fire_wave(v16_nxt2, lax.rem(w + 2, 3))

        for k in range(_WAVE):
            v = v16_cur[k]
            pltpu.make_async_copy(
                tabT3.at[:, :, pl.ds(0, 128)],
                banks.at[bank, k],
                sems.at[bank, k],
            ).wait()
            lanes16 = jnp.full((_LANES,), v & 127, dtype=jnp.int32)
            pos16 = jnp.full((_LANES,), w * _WAVE + k, dtype=jnp.int32)
            for h in range(EMBDIM // _LANES):
                rows = row16 + h * _LANES
                col = plsc.load_gather(
                    banks.at[bank, k], [rows >> 3, rows & 7, lanes16]
                )
                plsc.store_scatter(outv, [rows, pos16], col)
        return (v16_nxt, v16_nxt2)

    lax.fori_loop(0, _NWAVES, body, (v16_0, v16_1))

    pltpu.sync_copy(outv, outT_hbm.at[:, pl.ds(wid * _B_PER_W, _B_PER_W)])


def kernel(vocab_ids, table):
    idx = vocab_ids.astype(jnp.int32).reshape(_NW, _NCHUNK, _CHUNK)
    return _emb_lookup(idx, table.T).T

# --- scband reference (transcript-rebuilt; emitter-appended) ---
"""Pipeline reference for scband-embedding-77876347011314 (READ-ONLY COPY).

The authoritative reference and input builder live on the scoring server;
editing this copy changes nothing except your own understanding.
"""

import jax, jax.numpy as jnp
import numpy as np

NUM_VOCAB = 1000000
EMBDIM = 32
BATCH = 16384

def setup_inputs(seed: int = 0) -> dict:
    key = jax.random.key(seed)
    k_idx, k_tab = jax.random.split(key)
    vocab_ids = jax.random.randint(k_idx, (BATCH,), 0, NUM_VOCAB, dtype=jnp.int64 if jax.config.jax_enable_x64 else jnp.int32)
    table = jax.random.normal(k_tab, (NUM_VOCAB, EMBDIM), dtype=jnp.float32)
    return {"vocab_ids": vocab_ids, "table": table}

def reference(vocab_ids, table):
    # Embedding lookup: emb = Emb(vocab_ids)
    emb = jnp.take(table, vocab_ids, axis=0)
    # torch.squeeze: with vocab_ids shape [B], B>1 and embdim>1, squeeze is a no-op
    emb = jnp.squeeze(emb)
    if vocab_ids.shape[0] == 1:
        emb = emb[None, :]
    return emb

if __name__ == "__main__":
    import jax
    _d = setup_inputs()
    print(jax.jit(kernel)(*tuple(_d.values())))

</pallas_src>

<mosaic_0001>
#map = affine_map<(d0, d1) -> (0, 0, 0)>
#map1 = affine_map<(d0, d1) -> (0, 0)>
module attributes {stable_mosaic.version = 14 : i64} {
  func.func @_emb_lookup(%arg0: i32, %arg1: i32, %arg2: memref<32x4x128xi32, #tpu.memory_space<hbm>>, %arg3: memref<32x1000000xf32, #tpu.memory_space<hbm>>, %arg4: memref<32x16384xf32, #tpu.memory_space<hbm>>, %arg5: memref<5x128xi32, #tpu.memory_space<vmem>>, %arg6: memref<3x8x4x8x128xf32, #tpu.memory_space<vmem>>, %arg7: memref<32x512xf32, #tpu.memory_space<vmem>>, %arg8: memref<3x8x!tpu.dma_semaphore, #tpu.memory_space<semaphore_mem>>) attributes {dimension_semantics = [#tpu.dimension_semantics<core_parallel>, #tpu.dimension_semantics<subcore_parallel>], iteration_bounds = array<i64: 2, 16>, scalar_prefetch = 0 : i64, scratch_operands = 4 : i64, tpu.core_type = #tpu.core_type<sc_vector_subcore>, window_params = [{transform_indices = #map}, {transform_indices = #map1}, {transform_indices = #map1}]} {
    %mul3A = arith.constant 2 : i32
    %mul3A_0 = arith.muli %arg1, %mul3A : i32
    %add3A = arith.addi %mul3A_0, %arg0 : i32
    "tpu.region"() ({
      %run_scoped3A = tpu.sem_alloc : memref<!tpu.dma_semaphore, #tpu.memory_space<semaphore_mem>>
      %dma_start3A_1658 = arith.constant 0 : i32
      %dma_start3A_1659 = arith.constant 0 : i32
      %dma_start3A_1660 = tpu.memref_slice %arg5[%dma_start3A_1658, %dma_start3A_1659] : memref<5x128xi32, #tpu.memory_space<vmem>> -> memref<4x128xi32, #tpu.memory_space<vmem>>
      %dma_start3A_1661 = arith.constant 0 : i32
      %dma_start3A_1662 = arith.constant 0 : i32
      %dma_start3A_1663 = tpu.memref_slice %arg2[%add3A, %dma_start3A_1661, %dma_start3A_1662] : memref<32x4x128xi32, #tpu.memory_space<hbm>> -> memref<1x4x128xi32, #tpu.memory_space<hbm>>
      %dma_start3A_1664 = tpu.memref_squeeze %dma_start3A_1663 : memref<1x4x128xi32, #tpu.memory_space<hbm>> -> memref<4x128xi32, #tpu.memory_space<hbm>>
      %dma_start3A_1665 = arith.constant 0 : i32
      %dma_start3A_1666 = arith.constant 0 : i32
      %dma_start3A_1667 = tpu.memref_slice %arg5[%dma_start3A_1665, %dma_start3A_1666] : memref<5x128xi32, #tpu.memory_space<vmem>> -> memref<4x128xi32, #tpu.memory_space<vmem>>
      %dma_start3A_1668 = arith.constant 0 : i32
      %dma_start3A_1669 = arith.constant 0 : i32
      %dma_start3A_1670 = tpu.memref_slice %arg2[%add3A, %dma_start3A_1668, %dma_start3A_1669] : memref<32x4x128xi32, #tpu.memory_space<hbm>> -> memref<1x4x128xi32, #tpu.memory_space<hbm>>
      %dma_start3A_1671 = tpu.memref_squeeze %dma_start3A_1670 : memref<1x4x128xi32, #tpu.memory_space<hbm>> -> memref<4x128xi32, #tpu.memory_space<hbm>>
      tpu.enqueue_dma source(%dma_start3A_1671 : memref<4x128xi32, #tpu.memory_space<hbm>>) target(%dma_start3A_1667 : memref<4x128xi32, #tpu.memory_space<vmem>>) target_semaphore(%run_scoped3A : memref<!tpu.dma_semaphore, #tpu.memory_space<semaphore_mem>>)
      %dma_wait3A = arith.constant 0 : i32
      %dma_wait3A_1672 = arith.constant 0 : i32
      %dma_wait3A_1673 = tpu.memref_slice %arg5[%dma_wait3A, %dma_wait3A_1672] : memref<5x128xi32, #tpu.memory_space<vmem>> -> memref<4x128xi32, #tpu.memory_space<vmem>>
      %dma_wait3A_1674 = arith.constant 0 : i32
      %dma_wait3A_1675 = arith.constant 0 : i32
      %dma_wait3A_1676 = tpu.memref_slice %arg2[%add3A, %dma_wait3A_1674, %dma_wait3A_1675] : memref<32x4x128xi32, #tpu.memory_space<hbm>> -> memref<1x4x128xi32, #tpu.memory_space<hbm>>
      %dma_wait3A_1677 = tpu.memref_squeeze %dma_wait3A_1676 : memref<1x4x128xi32, #tpu.memory_space<hbm>> -> memref<4x128xi32, #tpu.memory_space<hbm>>
      %dma_wait3A_1678 = arith.constant 0 : i32
      %dma_wait3A_1679 = arith.constant 0 : i32
      %dma_wait3A_1680 = tpu.memref_slice %arg5[%dma_wait3A_1678, %dma_wait3A_1679] : memref<5x128xi32, #tpu.memory_space<vmem>> -> memref<4x128xi32, #tpu.memory_space<vmem>>
      %dma_wait3A_1681 = arith.constant 0 : i32
      %dma_wait3A_1682 = arith.constant 0 : i32
      %dma_wait3A_1683 = tpu.memref_slice %arg2[%add3A, %dma_wait3A_1681, %dma_wait3A_1682] : memref<32x4x128xi32, #tpu.memory_space<hbm>> -> memref<1x4x128xi32, #tpu.memory_space<hbm>>
      %dma_wait3A_1684 = tpu.memref_squeeze %dma_wait3A_1683 : memref<1x4x128xi32, #tpu.memory_space<hbm>> -> memref<4x128xi32, #tpu.memory_space<hbm>>
      tpu.wait_dma2 semaphore(%run_scoped3A : memref<!tpu.dma_semaphore, #tpu.memory_space<semaphore_mem>>) src(%dma_wait3A_1684 : memref<4x128xi32, #tpu.memory_space<hbm>>) dst(%dma_wait3A_1680 : memref<4x128xi32, #tpu.memory_space<vmem>>)
      tpu.yield
    }) : () -> ()
    %iota3A = tpu.iota {dimensions = array<i32: 0>} : vector<16xi32>
    %get3A = arith.constant 0 : i32
    %get3A_1 = arith.index_cast %get3A : i32 to index
    %get3A_2 = arith.constant 0 : index
    %get3A_3 = tpu.vector_load %arg5[%get3A_1, %get3A_2] {strides = array<i32>} : memref<5x128xi32, #tpu.memory_space<vmem>>, vector<16xi32>,
    %slice3A = vector.extract_strided_slice %get3A_3 {offsets = [0], sizes = [1], strides = [1]} : vector<16xi32> to vector<1xi32>
    %squeeze3A = vector.extract %slice3A[0] : i32 from vector<1xi32>
    %shift_right_arithmetic3A = arith.constant 7 : i32
    %shift_right_arithmetic3A_4 = arith.shrsi %squeeze3A, %shift_right_arithmetic3A : i32
    %mul3A_5 = arith.constant 128 : i32
    %mul3A_6 = arith.muli %shift_right_arithmetic3A_4, %mul3A_5 : i32
    %multiple_of3A = tpu.assume_multiple %mul3A_6, 128 : i32
    %dma_start3A = arith.constant 0 : i32
    %dma_start3A_7 = arith.constant 0 : i32
    %dma_start3A_8 = arith.constant 0 : i32
    %dma_start3A_9 = arith.constant 0 : i32
    %dma_start3A_10 = arith.constant 0 : i32
    %dma_start3A_11 = arith.constant 0 : i32
    %dma_start3A_12 = arith.constant 0 : i32
    %dma_start3A_13 = arith.constant 0 : i32
    %dma_start3A_14 = tpu.memref_slice %arg6[%dma_start3A_7, %dma_start3A_8, %dma_start3A_9, %dma_start3A_12, %dma_start3A_13] : memref<3x8x4x8x128xf32, #tpu.memory_space<vmem>> -> memref<1x1x1x8x128xf32, #tpu.memory_space<vmem>>
    %dma_start3A_15 = tpu.memref_squeeze %dma_start3A_14 : memref<1x1x1x8x128xf32, #tpu.memory_space<vmem>> -> memref<8x128xf32, #tpu.memory_space<vmem>>
    %dma_start3A_16 = tpu.memref_reshape %arg3 : memref<32x1000000xf32, #tpu.memory_space<hbm>> -> memref<4x8x1000000xf32, #tpu.memory_space<hbm>>
    %dma_start3A_17 = arith.constant 0 : i32
    %dma_start3A_18 = tpu.memref_slice %dma_start3A_16[%dma_start3A, %dma_start3A_17, %multiple_of3A] : memref<4x8x1000000xf32, #tpu.memory_space<hbm>> -> memref<1x8x128xf32, #tpu.memory_space<hbm>>
    %dma_start3A_19 = tpu.memref_squeeze %dma_start3A_18 : memref<1x8x128xf32, #tpu.memory_space<hbm>> -> memref<8x128xf32, #tpu.memory_space<hbm>>
    %dma_start3A_20 = tpu.memref_slice %arg8[%dma_start3A_10, %dma_start3A_11] : memref<3x8x!tpu.dma_semaphore, #tpu.memory_space<semaphore_mem>> -> memref<1x1x!tpu.dma_semaphore, #tpu.memory_space<semaphore_mem>>
    %dma_start3A_21 = tpu.memref_squeeze %dma_start3A_20 : memref<1x1x!tpu.dma_semaphore, #tpu.memory_space<semaphore_mem>> -> memref<!tpu.dma_semaphore, #tpu.memory_space<semaphore_mem>>
    %dma_start3A_22 = arith.constant 0 : i32
    %dma_start3A_23 = arith.constant 0 : i32
    %dma_start3A_24 = tpu.memref_slice %arg6[%dma_start3A_7, %dma_start3A_8, %dma_start3A_9, %dma_start3A_22, %dma_start3A_23] : memref<3x8x4x8x128xf32, #tpu.memory_space<vmem>> -> memref<1x1x1x8x128xf32, #tpu.memory_space<vmem>>
    %dma_start3A_25 = tpu.memref_squeeze %dma_start3A_24 : memref<1x1x1x8x128xf32, #tpu.memory_space<vmem>> -> memref<8x128xf32, #tpu.memory_space<vmem>>
    %dma_start3A_26 = tpu.memref_reshape %arg3 : memref<32x1000000xf32, #tpu.memory_space<hbm>> -> memref<4x8x1000000xf32, #tpu.memory_space<hbm>>
    %dma_start3A_27 = arith.constant 0 : i32
    %dma_start3A_28 = tpu.memref_slice %dma_start3A_26[%dma_start3A, %dma_start3A_27, %multiple_of3A] : memref<4x8x1000000xf32, #tpu.memory_space<hbm>> -> memref<1x8x128xf32, #tpu.memory_space<hbm>>
    %dma_start3A_29 = tpu.memref_squeeze %dma_start3A_28 : memref<1x8x128xf32, #tpu.memory_space<hbm>> -> memref<8x128xf32, #tpu.memory_space<hbm>>
    tpu.enqueue_dma source(%dma_start3A_29 : memref<8x128xf32, #tpu.memory_space<hbm>>) target(%dma_start3A_25 : memref<8x128xf32, #tpu.memory_space<vmem>>) target_semaphore(%dma_start3A_21 : memref<!tpu.dma_semaphore, #tpu.memory_space<semaphore_mem>>)
    %dma_start3A_30 = arith.constant 1 : i32
    %dma_start3A_31 = arith.constant 0 : i32
    %dma_start3A_32 = arith.constant 0 : i32
    %dma_start3A_33 = arith.constant 1 : i32
    %dma_start3A_34 = arith.constant 0 : i32
    %dma_start3A_35 = arith.constant 0 : i32
    %dma_start3A_36 = arith.constant 0 : i32
    %dma_start3A_37 = arith.constant 0 : i32
    %dma_start3A_38 = tpu.memref_slice %arg6[%dma_start3A_31, %dma_start3A_32, %dma_start3A_33, %dma_start3A_36, %dma_start3A_37] : memref<3x8x4x8x128xf32, #tpu.memory_space<vmem>> -> memref<1x1x1x8x128xf32, #tpu.memory_space<vmem>>
    %dma_start3A_39 = tpu.memref_squeeze %dma_start3A_38 : memref<1x1x1x8x128xf32, #tpu.memory_space<vmem>> -> memref<8x128xf32, #tpu.memory_space<vmem>>
    %dma_start3A_40 = tpu.memref_reshape %arg3 : memref<32x1000000xf32, #tpu.memory_space<hbm>> -> memref<4x8x1000000xf32, #tpu.memory_space<hbm>>
    %dma_start3A_41 = arith.constant 0 : i32
    %dma_start3A_42 = tpu.memref_slice %dma_start3A_40[%dma_start3A_30, %dma_start3A_41, %multiple_of3A] : memref<4x8x1000000xf32, #tpu.memory_space<hbm>> -> memref<1x8x128xf32, #tpu.memory_space<hbm>>
    %dma_start3A_43 = tpu.memref_squeeze %dma_start3A_42 : memref<1x8x128xf32, #tpu.memory_space<hbm>> -> memref<8x128xf32, #tpu.memory_space<hbm>>
    %dma_start3A_44 = tpu.memref_slice %arg8[%dma_start3A_34, %dma_start3A_35] : memref<3x8x!tpu.dma_semaphore, #tpu.memory_space<semaphore_mem>> -> memref<1x1x!tpu.dma_semaphore, #tpu.memory_space<semaphore_mem>>
    %dma_start3A_45 = tpu.memref_squeeze %dma_start3A_44 : memref<1x1x!tpu.dma_semaphore, #tpu.memory_space<semaphore_mem>> -> memref<!tpu.dma_semaphore, #tpu.memory_space<semaphore_mem>>
    %dma_start3A_46 = arith.constant 0 : i32
    %dma_start3A_47 = arith.constant 0 : i32
    %dma_start3A_48 = tpu.memref_slice %arg6[%dma_start3A_31, %dma_start3A_32, %dma_start3A_33, %dma_start3A_46, %dma_start3A_47] : memref<3x8x4x8x128xf32, #tpu.memory_space<vmem>> -> memref<1x1x1x8x128xf32, #tpu.memory_space<vmem>>
    %dma_start3A_49 = tpu.memref_squeeze %dma_start3A_48 : memref<1x1x1x8x128xf32, #tpu.memory_space<vmem>> -> memref<8x128xf32, #tpu.memory_space<vmem>>
    %dma_start3A_50 = tpu.memref_reshape %arg3 : memref<32x1000000xf32, #tpu.memory_space<hbm>> -> memref<4x8x1000000xf32, #tpu.memory_space<hbm>>
    %dma_start3A_51 = arith.constant 0 : i32
    %dma_start3A_52 = tpu.memref_slice %dma_start3A_50[%dma_start3A_30, %dma_start3A_51, %multiple_of3A] : memref<4x8x1000000xf32, #tpu.memory_space<hbm>> -> memref<1x8x128xf32, #tpu.memory_space<hbm>>
    %dma_start3A_53 = tpu.memref_squeeze %dma_start3A_52 : memref<1x8x128xf32, #tpu.memory_space<hbm>> -> memref<8x128xf32, #tpu.memory_space<hbm>>
    tpu.enqueue_dma source(%dma_start3A_53 : memref<8x128xf32, #tpu.memory_space<hbm>>) target(%dma_start3A_49 : memref<8x128xf32, #tpu.memory_space<vmem>>) target_semaphore(%dma_start3A_45 : memref<!tpu.dma_semaphore, #tpu.memory_space<semaphore_mem>>)
    %dma_start3A_54 = arith.constant 2 : i32
    %dma_start3A_55 = arith.constant 0 : i32
    %dma_start3A_56 = arith.constant 0 : i32
    %dma_start3A_57 = arith.constant 2 : i32
    %dma_start3A_58 = arith.constant 0 : i32
    %dma_start3A_59 = arith.constant 0 : i32
    %dma_start3A_60 = arith.constant 0 : i32
    %dma_start3A_61 = arith.constant 0 : i32
    %dma_start3A_62 = tpu.memref_slice %arg6[%dma_start3A_55, %dma_start3A_56, %dma_start3A_57, %dma_start3A_60, %dma_start3A_61] : memref<3x8x4x8x128xf32, #tpu.memory_space<vmem>> -> memref<1x1x1x8x128xf32, #tpu.memory_space<vmem>>
    %dma_start3A_63 = tpu.memref_squeeze %dma_start3A_62 : memref<1x1x1x8x128xf32, #tpu.memory_space<vmem>> -> memref<8x128xf32, #tpu.memory_space<vmem>>
    %dma_start3A_64 = tpu.memref_reshape %arg3 : memref<32x1000000xf32, #tpu.memory_space<hbm>> -> memref<4x8x1000000xf32, #tpu.memory_space<hbm>>
    %dma_start3A_65 = arith.constant 0 : i32
    %dma_start3A_66 = tpu.memref_slice %dma_start3A_64[%dma_start3A_54, %dma_start3A_65, %multiple_of3A] : memref<4x8x1000000xf32, #tpu.memory_space<hbm>> -> memref<1x8x128xf32, #tpu.memory_space<hbm>>
    %dma_start3A_67 = tpu.memref_squeeze %dma_start3A_66 : memref<1x8x128xf32, #tpu.memory_space<hbm>> -> memref<8x128xf32, #tpu.memory_space<hbm>>
    %dma_start3A_68 = tpu.memref_slice %arg8[%dma_start3A_58, %dma_start3A_59] : memref<3x8x!tpu.dma_semaphore, #tpu.memory_space<semaphore_mem>> -> memref<1x1x!tpu.dma_semaphore, #tpu.memory_space<semaphore_mem>>
    %dma_start3A_69 = tpu.memref_squeeze %dma_start3A_68 : memref<1x1x!tpu.dma_semaphore, #tpu.memory_space<semaphore_mem>> -> memref<!tpu.dma_semaphore, #tpu.memory_space<semaphore_mem>>
    %dma_start3A_70 = arith.constant 0 : i32
    %dma_start3A_71 = arith.constant 0 : i32
    %dma_start3A_72 = tpu.memref_slice %arg6[%dma_start3A_55, %dma_start3A_56, %dma_start3A_57, %dma_start3A_70, %dma_start3A_71] : memref<3x8x4x8x128xf32, #tpu.memory_space<vmem>> -> memref<1x1x1x8x128xf32, #tpu.memory_space<vmem>>
    %dma_start3A_73 = tpu.memref_squeeze %dma_start3A_72 : memref<1x1x1x8x128xf32, #tpu.memory_space<vmem>> -> memref<8x128xf32, #tpu.memory_space<vmem>>
    %dma_start3A_74 = tpu.memref_reshape %arg3 : memref<32x1000000xf32, #tpu.memory_space<hbm>> -> memref<4x8x1000000xf32, #tpu.memory_space<hbm>>
    %dma_start3A_75 = arith.constant 0 : i32
    %dma_start3A_76 = tpu.memref_slice %dma_start3A_74[%dma_start3A_54, %dma_start3A_75, %multiple_of3A] : memref<4x8x1000000xf32, #tpu.memory_space<hbm>> -> memref<1x8x128xf32, #tpu.memory_space<hbm>>
    %dma_start3A_77 = tpu.memref_squeeze %dma_start3A_76 : memref<1x8x128xf32, #tpu.memory_space<hbm>> -> memref<8x128xf32, #tpu.memory_space<hbm>>
    tpu.enqueue_dma source(%dma_start3A_77 : memref<8x128xf32, #tpu.memory_space<hbm>>) target(%dma_start3A_73 : memref<8x128xf32, #tpu.memory_space<vmem>>) target_semaphore(%dma_start3A_69 : memref<!tpu.dma_semaphore, #tpu.memory_space<semaphore_mem>>)
    %dma_start3A_78 = arith.constant 3 : i32
    %dma_start3A_79 = arith.constant 0 : i32
    %dma_start3A_80 = arith.constant 0 : i32
    %dma_start3A_81 = arith.constant 3 : i32
    %dma_start3A_82 = arith.constant 0 : i32
    %dma_start3A_83 = arith.constant 0 : i32
    %dma_start3A_84 = arith.constant 0 : i32
    %dma_start3A_85 = arith.constant 0 : i32
    %dma_start3A_86 = tpu.memref_slice %arg6[%dma_start3A_79, %dma_start3A_80, %dma_start3A_81, %dma_start3A_84, %dma_start3A_85] : memref<3x8x4x8x128xf32, #tpu.memory_space<vmem>> -> memref<1x1x1x8x128xf32, #tpu.memory_space<vmem>>
    %dma_start3A_87 = tpu.memref_squeeze %dma_start3A_86 : memref<1x1x1x8x128xf32, #tpu.memory_space<vmem>> -> memref<8x128xf32, #tpu.memory_space<vmem>>
    %dma_start3A_88 = tpu.memref_reshape %arg3 : memref<32x1000000xf32, #tpu.memory_space<hbm>> -> memref<4x8x1000000xf32, #tpu.memory_space<hbm>>
    %dma_start3A_89 = arith.constant 0 : i32
    %dma_start3A_90 = tpu.memref_slice %dma_start3A_88[%dma_start3A_78, %dma_start3A_89, %multiple_of3A] : memref<4x8x1000000xf32, #tpu.memory_space<hbm>> -> memref<1x8x128xf32, #tpu.memory_space<hbm>>
    %dma_start3A_91 = tpu.memref_squeeze %dma_start3A_90 : memref<1x8x128xf32, #tpu.memory_space<hbm>> -> memref<8x128xf32, #tpu.memory_space<hbm>>
    %dma_start3A_92 = tpu.memref_slice %arg8[%dma_start3A_82, %dma_start3A_83] : memref<3x8x!tpu.dma_semaphore, #tpu.memory_space<semaphore_mem>> -> memref<1x1x!tpu.dma_semaphore, #tpu.memory_space<semaphore_mem>>
    %dma_start3A_93 = tpu.memref_squeeze %dma_start3A_92 : memref<1x1x!tpu.dma_semaphore, #tpu.memory_space<semaphore_mem>> -> memref<!tpu.dma_semaphore, #tpu.memory_space<semaphore_mem>>
    %dma_start3A_94 = arith.constant 0 : i32
    %dma_start3A_95 = arith.constant 0 : i32
    %dma_start3A_96 = tpu.memref_slice %arg6[%dma_start3A_79, %dma_start3A_80, %dma_start3A_81, %dma_start3A_94, %dma_start3A_95] : memref<3x8x4x8x128xf32, #tpu.memory_space<vmem>> -> memref<1x1x1x8x128xf32, #tpu.memory_space<vmem>>
    %dma_start3A_97 = tpu.memref_squeeze %dma_start3A_96 : memref<1x1x1x8x128xf32, #tpu.memory_space<vmem>> -> memref<8x128xf32, #tpu.memory_space<vmem>>
    %dma_start3A_98 = tpu.memref_reshape %arg3 : memref<32x1000000xf32, #tpu.memory_space<hbm>> -> memref<4x8x1000000xf32, #tpu.memory_space<hbm>>
    %dma_start3A_99 = arith.constant 0 : i32
    %dma_start3A_100 = tpu.memref_slice %dma_start3A_98[%dma_start3A_78, %dma_start3A_99, %multiple_of3A] : memref<4x8x1000000xf32, #tpu.memory_space<hbm>> -> memref<1x8x128xf32, #tpu.memory_space<hbm>>
    %dma_start3A_101 = tpu.memref_squeeze %dma_start3A_100 : memref<1x8x128xf32, #tpu.memory_space<hbm>> -> memref<8x128xf32, #tpu.memory_space<hbm>>
    tpu.enqueue_dma source(%dma_start3A_101 : memref<8x128xf32, #tpu.memory_space<hbm>>) target(%dma_start3A_97 : memref<8x128xf32, #tpu.memory_space<vmem>>) target_semaphore(%dma_start3A_93 : memref<!tpu.dma_semaphore, #tpu.memory_space<semaphore_mem>>)
    %slice3A_102 = vector.extract_strided_slice %get3A_3 {offsets = [1], sizes = [1], strides = [1]} : vector<16xi32> to vector<1xi32>
    %squeeze3A_103 = vector.extract %slice3A_102[0] : i32 from vector<1xi32>
    %shift_right_arithmetic3A_104 = arith.constant 7 : i32
    %shift_right_arithmetic3A_105 = arith.shrsi %squeeze3A_103, %shift_right_arithmetic3A_104 : i32
    %mul3A_106 = arith.constant 128 : i32
    %mul3A_107 = arith.muli %shift_right_arithmetic3A_105, %mul3A_106 : i32
    %multiple_of3A_108 = tpu.assume_multiple %mul3A_107, 128 : i32
    %dma_start3A_109 = arith.constant 0 : i32
    %dma_start3A_110 = arith.constant 0 : i32
    %dma_start3A_111 = arith.constant 1 : i32
    %dma_start3A_112 = arith.constant 0 : i32
    %dma_start3A_113 = arith.constant 0 : i32
    %dma_start3A_114 = arith.constant 1 : i32
    %dma_start3A_115 = arith.constant 0 : i32
    %dma_start3A_116 = arith.constant 0 : i32
    %dma_start3A_117 = tpu.memref_slice %arg6[%dma_start3A_110, %dma_start3A_111, %dma_start3A_112, %dma_start3A_115, %dma_start3A_116] : memref<3x8x4x8x128xf32, #tpu.memory_space<vmem>> -> memref<1x1x1x8x128xf32, #tpu.memory_space<vmem>>
    %dma_start3A_118 = tpu.memref_squeeze %dma_start3A_117 : memref<1x1x1x8x128xf32, #tpu.memory_space<vmem>> -> memref<8x128xf32, #tpu.memory_space<vmem>>
    %dma_start3A_119 = tpu.memref_reshape %arg3 : memref<32x1000000xf32, #tpu.memory_space<hbm>> -> memref<4x8x1000000xf32, #tpu.memory_space<hbm>>
    %dma_start3A_120 = arith.constant 0 : i32
    %dma_start3A_121 = tpu.memref_slice %dma_start3A_119[%dma_start3A_109, %dma_start3A_120, %multiple_of3A_108] : memref<4x8x1000000xf32, #tpu.memory_space<hbm>> -> memref<1x8x128xf32, #tpu.memory_space<hbm>>
    %dma_start3A_122 = tpu.memref_squeeze %dma_start3A_121 : memref<1x8x128xf32, #tpu.memory_space<hbm>> -> memref<8x128xf32, #tpu.memory_space<hbm>>
    %dma_start3A_123 = tpu.memref_slice %arg8[%dma_start3A_113, %dma_start3A_114] : memref<3x8x!tpu.dma_semaphore, #tpu.memory_space<semaphore_mem>> -> memref<1x1x!tpu.dma_semaphore, #tpu.memory_space<semaphore_mem>>
    %dma_start3A_124 = tpu.memref_squeeze %dma_start3A_123 : memref<1x1x!tpu.dma_semaphore, #tpu.memory_space<semaphore_mem>> -> memref<!tpu.dma_semaphore, #tpu.memory_space<semaphore_mem>>
    %dma_start3A_125 = arith.constant 0 : i32
    %dma_start3A_126 = arith.constant 0 : i32
    %dma_start3A_127 = tpu.memref_slice %arg6[%dma_start3A_110, %dma_start3A_111, %dma_start3A_112, %dma_start3A_125, %dma_start3A_126] : memref<3x8x4x8x128xf32, #tpu.memory_space<vmem>> -> memref<1x1x1x8x128xf32, #tpu.memory_space<vmem>>
    %dma_start3A_128 = tpu.memref_squeeze %dma_start3A_127 : memref<1x1x1x8x128xf32, #tpu.memory_space<vmem>> -> memref<8x128xf32, #tpu.memory_space<vmem>>
    %dma_start3A_129 = tpu.memref_reshape %arg3 : memref<32x1000000xf32, #tpu.memory_space<hbm>> -> memref<4x8x1000000xf32, #tpu.memory_space<hbm>>
    %dma_start3A_130 = arith.constant 0 : i32
    %dma_start3A_131 = tpu.memref_slice %dma_start3A_129[%dma_start3A_109, %dma_start3A_130, %multiple_of3A_108] : memref<4x8x1000000xf32, #tpu.memory_space<hbm>> -> memref<1x8x128xf32, #tpu.memory_space<hbm>>
    %dma_start3A_132 = tpu.memref_squeeze %dma_start3A_131 : memref<1x8x128xf32, #tpu.memory_space<hbm>> -> memref<8x128xf32, #tpu.memory_space<hbm>>
    tpu.enqueue_dma source(%dma_start3A_132 : memref<8x128xf32, #tpu.memory_space<hbm>>) target(%dma_start3A_128 : memref<8x128xf32, #tpu.memory_space<vmem>>) target_semaphore(%dma_start3A_124 : memref<!tpu.dma_semaphore, #tpu.memory_space<semaphore_mem>>)
    %dma_start3A_133 = arith.constant 1 : i32
    %dma_start3A_134 = arith.constant 0 : i32
    %dma_start3A_135 = arith.constant 1 : i32
    %dma_start3A_136 = arith.constant 1 : i32
    %dma_start3A_137 = arith.constant 0 : i32
    %dma_start3A_138 = arith.constant 1 : i32
    %dma_start3A_139 = arith.constant 0 : i32
    %dma_start3A_140 = arith.constant 0 : i32
    %dma_start3A_141 = tpu.memref_slice %arg6[%dma_start3A_134, %dma_start3A_135, %dma_start3A_136, %dma_start3A_139, %dma_start3A_140] : memref<3x8x4x8x128xf32, #tpu.memory_space<vmem>> -> memref<1x1x1x8x128xf32, #tpu.memory_space<vmem>>
    %dma_start3A_142 = tpu.memref_squeeze %dma_start3A_141 : memref<1x1x1x8x128xf32, #tpu.memory_space<vmem>> -> memref<8x128xf32, #tpu.memory_space<vmem>>
    %dma_start3A_143 = tpu.memref_reshape %arg3 : memref<32x1000000xf32, #tpu.memory_space<hbm>> -> memref<4x8x1000000xf32, #tpu.memory_space<hbm>>
    %dma_start3A_144 = arith.constant 0 : i32
    %dma_start3A_145 = tpu.memref_slice %dma_start3A_143[%dma_start3A_133, %dma_start3A_144, %multiple_of3A_108] : memref<4x8x1000000xf32, #tpu.memory_space<hbm>> -> memref<1x8x128xf32, #tpu.memory_space<hbm>>
    %dma_start3A_146 = tpu.memref_squeeze %dma_start3A_145 : memref<1x8x128xf32, #tpu.memory_space<hbm>> -> memref<8x128xf32, #tpu.memory_space<hbm>>
    %dma_start3A_147 = tpu.memref_slice %arg8[%dma_start3A_137, %dma_start3A_138] : memref<3x8x!tpu.dma_semaphore, #tpu.memory_space<semaphore_mem>> -> memref<1x1x!tpu.dma_semaphore, #tpu.memory_space<semaphore_mem>>
    %dma_start3A_148 = tpu.memref_squeeze %dma_start3A_147 : memref<1x1x!tpu.dma_semaphore, #tpu.memory_space<semaphore_mem>> -> memref<!tpu.dma_semaphore, #tpu.memory_space<semaphore_mem>>
    %dma_start3A_149 = arith.constant 0 : i32
    %dma_start3A_150 = arith.constant 0 : i32
    %dma_start3A_151 = tpu.memref_slice %arg6[%dma_start3A_134, %dma_start3A_135, %dma_start3A_136, %dma_start3A_149, %dma_start3A_150] : memref<3x8x4x8x128xf32, #tpu.memory_space<vmem>> -> memref<1x1x1x8x128xf32, #tpu.memory_space<vmem>>
    %dma_start3A_152 = tpu.memref_squeeze %dma_start3A_151 : memref<1x1x1x8x128xf32, #tpu.memory_space<vmem>> -> memref<8x128xf32, #tpu.memory_space<vmem>>
    %dma_start3A_153 = tpu.memref_reshape %arg3 : memref<32x1000000xf32, #tpu.memory_space<hbm>> -> memref<4x8x1000000xf32, #tpu.memory_space<hbm>>
    %dma_start3A_154 = arith.constant 0 : i32
    %dma_start3A_155 = tpu.memref_slice %dma_start3A_153[%dma_start3A_133, %dma_start3A_154, %multiple_of3A_108] : memref<4x8x1000000xf32, #tpu.memory_space<hbm>> -> memref<1x8x128xf32, #tpu.memory_space<hbm>>
    %dma_start3A_156 = tpu.memref_squeeze %dma_start3A_155 : memref<1x8x128xf32, #tpu.memory_space<hbm>> -> memref<8x128xf32, #tpu.memory_space<hbm>>
    tpu.enqueue_dma source(%dma_start3A_156 : memref<8x128xf32, #tpu.memory_space<hbm>>) target(%dma_start3A_152 : memref<8x128xf32, #tpu.memory_space<vmem>>) target_semaphore(%dma_start3A_148 : memref<!tpu.dma_semaphore, #tpu.memory_space<semaphore_mem>>)
    %dma_start3A_157 = arith.constant 2 : i32
    %dma_start3A_158 = arith.constant 0 : i32
    %dma_start3A_159 = arith.constant 1 : i32
    %dma_start3A_160 = arith.constant 2 : i32
    %dma_start3A_161 = arith.constant 0 : i32
    %dma_start3A_162 = arith.constant 1 : i32
    %dma_start3A_163 = arith.constant 0 : i32
    %dma_start3A_164 = arith.constant 0 : i32
    %dma_start3A_165 = tpu.memref_slice %arg6[%dma_start3A_158, %dma_start3A_159, %dma_start3A_160, %dma_start3A_163, %dma_start3A_164] : memref<3x8x4x8x128xf32, #tpu.memory_space<vmem>> -> memref<1x1x1x8x128xf32, #tpu.memory_space<vmem>>
    %dma_start3A_166 = tpu.memref_squeeze %dma_start3A_165 : memref<1x1x1x8x128xf32, #tpu.memory_space<vmem>> -> memref<8x128xf32, #tpu.memory_space<vmem>>
    %dma_start3A_167 = tpu.memref_reshape %arg3 : memref<32x1000000xf32, #tpu.memory_space<hbm>> -> memref<4x8x1000000xf32, #tpu.memory_space<hbm>>
    %dma_start3A_168 = arith.constant 0 : i32
    %dma_start3A_169 = tpu.memref_slice %dma_start3A_167[%dma_start3A_157, %dma_start3A_168, %multiple_of3A_108] : memref<4x8x1000000xf32, #tpu.memory_space<hbm>> -> memref<1x8x128xf32, #tpu.memory_space<hbm>>
    %dma_start3A_170 = tpu.memref_squeeze %dma_start3A_169 : memref<1x8x128xf32, #tpu.memory_space<hbm>> -> memref<8x128xf32, #tpu.memory_space<hbm>>
    %dma_start3A_171 = tpu.memref_slice %arg8[%dma_start3A_161, %dma_start3A_162] : memref<3x8x!tpu.dma_semaphore, #tpu.memory_space<semaphore_mem>> -> memref<1x1x!tpu.dma_semaphore, #tpu.memory_space<semaphore_mem>>
    %dma_start3A_172 = tpu.memref_squeeze %dma_start3A_171 : memref<1x1x!tpu.dma_semaphore, #tpu.memory_space<semaphore_mem>> -> memref<!tpu.dma_semaphore, #tpu.memory_space<semaphore_mem>>
    %dma_start3A_173 = arith.constant 0 : i32
    %dma_start3A_174 = arith.constant 0 : i32
    %dma_start3A_175 = tpu.memref_slice %arg6[%dma_start3A_158, %dma_start3A_159, %dma_start3A_160, %dma_start3A_173, %dma_start3A_174] : memref<3x8x4x8x128xf32, #tpu.memory_space<vmem>> -> memref<1x1x1x8x128xf32, #tpu.memory_space<vmem>>
    %dma_start3A_176 = tpu.memref_squeeze %dma_start3A_175 : memref<1x1x1x8x128xf32, #tpu.memory_space<vmem>> -> memref<8x128xf32, #tpu.memory_space<vmem>>
    %dma_start3A_177 = tpu.memref_reshape %arg3 : memref<32x1000000xf32, #tpu.memory_space<hbm>> -> memref<4x8x1000000xf32, #tpu.memory_space<hbm>>
    %dma_start3A_178 = arith.constant 0 : i32
    %dma_start3A_179 = tpu.memref_slice %dma_start3A_177[%dma_start3A_157, %dma_start3A_178, %multiple_of3A_108] : memref<4x8x1000000xf32, #tpu.memory_space<hbm>> -> memref<1x8x128xf32, #tpu.memory_space<hbm>>
    %dma_start3A_180 = tpu.memref_squeeze %dma_start3A_179 : memref<1x8x128xf32, #tpu.memory_space<hbm>> -> memref<8x128xf32, #tpu.memory_space<hbm>>
    tpu.enqueue_dma source(%dma_start3A_180 : memref<8x128xf32, #tpu.memory_space<hbm>>) target(%dma_start3A_176 : memref<8x128xf32, #tpu.memory_space<vmem>>) target_semaphore(%dma_start3A_172 : memref<!tpu.dma_semaphore, #tpu.memory_space<semaphore_mem>>)
    %dma_start3A_181 = arith.constant 3 : i32
    %dma_start3A_182 = arith.constant 0 : i32
    %dma_start3A_183 = arith.constant 1 : i32
    %dma_start3A_184 = arith.constant 3 : i32
    %dma_start3A_185 = arith.constant 0 : i32
    %dma_start3A_186 = arith.constant 1 : i32
    %dma_start3A_187 = arith.constant 0 : i32
    %dma_start3A_188 = arith.constant 0 : i32
    %dma_start3A_189 = tpu.memref_slice %arg6[%dma_start3A_182, %dma_start3A_183, %dma_start3A_184, %dma_start3A_187, %dma_start3A_188] : memref<3x8x4x8x128xf32, #tpu.memory_space<vmem>> -> memref<1x1x1x8x128xf32, #tpu.memory_space<vmem>>
    %dma_start3A_190 = tpu.memref_squeeze %dma_start3A_189 : memref<1x1x1x8x128xf32, #tpu.memory_space<vmem>> -> memref<8x128xf32, #tpu.memory_space<vmem>>
    %dma_start3A_191 = tpu.memref_reshape %arg3 : memref<32x1000000xf32, #tpu.memory_space<hbm>> -> memref<4x8x1000000xf32, #tpu.memory_space<hbm>>
    %dma_start3A_192 = arith.constant 0 : i32
    %dma_start3A_193 = tpu.memref_slice %dma_start3A_191[%dma_start3A_181, %dma_start3A_192, %multiple_of3A_108] : memref<4x8x1000000xf32, #tpu.memory_space<hbm>> -> memref<1x8x128xf32, #tpu.memory_space<hbm>>
    %dma_start3A_194 = tpu.memref_squeeze %dma_start3A_193 : memref<1x8x128xf32, #tpu.memory_space<hbm>> -> memref<8x128xf32, #tpu.memory_space<hbm>>
    %dma_start3A_195 = tpu.memref_slice %arg8[%dma_start3A_185, %dma_start3A_186] : memref<3x8x!tpu.dma_semaphore, #tpu.memory_space<semaphore_mem>> -> memref<1x1x!tpu.dma_semaphore, #tpu.memory_space<semaphore_mem>>
    %dma_start3A_196 = tpu.memref_squeeze %dma_start3A_195 : memref<1x1x!tpu.dma_semaphore, #tpu.memory_space<semaphore_mem>> -> memref<!tpu.dma_semaphore, #tpu.memory_space<semaphore_mem>>
    %dma_start3A_197 = arith.constant 0 : i32
    %dma_start3A_198 = arith.constant 0 : i32
    %dma_start3A_199 = tpu.memref_slice %arg6[%dma_start3A_182, %dma_start3A_183, %dma_start3A_184, %dma_start3A_197, %dma_start3A_198] : memref<3x8x4x8x128xf32, #tpu.memory_space<vmem>> -> memref<1x1x1x8x128xf32, #tpu.memory_space<vmem>>
    %dma_start3A_200 = tpu.memref_squeeze %dma_start3A_199 : memref<1x1x1x8x128xf32, #tpu.memory_space<vmem>> -> memref<8x128xf32, #tpu.memory_space<vmem>>
    %dma_start3A_201 = tpu.memref_reshape %arg3 : memref<32x1000000xf32, #tpu.memory_space<hbm>> -> memref<4x8x1000000xf32, #tpu.memory_space<hbm>>
    %dma_start3A_202 = arith.constant 0 : i32
    %dma_start3A_203 = tpu.memref_slice %dma_start3A_201[%dma_start3A_181, %dma_start3A_202, %multiple_of3A_108] : memref<4x8x1000000xf32, #tpu.memory_space<hbm>> -> memref<1x8x128xf32, #tpu.memory_space<hbm>>
    %dma_start3A_204 = tpu.memref_squeeze %dma_start3A_203 : memref<1x8x128xf32, #tpu.memory_space<hbm>> -> memref<8x128xf32, #tpu.memory_space<hbm>>
    tpu.enqueue_dma source(%dma_start3A_204 : memref<8x128xf32, #tpu.memory_space<hbm>>) target(%dma_start3A_200 : memref<8x128xf32, #tpu.memory_space<vmem>>) target_semaphore(%dma_start3A_196 : memref<!tpu.dma_semaphore, #tpu.memory_space<semaphore_mem>>)
    %slice3A_205 = vector.extract_strided_slice %get3A_3 {offsets = [2], sizes = [1], strides = [1]} : vector<16xi32> to vector<1xi32>
    %squeeze3A_206 = vector.extract %slice3A_205[0] : i32 from vector<1xi32>
    %shift_right_arithmetic3A_207 = arith.constant 7 : i32
    %shift_right_arithmetic3A_208 = arith.shrsi %squeeze3A_206, %shift_right_arithmetic3A_207 : i32
    %mul3A_209 = arith.constant 128 : i32
    %mul3A_210 = arith.muli %shift_right_arithmetic3A_208, %mul3A_209 : i32
    %multiple_of3A_211 = tpu.assume_multiple %mul3A_210, 128 : i32
    %dma_start3A_212 = arith.constant 0 : i32
    %dma_start3A_213 = arith.constant 0 : i32
    %dma_start3A_214 = arith.constant 2 : i32
    %dma_start3A_215 = arith.constant 0 : i32
    %dma_start3A_216 = arith.constant 0 : i32
    %dma_start3A_217 = arith.constant 2 : i32
    %dma_start3A_218 = arith.constant 0 : i32
    %dma_start3A_219 = arith.constant 0 : i32
    %dma_start3A_220 = tpu.memref_slice %arg6[%dma_start3A_213, %dma_start3A_214, %dma_start3A_215, %dma_start3A_218, %dma_start3A_219] : memref<3x8x4x8x128xf32, #tpu.memory_space<vmem>> -> memref<1x1x1x8x128xf32, #tpu.memory_space<vmem>>
    %dma_start3A_221 = tpu.memref_squeeze %dma_start3A_220 : memref<1x1x1x8x128xf32, #tpu.memory_space<vmem>> -> memref<8x128xf32, #tpu.memory_space<vmem>>
    %dma_start3A_222 = tpu.memref_reshape %arg3 : memref<32x1000000xf32, #tpu.memory_space<hbm>> -> memref<4x8x1000000xf32, #tpu.memory_space<hbm>>
    %dma_start3A_223 = arith.constant 0 : i32
    %dma_start3A_224 = tpu.memref_slice %dma_start3A_222[%dma_start3A_212, %dma_start3A_223, %multiple_of3A_211] : memref<4x8x1000000xf32, #tpu.memory_space<hbm>> -> memref<1x8x128xf32, #tpu.memory_space<hbm>>
    %dma_start3A_225 = tpu.memref_squeeze %dma_start3A_224 : memref<1x8x128xf32, #tpu.memory_space<hbm>> -> memref<8x128xf32, #tpu.memory_space<hbm>>
    %dma_start3A_226 = tpu.memref_slice %arg8[%dma_start3A_216, %dma_start3A_217] : memref<3x8x!tpu.dma_semaphore, #tpu.memory_space<semaphore_mem>> -> memref<1x1x!tpu.dma_semaphore, #tpu.memory_space<semaphore_mem>>
    %dma_start3A_227 = tpu.memref_squeeze %dma_start3A_226 : memref<1x1x!tpu.dma_semaphore, #tpu.memory_space<semaphore_mem>> -> memref<!tpu.dma_semaphore, #tpu.memory_space<semaphore_mem>>
    %dma_start3A_228 = arith.constant 0 : i32
    %dma_start3A_229 = arith.constant 0 : i32
    %dma_start3A_230 = tpu.memref_slice %arg6[%dma_start3A_213, %dma_start3A_214, %dma_start3A_215, %dma_start3A_228, %dma_start3A_229] : memref<3x8x4x8x128xf32, #tpu.memory_space<vmem>> -> memref<1x1x1x8x128xf32, #tpu.memory_space<vmem>>
    %dma_start3A_231 = tpu.memref_squeeze %dma_start3A_230 : memref<1x1x1x8x128xf32, #tpu.memory_space<vmem>> -> memref<8x128xf32, #tpu.memory_space<vmem>>
    %dma_start3A_232 = tpu.memref_reshape %arg3 : memref<32x1000000xf32, #tpu.memory_space<hbm>> -> memref<4x8x1000000xf32, #tpu.memory_space<hbm>>
    %dma_start3A_233 = arith.constant 0 : i32
    %dma_start3A_234 = tpu.memref_slice %dma_start3A_232[%dma_start3A_212, %dma_start3A_233, %multiple_of3A_211] : memref<4x8x1000000xf32, #tpu.memory_space<hbm>> -> memref<1x8x128xf32, #tpu.memory_space<hbm>>
    %dma_start3A_235 = tpu.memref_squeeze %dma_start3A_234 : memref<1x8x128xf32, #tpu.memory_space<hbm>> -> memref<8x128xf32, #tpu.memory_space<hbm>>
    tpu.enqueue_dma source(%dma_start3A_235 : memref<8x128xf32, #tpu.memory_space<hbm>>) target(%dma_start3A_231 : memref<8x128xf32, #tpu.memory_space<vmem>>) target_semaphore(%dma_start3A_227 : memref<!tpu.dma_semaphore, #tpu.memory_space<semaphore_mem>>)
    %dma_start3A_236 = arith.constant 1 : i32
    %dma_start3A_237 = arith.constant 0 : i32
    %dma_start3A_238 = arith.constant 2 : i32
    %dma_start3A_239 = arith.constant 1 : i32
    %dma_start3A_240 = arith.constant 0 : i32
    %dma_start3A_241 = arith.constant 2 : i32
    %dma_start3A_242 = arith.constant 0 : i32
    %dma_start3A_243 = arith.constant 0 : i32
    %dma_start3A_244 = tpu.memref_slice %arg6[%dma_start3A_237, %dma_start3A_238, %dma_start3A_239, %dma_start3A_242, %dma_start3A_243] : memref<3x8x4x8x128xf32, #tpu.memory_space<vmem>> -> memref<1x1x1x8x128xf32, #tpu.memory_space<vmem>>
    %dma_start3A_245 = tpu.memref_squeeze %dma_start3A_244 : memref<1x1x1x8x128xf32, #tpu.memory_space<vmem>> -> memref<8x128xf32, #tpu.memory_space<vmem>>
    %dma_start3A_246 = tpu.memref_reshape %arg3 : memref<32x1000000xf32, #tpu.memory_space<hbm>> -> memref<4x8x1000000xf32, #tpu.memory_space<hbm>>
    %dma_start3A_247 = arith.constant 0 : i32
    %dma_start3A_248 = tpu.memref_slice %dma_start3A_246[%dma_start3A_236, %dma_start3A_247, %multiple_of3A_211] : memref<4x8x1000000xf32, #tpu.memory_space<hbm>> -> memref<1x8x128xf32, #tpu.memory_space<hbm>>
    %dma_start3A_249 = tpu.memref_squeeze %dma_start3A_248 : memref<1x8x128xf32, #tpu.memory_space<hbm>> -> memref<8x128xf32, #tpu.memory_space<hbm>>
    %dma_start3A_250 = tpu.memref_slice %arg8[%dma_start3A_240, %dma_start3A_241] : memref<3x8x!tpu.dma_semaphore, #tpu.memory_space<semaphore_mem>> -> memref<1x1x!tpu.dma_semaphore, #tpu.memory_space<semaphore_mem>>
    %dma_start3A_251 = tpu.memref_squeeze %dma_start3A_250 : memref<1x1x!tpu.dma_semaphore, #tpu.memory_space<semaphore_mem>> -> memref<!tpu.dma_semaphore, #tpu.memory_space<semaphore_mem>>
    %dma_start3A_252 = arith.constant 0 : i32
    %dma_start3A_253 = arith.constant 0 : i32
    %dma_start3A_254 = tpu.memref_slice %arg6[%dma_start3A_237, %dma_start3A_238, %dma_start3A_239, %dma_start3A_252, %dma_start3A_253] : memref<3x8x4x8x128xf32, #tpu.memory_space<vmem>> -> memref<1x1x1x8x128xf32, #tpu.memory_space<vmem>>
    %dma_start3A_255 = tpu.memref_squeeze %dma_start3A_254 : memref<1x1x1x8x128xf32, #tpu.memory_space<vmem>> -> memref<8x128xf32, #tpu.memory_space<vmem>>
    %dma_start3A_256 = tpu.memref_reshape %arg3 : memref<32x1000000xf32, #tpu.memory_space<hbm>> -> memref<4x8x1000000xf32, #tpu.memory_space<hbm>>
    %dma_start3A_257 = arith.constant 0 : i32
    %dma_start3A_258 = tpu.memref_slice %dma_start3A_256[%dma_start3A_236, %dma_start3A_257, %multiple_of3A_211] : memref<4x8x1000000xf32, #tpu.memory_space<hbm>> -> memref<1x8x128xf32, #tpu.memory_space<hbm>>
    %dma_start3A_259 = tpu.memref_squeeze %dma_start3A_258 : memref<1x8x128xf32, #tpu.memory_space<hbm>> -> memref<8x128xf32, #tpu.memory_space<hbm>>
    tpu.enqueue_dma source(%dma_start3A_259 : memref<8x128xf32, #tpu.memory_space<hbm>>) target(%dma_start3A_255 : memref<8x128xf32, #tpu.memory_space<vmem>>) target_semaphore(%dma_start3A_251 : memref<!tpu.dma_semaphore, #tpu.memory_space<semaphore_mem>>)
    %dma_start3A_260 = arith.constant 2 : i32
    %dma_start3A_261 = arith.constant 0 : i32
    %dma_start3A_262 = arith.constant 2 : i32
    %dma_start3A_263 = arith.constant 2 : i32
    %dma_start3A_264 = arith.constant 0 : i32
    %dma_start3A_265 = arith.constant 2 : i32
    %dma_start3A_266 = arith.constant 0 : i32
    %dma_start3A_267 = arith.constant 0 : i32
    %dma_start3A_268 = tpu.memref_slice %arg6[%dma_start3A_261, %dma_start3A_262, %dma_start3A_263, %dma_start3A_266, %dma_start3A_267] : memref<3x8x4x8x128xf32, #tpu.memory_space<vmem>> -> memref<1x1x1x8x128xf32, #tpu.memory_space<vmem>>
    %dma_start3A_269 = tpu.memref_squeeze %dma_start3A_268 : memref<1x1x1x8x128xf32, #tpu.memory_space<vmem>> -> memref<8x128xf32, #tpu.memory_space<vmem>>
    %dma_start3A_270 = tpu.memref_reshape %arg3 : memref<32x1000000xf32, #tpu.memory_space<hbm>> -> memref<4x8x1000000xf32, #tpu.memory_space<hbm>>
    %dma_start3A_271 = arith.constant 0 : i32
    %dma_start3A_272 = tpu.memref_slice %dma_start3A_270[%dma_start3A_260, %dma_start3A_271, %multiple_of3A_211] : memref<4x8x1000000xf32, #tpu.memory_space<hbm>> -> memref<1x8x128xf32, #tpu.memory_space<hbm>>
    %dma_start3A_273 = tpu.memref_squeeze %dma_start3A_272 : memref<1x8x128xf32, #tpu.memory_space<hbm>> -> memref<8x128xf32, #tpu.memory_space<hbm>>
    %dma_start3A_274 = tpu.memref_slice %arg8[%dma_start3A_264, %dma_start3A_265] : memref<3x8x!tpu.dma_semaphore, #tpu.memory_space<semaphore_mem>> -> memref<1x1x!tpu.dma_semaphore, #tpu.memory_space<semaphore_mem>>
    %dma_start3A_275 = tpu.memref_squeeze %dma_start3A_274 : memref<1x1x!tpu.dma_semaphore, #tpu.memory_space<semaphore_mem>> -> memref<!tpu.dma_semaphore, #tpu.memory_space<semaphore_mem>>
    %dma_start3A_276 = arith.constant 0 : i32
    %dma_start3A_277 = arith.constant 0 : i32
    %dma_start3A_278 = tpu.memref_slice %arg6[%dma_start3A_261, %dma_start3A_262, %dma_start3A_263, %dma_start3A_276, %dma_start3A_277] : memref<3x8x4x8x128xf32, #tpu.memory_space<vmem>> -> memref<1x1x1x8x128xf32, #tpu.memory_space<vmem>>
    %dma_start3A_279 = tpu.memref_squeeze %dma_start3A_278 : memref<1x1x1x8x128xf32, #tpu.memory_space<vmem>> -> memref<8x128xf32, #tpu.memory_space<vmem>>
    %dma_start3A_280 = tpu.memref_reshape %arg3 : memref<32x1000000xf32, #tpu.memory_space<hbm>> -> memref<4x8x1000000xf32, #tpu.memory_space<hbm>>
    %dma_start3A_281 = arith.constant 0 : i32
    %dma_start3A_282 = tpu.memref_slice %dma_start3A_280[%dma_start3A_260, %dma_start3A_281, %multiple_of3A_211] : memref<4x8x1000000xf32, #tpu.memory_space<hbm>> -> memref<1x8x128xf32, #tpu.memory_space<hbm>>
    %dma_start3A_283 = tpu.memref_squeeze %dma_start3A_282 : memref<1x8x128xf32, #tpu.memory_space<hbm>> -> memref<8x128xf32, #tpu.memory_space<hbm>>
    tpu.enqueue_dma source(%dma_start3A_283 : memref<8x128xf32, #tpu.memory_space<hbm>>) target(%dma_start3A_279 : memref<8x128xf32, #tpu.memory_space<vmem>>) target_semaphore(%dma_start3A_275 : memref<!tpu.dma_semaphore, #tpu.memory_space<semaphore_mem>>)
    %dma_start3A_284 = arith.constant 3 : i32
    %dma_start3A_285 = arith.constant 0 : i32
    %dma_start3A_286 = arith.constant 2 : i32
    %dma_start3A_287 = arith.constant 3 : i32
    %dma_start3A_288 = arith.constant 0 : i32
    %dma_start3A_289 = arith.constant 2 : i32
    %dma_start3A_290 = arith.constant 0 : i32
    %dma_start3A_291 = arith.constant 0 : i32
    %dma_start3A_292 = tpu.memref_slice %arg6[%dma_start3A_285, %dma_start3A_286, %dma_start3A_287, %dma_start3A_290, %dma_start3A_291] : memref<3x8x4x8x128xf32, #tpu.memory_space<vmem>> -> memref<1x1x1x8x128xf32, #tpu.memory_space<vmem>>
    %dma_start3A_293 = tpu.memref_squeeze %dma_start3A_292 : memref<1x1x1x8x128xf32, #tpu.memory_space<vmem>> -> memref<8x128xf32, #tpu.memory_space<vmem>>
    %dma_start3A_294 = tpu.memref_reshape %arg3 : memref<32x1000000xf32, #tpu.memory_space<hbm>> -> memref<4x8x1000000xf32, #tpu.memory_space<hbm>>
    %dma_start3A_295 = arith.constant 0 : i32
    %dma_start3A_296 = tpu.memref_slice %dma_start3A_294[%dma_start3A_284, %dma_start3A_295, %multiple_of3A_211] : memref<4x8x1000000xf32, #tpu.memory_space<hbm>> -> memref<1x8x128xf32, #tpu.memory_space<hbm>>
    %dma_start3A_297 = tpu.memref_squeeze %dma_start3A_296 : memref<1x8x128xf32, #tpu.memory_space<hbm>> -> memref<8x128xf32, #tpu.memory_space<hbm>>
    %dma_start3A_298 = tpu.memref_slice %arg8[%dma_start3A_288, %dma_start3A_289] : memref<3x8x!tpu.dma_semaphore, #tpu.memory_space<semaphore_mem>> -> memref<1x1x!tpu.dma_semaphore, #tpu.memory_space<semaphore_mem>>
    %dma_start3A_299 = tpu.memref_squeeze %dma_start3A_298 : memref<1x1x!tpu.dma_semaphore, #tpu.memory_space<semaphore_mem>> -> memref<!tpu.dma_semaphore, #tpu.memory_space<semaphore_mem>>
    %dma_start3A_300 = arith.constant 0 : i32
    %dma_start3A_301 = arith.constant 0 : i32
    %dma_start3A_302 = tpu.memref_slice %arg6[%dma_start3A_285, %dma_start3A_286, %dma_start3A_287, %dma_start3A_300, %dma_start3A_301] : memref<3x8x4x8x128xf32, #tpu.memory_space<vmem>> -> memref<1x1x1x8x128xf32, #tpu.memory_space<vmem>>
    %dma_start3A_303 = tpu.memref_squeeze %dma_start3A_302 : memref<1x1x1x8x128xf32, #tpu.memory_space<vmem>> -> memref<8x128xf32, #tpu.memory_space<vmem>>
    %dma_start3A_304 = tpu.memref_reshape %arg3 : memref<32x1000000xf32, #tpu.memory_space<hbm>> -> memref<4x8x1000000xf32, #tpu.memory_space<hbm>>
    %dma_start3A_305 = arith.constant 0 : i32
    %dma_start3A_306 = tpu.memref_slice %dma_start3A_304[%dma_start3A_284, %dma_start3A_305, %multiple_of3A_211] : memref<4x8x1000000xf32, #tpu.memory_space<hbm>> -> memref<1x8x128xf32, #tpu.memory_space<hbm>>
    %dma_start3A_307 = tpu.memref_squeeze %dma_start3A_306 : memref<1x8x128xf32, #tpu.memory_space<hbm>> -> memref<8x128xf32, #tpu.memory_space<hbm>>
    tpu.enqueue_dma source(%dma_start3A_307 : memref<8x128xf32, #tpu.memory_space<hbm>>) target(%dma_start3A_303 : memref<8x128xf32, #tpu.memory_space<vmem>>) target_semaphore(%dma_start3A_299 : memref<!tpu.dma_semaphore, #tpu.memory_space<semaphore_mem>>)
    %slice3A_308 = vector.extract_strided_slice %get3A_3 {offsets = [3], sizes = [1], strides = [1]} : vector<16xi32> to vector<1xi32>
    %squeeze3A_309 = vector.extract %slice3A_308[0] : i32 from vector<1xi32>
    %shift_right_arithmetic3A_310 = arith.constant 7 : i32
    %shift_right_arithmetic3A_311 = arith.shrsi %squeeze3A_309, %shift_right_arithmetic3A_310 : i32
    %mul3A_312 = arith.constant 128 : i32
    %mul3A_313 = arith.muli %shift_right_arithmetic3A_311, %mul3A_312 : i32
    %multiple_of3A_314 = tpu.assume_multiple %mul3A_313, 128 : i32
    %dma_start3A_315 = arith.constant 0 : i32
    %dma_start3A_316 = arith.constant 0 : i32
    %dma_start3A_317 = arith.constant 3 : i32
    %dma_start3A_318 = arith.constant 0 : i32
    %dma_start3A_319 = arith.constant 0 : i32
    %dma_start3A_320 = arith.constant 3 : i32
    %dma_start3A_321 = arith.constant 0 : i32
    %dma_start3A_322 = arith.constant 0 : i32
    %dma_start3A_323 = tpu.memref_slice %arg6[%dma_start3A_316, %dma_start3A_317, %dma_start3A_318, %dma_start3A_321, %dma_start3A_322] : memref<3x8x4x8x128xf32, #tpu.memory_space<vmem>> -> memref<1x1x1x8x128xf32, #tpu.memory_space<vmem>>
    %dma_start3A_324 = tpu.memref_squeeze %dma_start3A_323 : memref<1x1x1x8x128xf32, #tpu.memory_space<vmem>> -> memref<8x128xf32, #tpu.memory_space<vmem>>
    %dma_start3A_325 = tpu.memref_reshape %arg3 : memref<32x1000000xf32, #tpu.memory_space<hbm>> -> memref<4x8x1000000xf32, #tpu.memory_space<hbm>>
    %dma_start3A_326 = arith.constant 0 : i32
    %dma_start3A_327 = tpu.memref_slice %dma_start3A_325[%dma_start3A_315, %dma_start3A_326, %multiple_of3A_314] : memref<4x8x1000000xf32, #tpu.memory_space<hbm>> -> memref<1x8x128xf32, #tpu.memory_space<hbm>>
    %dma_start3A_328 = tpu.memref_squeeze %dma_start3A_327 : memref<1x8x128xf32, #tpu.memory_space<hbm>> -> memref<8x128xf32, #tpu.memory_space<hbm>>
    %dma_start3A_329 = tpu.memref_slice %arg8[%dma_start3A_319, %dma_start3A_320] : memref<3x8x!tpu.dma_semaphore, #tpu.memory_space<semaphore_mem>> -> memref<1x1x!tpu.dma_semaphore, #tpu.memory_space<semaphore_mem>>
    %dma_start3A_330 = tpu.memref_squeeze %dma_start3A_329 : memref<1x1x!tpu.dma_semaphore, #tpu.memory_space<semaphore_mem>> -> memref<!tpu.dma_semaphore, #tpu.memory_space<semaphore_mem>>
    %dma_start3A_331 = arith.constant 0 : i32
    %dma_start3A_332 = arith.constant 0 : i32
    %dma_start3A_333 = tpu.memref_slice %arg6[%dma_start3A_316, %dma_start3A_317, %dma_start3A_318, %dma_start3A_331, %dma_start3A_332] : memref<3x8x4x8x128xf32, #tpu.memory_space<vmem>> -> memref<1x1x1x8x128xf32, #tpu.memory_space<vmem>>
    %dma_start3A_334 = tpu.memref_squeeze %dma_start3A_333 : memref<1x1x1x8x128xf32, #tpu.memory_space<vmem>> -> memref<8x128xf32, #tpu.memory_space<vmem>>
    %dma_start3A_335 = tpu.memref_reshape %arg3 : memref<32x1000000xf32, #tpu.memory_space<hbm>> -> memref<4x8x1000000xf32, #tpu.memory_space<hbm>>
    %dma_start3A_336 = arith.constant 0 : i32
    %dma_start3A_337 = tpu.memref_slice %dma_start3A_335[%dma_start3A_315, %dma_start3A_336, %multiple_of3A_314] : memref<4x8x1000000xf32, #tpu.memory_space<hbm>> -> memref<1x8x128xf32, #tpu.memory_space<hbm>>
    %dma_start3A_338 = tpu.memref_squeeze %dma_start3A_337 : memref<1x8x128xf32, #tpu.memory_space<hbm>> -> memref<8x128xf32, #tpu.memory_space<hbm>>
    tpu.enqueue_dma source(%dma_start3A_338 : memref<8x128xf32, #tpu.memory_space<hbm>>) target(%dma_start3A_334 : memref<8x128xf32, #tpu.memory_space<vmem>>) target_semaphore(%dma_start3A_330 : memref<!tpu.dma_semaphore, #tpu.memory_space<semaphore_mem>>)
    %dma_start3A_339 = arith.constant 1 : i32
    %dma_start3A_340 = arith.constant 0 : i32
    %dma_start3A_341 = arith.constant 3 : i32
    %dma_start3A_342 = arith.constant 1 : i32
    %dma_start3A_343 = arith.constant 0 : i32
    %dma_start3A_344 = arith.constant 3 : i32
    %dma_start3A_345 = arith.constant 0 : i32
    %dma_start3A_346 = arith.constant 0 : i32
    %dma_start3A_347 = tpu.memref_slice %arg6[%dma_start3A_340, %dma_start3A_341, %dma_start3A_342, %dma_start3A_345, %dma_start3A_346] : memref<3x8x4x8x128xf32, #tpu.memory_space<vmem>> -> memref<1x1x1x8x128xf32, #tpu.memory_space<vmem>>
    %dma_start3A_348 = tpu.memref_squeeze %dma_start3A_347 : memref<1x1x1x8x128xf32, #tpu.memory_space<vmem>> -> memref<8x128xf32, #tpu.memory_space<vmem>>
    %dma_start3A_349 = tpu.memref_reshape %arg3 : memref<32x1000000xf32, #tpu.memory_space<hbm>> -> memref<4x8x1000000xf32, #tpu.memory_space<hbm>>
    %dma_start3A_350 = arith.constant 0 : i32
    %dma_start3A_351 = tpu.memref_slice %dma_start3A_349[%dma_start3A_339, %dma_start3A_350, %multiple_of3A_314] : memref<4x8x1000000xf32, #tpu.memory_space<hbm>> -> memref<1x8x128xf32, #tpu.memory_space<hbm>>
    %dma_start3A_352 = tpu.memref_squeeze %dma_start3A_351 : memref<1x8x128xf32, #tpu.memory_space<hbm>> -> memref<8x128xf32, #tpu.memory_space<hbm>>
    %dma_start3A_353 = tpu.memref_slice %arg8[%dma_start3A_343, %dma_start3A_344] : memref<3x8x!tpu.dma_semaphore, #tpu.memory_space<semaphore_mem>> -> memref<1x1x!tpu.dma_semaphore, #tpu.memory_space<semaphore_mem>>
    %dma_start3A_354 = tpu.memref_squeeze %dma_start3A_353 : memref<1x1x!tpu.dma_semaphore, #tpu.memory_space<semaphore_mem>> -> memref<!tpu.dma_semaphore, #tpu.memory_space<semaphore_mem>>
    %dma_start3A_355 = arith.constant 0 : i32
    %dma_start3A_356 = arith.constant 0 : i32
    %dma_start3A_357 = tpu.memref_slice %arg6[%dma_start3A_340, %dma_start3A_341, %dma_start3A_342, %dma_start3A_355, %dma_start3A_356] : memref<3x8x4x8x128xf32, #tpu.memory_space<vmem>> -> memref<1x1x1x8x128xf32, #tpu.memory_space<vmem>>
    %dma_start3A_358 = tpu.memref_squeeze %dma_start3A_357 : memref<1x1x1x8x128xf32, #tpu.memory_space<vmem>> -> memref<8x128xf32, #tpu.memory_space<vmem>>
    %dma_start3A_359 = tpu.memref_reshape %arg3 : memref<32x1000000xf32, #tpu.memory_space<hbm>> -> memref<4x8x1000000xf32, #tpu.memory_space<hbm>>
    %dma_start3A_360 = arith.constant 0 : i32
    %dma_start3A_361 = tpu.memref_slice %dma_start3A_359[%dma_start3A_339, %dma_start3A_360, %multiple_of3A_314] : memref<4x8x1000000xf32, #tpu.memory_space<hbm>> -> memref<1x8x128xf32, #tpu.memory_space<hbm>>
    %dma_start3A_362 = tpu.memref_squeeze %dma_start3A_361 : memref<1x8x128xf32, #tpu.memory_space<hbm>> -> memref<8x128xf32, #tpu.memory_space<hbm>>
    tpu.enqueue_dma source(%dma_start3A_362 : memref<8x128xf32, #tpu.memory_space<hbm>>) target(%dma_start3A_358 : memref<8x128xf32, #tpu.memory_space<vmem>>) target_semaphore(%dma_start3A_354 : memref<!tpu.dma_semaphore, #tpu.memory_space<semaphore_mem>>)
    %dma_start3A_363 = arith.constant 2 : i32
    %dma_start3A_364 = arith.constant 0 : i32
    %dma_start3A_365 = arith.constant 3 : i32
    %dma_start3A_366 = arith.constant 2 : i32
    %dma_start3A_367 = arith.constant 0 : i32
    %dma_start3A_368 = arith.constant 3 : i32
    %dma_start3A_369 = arith.constant 0 : i32
    %dma_start3A_370 = arith.constant 0 : i32
    %dma_start3A_371 = tpu.memref_slice %arg6[%dma_start3A_364, %dma_start3A_365, %dma_start3A_366, %dma_start3A_369, %dma_start3A_370] : memref<3x8x4x8x128xf32, #tpu.memory_space<vmem>> -> memref<1x1x1x8x128xf32, #tpu.memory_space<vmem>>
    %dma_start3A_372 = tpu.memref_squeeze %dma_start3A_371 : memref<1x1x1x8x128xf32, #tpu.memory_space<vmem>> -> memref<8x128xf32, #tpu.memory_space<vmem>>
    %dma_start3A_373 = tpu.memref_reshape %arg3 : memref<32x1000000xf32, #tpu.memory_space<hbm>> -> memref<4x8x1000000xf32, #tpu.memory_space<hbm>>
    %dma_start3A_374 = arith.constant 0 : i32
    %dma_start3A_375 = tpu.memref_slice %dma_start3A_373[%dma_start3A_363, %dma_start3A_374, %multiple_of3A_314] : memref<4x8x1000000xf32, #tpu.memory_space<hbm>> -> memref<1x8x128xf32, #tpu.memory_space<hbm>>
    %dma_start3A_376 = tpu.memref_squeeze %dma_start3A_375 : memref<1x8x128xf32, #tpu.memory_space<hbm>> -> memref<8x128xf32, #tpu.memory_space<hbm>>
    %dma_start3A_377 = tpu.memref_slice %arg8[%dma_start3A_367, %dma_start3A_368] : memref<3x8x!tpu.dma_semaphore, #tpu.memory_space<semaphore_mem>> -> memref<1x1x!tpu.dma_semaphore, #tpu.memory_space<semaphore_mem>>
    %dma_start3A_378 = tpu.memref_squeeze %dma_start3A_377 : memref<1x1x!tpu.dma_semaphore, #tpu.memory_space<semaphore_mem>> -> memref<!tpu.dma_semaphore, #tpu.memory_space<semaphore_mem>>
    %dma_start3A_379 = arith.constant 0 : i32
    %dma_start3A_380 = arith.constant 0 : i32
    %dma_start3A_381 = tpu.memref_slice %arg6[%dma_start3A_364, %dma_start3A_365, %dma_start3A_366, %dma_start3A_379, %dma_start3A_380] : memref<3x8x4x8x128xf32, #tpu.memory_space<vmem>> -> memref<1x1x1x8x128xf32, #tpu.memory_space<vmem>>
    %dma_start3A_382 = tpu.memref_squeeze %dma_start3A_381 : memref<1x1x1x8x128xf32, #tpu.memory_space<vmem>> -> memref<8x128xf32, #tpu.memory_space<vmem>>
    %dma_start3A_383 = tpu.memref_reshape %arg3 : memref<32x1000000xf32, #tpu.memory_space<hbm>> -> memref<4x8x1000000xf32, #tpu.memory_space<hbm>>
    %dma_start3A_384 = arith.constant 0 : i32
    %dma_start3A_385 = tpu.memref_slice %dma_start3A_383[%dma_start3A_363, %dma_start3A_384, %multiple_of3A_314] : memref<4x8x1000000xf32, #tpu.memory_space<hbm>> -> memref<1x8x128xf32, #tpu.memory_space<hbm>>
    %dma_start3A_386 = tpu.memref_squeeze %dma_start3A_385 : memref<1x8x128xf32, #tpu.memory_space<hbm>> -> memref<8x128xf32, #tpu.memory_space<hbm>>
    tpu.enqueue_dma source(%dma_start3A_386 : memref<8x128xf32, #tpu.memory_space<hbm>>) target(%dma_start3A_382 : memref<8x128xf32, #tpu.memory_space<vmem>>) target_semaphore(%dma_start3A_378 : memref<!tpu.dma_semaphore, #tpu.memory_space<semaphore_mem>>)
    %dma_start3A_387 = arith.constant 3 : i32
    %dma_start3A_388 = arith.constant 0 : i32
    %dma_start3A_389 = arith.constant 3 : i32
    %dma_start3A_390 = arith.constant 3 : i32
    %dma_start3A_391 = arith.constant 0 : i32
    %dma_start3A_392 = arith.constant 3 : i32
    %dma_start3A_393 = arith.constant 0 : i32
    %dma_start3A_394 = arith.constant 0 : i32
    %dma_start3A_395 = tpu.memref_slice %arg6[%dma_start3A_388, %dma_start3A_389, %dma_start3A_390, %dma_start3A_393, %dma_start3A_394] : memref<3x8x4x8x128xf32, #tpu.memory_space<vmem>> -> memref<1x1x1x8x128xf32, #tpu.memory_space<vmem>>
    %dma_start3A_396 = tpu.memref_squeeze %dma_start3A_395 : memref<1x1x1x8x128xf32, #tpu.memory_space<vmem>> -> memref<8x128xf32, #tpu.memory_space<vmem>>
    %dma_start3A_397 = tpu.memref_reshape %arg3 : memref<32x1000000xf32, #tpu.memory_space<hbm>> -> memref<4x8x1000000xf32, #tpu.memory_space<hbm>>
    %dma_start3A_398 = arith.constant 0 : i32
    %dma_start3A_399 = tpu.memref_slice %dma_start3A_397[%dma_start3A_387, %dma_start3A_398, %multiple_of3A_314] : memref<4x8x1000000xf32, #tpu.memory_space<hbm>> -> memref<1x8x128xf32, #tpu.memory_space<hbm>>
    %dma_start3A_400 = tpu.memref_squeeze %dma_start3A_399 : memref<1x8x128xf32, #tpu.memory_space<hbm>> -> memref<8x128xf32, #tpu.memory_space<hbm>>
    %dma_start3A_401 = tpu.memref_slice %arg8[%dma_start3A_391, %dma_start3A_392] : memref<3x8x!tpu.dma_semaphore, #tpu.memory_space<semaphore_mem>> -> memref<1x1x!tpu.dma_semaphore, #tpu.memory_space<semaphore_mem>>
    %dma_start3A_402 = tpu.memref_squeeze %dma_start3A_401 : memref<1x1x!tpu.dma_semaphore, #tpu.memory_space<semaphore_mem>> -> memref<!tpu.dma_semaphore, #tpu.memory_space<semaphore_mem>>
    %dma_start3A_403 = arith.constant 0 : i32
    %dma_start3A_404 = arith.constant 0 : i32
    %dma_start3A_405 = tpu.memref_slice %arg6[%dma_start3A_388, %dma_start3A_389, %dma_start3A_390, %dma_start3A_403, %dma_start3A_404] : memref<3x8x4x8x128xf32, #tpu.memory_space<vmem>> -> memref<1x1x1x8x128xf32, #tpu.memory_space<vmem>>
    %dma_start3A_406 = tpu.memref_squeeze %dma_start3A_405 : memref<1x1x1x8x128xf32, #tpu.memory_space<vmem>> -> memref<8x128xf32, #tpu.memory_space<vmem>>
    %dma_start3A_407 = tpu.memref_reshape %arg3 : memref<32x1000000xf32, #tpu.memory_space<hbm>> -> memref<4x8x1000000xf32, #tpu.memory_space<hbm>>
    %dma_start3A_408 = arith.constant 0 : i32
    %dma_start3A_409 = tpu.memref_slice %dma_start3A_407[%dma_start3A_387, %dma_start3A_408, %multiple_of3A_314] : memref<4x8x1000000xf32, #tpu.memory_space<hbm>> -> memref<1x8x128xf32, #tpu.memory_space<hbm>>
    %dma_start3A_410 = tpu.memref_squeeze %dma_start3A_409 : memref<1x8x128xf32, #tpu.memory_space<hbm>> -> memref<8x128xf32, #tpu.memory_space<hbm>>
    tpu.enqueue_dma source(%dma_start3A_410 : memref<8x128xf32, #tpu.memory_space<hbm>>) target(%dma_start3A_406 : memref<8x128xf32, #tpu.memory_space<vmem>>) target_semaphore(%dma_start3A_402 : memref<!tpu.dma_semaphore, #tpu.memory_space<semaphore_mem>>)
    %slice3A_411 = vector.extract_strided_slice %get3A_3 {offsets = [4], sizes = [1], strides = [1]} : vector<16xi32> to vector<1xi32>
    %squeeze3A_412 = vector.extract %slice3A_411[0] : i32 from vector<1xi32>
    %shift_right_arithmetic3A_413 = arith.constant 7 : i32
    %shift_right_arithmetic3A_414 = arith.shrsi %squeeze3A_412, %shift_right_arithmetic3A_413 : i32
    %mul3A_415 = arith.constant 128 : i32
    %mul3A_416 = arith.muli %shift_right_arithmetic3A_414, %mul3A_415 : i32
    %multiple_of3A_417 = tpu.assume_multiple %mul3A_416, 128 : i32
    %dma_start3A_418 = arith.constant 0 : i32
    %dma_start3A_419 = arith.constant 0 : i32
    %dma_start3A_420 = arith.constant 4 : i32
    %dma_start3A_421 = arith.constant 0 : i32
    %dma_start3A_422 = arith.constant 0 : i32
    %dma_start3A_423 = arith.constant 4 : i32
    %dma_start3A_424 = arith.constant 0 : i32
    %dma_start3A_425 = arith.constant 0 : i32
    %dma_start3A_426 = tpu.memref_slice %arg6[%dma_start3A_419, %dma_start3A_420, %dma_start3A_421, %dma_start3A_424, %dma_start3A_425] : memref<3x8x4x8x128xf32, #tpu.memory_space<vmem>> -> memref<1x1x1x8x128xf32, #tpu.memory_space<vmem>>
    %dma_start3A_427 = tpu.memref_squeeze %dma_start3A_426 : memref<1x1x1x8x128xf32, #tpu.memory_space<vmem>> -> memref<8x128xf32, #tpu.memory_space<vmem>>
    %dma_start3A_428 = tpu.memref_reshape %arg3 : memref<32x1000000xf32, #tpu.memory_space<hbm>> -> memref<4x8x1000000xf32, #tpu.memory_space<hbm>>
    %dma_start3A_429 = arith.constant 0 : i32
    %dma_start3A_430 = tpu.memref_slice %dma_start3A_428[%dma_start3A_418, %dma_start3A_429, %multiple_of3A_417] : memref<4x8x1000000xf32, #tpu.memory_space<hbm>> -> memref<1x8x128xf32, #tpu.memory_space<hbm>>
    %dma_start3A_431 = tpu.memref_squeeze %dma_start3A_430 : memref<1x8x128xf32, #tpu.memory_space<hbm>> -> memref<8x128xf32, #tpu.memory_space<hbm>>
    %dma_start3A_432 = tpu.memref_slice %arg8[%dma_start3A_422, %dma_start3A_423] : memref<3x8x!tpu.dma_semaphore, #tpu.memory_space<semaphore_mem>> -> memref<1x1x!tpu.dma_semaphore, #tpu.memory_space<semaphore_mem>>
    %dma_start3A_433 = tpu.memref_squeeze %dma_start3A_432 : memref<1x1x!tpu.dma_semaphore, #tpu.memory_space<semaphore_mem>> -> memref<!tpu.dma_semaphore, #tpu.memory_space<semaphore_mem>>
    %dma_start3A_434 = arith.constant 0 : i32
    %dma_start3A_435 = arith.constant 0 : i32
    %dma_start3A_436 = tpu.memref_slice %arg6[%dma_start3A_419, %dma_start3A_420, %dma_start3A_421, %dma_start3A_434, %dma_start3A_435] : memref<3x8x4x8x128xf32, #tpu.memory_space<vmem>> -> memref<1x1x1x8x128xf32, #tpu.memory_space<vmem>>
    %dma_start3A_437 = tpu.memref_squeeze %dma_start3A_436 : memref<1x1x1x8x128xf32, #tpu.memory_space<vmem>> -> memref<8x128xf32, #tpu.memory_space<vmem>>
    %dma_start3A_438 = tpu.memref_reshape %arg3 : memref<32x1000000xf32, #tpu.memory_space<hbm>> -> memref<4x8x1000000xf32, #tpu.memory_space<hbm>>
    %dma_start3A_439 = arith.constant 0 : i32
    %dma_start3A_440 = tpu.memref_slice %dma_start3A_438[%dma_start3A_418, %dma_start3A_439, %multiple_of3A_417] : memref<4x8x1000000xf32, #tpu.memory_space<hbm>> -> memref<1x8x128xf32, #tpu.memory_space<hbm>>
    %dma_start3A_441 = tpu.memref_squeeze %dma_start3A_440 : memref<1x8x128xf32, #tpu.memory_space<hbm>> -> memref<8x128xf32, #tpu.memory_space<hbm>>
    tpu.enqueue_dma source(%dma_start3A_441 : memref<8x128xf32, #tpu.memory_space<hbm>>) target(%dma_start3A_437 : memref<8x128xf32, #tpu.memory_space<vmem>>) target_semaphore(%dma_start3A_433 : memref<!tpu.dma_semaphore, #tpu.memory_space<semaphore_mem>>)
    %dma_start3A_442 = arith.constant 1 : i32
    %dma_start3A_443 = arith.constant 0 : i32
    %dma_start3A_444 = arith.constant 4 : i32
    %dma_start3A_445 = arith.constant 1 : i32
    %dma_start3A_446 = arith.constant 0 : i32
    %dma_start3A_447 = arith.constant 4 : i32
    %dma_start3A_448 = arith.constant 0 : i32
    %dma_start3A_449 = arith.constant 0 : i32
    %dma_start3A_450 = tpu.memref_slice %arg6[%dma_start3A_443, %dma_start3A_444, %dma_start3A_445, %dma_start3A_448, %dma_start3A_449] : memref<3x8x4x8x128xf32, #tpu.memory_space<vmem>> -> memref<1x1x1x8x128xf32, #tpu.memory_space<vmem>>
    %dma_start3A_451 = tpu.memref_squeeze %dma_start3A_450 : memref<1x1x1x8x128xf32, #tpu.memory_space<vmem>> -> memref<8x128xf32, #tpu.memory_space<vmem>>
    %dma_start3A_452 = tpu.memref_reshape %arg3 : memref<32x1000000xf32, #tpu.memory_space<hbm>> -> memref<4x8x1000000xf32, #tpu.memory_space<hbm>>
    %dma_start3A_453 = arith.constant 0 : i32
    %dma_start3A_454 = tpu.memref_slice %dma_start3A_452[%dma_start3A_442, %dma_start3A_453, %multiple_of3A_417] : memref<4x8x1000000xf32, #tpu.memory_space<hbm>> -> memref<1x8x128xf32, #tpu.memory_space<hbm>>
    %dma_start3A_455 = tpu.memref_squeeze %dma_start3A_454 : memref<1x8x128xf32, #tpu.memory_space<hbm>> -> memref<8x128xf32, #tpu.memory_space<hbm>>
    %dma_start3A_456 = tpu.memref_slice %arg8[%dma_start3A_446, %dma_start3A_447] : memref<3x8x!tpu.dma_semaphore, #tpu.memory_space<semaphore_mem>> -> memref<1x1x!tpu.dma_semaphore, #tpu.memory_space<semaphore_mem>>
    %dma_start3A_457 = tpu.memref_squeeze %dma_start3A_456 : memref<1x1x!tpu.dma_semaphore, #tpu.memory_space<semaphore_mem>> -> memref<!tpu.dma_semaphore, #tpu.memory_space<semaphore_mem>>
    %dma_start3A_458 = arith.constant 0 : i32
    %dma_start3A_459 = arith.constant 0 : i32
    %dma_start3A_460 = tpu.memref_slice %arg6[%dma_start3A_443, %dma_start3A_444, %dma_start3A_445, %dma_start3A_458, %dma_start3A_459] : memref<3x8x4x8x128xf32, #tpu.memory_space<vmem>> -> memref<1x1x1x8x128xf32, #tpu.memory_space<vmem>>
    %dma_start3A_461 = tpu.memref_squeeze %dma_start3A_460 : memref<1x1x1x8x128xf32, #tpu.memory_space<vmem>> -> memref<8x128xf32, #tpu.memory_space<vmem>>
    %dma_start3A_462 = tpu.memref_reshape %arg3 : memref<32x1000000xf32, #tpu.memory_space<hbm>> -> memref<4x8x1000000xf32, #tpu.memory_space<hbm>>
    %dma_start3A_463 = arith.constant 0 : i32
    %dma_start3A_464 = tpu.memref_slice %dma_start3A_462[%dma_start3A_442, %dma_start3A_463, %multiple_of3A_417] : memref<4x8x1000000xf32, #tpu.memory_space<hbm>> -> memref<1x8x128xf32, #tpu.memory_space<hbm>>
    %dma_start3A_465 = tpu.memref_squeeze %dma_start3A_464 : memref<1x8x128xf32, #tpu.memory_space<hbm>> -> memref<8x128xf32, #tpu.memory_space<hbm>>
    tpu.enqueue_dma source(%dma_start3A_465 : memref<8x128xf32, #tpu.memory_space<hbm>>) target(%dma_start3A_461 : memref<8x128xf32, #tpu.memory_space<vmem>>) target_semaphore(%dma_start3A_457 : memref<!tpu.dma_semaphore, #tpu.memory_space<semaphore_mem>>)
    %dma_start3A_466 = arith.constant 2 : i32
    %dma_start3A_467 = arith.constant 0 : i32
    %dma_start3A_468 = arith.constant 4 : i32
    %dma_start3A_469 = arith.constant 2 : i32
    %dma_start3A_470 = arith.constant 0 : i32
    %dma_start3A_471 = arith.constant 4 : i32
    %dma_start3A_472 = arith.constant 0 : i32
    %dma_start3A_473 = arith.constant 0 : i32
    %dma_start3A_474 = tpu.memref_slice %arg6[%dma_start3A_467, %dma_start3A_468, %dma_start3A_469, %dma_start3A_472, %dma_start3A_473] : memref<3x8x4x8x128xf32, #tpu.memory_space<vmem>> -> memref<1x1x1x8x128xf32, #tpu.memory_space<vmem>>
    %dma_start3A_475 = tpu.memref_squeeze %dma_start3A_474 : memref<1x1x1x8x128xf32, #tpu.memory_space<vmem>> -> memref<8x128xf32, #tpu.memory_space<vmem>>
    %dma_start3A_476 = tpu.memref_reshape %arg3 : memref<32x1000000xf32, #tpu.memory_space<hbm>> -> memref<4x8x1000000xf32, #tpu.memory_space<hbm>>
    %dma_start3A_477 = arith.constant 0 : i32
    %dma_start3A_478 = tpu.memref_slice %dma_start3A_476[%dma_start3A_466, %dma_start3A_477, %multiple_of3A_417] : memref<4x8x1000000xf32, #tpu.memory_space<hbm>> -> memref<1x8x128xf32, #tpu.memory_space<hbm>>
    %dma_start3A_479 = tpu.memref_squeeze %dma_start3A_478 : memref<1x8x128xf32, #tpu.memory_space<hbm>> -> memref<8x128xf32, #tpu.memory_space<hbm>>
    %dma_start3A_480 = tpu.memref_slice %arg8[%dma_start3A_470, %dma_start3A_471] : memref<3x8x!tpu.dma_semaphore, #tpu.memory_space<semaphore_mem>> -> memref<1x1x!tpu.dma_semaphore, #tpu.memory_space<semaphore_mem>>
    %dma_start3A_481 = tpu.memref_squeeze %dma_start3A_480 : memref<1x1x!tpu.dma_semaphore, #tpu.memory_space<semaphore_mem>> -> memref<!tpu.dma_semaphore, #tpu.memory_space<semaphore_mem>>
    %dma_start3A_482 = arith.constant 0 : i32
    %dma_start3A_483 = arith.constant 0 : i32
    %dma_start3A_484 = tpu.memref_slice %arg6[%dma_start3A_467, %dma_start3A_468, %dma_start3A_469, %dma_start3A_482, %dma_start3A_483] : memref<3x8x4x8x128xf32, #tpu.memory_space<vmem>> -> memref<1x1x1x8x128xf32, #tpu.memory_space<vmem>>
    %dma_start3A_485 = tpu.memref_squeeze %dma_start3A_484 : memref<1x1x1x8x128xf32, #tpu.memory_space<vmem>> -> memref<8x128xf32, #tpu.memory_space<vmem>>
    %dma_start3A_486 = tpu.memref_reshape %arg3 : memref<32x1000000xf32, #tpu.memory_space<hbm>> -> memref<4x8x1000000xf32, #tpu.memory_space<hbm>>
    %dma_start3A_487 = arith.constant 0 : i32
    %dma_start3A_488 = tpu.memref_slice %dma_start3A_486[%dma_start3A_466, %dma_start3A_487, %multiple_of3A_417] : memref<4x8x1000000xf32, #tpu.memory_space<hbm>> -> memref<1x8x128xf32, #tpu.memory_space<hbm>>
    %dma_start3A_489 = tpu.memref_squeeze %dma_start3A_488 : memref<1x8x128xf32, #tpu.memory_space<hbm>> -> memref<8x128xf32, #tpu.memory_space<hbm>>
    tpu.enqueue_dma source(%dma_start3A_489 : memref<8x128xf32, #tpu.memory_space<hbm>>) target(%dma_start3A_485 : memref<8x128xf32, #tpu.memory_space<vmem>>) target_semaphore(%dma_start3A_481 : memref<!tpu.dma_semaphore, #tpu.memory_space<semaphore_mem>>)
    %dma_start3A_490 = arith.constant 3 : i32
    %dma_start3A_491 = arith.constant 0 : i32
    %dma_start3A_492 = arith.constant 4 : i32
    %dma_start3A_493 = arith.constant 3 : i32
    %dma_start3A_494 = arith.constant 0 : i32
    %dma_start3A_495 = arith.constant 4 : i32
    %dma_start3A_496 = arith.constant 0 : i32
    %dma_start3A_497 = arith.constant 0 : i32
    %dma_start3A_498 = tpu.memref_slice %arg6[%dma_start3A_491, %dma_start3A_492, %dma_start3A_493, %dma_start3A_496, %dma_start3A_497] : memref<3x8x4x8x128xf32, #tpu.memory_space<vmem>> -> memref<1x1x1x8x128xf32, #tpu.memory_space<vmem>>
    %dma_start3A_499 = tpu.memref_squeeze %dma_start3A_498 : memref<1x1x1x8x128xf32, #tpu.memory_space<vmem>> -> memref<8x128xf32, #tpu.memory_space<vmem>>
    %dma_start3A_500 = tpu.memref_reshape %arg3 : memref<32x1000000xf32, #tpu.memory_space<hbm>> -> memref<4x8x1000000xf32, #tpu.memory_space<hbm>>
    %dma_start3A_501 = arith.constant 0 : i32
    %dma_start3A_502 = tpu.memref_slice %dma_start3A_500[%dma_start3A_490, %dma_start3A_501, %multiple_of3A_417] : memref<4x8x1000000xf32, #tpu.memory_space<hbm>> -> memref<1x8x128xf32, #tpu.memory_space<hbm>>
    %dma_start3A_503 = tpu.memref_squeeze %dma_start3A_502 : memref<1x8x128xf32, #tpu.memory_space<hbm>> -> memref<8x128xf32, #tpu.memory_space<hbm>>
    %dma_start3A_504 = tpu.memref_slice %arg8[%dma_start3A_494, %dma_start3A_495] : memref<3x8x!tpu.dma_semaphore, #tpu.memory_space<semaphore_mem>> -> memref<1x1x!tpu.dma_semaphore, #tpu.memory_space<semaphore_mem>>
    %dma_start3A_505 = tpu.memref_squeeze %dma_start3A_504 : memref<1x1x!tpu.dma_semaphore, #tpu.memory_space<semaphore_mem>> -> memref<!tpu.dma_semaphore, #tpu.memory_space<semaphore_mem>>
    %dma_start3A_506 = arith.constant 0 : i32
    %dma_start3A_507 = arith.constant 0 : i32
    %dma_start3A_508 = tpu.memref_slice %arg6[%dma_start3A_491, %dma_start3A_492, %dma_start3A_493, %dma_start3A_506, %dma_start3A_507] : memref<3x8x4x8x128xf32, #tpu.memory_space<vmem>> -> memref<1x1x1x8x128xf32, #tpu.memory_space<vmem>>
    %dma_start3A_509 = tpu.memref_squeeze %dma_start3A_508 : memref<1x1x1x8x128xf32, #tpu.memory_space<vmem>> -> memref<8x128xf32, #tpu.memory_space<vmem>>
    %dma_start3A_510 = tpu.memref_reshape %arg3 : memref<32x1000000xf32, #tpu.memory_space<hbm>> -> memref<4x8x1000000xf32, #tpu.memory_space<hbm>>
    %dma_start3A_511 = arith.constant 0 : i32
    %dma_start3A_512 = tpu.memref_slice %dma_start3A_510[%dma_start3A_490, %dma_start3A_511, %multiple_of3A_417] : memref<4x8x1000000xf32, #tpu.memory_space<hbm>> -> memref<1x8x128xf32, #tpu.memory_space<hbm>>
    %dma_start3A_513 = tpu.memref_squeeze %dma_start3A_512 : memref<1x8x128xf32, #tpu.memory_space<hbm>> -> memref<8x128xf32, #tpu.memory_space<hbm>>
    tpu.enqueue_dma source(%dma_start3A_513 : memref<8x128xf32, #tpu.memory_space<hbm>>) target(%dma_start3A_509 : memref<8x128xf32, #tpu.memory_space<vmem>>) target_semaphore(%dma_start3A_505 : memref<!tpu.dma_semaphore, #tpu.memory_space<semaphore_mem>>)
    %slice3A_514 = vector.extract_strided_slice %get3A_3 {offsets = [5], sizes = [1], strides = [1]} : vector<16xi32> to vector<1xi32>
    %squeeze3A_515 = vector.extract %slice3A_514[0] : i32 from vector<1xi32>
    %shift_right_arithmetic3A_516 = arith.constant 7 : i32
    %shift_right_arithmetic3A_517 = arith.shrsi %squeeze3A_515, %shift_right_arithmetic3A_516 : i32
    %mul3A_518 = arith.constant 128 : i32
    %mul3A_519 = arith.muli %shift_right_arithmetic3A_517, %mul3A_518 : i32
    %multiple_of3A_520 = tpu.assume_multiple %mul3A_519, 128 : i32
    %dma_start3A_521 = arith.constant 0 : i32
    %dma_start3A_522 = arith.constant 0 : i32
    %dma_start3A_523 = arith.constant 5 : i32
    %dma_start3A_524 = arith.constant 0 : i32
    %dma_start3A_525 = arith.constant 0 : i32
    %dma_start3A_526 = arith.constant 5 : i32
    %dma_start3A_527 = arith.constant 0 : i32
    %dma_start3A_528 = arith.constant 0 : i32
    %dma_start3A_529 = tpu.memref_slice %arg6[%dma_start3A_522, %dma_start3A_523, %dma_start3A_524, %dma_start3A_527, %dma_start3A_528] : memref<3x8x4x8x128xf32, #tpu.memory_space<vmem>> -> memref<1x1x1x8x128xf32, #tpu.memory_space<vmem>>
    %dma_start3A_530 = tpu.memref_squeeze %dma_start3A_529 : memref<1x1x1x8x128xf32, #tpu.memory_space<vmem>> -> memref<8x128xf32, #tpu.memory_space<vmem>>
    %dma_start3A_531 = tpu.memref_reshape %arg3 : memref<32x1000000xf32, #tpu.memory_space<hbm>> -> memref<4x8x1000000xf32, #tpu.memory_space<hbm>>
    %dma_start3A_532 = arith.constant 0 : i32
    %dma_start3A_533 = tpu.memref_slice %dma_start3A_531[%dma_start3A_521, %dma_start3A_532, %multiple_of3A_520] : memref<4x8x1000000xf32, #tpu.memory_space<hbm>> -> memref<1x8x128xf32, #tpu.memory_space<hbm>>
    %dma_start3A_534 = tpu.memref_squeeze %dma_start3A_533 : memref<1x8x128xf32, #tpu.memory_space<hbm>> -> memref<8x128xf32, #tpu.memory_space<hbm>>
    %dma_start3A_535 = tpu.memref_slice %arg8[%dma_start3A_525, %dma_start3A_526] : memref<3x8x!tpu.dma_semaphore, #tpu.memory_space<semaphore_mem>> -> memref<1x1x!tpu.dma_semaphore, #tpu.memory_space<semaphore_mem>>
    %dma_start3A_536 = tpu.memref_squeeze %dma_start3A_535 : memref<1x1x!tpu.dma_semaphore, #tpu.memory_space<semaphore_mem>> -> memref<!tpu.dma_semaphore, #tpu.memory_space<semaphore_mem>>
    %dma_start3A_537 = arith.constant 0 : i32
    %dma_start3A_538 = arith.constant 0 : i32
    %dma_start3A_539 = tpu.memref_slice %arg6[%dma_start3A_522, %dma_start3A_523, %dma_start3A_524, %dma_start3A_537, %dma_start3A_538] : memref<3x8x4x8x128xf32, #tpu.memory_space<vmem>> -> memref<1x1x1x8x128xf32, #tpu.memory_space<vmem>>
    %dma_start3A_540 = tpu.memref_squeeze %dma_start3A_539 : memref<1x1x1x8x128xf32, #tpu.memory_space<vmem>> -> memref<8x128xf32, #tpu.memory_space<vmem>>
    %dma_start3A_541 = tpu.memref_reshape %arg3 : memref<32x1000000xf32, #tpu.memory_space<hbm>> -> memref<4x8x1000000xf32, #tpu.memory_space<hbm>>
    %dma_start3A_542 = arith.constant 0 : i32
    %dma_start3A_543 = tpu.memref_slice %dma_start3A_541[%dma_start3A_521, %dma_start3A_542, %multiple_of3A_520] : memref<4x8x1000000xf32, #tpu.memory_space<hbm>> -> memref<1x8x128xf32, #tpu.memory_space<hbm>>
    %dma_start3A_544 = tpu.memref_squeeze %dma_start3A_543 : memref<1x8x128xf32, #tpu.memory_space<hbm>> -> memref<8x128xf32, #tpu.memory_space<hbm>>
    tpu.enqueue_dma source(%dma_start3A_544 : memref<8x128xf32, #tpu.memory_space<hbm>>) target(%dma_start3A_540 : memref<8x128xf32, #tpu.memory_space<vmem>>) target_semaphore(%dma_start3A_536 : memref<!tpu.dma_semaphore, #tpu.memory_space<semaphore_mem>>)
    %dma_start3A_545 = arith.constant 1 : i32
    %dma_start3A_546 = arith.constant 0 : i32
    %dma_start3A_547 = arith.constant 5 : i32
    %dma_start3A_548 = arith.constant 1 : i32
    %dma_start3A_549 = arith.constant 0 : i32
    %dma_start3A_550 = arith.constant 5 : i32
    %dma_start3A_551 = arith.constant 0 : i32
    %dma_start3A_552 = arith.constant 0 : i32
    %dma_start3A_553 = tpu.memref_slice %arg6[%dma_start3A_546, %dma_start3A_547, %dma_start3A_548, %dma_start3A_551, %dma_start3A_552] : memref<3x8x4x8x128xf32, #tpu.memory_space<vmem>> -> memref<1x1x1x8x128xf32, #tpu.memory_space<vmem>>
    %dma_start3A_554 = tpu.memref_squeeze %dma_start3A_553 : memref<1x1x1x8x128xf32, #tpu.memory_space<vmem>> -> memref<8x128xf32, #tpu.memory_space<vmem>>
    %dma_start3A_555 = tpu.memref_reshape %arg3 : memref<32x1000000xf32, #tpu.memory_space<hbm>> -> memref<4x8x1000000xf32, #tpu.memory_space<hbm>>
    %dma_start3A_556 = arith.constant 0 : i32
    %dma_start3A_557 = tpu.memref_slice %dma_start3A_555[%dma_start3A_545, %dma_start3A_556, %multiple_of3A_520] : memref<4x8x1000000xf32, #tpu.memory_space<hbm>> -> memref<1x8x128xf32, #tpu.memory_space<hbm>>
    %dma_start3A_558 = tpu.memref_squeeze %dma_start3A_557 : memref<1x8x128xf32, #tpu.memory_space<hbm>> -> memref<8x128xf32, #tpu.memory_space<hbm>>
    %dma_start3A_559 = tpu.memref_slice %arg8[%dma_start3A_549, %dma_start3A_550] : memref<3x8x!tpu.dma_semaphore, #tpu.memory_space<semaphore_mem>> -> memref<1x1x!tpu.dma_semaphore, #tpu.memory_space<semaphore_mem>>
    %dma_start3A_560 = tpu.memref_squeeze %dma_start3A_559 : memref<1x1x!tpu.dma_semaphore, #tpu.memory_space<semaphore_mem>> -> memref<!tpu.dma_semaphore, #tpu.memory_space<semaphore_mem>>
    %dma_start3A_561 = arith.constant 0 : i32
    %dma_start3A_562 = arith.constant 0 : i32
    %dma_start3A_563 = tpu.memref_slice %arg6[%dma_start3A_546, %dma_start3A_547, %dma_start3A_548, %dma_start3A_561, %dma_start3A_562] : memref<3x8x4x8x128xf32, #tpu.memory_space<vmem>> -> memref<1x1x1x8x128xf32, #tpu.memory_space<vmem>>
    %dma_start3A_564 = tpu.memref_squeeze %dma_start3A_563 : memref<1x1x1x8x128xf32, #tpu.memory_space<vmem>> -> memref<8x128xf32, #tpu.memory_space<vmem>>
    %dma_start3A_565 = tpu.memref_reshape %arg3 : memref<32x1000000xf32, #tpu.memory_space<hbm>> -> memref<4x8x1000000xf32, #tpu.memory_space<hbm>>
    %dma_start3A_566 = arith.constant 0 : i32
    %dma_start3A_567 = tpu.memref_slice %dma_start3A_565[%dma_start3A_545, %dma_start3A_566, %multiple_of3A_520] : memref<4x8x1000000xf32, #tpu.memory_space<hbm>> -> memref<1x8x128xf32, #tpu.memory_space<hbm>>
    %dma_start3A_568 = tpu.memref_squeeze %dma_start3A_567 : memref<1x8x128xf32, #tpu.memory_space<hbm>> -> memref<8x128xf32, #tpu.memory_space<hbm>>
    tpu.enqueue_dma source(%dma_start3A_568 : memref<8x128xf32, #tpu.memory_space<hbm>>) target(%dma_start3A_564 : memref<8x128xf32, #tpu.memory_space<vmem>>) target_semaphore(%dma_start3A_560 : memref<!tpu.dma_semaphore, #tpu.memory_space<semaphore_mem>>)
    %dma_start3A_569 = arith.constant 2 : i32
    %dma_start3A_570 = arith.constant 0 : i32
    %dma_start3A_571 = arith.constant 5 : i32
    %dma_start3A_572 = arith.constant 2 : i32
    %dma_start3A_573 = arith.constant 0 : i32
    %dma_start3A_574 = arith.constant 5 : i32
    %dma_start3A_575 = arith.constant 0 : i32
    %dma_start3A_576 = arith.constant 0 : i32
    %dma_start3A_577 = tpu.memref_slice %arg6[%dma_start3A_570, %dma_start3A_571, %dma_start3A_572, %dma_start3A_575, %dma_start3A_576] : memref<3x8x4x8x128xf32, #tpu.memory_space<vmem>> -> memref<1x1x1x8x128xf32, #tpu.memory_space<vmem>>
    %dma_start3A_578 = tpu.memref_squeeze %dma_start3A_577 : memref<1x1x1x8x128xf32, #tpu.memory_space<vmem>> -> memref<8x128xf32, #tpu.memory_space<vmem>>
    %dma_start3A_579 = tpu.memref_reshape %arg3 : memref<32x1000000xf32, #tpu.memory_space<hbm>> -> memref<4x8x1000000xf32, #tpu.memory_space<hbm>>
    %dma_start3A_580 = arith.constant 0 : i32
    %dma_start3A_581 = tpu.memref_slice %dma_start3A_579[%dma_start3A_569, %dma_start3A_580, %multiple_of3A_520] : memref<4x8x1000000xf32, #tpu.memory_space<hbm>> -> memref<1x8x128xf32, #tpu.memory_space<hbm>>
    %dma_start3A_582 = tpu.memref_squeeze %dma_start3A_581 : memref<1x8x128xf32, #tpu.memory_space<hbm>> -> memref<8x128xf32, #tpu.memory_space<hbm>>
    %dma_start3A_583 = tpu.memref_slice %arg8[%dma_start3A_573, %dma_start3A_574] : memref<3x8x!tpu.dma_semaphore, #tpu.memory_space<semaphore_mem>> -> memref<1x1x!tpu.dma_semaphore, #tpu.memory_space<semaphore_mem>>
    %dma_start3A_584 = tpu.memref_squeeze %dma_start3A_583 : memref<1x1x!tpu.dma_semaphore, #tpu.memory_space<semaphore_mem>> -> memref<!tpu.dma_semaphore, #tpu.memory_space<semaphore_mem>>
    %dma_start3A_585 = arith.constant 0 : i32
    %dma_start3A_586 = arith.constant 0 : i32
    %dma_start3A_587 = tpu.memref_slice %arg6[%dma_start3A_570, %dma_start3A_571, %dma_start3A_572, %dma_start3A_585, %dma_start3A_586] : memref<3x8x4x8x128xf32, #tpu.memory_space<vmem>> -> memref<1x1x1x8x128xf32, #tpu.memory_space<vmem>>
    %dma_start3A_588 = tpu.memref_squeeze %dma_start3A_587 : memref<1x1x1x8x128xf32, #tpu.memory_space<vmem>> -> memref<8x128xf32, #tpu.memory_space<vmem>>
    %dma_start3A_589 = tpu.memref_reshape %arg3 : memref<32x1000000xf32, #tpu.memory_space<hbm>> -> memref<4x8x1000000xf32, #tpu.memory_space<hbm>>
    %dma_start3A_590 = arith.constant 0 : i32
    %dma_start3A_591 = tpu.memref_slice %dma_start3A_589[%dma_start3A_569, %dma_start3A_590, %multiple_of3A_520] : memref<4x8x1000000xf32, #tpu.memory_space<hbm>> -> memref<1x8x128xf32, #tpu.memory_space<hbm>>
    %dma_start3A_592 = tpu.memref_squeeze %dma_start3A_591 : memref<1x8x128xf32, #tpu.memory_space<hbm>> -> memref<8x128xf32, #tpu.memory_space<hbm>>
    tpu.enqueue_dma source(%dma_start3A_592 : memref<8x128xf32, #tpu.memory_space<hbm>>) target(%dma_start3A_588 : memref<8x128xf32, #tpu.memory_space<vmem>>) target_semaphore(%dma_start3A_584 : memref<!tpu.dma_semaphore, #tpu.memory_space<semaphore_mem>>)
    %dma_start3A_593 = arith.constant 3 : i32
    %dma_start3A_594 = arith.constant 0 : i32
    %dma_start3A_595 = arith.constant 5 : i32
    %dma_start3A_596 = arith.constant 3 : i32
    %dma_start3A_597 = arith.constant 0 : i32
    %dma_start3A_598 = arith.constant 5 : i32
    %dma_start3A_599 = arith.constant 0 : i32
    %dma_start3A_600 = arith.constant 0 : i32
    %dma_start3A_601 = tpu.memref_slice %arg6[%dma_start3A_594, %dma_start3A_595, %dma_start3A_596, %dma_start3A_599, %dma_start3A_600] : memref<3x8x4x8x128xf32, #tpu.memory_space<vmem>> -> memref<1x1x1x8x128xf32, #tpu.memory_space<vmem>>
    %dma_start3A_602 = tpu.memref_squeeze %dma_start3A_601 : memref<1x1x1x8x128xf32, #tpu.memory_space<vmem>> -> memref<8x128xf32, #tpu.memory_space<vmem>>
    %dma_start3A_603 = tpu.memref_reshape %arg3 : memref<32x1000000xf32, #tpu.memory_space<hbm>> -> memref<4x8x1000000xf32, #tpu.memory_space<hbm>>
    %dma_start3A_604 = arith.constant 0 : i32
    %dma_start3A_605 = tpu.memref_slice %dma_start3A_603[%dma_start3A_593, %dma_start3A_604, %multiple_of3A_520] : memref<4x8x1000000xf32, #tpu.memory_space<hbm>> -> memref<1x8x128xf32, #tpu.memory_space<hbm>>
    %dma_start3A_606 = tpu.memref_squeeze %dma_start3A_605 : memref<1x8x128xf32, #tpu.memory_space<hbm>> -> memref<8x128xf32, #tpu.memory_space<hbm>>
    %dma_start3A_607 = tpu.memref_slice %arg8[%dma_start3A_597, %dma_start3A_598] : memref<3x8x!tpu.dma_semaphore, #tpu.memory_space<semaphore_mem>> -> memref<1x1x!tpu.dma_semaphore, #tpu.memory_space<semaphore_mem>>
    %dma_start3A_608 = tpu.memref_squeeze %dma_start3A_607 : memref<1x1x!tpu.dma_semaphore, #tpu.memory_space<semaphore_mem>> -> memref<!tpu.dma_semaphore, #tpu.memory_space<semaphore_mem>>
    %dma_start3A_609 = arith.constant 0 : i32
    %dma_start3A_610 = arith.constant 0 : i32
    %dma_start3A_611 = tpu.memref_slice %arg6[%dma_start3A_594, %dma_start3A_595, %dma_start3A_596, %dma_start3A_609, %dma_start3A_610] : memref<3x8x4x8x128xf32, #tpu.memory_space<vmem>> -> memref<1x1x1x8x128xf32, #tpu.memory_space<vmem>>
    %dma_start3A_612 = tpu.memref_squeeze %dma_start3A_611 : memref<1x1x1x8x128xf32, #tpu.memory_space<vmem>> -> memref<8x128xf32, #tpu.memory_space<vmem>>
    %dma_start3A_613 = tpu.memref_reshape %arg3 : memref<32x1000000xf32, #tpu.memory_space<hbm>> -> memref<4x8x1000000xf32, #tpu.memory_space<hbm>>
    %dma_start3A_614 = arith.constant 0 : i32
    %dma_start3A_615 = tpu.memref_slice %dma_start3A_613[%dma_start3A_593, %dma_start3A_614, %multiple_of3A_520] : memref<4x8x1000000xf32, #tpu.memory_space<hbm>> -> memref<1x8x128xf32, #tpu.memory_space<hbm>>
    %dma_start3A_616 = tpu.memref_squeeze %dma_start3A_615 : memref<1x8x128xf32, #tpu.memory_space<hbm>> -> memref<8x128xf32, #tpu.memory_space<hbm>>
    tpu.enqueue_dma source(%dma_start3A_616 : memref<8x128xf32, #tpu.memory_space<hbm>>) target(%dma_start3A_612 : memref<8x128xf32, #tpu.memory_space<vmem>>) target_semaphore(%dma_start3A_608 : memref<!tpu.dma_semaphore, #tpu.memory_space<semaphore_mem>>)
    %slice3A_617 = vector.extract_strided_slice %get3A_3 {offsets = [6], sizes = [1], strides = [1]} : vector<16xi32> to vector<1xi32>
    %squeeze3A_618 = vector.extract %slice3A_617[0] : i32 from vector<1xi32>
    %shift_right_arithmetic3A_619 = arith.constant 7 : i32
    %shift_right_arithmetic3A_620 = arith.shrsi %squeeze3A_618, %shift_right_arithmetic3A_619 : i32
    %mul3A_621 = arith.constant 128 : i32
    %mul3A_622 = arith.muli %shift_right_arithmetic3A_620, %mul3A_621 : i32
    %multiple_of3A_623 = tpu.assume_multiple %mul3A_622, 128 : i32
    %dma_start3A_624 = arith.constant 0 : i32
    %dma_start3A_625 = arith.constant 0 : i32
    %dma_start3A_626 = arith.constant 6 : i32
    %dma_start3A_627 = arith.constant 0 : i32
    %dma_start3A_628 = arith.constant 0 : i32
    %dma_start3A_629 = arith.constant 6 : i32
    %dma_start3A_630 = arith.constant 0 : i32
    %dma_start3A_631 = arith.constant 0 : i32
    %dma_start3A_632 = tpu.memref_slice %arg6[%dma_start3A_625, %dma_start3A_626, %dma_start3A_627, %dma_start3A_630, %dma_start3A_631] : memref<3x8x4x8x128xf32, #tpu.memory_space<vmem>> -> memref<1x1x1x8x128xf32, #tpu.memory_space<vmem>>
    %dma_start3A_633 = tpu.memref_squeeze %dma_start3A_632 : memref<1x1x1x8x128xf32, #tpu.memory_space<vmem>> -> memref<8x128xf32, #tpu.memory_space<vmem>>
    %dma_start3A_634 = tpu.memref_reshape %arg3 : memref<32x1000000xf32, #tpu.memory_space<hbm>> -> memref<4x8x1000000xf32, #tpu.memory_space<hbm>>
    %dma_start3A_635 = arith.constant 0 : i32
    %dma_start3A_636 = tpu.memref_slice %dma_start3A_634[%dma_start3A_624, %dma_start3A_635, %multiple_of3A_623] : memref<4x8x1000000xf32, #tpu.memory_space<hbm>> -> memref<1x8x128xf32, #tpu.memory_space<hbm>>
    %dma_start3A_637 = tpu.memref_squeeze %dma_start3A_636 : memref<1x8x128xf32, #tpu.memory_space<hbm>> -> memref<8x128xf32, #tpu.memory_space<hbm>>
    %dma_start3A_638 = tpu.memref_slice %arg8[%dma_start3A_628, %dma_start3A_629] : memref<3x8x!tpu.dma_semaphore, #tpu.memory_space<semaphore_mem>> -> memref<1x1x!tpu.dma_semaphore, #tpu.memory_space<semaphore_mem>>
    %dma_start3A_639 = tpu.memref_squeeze %dma_start3A_638 : memref<1x1x!tpu.dma_semaphore, #tpu.memory_space<semaphore_mem>> -> memref<!tpu.dma_semaphore, #tpu.memory_space<semaphore_mem>>
    %dma_start3A_640 = arith.constant 0 : i32
    %dma_start3A_641 = arith.constant 0 : i32
    %dma_start3A_642 = tpu.memref_slice %arg6[%dma_start3A_625, %dma_start3A_626, %dma_start3A_627, %dma_start3A_640, %dma_start3A_641] : memref<3x8x4x8x128xf32, #tpu.memory_space<vmem>> -> memref<1x1x1x8x128xf32, #tpu.memory_space<vmem>>
    %dma_start3A_643 = tpu.memref_squeeze %dma_start3A_642 : memref<1x1x1x8x128xf32, #tpu.memory_space<vmem>> -> memref<8x128xf32, #tpu.memory_space<vmem>>
    %dma_start3A_644 = tpu.memref_reshape %arg3 : memref<32x1000000xf32, #tpu.memory_space<hbm>> -> memref<4x8x1000000xf32, #tpu.memory_space<hbm>>
    %dma_start3A_645 = arith.constant 0 : i32
    %dma_start3A_646 = tpu.memref_slice %dma_start3A_644[%dma_start3A_624, %dma_start3A_645, %multiple_of3A_623] : memref<4x8x1000000xf32, #tpu.memory_space<hbm>> -> memref<1x8x128xf32, #tpu.memory_space<hbm>>
    %dma_start3A_647 = tpu.memref_squeeze %dma_start3A_646 : memref<1x8x128xf32, #tpu.memory_space<hbm>> -> memref<8x128xf32, #tpu.memory_space<hbm>>
    tpu.enqueue_dma source(%dma_start3A_647 : memref<8x128xf32, #tpu.memory_space<hbm>>) target(%dma_start3A_643 : memref<8x128xf32, #tpu.memory_space<vmem>>) target_semaphore(%dma_start3A_639 : memref<!tpu.dma_semaphore, #tpu.memory_space<semaphore_mem>>)
    %dma_start3A_648 = arith.constant 1 : i32
    %dma_start3A_649 = arith.constant 0 : i32
    %dma_start3A_650 = arith.constant 6 : i32
    %dma_start3A_651 = arith.constant 1 : i32
    %dma_start3A_652 = arith.constant 0 : i32
    %dma_start3A_653 = arith.constant 6 : i32
    %dma_start3A_654 = arith.constant 0 : i32
    %dma_start3A_655 = arith.constant 0 : i32
    %dma_start3A_656 = tpu.memref_slice %arg6[%dma_start3A_649, %dma_start3A_650, %dma_start3A_651, %dma_start3A_654, %dma_start3A_655] : memref<3x8x4x8x128xf32, #tpu.memory_space<vmem>> -> memref<1x1x1x8x128xf32, #tpu.memory_space<vmem>>
    %dma_start3A_657 = tpu.memref_squeeze %dma_start3A_656 : memref<1x1x1x8x128xf32, #tpu.memory_space<vmem>> -> memref<8x128xf32, #tpu.memory_space<vmem>>
    %dma_start3A_658 = tpu.memref_reshape %arg3 : memref<32x1000000xf32, #tpu.memory_space<hbm>> -> memref<4x8x1000000xf32, #tpu.memory_space<hbm>>
    %dma_start3A_659 = arith.constant 0 : i32
    %dma_start3A_660 = tpu.memref_slice %dma_start3A_658[%dma_start3A_648, %dma_start3A_659, %multiple_of3A_623] : memref<4x8x1000000xf32, #tpu.memory_space<hbm>> -> memref<1x8x128xf32, #tpu.memory_space<hbm>>
    %dma_start3A_661 = tpu.memref_squeeze %dma_start3A_660 : memref<1x8x128xf32, #tpu.memory_space<hbm>> -> memref<8x128xf32, #tpu.memory_space<hbm>>
    %dma_start3A_662 = tpu.memref_slice %arg8[%dma_start3A_652, %dma_start3A_653] : memref<3x8x!tpu.dma_semaphore, #tpu.memory_space<semaphore_mem>> -> memref<1x1x!tpu.dma_semaphore, #tpu.memory_space<semaphore_mem>>
    %dma_start3A_663 = tpu.memref_squeeze %dma_start3A_662 : memref<1x1x!tpu.dma_semaphore, #tpu.memory_space<semaphore_mem>> -> memref<!tpu.dma_semaphore, #tpu.memory_space<semaphore_mem>>
    %dma_start3A_664 = arith.constant 0 : i32
    %dma_start3A_665 = arith.constant 0 : i32
    %dma_start3A_666 = tpu.memref_slice %arg6[%dma_start3A_649, %dma_start3A_650, %dma_start3A_651, %dma_start3A_664, %dma_start3A_665] : memref<3x8x4x8x128xf32, #tpu.memory_space<vmem>> -> memref<1x1x1x8x128xf32, #tpu.memory_space<vmem>>
    %dma_start3A_667 = tpu.memref_squeeze %dma_start3A_666 : memref<1x1x1x8x128xf32, #tpu.memory_space<vmem>> -> memref<8x128xf32, #tpu.memory_space<vmem>>
    %dma_start3A_668 = tpu.memref_reshape %arg3 : memref<32x1000000xf32, #tpu.memory_space<hbm>> -> memref<4x8x1000000xf32, #tpu.memory_space<hbm>>
    %dma_start3A_669 = arith.constant 0 : i32
    %dma_start3A_670 = tpu.memref_slice %dma_start3A_668[%dma_start3A_648, %dma_start3A_669, %multiple_of3A_623] : memref<4x8x1000000xf32, #tpu.memory_space<hbm>> -> memref<1x8x128xf32, #tpu.memory_space<hbm>>
    %dma_start3A_671 = tpu.memref_squeeze %dma_start3A_670 : memref<1x8x128xf32, #tpu.memory_space<hbm>> -> memref<8x128xf32, #tpu.memory_space<hbm>>
    tpu.enqueue_dma source(%dma_start3A_671 : memref<8x128xf32, #tpu.memory_space<hbm>>) target(%dma_start3A_667 : memref<8x128xf32, #tpu.memory_space<vmem>>) target_semaphore(%dma_start3A_663 : memref<!tpu.dma_semaphore, #tpu.memory_space<semaphore_mem>>)
    %dma_start3A_672 = arith.constant 2 : i32
    %dma_start3A_673 = arith.constant 0 : i32
    %dma_start3A_674 = arith.constant 6 : i32
    %dma_start3A_675 = arith.constant 2 : i32
    %dma_start3A_676 = arith.constant 0 : i32
    %dma_start3A_677 = arith.constant 6 : i32
    %dma_start3A_678 = arith.constant 0 : i32
    %dma_start3A_679 = arith.constant 0 : i32
    %dma_start3A_680 = tpu.memref_slice %arg6[%dma_start3A_673, %dma_start3A_674, %dma_start3A_675, %dma_start3A_678, %dma_start3A_679] : memref<3x8x4x8x128xf32, #tpu.memory_space<vmem>> -> memref<1x1x1x8x128xf32, #tpu.memory_space<vmem>>
    %dma_start3A_681 = tpu.memref_squeeze %dma_start3A_680 : memref<1x1x1x8x128xf32, #tpu.memory_space<vmem>> -> memref<8x128xf32, #tpu.memory_space<vmem>>
    %dma_start3A_682 = tpu.memref_reshape %arg3 : memref<32x1000000xf32, #tpu.memory_space<hbm>> -> memref<4x8x1000000xf32, #tpu.memory_space<hbm>>
    %dma_start3A_683 = arith.constant 0 : i32
    %dma_start3A_684 = tpu.memref_slice %dma_start3A_682[%dma_start3A_672, %dma_start3A_683, %multiple_of3A_623] : memref<4x8x1000000xf32, #tpu.memory_space<hbm>> -> memref<1x8x128xf32, #tpu.memory_space<hbm>>
    %dma_start3A_685 = tpu.memref_squeeze %dma_start3A_684 : memref<1x8x128xf32, #tpu.memory_space<hbm>> -> memref<8x128xf32, #tpu.memory_space<hbm>>
    %dma_start3A_686 = tpu.memref_slice %arg8[%dma_start3A_676, %dma_start3A_677] : memref<3x8x!tpu.dma_semaphore, #tpu.memory_space<semaphore_mem>> -> memref<1x1x!tpu.dma_semaphore, #tpu.memory_space<semaphore_mem>>
    %dma_start3A_687 = tpu.memref_squeeze %dma_start3A_686 : memref<1x1x!tpu.dma_semaphore, #tpu.memory_space<semaphore_mem>> -> memref<!tpu.dma_semaphore, #tpu.memory_space<semaphore_mem>>
    %dma_start3A_688 = arith.constant 0 : i32
    %dma_start3A_689 = arith.constant 0 : i32
    %dma_start3A_690 = tpu.memref_slice %arg6[%dma_start3A_673, %dma_start3A_674, %dma_start3A_675, %dma_start3A_688, %dma_start3A_689] : memref<3x8x4x8x128xf32, #tpu.memory_space<vmem>> -> memref<1x1x1x8x128xf32, #tpu.memory_space<vmem>>
    %dma_start3A_691 = tpu.memref_squeeze %dma_start3A_690 : memref<1x1x1x8x128xf32, #tpu.memory_space<vmem>> -> memref<8x128xf32, #tpu.memory_space<vmem>>
    %dma_start3A_692 = tpu.memref_reshape %arg3 : memref<32x1000000xf32, #tpu.memory_space<hbm>> -> memref<4x8x1000000xf32, #tpu.memory_space<hbm>>
    %dma_start3A_693 = arith.constant 0 : i32
    %dma_start3A_694 = tpu.memref_slice %dma_start3A_692[%dma_start3A_672, %dma_start3A_693, %multiple_of3A_623] : memref<4x8x1000000xf32, #tpu.memory_space<hbm>> -> memref<1x8x128xf32, #tpu.memory_space<hbm>>
    %dma_start3A_695 = tpu.memref_squeeze %dma_start3A_694 : memref<1x8x128xf32, #tpu.memory_space<hbm>> -> memref<8x128xf32, #tpu.memory_space<hbm>>
    tpu.enqueue_dma source(%dma_start3A_695 : memref<8x128xf32, #tpu.memory_space<hbm>>) target(%dma_start3A_691 : memref<8x128xf32, #tpu.memory_space<vmem>>) target_semaphore(%dma_start3A_687 : memref<!tpu.dma_semaphore, #tpu.memory_space<semaphore_mem>>)
    %dma_start3A_696 = arith.constant 3 : i32
    %dma_start3A_697 = arith.constant 0 : i32
    %dma_start3A_698 = arith.constant 6 : i32
    %dma_start3A_699 = arith.constant 3 : i32
    %dma_start3A_700 = arith.constant 0 : i32
    %dma_start3A_701 = arith.constant 6 : i32
    %dma_start3A_702 = arith.constant 0 : i32
    %dma_start3A_703 = arith.constant 0 : i32
    %dma_start3A_704 = tpu.memref_slice %arg6[%dma_start3A_697, %dma_start3A_698, %dma_start3A_699, %dma_start3A_702, %dma_start3A_703] : memref<3x8x4x8x128xf32, #tpu.memory_space<vmem>> -> memref<1x1x1x8x128xf32, #tpu.memory_space<vmem>>
    %dma_start3A_705 = tpu.memref_squeeze %dma_start3A_704 : memref<1x1x1x8x128xf32, #tpu.memory_space<vmem>> -> memref<8x128xf32, #tpu.memory_space<vmem>>
    %dma_start3A_706 = tpu.memref_reshape %arg3 : memref<32x1000000xf32, #tpu.memory_space<hbm>> -> memref<4x8x1000000xf32, #tpu.memory_space<hbm>>
    %dma_start3A_707 = arith.constant 0 : i32
    %dma_start3A_708 = tpu.memref_slice %dma_start3A_706[%dma_start3A_696, %dma_start3A_707, %multiple_of3A_623] : memref<4x8x1000000xf32, #tpu.memory_space<hbm>> -> memref<1x8x128xf32, #tpu.memory_space<hbm>>
    %dma_start3A_709 = tpu.memref_squeeze %dma_start3A_708 : memref<1x8x128xf32, #tpu.memory_space<hbm>> -> memref<8x128xf32, #tpu.memory_space<hbm>>
    %dma_start3A_710 = tpu.memref_slice %arg8[%dma_start3A_700, %dma_start3A_701] : memref<3x8x!tpu.dma_semaphore, #tpu.memory_space<semaphore_mem>> -> memref<1x1x!tpu.dma_semaphore, #tpu.memory_space<semaphore_mem>>
    %dma_start3A_711 = tpu.memref_squeeze %dma_start3A_710 : memref<1x1x!tpu.dma_semaphore, #tpu.memory_space<semaphore_mem>> -> memref<!tpu.dma_semaphore, #tpu.memory_space<semaphore_mem>>
    %dma_start3A_712 = arith.constant 0 : i32
    %dma_start3A_713 = arith.constant 0 : i32
    %dma_start3A_714 = tpu.memref_slice %arg6[%dma_start3A_697, %dma_start3A_698, %dma_start3A_699, %dma_start3A_712, %dma_start3A_713] : memref<3x8x4x8x128xf32, #tpu.memory_space<vmem>> -> memref<1x1x1x8x128xf32, #tpu.memory_space<vmem>>
    %dma_start3A_715 = tpu.memref_squeeze %dma_start3A_714 : memref<1x1x1x8x128xf32, #tpu.memory_space<vmem>> -> memref<8x128xf32, #tpu.memory_space<vmem>>
    %dma_start3A_716 = tpu.memref_reshape %arg3 : memref<32x1000000xf32, #tpu.memory_space<hbm>> -> memref<4x8x1000000xf32, #tpu.memory_space<hbm>>
    %dma_start3A_717 = arith.constant 0 : i32
    %dma_start3A_718 = tpu.memref_slice %dma_start3A_716[%dma_start3A_696, %dma_start3A_717, %multiple_of3A_623] : memref<4x8x1000000xf32, #tpu.memory_space<hbm>> -> memref<1x8x128xf32, #tpu.memory_space<hbm>>
    %dma_start3A_719 = tpu.memref_squeeze %dma_start3A_718 : memref<1x8x128xf32, #tpu.memory_space<hbm>> -> memref<8x128xf32, #tpu.memory_space<hbm>>
    tpu.enqueue_dma source(%dma_start3A_719 : memref<8x128xf32, #tpu.memory_space<hbm>>) target(%dma_start3A_715 : memref<8x128xf32, #tpu.memory_space<vmem>>) target_semaphore(%dma_start3A_711 : memref<!tpu.dma_semaphore, #tpu.memory_space<semaphore_mem>>)
    %slice3A_720 = vector.extract_strided_slice %get3A_3 {offsets = [7], sizes = [1], strides = [1]} : vector<16xi32> to vector<1xi32>
    %squeeze3A_721 = vector.extract %slice3A_720[0] : i32 from vector<1xi32>
    %shift_right_arithmetic3A_722 = arith.constant 7 : i32
    %shift_right_arithmetic3A_723 = arith.shrsi %squeeze3A_721, %shift_right_arithmetic3A_722 : i32
    %mul3A_724 = arith.constant 128 : i32
    %mul3A_725 = arith.muli %shift_right_arithmetic3A_723, %mul3A_724 : i32
    %multiple_of3A_726 = tpu.assume_multiple %mul3A_725, 128 : i32
    %dma_start3A_727 = arith.constant 0 : i32
    %dma_start3A_728 = arith.constant 0 : i32
    %dma_start3A_729 = arith.constant 7 : i32
    %dma_start3A_730 = arith.constant 0 : i32
    %dma_start3A_731 = arith.constant 0 : i32
    %dma_start3A_732 = arith.constant 7 : i32
    %dma_start3A_733 = arith.constant 0 : i32
    %dma_start3A_734 = arith.constant 0 : i32
    %dma_start3A_735 = tpu.memref_slice %arg6[%dma_start3A_728, %dma_start3A_729, %dma_start3A_730, %dma_start3A_733, %dma_start3A_734] : memref<3x8x4x8x128xf32, #tpu.memory_space<vmem>> -> memref<1x1x1x8x128xf32, #tpu.memory_space<vmem>>
    %dma_start3A_736 = tpu.memref_squeeze %dma_start3A_735 : memref<1x1x1x8x128xf32, #tpu.memory_space<vmem>> -> memref<8x128xf32, #tpu.memory_space<vmem>>
    %dma_start3A_737 = tpu.memref_reshape %arg3 : memref<32x1000000xf32, #tpu.memory_space<hbm>> -> memref<4x8x1000000xf32, #tpu.memory_space<hbm>>
    %dma_start3A_738 = arith.constant 0 : i32
    %dma_start3A_739 = tpu.memref_slice %dma_start3A_737[%dma_start3A_727, %dma_start3A_738, %multiple_of3A_726] : memref<4x8x1000000xf32, #tpu.memory_space<hbm>> -> memref<1x8x128xf32, #tpu.memory_space<hbm>>
    %dma_start3A_740 = tpu.memref_squeeze %dma_start3A_739 : memref<1x8x128xf32, #tpu.memory_space<hbm>> -> memref<8x128xf32, #tpu.memory_space<hbm>>
    %dma_start3A_741 = tpu.memref_slice %arg8[%dma_start3A_731, %dma_start3A_732] : memref<3x8x!tpu.dma_semaphore, #tpu.memory_space<semaphore_mem>> -> memref<1x1x!tpu.dma_semaphore, #tpu.memory_space<semaphore_mem>>
    %dma_start3A_742 = tpu.memref_squeeze %dma_start3A_741 : memref<1x1x!tpu.dma_semaphore, #tpu.memory_space<semaphore_mem>> -> memref<!tpu.dma_semaphore, #tpu.memory_space<semaphore_mem>>
    %dma_start3A_743 = arith.constant 0 : i32
    %dma_start3A_744 = arith.constant 0 : i32
    %dma_start3A_745 = tpu.memref_slice %arg6[%dma_start3A_728, %dma_start3A_729, %dma_start3A_730, %dma_start3A_743, %dma_start3A_744] : memref<3x8x4x8x128xf32, #tpu.memory_space<vmem>> -> memref<1x1x1x8x128xf32, #tpu.memory_space<vmem>>
    %dma_start3A_746 = tpu.memref_squeeze %dma_start3A_745 : memref<1x1x1x8x128xf32, #tpu.memory_space<vmem>> -> memref<8x128xf32, #tpu.memory_space<vmem>>
    %dma_start3A_747 = tpu.memref_reshape %arg3 : memref<32x1000000xf32, #tpu.memory_space<hbm>> -> memref<4x8x1000000xf32, #tpu.memory_space<hbm>>
    %dma_start3A_748 = arith.constant 0 : i32
    %dma_start3A_749 = tpu.memref_slice %dma_start3A_747[%dma_start3A_727, %dma_start3A_748, %multiple_of3A_726] : memref<4x8x1000000xf32, #tpu.memory_space<hbm>> -> memref<1x8x128xf32, #tpu.memory_space<hbm>>
    %dma_start3A_750 = tpu.memref_squeeze %dma_start3A_749 : memref<1x8x128xf32, #tpu.memory_space<hbm>> -> memref<8x128xf32, #tpu.memory_space<hbm>>
    tpu.enqueue_dma source(%dma_start3A_750 : memref<8x128xf32, #tpu.memory_space<hbm>>) target(%dma_start3A_746 : memref<8x128xf32, #tpu.memory_space<vmem>>) target_semaphore(%dma_start3A_742 : memref<!tpu.dma_semaphore, #tpu.memory_space<semaphore_mem>>)
    %dma_start3A_751 = arith.constant 1 : i32
    %dma_start3A_752 = arith.constant 0 : i32
    %dma_start3A_753 = arith.constant 7 : i32
    %dma_start3A_754 = arith.constant 1 : i32
    %dma_start3A_755 = arith.constant 0 : i32
    %dma_start3A_756 = arith.constant 7 : i32
    %dma_start3A_757 = arith.constant 0 : i32
    %dma_start3A_758 = arith.constant 0 : i32
    %dma_start3A_759 = tpu.memref_slice %arg6[%dma_start3A_752, %dma_start3A_753, %dma_start3A_754, %dma_start3A_757, %dma_start3A_758] : memref<3x8x4x8x128xf32, #tpu.memory_space<vmem>> -> memref<1x1x1x8x128xf32, #tpu.memory_space<vmem>>
    %dma_start3A_760 = tpu.memref_squeeze %dma_start3A_759 : memref<1x1x1x8x128xf32, #tpu.memory_space<vmem>> -> memref<8x128xf32, #tpu.memory_space<vmem>>
    %dma_start3A_761 = tpu.memref_reshape %arg3 : memref<32x1000000xf32, #tpu.memory_space<hbm>> -> memref<4x8x1000000xf32, #tpu.memory_space<hbm>>
    %dma_start3A_762 = arith.constant 0 : i32
    %dma_start3A_763 = tpu.memref_slice %dma_start3A_761[%dma_start3A_751, %dma_start3A_762, %multiple_of3A_726] : memref<4x8x1000000xf32, #tpu.memory_space<hbm>> -> memref<1x8x128xf32, #tpu.memory_space<hbm>>
    %dma_start3A_764 = tpu.memref_squeeze %dma_start3A_763 : memref<1x8x128xf32, #tpu.memory_space<hbm>> -> memref<8x128xf32, #tpu.memory_space<hbm>>
    %dma_start3A_765 = tpu.memref_slice %arg8[%dma_start3A_755, %dma_start3A_756] : memref<3x8x!tpu.dma_semaphore, #tpu.memory_space<semaphore_mem>> -> memref<1x1x!tpu.dma_semaphore, #tpu.memory_space<semaphore_mem>>
    %dma_start3A_766 = tpu.memref_squeeze %dma_start3A_765 : memref<1x1x!tpu.dma_semaphore, #tpu.memory_space<semaphore_mem>> -> memref<!tpu.dma_semaphore, #tpu.memory_space<semaphore_mem>>
    %dma_start3A_767 = arith.constant 0 : i32
    %dma_start3A_768 = arith.constant 0 : i32
    %dma_start3A_769 = tpu.memref_slice %arg6[%dma_start3A_752, %dma_start3A_753, %dma_start3A_754, %dma_start3A_767, %dma_start3A_768] : memref<3x8x4x8x128xf32, #tpu.memory_space<vmem>> -> memref<1x1x1x8x128xf32, #tpu.memory_space<vmem>>
    %dma_start3A_770 = tpu.memref_squeeze %dma_start3A_769 : memref<1x1x1x8x128xf32, #tpu.memory_space<vmem>> -> memref<8x128xf32, #tpu.memory_space<vmem>>
    %dma_start3A_771 = tpu.memref_reshape %arg3 : memref<32x1000000xf32, #tpu.memory_space<hbm>> -> memref<4x8x1000000xf32, #tpu.memory_space<hbm>>
    %dma_start3A_772 = arith.constant 0 : i32
    %dma_start3A_773 = tpu.memref_slice %dma_start3A_771[%dma_start3A_751, %dma_start3A_772, %multiple_of3A_726] : memref<4x8x1000000xf32, #tpu.memory_space<hbm>> -> memref<1x8x128xf32, #tpu.memory_space<hbm>>
    %dma_start3A_774 = tpu.memref_squeeze %dma_start3A_773 : memref<1x8x128xf32, #tpu.memory_space<hbm>> -> memref<8x128xf32, #tpu.memory_space<hbm>>
    tpu.enqueue_dma source(%dma_start3A_774 : memref<8x128xf32, #tpu.memory_space<hbm>>) target(%dma_start3A_770 : memref<8x128xf32, #tpu.memory_space<vmem>>) target_semaphore(%dma_start3A_766 : memref<!tpu.dma_semaphore, #tpu.memory_space<semaphore_mem>>)
    %dma_start3A_775 = arith.constant 2 : i32
    %dma_start3A_776 = arith.constant 0 : i32
    %dma_start3A_777 = arith.constant 7 : i32
    %dma_start3A_778 = arith.constant 2 : i32
    %dma_start3A_779 = arith.constant 0 : i32
    %dma_start3A_780 = arith.constant 7 : i32
    %dma_start3A_781 = arith.constant 0 : i32
    %dma_start3A_782 = arith.constant 0 : i32
    %dma_start3A_783 = tpu.memref_slice %arg6[%dma_start3A_776, %dma_start3A_777, %dma_start3A_778, %dma_start3A_781, %dma_start3A_782] : memref<3x8x4x8x128xf32, #tpu.memory_space<vmem>> -> memref<1x1x1x8x128xf32, #tpu.memory_space<vmem>>
    %dma_start3A_784 = tpu.memref_squeeze %dma_start3A_783 : memref<1x1x1x8x128xf32, #tpu.memory_space<vmem>> -> memref<8x128xf32, #tpu.memory_space<vmem>>
    %dma_start3A_785 = tpu.memref_reshape %arg3 : memref<32x1000000xf32, #tpu.memory_space<hbm>> -> memref<4x8x1000000xf32, #tpu.memory_space<hbm>>
    %dma_start3A_786 = arith.constant 0 : i32
    %dma_start3A_787 = tpu.memref_slice %dma_start3A_785[%dma_start3A_775, %dma_start3A_786, %multiple_of3A_726] : memref<4x8x1000000xf32, #tpu.memory_space<hbm>> -> memref<1x8x128xf32, #tpu.memory_space<hbm>>
    %dma_start3A_788 = tpu.memref_squeeze %dma_start3A_787 : memref<1x8x128xf32, #tpu.memory_space<hbm>> -> memref<8x128xf32, #tpu.memory_space<hbm>>
    %dma_start3A_789 = tpu.memref_slice %arg8[%dma_start3A_779, %dma_start3A_780] : memref<3x8x!tpu.dma_semaphore, #tpu.memory_space<semaphore_mem>> -> memref<1x1x!tpu.dma_semaphore, #tpu.memory_space<semaphore_mem>>
    %dma_start3A_790 = tpu.memref_squeeze %dma_start3A_789 : memref<1x1x!tpu.dma_semaphore, #tpu.memory_space<semaphore_mem>> -> memref<!tpu.dma_semaphore, #tpu.memory_space<semaphore_mem>>
    %dma_start3A_791 = arith.constant 0 : i32
    %dma_start3A_792 = arith.constant 0 : i32
    %dma_start3A_793 = tpu.memref_slice %arg6[%dma_start3A_776, %dma_start3A_777, %dma_start3A_778, %dma_start3A_791, %dma_start3A_792] : memref<3x8x4x8x128xf32, #tpu.memory_space<vmem>> -> memref<1x1x1x8x128xf32, #tpu.memory_space<vmem>>
    %dma_start3A_794 = tpu.memref_squeeze %dma_start3A_793 : memref<1x1x1x8x128xf32, #tpu.memory_space<vmem>> -> memref<8x128xf32, #tpu.memory_space<vmem>>
    %dma_start3A_795 = tpu.memref_reshape %arg3 : memref<32x1000000xf32, #tpu.memory_space<hbm>> -> memref<4x8x1000000xf32, #tpu.memory_space<hbm>>
    %dma_start3A_796 = arith.constant 0 : i32
    %dma_start3A_797 = tpu.memref_slice %dma_start3A_795[%dma_start3A_775, %dma_start3A_796, %multiple_of3A_726] : memref<4x8x1000000xf32, #tpu.memory_space<hbm>> -> memref<1x8x128xf32, #tpu.memory_space<hbm>>
    %dma_start3A_798 = tpu.memref_squeeze %dma_start3A_797 : memref<1x8x128xf32, #tpu.memory_space<hbm>> -> memref<8x128xf32, #tpu.memory_space<hbm>>
    tpu.enqueue_dma source(%dma_start3A_798 : memref<8x128xf32, #tpu.memory_space<hbm>>) target(%dma_start3A_794 : memref<8x128xf32, #tpu.memory_space<vmem>>) target_semaphore(%dma_start3A_790 : memref<!tpu.dma_semaphore, #tpu.memory_space<semaphore_mem>>)
    %dma_start3A_799 = arith.constant 3 : i32
    %dma_start3A_800 = arith.constant 0 : i32
    %dma_start3A_801 = arith.constant 7 : i32
    %dma_start3A_802 = arith.constant 3 : i32
    %dma_start3A_803 = arith.constant 0 : i32
    %dma_start3A_804 = arith.constant 7 : i32
    %dma_start3A_805 = arith.constant 0 : i32
    %dma_start3A_806 = arith.constant 0 : i32
    %dma_start3A_807 = tpu.memref_slice %arg6[%dma_start3A_800, %dma_start3A_801, %dma_start3A_802, %dma_start3A_805, %dma_start3A_806] : memref<3x8x4x8x128xf32, #tpu.memory_space<vmem>> -> memref<1x1x1x8x128xf32, #tpu.memory_space<vmem>>
    %dma_start3A_808 = tpu.memref_squeeze %dma_start3A_807 : memref<1x1x1x8x128xf32, #tpu.memory_space<vmem>> -> memref<8x128xf32, #tpu.memory_space<vmem>>
    %dma_start3A_809 = tpu.memref_reshape %arg3 : memref<32x1000000xf32, #tpu.memory_space<hbm>> -> memref<4x8x1000000xf32, #tpu.memory_space<hbm>>
    %dma_start3A_810 = arith.constant 0 : i32
    %dma_start3A_811 = tpu.memref_slice %dma_start3A_809[%dma_start3A_799, %dma_start3A_810, %multiple_of3A_726] : memref<4x8x1000000xf32, #tpu.memory_space<hbm>> -> memref<1x8x128xf32, #tpu.memory_space<hbm>>
    %dma_start3A_812 = tpu.memref_squeeze %dma_start3A_811 : memref<1x8x128xf32, #tpu.memory_space<hbm>> -> memref<8x128xf32, #tpu.memory_space<hbm>>
    %dma_start3A_813 = tpu.memref_slice %arg8[%dma_start3A_803, %dma_start3A_804] : memref<3x8x!tpu.dma_semaphore, #tpu.memory_space<semaphore_mem>> -> memref<1x1x!tpu.dma_semaphore, #tpu.memory_space<semaphore_mem>>
    %dma_start3A_814 = tpu.memref_squeeze %dma_start3A_813 : memref<1x1x!tpu.dma_semaphore, #tpu.memory_space<semaphore_mem>> -> memref<!tpu.dma_semaphore, #tpu.memory_space<semaphore_mem>>
    %dma_start3A_815 = arith.constant 0 : i32
    %dma_start3A_816 = arith.constant 0 : i32
    %dma_start3A_817 = tpu.memref_slice %arg6[%dma_start3A_800, %dma_start3A_801, %dma_start3A_802, %dma_start3A_815, %dma_start3A_816] : memref<3x8x4x8x128xf32, #tpu.memory_space<vmem>> -> memref<1x1x1x8x128xf32, #tpu.memory_space<vmem>>
    %dma_start3A_818 = tpu.memref_squeeze %dma_start3A_817 : memref<1x1x1x8x128xf32, #tpu.memory_space<vmem>> -> memref<8x128xf32, #tpu.memory_space<vmem>>
    %dma_start3A_819 = tpu.memref_reshape %arg3 : memref<32x1000000xf32, #tpu.memory_space<hbm>> -> memref<4x8x1000000xf32, #tpu.memory_space<hbm>>
    %dma_start3A_820 = arith.constant 0 : i32
    %dma_start3A_821 = tpu.memref_slice %dma_start3A_819[%dma_start3A_799, %dma_start3A_820, %multiple_of3A_726] : memref<4x8x1000000xf32, #tpu.memory_space<hbm>> -> memref<1x8x128xf32, #tpu.memory_space<hbm>>
    %dma_start3A_822 = tpu.memref_squeeze %dma_start3A_821 : memref<1x8x128xf32, #tpu.memory_space<hbm>> -> memref<8x128xf32, #tpu.memory_space<hbm>>
    tpu.enqueue_dma source(%dma_start3A_822 : memref<8x128xf32, #tpu.memory_space<hbm>>) target(%dma_start3A_818 : memref<8x128xf32, #tpu.memory_space<vmem>>) target_semaphore(%dma_start3A_814 : memref<!tpu.dma_semaphore, #tpu.memory_space<semaphore_mem>>)
    %get3A_823 = arith.constant 0 : i32
    %get3A_824 = arith.index_cast %get3A_823 : i32 to index
    %get3A_825 = arith.constant 8 : index
    %get3A_826 = tpu.vector_load %arg5[%get3A_824, %get3A_825] {strides = array<i32>} : memref<5x128xi32, #tpu.memory_space<vmem>>, vector<16xi32>,
    %slice3A_827 = vector.extract_strided_slice %get3A_826 {offsets = [0], sizes = [1], strides = [1]} : vector<16xi32> to vector<1xi32>
    %squeeze3A_828 = vector.extract %slice3A_827[0] : i32 from vector<1xi32>
    %shift_right_arithmetic3A_829 = arith.constant 7 : i32
    %shift_right_arithmetic3A_830 = arith.shrsi %squeeze3A_828, %shift_right_arithmetic3A_829 : i32
    %mul3A_831 = arith.constant 128 : i32
    %mul3A_832 = arith.muli %shift_right_arithmetic3A_830, %mul3A_831 : i32
    %multiple_of3A_833 = tpu.assume_multiple %mul3A_832, 128 : i32
    %dma_start3A_834 = arith.constant 0 : i32
    %dma_start3A_835 = arith.constant 1 : i32
    %dma_start3A_836 = arith.constant 0 : i32
    %dma_start3A_837 = arith.constant 0 : i32
    %dma_start3A_838 = arith.constant 1 : i32
    %dma_start3A_839 = arith.constant 0 : i32
    %dma_start3A_840 = arith.constant 0 : i32
    %dma_start3A_841 = arith.constant 0 : i32
    %dma_start3A_842 = tpu.memref_slice %arg6[%dma_start3A_835, %dma_start3A_836, %dma_start3A_837, %dma_start3A_840, %dma_start3A_841] : memref<3x8x4x8x128xf32, #tpu.memory_space<vmem>> -> memref<1x1x1x8x128xf32, #tpu.memory_space<vmem>>
    %dma_start3A_843 = tpu.memref_squeeze %dma_start3A_842 : memref<1x1x1x8x128xf32, #tpu.memory_space<vmem>> -> memref<8x128xf32, #tpu.memory_space<vmem>>
    %dma_start3A_844 = tpu.memref_reshape %arg3 : memref<32x1000000xf32, #tpu.memory_space<hbm>> -> memref<4x8x1000000xf32, #tpu.memory_space<hbm>>
    %dma_start3A_845 = arith.constant 0 : i32
    %dma_start3A_846 = tpu.memref_slice %dma_start3A_844[%dma_start3A_834, %dma_start3A_845, %multiple_of3A_833] : memref<4x8x1000000xf32, #tpu.memory_space<hbm>> -> memref<1x8x128xf32, #tpu.memory_space<hbm>>
    %dma_start3A_847 = tpu.memref_squeeze %dma_start3A_846 : memref<1x8x128xf32, #tpu.memory_space<hbm>> -> memref<8x128xf32, #tpu.memory_space<hbm>>
    %dma_start3A_848 = tpu.memref_slice %arg8[%dma_start3A_838, %dma_start3A_839] : memref<3x8x!tpu.dma_semaphore, #tpu.memory_space<semaphore_mem>> -> memref<1x1x!tpu.dma_semaphore, #tpu.memory_space<semaphore_mem>>
    %dma_start3A_849 = tpu.memref_squeeze %dma_start3A_848 : memref<1x1x!tpu.dma_semaphore, #tpu.memory_space<semaphore_mem>> -> memref<!tpu.dma_semaphore, #tpu.memory_space<semaphore_mem>>
    %dma_start3A_850 = arith.constant 0 : i32
    %dma_start3A_851 = arith.constant 0 : i32
    %dma_start3A_852 = tpu.memref_slice %arg6[%dma_start3A_835, %dma_start3A_836, %dma_start3A_837, %dma_start3A_850, %dma_start3A_851] : memref<3x8x4x8x128xf32, #tpu.memory_space<vmem>> -> memref<1x1x1x8x128xf32, #tpu.memory_space<vmem>>
    %dma_start3A_853 = tpu.memref_squeeze %dma_start3A_852 : memref<1x1x1x8x128xf32, #tpu.memory_space<vmem>> -> memref<8x128xf32, #tpu.memory_space<vmem>>
    %dma_start3A_854 = tpu.memref_reshape %arg3 : memref<32x1000000xf32, #tpu.memory_space<hbm>> -> memref<4x8x1000000xf32, #tpu.memory_space<hbm>>
    %dma_start3A_855 = arith.constant 0 : i32
    %dma_start3A_856 = tpu.memref_slice %dma_start3A_854[%dma_start3A_834, %dma_start3A_855, %multiple_of3A_833] : memref<4x8x1000000xf32, #tpu.memory_space<hbm>> -> memref<1x8x128xf32, #tpu.memory_space<hbm>>
    %dma_start3A_857 = tpu.memref_squeeze %dma_start3A_856 : memref<1x8x128xf32, #tpu.memory_space<hbm>> -> memref<8x128xf32, #tpu.memory_space<hbm>>
    tpu.enqueue_dma source(%dma_start3A_857 : memref<8x128xf32, #tpu.memory_space<hbm>>) target(%dma_start3A_853 : memref<8x128xf32, #tpu.memory_space<vmem>>) target_semaphore(%dma_start3A_849 : memref<!tpu.dma_semaphore, #tpu.memory_space<semaphore_mem>>)
    %dma_start3A_858 = arith.constant 1 : i32
    %dma_start3A_859 = arith.constant 1 : i32
    %dma_start3A_860 = arith.constant 0 : i32
    %dma_start3A_861 = arith.constant 1 : i32
    %dma_start3A_862 = arith.constant 1 : i32
    %dma_start3A_863 = arith.constant 0 : i32
    %dma_start3A_864 = arith.constant 0 : i32
    %dma_start3A_865 = arith.constant 0 : i32
    %dma_start3A_866 = tpu.memref_slice %arg6[%dma_start3A_859, %dma_start3A_860, %dma_start3A_861, %dma_start3A_864, %dma_start3A_865] : memref<3x8x4x8x128xf32, #tpu.memory_space<vmem>> -> memref<1x1x1x8x128xf32, #tpu.memory_space<vmem>>
    %dma_start3A_867 = tpu.memref_squeeze %dma_start3A_866 : memref<1x1x1x8x128xf32, #tpu.memory_space<vmem>> -> memref<8x128xf32, #tpu.memory_space<vmem>>
    %dma_start3A_868 = tpu.memref_reshape %arg3 : memref<32x1000000xf32, #tpu.memory_space<hbm>> -> memref<4x8x1000000xf32, #tpu.memory_space<hbm>>
    %dma_start3A_869 = arith.constant 0 : i32
    %dma_start3A_870 = tpu.memref_slice %dma_start3A_868[%dma_start3A_858, %dma_start3A_869, %multiple_of3A_833] : memref<4x8x1000000xf32, #tpu.memory_space<hbm>> -> memref<1x8x128xf32, #tpu.memory_space<hbm>>
    %dma_start3A_871 = tpu.memref_squeeze %dma_start3A_870 : memref<1x8x128xf32, #tpu.memory_space<hbm>> -> memref<8x128xf32, #tpu.memory_space<hbm>>
    %dma_start3A_872 = tpu.memref_slice %arg8[%dma_start3A_862, %dma_start3A_863] : memref<3x8x!tpu.dma_semaphore, #tpu.memory_space<semaphore_mem>> -> memref<1x1x!tpu.dma_semaphore, #tpu.memory_space<semaphore_mem>>
    %dma_start3A_873 = tpu.memref_squeeze %dma_start3A_872 : memref<1x1x!tpu.dma_semaphore, #tpu.memory_space<semaphore_mem>> -> memref<!tpu.dma_semaphore, #tpu.memory_space<semaphore_mem>>
    %dma_start3A_874 = arith.constant 0 : i32
    %dma_start3A_875 = arith.constant 0 : i32
    %dma_start3A_876 = tpu.memref_slice %arg6[%dma_start3A_859, %dma_start3A_860, %dma_start3A_861, %dma_start3A_874, %dma_start3A_875] : memref<3x8x4x8x128xf32, #tpu.memory_space<vmem>> -> memref<1x1x1x8x128xf32, #tpu.memory_space<vmem>>
    %dma_start3A_877 = tpu.memref_squeeze %dma_start3A_876 : memref<1x1x1x8x128xf32, #tpu.memory_space<vmem>> -> memref<8x128xf32, #tpu.memory_space<vmem>>
    %dma_start3A_878 = tpu.memref_reshape %arg3 : memref<32x1000000xf32, #tpu.memory_space<hbm>> -> memref<4x8x1000000xf32, #tpu.memory_space<hbm>>
    %dma_start3A_879 = arith.constant 0 : i32
    %dma_start3A_880 = tpu.memref_slice %dma_start3A_878[%dma_start3A_858, %dma_start3A_879, %multiple_of3A_833] : memref<4x8x1000000xf32, #tpu.memory_space<hbm>> -> memref<1x8x128xf32, #tpu.memory_space<hbm>>
    %dma_start3A_881 = tpu.memref_squeeze %dma_start3A_880 : memref<1x8x128xf32, #tpu.memory_space<hbm>> -> memref<8x128xf32, #tpu.memory_space<hbm>>
    tpu.enqueue_dma source(%dma_start3A_881 : memref<8x128xf32, #tpu.memory_space<hbm>>) target(%dma_start3A_877 : memref<8x128xf32, #tpu.memory_space<vmem>>) target_semaphore(%dma_start3A_873 : memref<!tpu.dma_semaphore, #tpu.memory_space<semaphore_mem>>)
    %dma_start3A_882 = arith.constant 2 : i32
    %dma_start3A_883 = arith.constant 1 : i32
    %dma_start3A_884 = arith.constant 0 : i32
    %dma_start3A_885 = arith.constant 2 : i32
    %dma_start3A_886 = arith.constant 1 : i32
    %dma_start3A_887 = arith.constant 0 : i32
    %dma_start3A_888 = arith.constant 0 : i32
    %dma_start3A_889 = arith.constant 0 : i32
    %dma_start3A_890 = tpu.memref_slice %arg6[%dma_start3A_883, %dma_start3A_884, %dma_start3A_885, %dma_start3A_888, %dma_start3A_889] : memref<3x8x4x8x128xf32, #tpu.memory_space<vmem>> -> memref<1x1x1x8x128xf32, #tpu.memory_space<vmem>>
    %dma_start3A_891 = tpu.memref_squeeze %dma_start3A_890 : memref<1x1x1x8x128xf32, #tpu.memory_space<vmem>> -> memref<8x128xf32, #tpu.memory_space<vmem>>
    %dma_start3A_892 = tpu.memref_reshape %arg3 : memref<32x1000000xf32, #tpu.memory_space<hbm>> -> memref<4x8x1000000xf32, #tpu.memory_space<hbm>>
    %dma_start3A_893 = arith.constant 0 : i32
    %dma_start3A_894 = tpu.memref_slice %dma_start3A_892[%dma_start3A_882, %dma_start3A_893, %multiple_of3A_833] : memref<4x8x1000000xf32, #tpu.memory_space<hbm>> -> memref<1x8x128xf32, #tpu.memory_space<hbm>>
    %dma_start3A_895 = tpu.memref_squeeze %dma_start3A_894 : memref<1x8x128xf32, #tpu.memory_space<hbm>> -> memref<8x128xf32, #tpu.memory_space<hbm>>
    %dma_start3A_896 = tpu.memref_slice %arg8[%dma_start3A_886, %dma_start3A_887] : memref<3x8x!tpu.dma_semaphore, #tpu.memory_space<semaphore_mem>> -> memref<1x1x!tpu.dma_semaphore, #tpu.memory_space<semaphore_mem>>
    %dma_start3A_897 = tpu.memref_squeeze %dma_start3A_896 : memref<1x1x!tpu.dma_semaphore, #tpu.memory_space<semaphore_mem>> -> memref<!tpu.dma_semaphore, #tpu.memory_space<semaphore_mem>>
    %dma_start3A_898 = arith.constant 0 : i32
    %dma_start3A_899 = arith.constant 0 : i32
    %dma_start3A_900 = tpu.memref_slice %arg6[%dma_start3A_883, %dma_start3A_884, %dma_start3A_885, %dma_start3A_898, %dma_start3A_899] : memref<3x8x4x8x128xf32, #tpu.memory_space<vmem>> -> memref<1x1x1x8x128xf32, #tpu.memory_space<vmem>>
    %dma_start3A_901 = tpu.memref_squeeze %dma_start3A_900 : memref<1x1x1x8x128xf32, #tpu.memory_space<vmem>> -> memref<8x128xf32, #tpu.memory_space<vmem>>
    %dma_start3A_902 = tpu.memref_reshape %arg3 : memref<32x1000000xf32, #tpu.memory_space<hbm>> -> memref<4x8x1000000xf32, #tpu.memory_space<hbm>>
    %dma_start3A_903 = arith.constant 0 : i32
    %dma_start3A_904 = tpu.memref_slice %dma_start3A_902[%dma_start3A_882, %dma_start3A_903, %multiple_of3A_833] : memref<4x8x1000000xf32, #tpu.memory_space<hbm>> -> memref<1x8x128xf32, #tpu.memory_space<hbm>>
    %dma_start3A_905 = tpu.memref_squeeze %dma_start3A_904 : memref<1x8x128xf32, #tpu.memory_space<hbm>> -> memref<8x128xf32, #tpu.memory_space<hbm>>
    tpu.enqueue_dma source(%dma_start3A_905 : memref<8x128xf32, #tpu.memory_space<hbm>>) target(%dma_start3A_901 : memref<8x128xf32, #tpu.memory_space<vmem>>) target_semaphore(%dma_start3A_897 : memref<!tpu.dma_semaphore, #tpu.memory_space<semaphore_mem>>)
    %dma_start3A_906 = arith.constant 3 : i32
    %dma_start3A_907 = arith.constant 1 : i32
    %dma_start3A_908 = arith.constant 0 : i32
    %dma_start3A_909 = arith.constant 3 : i32
    %dma_start3A_910 = arith.constant 1 : i32
    %dma_start3A_911 = arith.constant 0 : i32
    %dma_start3A_912 = arith.constant 0 : i32
    %dma_start3A_913 = arith.constant 0 : i32
    %dma_start3A_914 = tpu.memref_slice %arg6[%dma_start3A_907, %dma_start3A_908, %dma_start3A_909, %dma_start3A_912, %dma_start3A_913] : memref<3x8x4x8x128xf32, #tpu.memory_space<vmem>> -> memref<1x1x1x8x128xf32, #tpu.memory_space<vmem>>
    %dma_start3A_915 = tpu.memref_squeeze %dma_start3A_914 : memref<1x1x1x8x128xf32, #tpu.memory_space<vmem>> -> memref<8x128xf32, #tpu.memory_space<vmem>>
    %dma_start3A_916 = tpu.memref_reshape %arg3 : memref<32x1000000xf32, #tpu.memory_space<hbm>> -> memref<4x8x1000000xf32, #tpu.memory_space<hbm>>
    %dma_start3A_917 = arith.constant 0 : i32
    %dma_start3A_918 = tpu.memref_slice %dma_start3A_916[%dma_start3A_906, %dma_start3A_917, %multiple_of3A_833] : memref<4x8x1000000xf32, #tpu.memory_space<hbm>> -> memref<1x8x128xf32, #tpu.memory_space<hbm>>
    %dma_start3A_919 = tpu.memref_squeeze %dma_start3A_918 : memref<1x8x128xf32, #tpu.memory_space<hbm>> -> memref<8x128xf32, #tpu.memory_space<hbm>>
    %dma_start3A_920 = tpu.memref_slice %arg8[%dma_start3A_910, %dma_start3A_911] : memref<3x8x!tpu.dma_semaphore, #tpu.memory_space<semaphore_mem>> -> memref<1x1x!tpu.dma_semaphore, #tpu.memory_space<semaphore_mem>>
    %dma_start3A_921 = tpu.memref_squeeze %dma_start3A_920 : memref<1x1x!tpu.dma_semaphore, #tpu.memory_space<semaphore_mem>> -> memref<!tpu.dma_semaphore, #tpu.memory_space<semaphore_mem>>
    %dma_start3A_922 = arith.constant 0 : i32
    %dma_start3A_923 = arith.constant 0 : i32
    %dma_start3A_924 = tpu.memref_slice %arg6[%dma_start3A_907, %dma_start3A_908, %dma_start3A_909, %dma_start3A_922, %dma_start3A_923] : memref<3x8x4x8x128xf32, #tpu.memory_space<vmem>> -> memref<1x1x1x8x128xf32, #tpu.memory_space<vmem>>
    %dma_start3A_925 = tpu.memref_squeeze %dma_start3A_924 : memref<1x1x1x8x128xf32, #tpu.memory_space<vmem>> -> memref<8x128xf32, #tpu.memory_space<vmem>>
    %dma_start3A_926 = tpu.memref_reshape %arg3 : memref<32x1000000xf32, #tpu.memory_space<hbm>> -> memref<4x8x1000000xf32, #tpu.memory_space<hbm>>
    %dma_start3A_927 = arith.constant 0 : i32
    %dma_start3A_928 = tpu.memref_slice %dma_start3A_926[%dma_start3A_906, %dma_start3A_927, %multiple_of3A_833] : memref<4x8x1000000xf32, #tpu.memory_space<hbm>> -> memref<1x8x128xf32, #tpu.memory_space<hbm>>
    %dma_start3A_929 = tpu.memref_squeeze %dma_start3A_928 : memref<1x8x128xf32, #tpu.memory_space<hbm>> -> memref<8x128xf32, #tpu.memory_space<hbm>>
    tpu.enqueue_dma source(%dma_start3A_929 : memref<8x128xf32, #tpu.memory_space<hbm>>) target(%dma_start3A_925 : memref<8x128xf32, #tpu.memory_space<vmem>>) target_semaphore(%dma_start3A_921 : memref<!tpu.dma_semaphore, #tpu.memory_space<semaphore_mem>>)
    %slice3A_930 = vector.extract_strided_slice %get3A_826 {offsets = [1], sizes = [1], strides = [1]} : vector<16xi32> to vector<1xi32>
    %squeeze3A_931 = vector.extract %slice3A_930[0] : i32 from vector<1xi32>
    %shift_right_arithmetic3A_932 = arith.constant 7 : i32
    %shift_right_arithmetic3A_933 = arith.shrsi %squeeze3A_931, %shift_right_arithmetic3A_932 : i32
    %mul3A_934 = arith.constant 128 : i32
    %mul3A_935 = arith.muli %shift_right_arithmetic3A_933, %mul3A_934 : i32
    %multiple_of3A_936 = tpu.assume_multiple %mul3A_935, 128 : i32
    %dma_start3A_937 = arith.constant 0 : i32
    %dma_start3A_938 = arith.constant 1 : i32
    %dma_start3A_939 = arith.constant 1 : i32
    %dma_start3A_940 = arith.constant 0 : i32
    %dma_start3A_941 = arith.constant 1 : i32
    %dma_start3A_942 = arith.constant 1 : i32
    %dma_start3A_943 = arith.constant 0 : i32
    %dma_start3A_944 = arith.constant 0 : i32
    %dma_start3A_945 = tpu.memref_slice %arg6[%dma_start3A_938, %dma_start3A_939, %dma_start3A_940, %dma_start3A_943, %dma_start3A_944] : memref<3x8x4x8x128xf32, #tpu.memory_space<vmem>> -> memref<1x1x1x8x128xf32, #tpu.memory_space<vmem>>
    %dma_start3A_946 = tpu.memref_squeeze %dma_start3A_945 : memref<1x1x1x8x128xf32, #tpu.memory_space<vmem>> -> memref<8x128xf32, #tpu.memory_space<vmem>>
    %dma_start3A_947 = tpu.memref_reshape %arg3 : memref<32x1000000xf32, #tpu.memory_space<hbm>> -> memref<4x8x1000000xf32, #tpu.memory_space<hbm>>
    %dma_start3A_948 = arith.constant 0 : i32
    %dma_start3A_949 = tpu.memref_slice %dma_start3A_947[%dma_start3A_937, %dma_start3A_948, %multiple_of3A_936] : memref<4x8x1000000xf32, #tpu.memory_space<hbm>> -> memref<1x8x128xf32, #tpu.memory_space<hbm>>
    %dma_start3A_950 = tpu.memref_squeeze %dma_start3A_949 : memref<1x8x128xf32, #tpu.memory_space<hbm>> -> memref<8x128xf32, #tpu.memory_space<hbm>>
    %dma_start3A_951 = tpu.memref_slice %arg8[%dma_start3A_941, %dma_start3A_942] : memref<3x8x!tpu.dma_semaphore, #tpu.memory_space<semaphore_mem>> -> memref<1x1x!tpu.dma_semaphore, #tpu.memory_space<semaphore_mem>>
    %dma_start3A_952 = tpu.memref_squeeze %dma_start3A_951 : memref<1x1x!tpu.dma_semaphore, #tpu.memory_space<semaphore_mem>> -> memref<!tpu.dma_semaphore, #tpu.memory_space<semaphore_mem>>
    %dma_start3A_953 = arith.constant 0 : i32
    %dma_start3A_954 = arith.constant 0 : i32
    %dma_start3A_955 = tpu.memref_slice %arg6[%dma_start3A_938, %dma_start3A_939, %dma_start3A_940, %dma_start3A_953, %dma_start3A_954] : memref<3x8x4x8x128xf32, #tpu.memory_space<vmem>> -> memref<1x1x1x8x128xf32, #tpu.memory_space<vmem>>
    %dma_start3A_956 = tpu.memref_squeeze %dma_start3A_955 : memref<1x1x1x8x128xf32, #tpu.memory_space<vmem>> -> memref<8x128xf32, #tpu.memory_space<vmem>>
    %dma_start3A_957 = tpu.memref_reshape %arg3 : memref<32x1000000xf32, #tpu.memory_space<hbm>> -> memref<4x8x1000000xf32, #tpu.memory_space<hbm>>
    %dma_start3A_958 = arith.constant 0 : i32
    %dma_start3A_959 = tpu.memref_slice %dma_start3A_957[%dma_start3A_937, %dma_start3A_958, %multiple_of3A_936] : memref<4x8x1000000xf32, #tpu.memory_space<hbm>> -> memref<1x8x128xf32, #tpu.memory_space<hbm>>
    %dma_start3A_960 = tpu.memref_squeeze %dma_start3A_959 : memref<1x8x128xf32, #tpu.memory_space<hbm>> -> memref<8x128xf32, #tpu.memory_space<hbm>>
    tpu.enqueue_dma source(%dma_start3A_960 : memref<8x128xf32, #tpu.memory_space<hbm>>) target(%dma_start3A_956 : memref<8x128xf32, #tpu.memory_space<vmem>>) target_semaphore(%dma_start3A_952 : memref<!tpu.dma_semaphore, #tpu.memory_space<semaphore_mem>>)
    %dma_start3A_961 = arith.constant 1 : i32
    %dma_start3A_962 = arith.constant 1 : i32
    %dma_start3A_963 = arith.constant 1 : i32
    %dma_start3A_964 = arith.constant 1 : i32
    %dma_start3A_965 = arith.constant 1 : i32
    %dma_start3A_966 = arith.constant 1 : i32
    %dma_start3A_967 = arith.constant 0 : i32
    %dma_start3A_968 = arith.constant 0 : i32
    %dma_start3A_969 = tpu.memref_slice %arg6[%dma_start3A_962, %dma_start3A_963, %dma_start3A_964, %dma_start3A_967, %dma_start3A_968] : memref<3x8x4x8x128xf32, #tpu.memory_space<vmem>> -> memref<1x1x1x8x128xf32, #tpu.memory_space<vmem>>
    %dma_start3A_970 = tpu.memref_squeeze %dma_start3A_969 : memref<1x1x1x8x128xf32, #tpu.memory_space<vmem>> -> memref<8x128xf32, #tpu.memory_space<vmem>>
    %dma_start3A_971 = tpu.memref_reshape %arg3 : memref<32x1000000xf32, #tpu.memory_space<hbm>> -> memref<4x8x1000000xf32, #tpu.memory_space<hbm>>
    %dma_start3A_972 = arith.constant 0 : i32
    %dma_start3A_973 = tpu.memref_slice %dma_start3A_971[%dma_start3A_961, %dma_start3A_972, %multiple_of3A_936] : memref<4x8x1000000xf32, #tpu.memory_space<hbm>> -> memref<1x8x128xf32, #tpu.memory_space<hbm>>
    %dma_start3A_974 = tpu.memref_squeeze %dma_start3A_973 : memref<1x8x128xf32, #tpu.memory_space<hbm>> -> memref<8x128xf32, #tpu.memory_space<hbm>>
    %dma_start3A_975 = tpu.memref_slice %arg8[%dma_start3A_965, %dma_start3A_966] : memref<3x8x!tpu.dma_semaphore, #tpu.memory_space<semaphore_mem>> -> memref<1x1x!tpu.dma_semaphore, #tpu.memory_space<semaphore_mem>>
    %dma_start3A_976 = tpu.memref_squeeze %dma_start3A_975 : memref<1x1x!tpu.dma_semaphore, #tpu.memory_space<semaphore_mem>> -> memref<!tpu.dma_semaphore, #tpu.memory_space<semaphore_mem>>
    %dma_start3A_977 = arith.constant 0 : i32
    %dma_start3A_978 = arith.constant 0 : i32
    %dma_start3A_979 = tpu.memref_slice %arg6[%dma_start3A_962, %dma_start3A_963, %dma_start3A_964, %dma_start3A_977, %dma_start3A_978] : memref<3x8x4x8x128xf32, #tpu.memory_space<vmem>> -> memref<1x1x1x8x128xf32, #tpu.memory_space<vmem>>
    %dma_start3A_980 = tpu.memref_squeeze %dma_start3A_979 : memref<1x1x1x8x128xf32, #tpu.memory_space<vmem>> -> memref<8x128xf32, #tpu.memory_space<vmem>>
    %dma_start3A_981 = tpu.memref_reshape %arg3 : memref<32x1000000xf32, #tpu.memory_space<hbm>> -> memref<4x8x1000000xf32, #tpu.memory_space<hbm>>
    %dma_start3A_982 = arith.constant 0 : i32
    %dma_start3A_983 = tpu.memref_slice %dma_start3A_981[%dma_start3A_961, %dma_start3A_982, %multiple_of3A_936] : memref<4x8x1000000xf32, #tpu.memory_space<hbm>> -> memref<1x8x128xf32, #tpu.memory_space<hbm>>
    %dma_start3A_984 = tpu.memref_squeeze %dma_start3A_983 : memref<1x8x128xf32, #tpu.memory_space<hbm>> -> memref<8x128xf32, #tpu.memory_space<hbm>>
    tpu.enqueue_dma source(%dma_start3A_984 : memref<8x128xf32, #tpu.memory_space<hbm>>) target(%dma_start3A_980 : memref<8x128xf32, #tpu.memory_space<vmem>>) target_semaphore(%dma_start3A_976 : memref<!tpu.dma_semaphore, #tpu.memory_space<semaphore_mem>>)
    %dma_start3A_985 = arith.constant 2 : i32
    %dma_start3A_986 = arith.constant 1 : i32
    %dma_start3A_987 = arith.constant 1 : i32
    %dma_start3A_988 = arith.constant 2 : i32
    %dma_start3A_989 = arith.constant 1 : i32
    %dma_start3A_990 = arith.constant 1 : i32
    %dma_start3A_991 = arith.constant 0 : i32
    %dma_start3A_992 = arith.constant 0 : i32
    %dma_start3A_993 = tpu.memref_slice %arg6[%dma_start3A_986, %dma_start3A_987, %dma_start3A_988, %dma_start3A_991, %dma_start3A_992] : memref<3x8x4x8x128xf32, #tpu.memory_space<vmem>> -> memref<1x1x1x8x128xf32, #tpu.memory_space<vmem>>
    %dma_start3A_994 = tpu.memref_squeeze %dma_start3A_993 : memref<1x1x1x8x128xf32, #tpu.memory_space<vmem>> -> memref<8x128xf32, #tpu.memory_space<vmem>>
    %dma_start3A_995 = tpu.memref_reshape %arg3 : memref<32x1000000xf32, #tpu.memory_space<hbm>> -> memref<4x8x1000000xf32, #tpu.memory_space<hbm>>
    %dma_start3A_996 = arith.constant 0 : i32
    %dma_start3A_997 = tpu.memref_slice %dma_start3A_995[%dma_start3A_985, %dma_start3A_996, %multiple_of3A_936] : memref<4x8x1000000xf32, #tpu.memory_space<hbm>> -> memref<1x8x128xf32, #tpu.memory_space<hbm>>
    %dma_start3A_998 = tpu.memref_squeeze %dma_start3A_997 : memref<1x8x128xf32, #tpu.memory_space<hbm>> -> memref<8x128xf32, #tpu.memory_space<hbm>>
    %dma_start3A_999 = tpu.memref_slice %arg8[%dma_start3A_989, %dma_start3A_990] : memref<3x8x!tpu.dma_semaphore, #tpu.memory_space<semaphore_mem>> -> memref<1x1x!tpu.dma_semaphore, #tpu.memory_space<semaphore_mem>>
    %dma_start3A_1000 = tpu.memref_squeeze %dma_start3A_999 : memref<1x1x!tpu.dma_semaphore, #tpu.memory_space<semaphore_mem>> -> memref<!tpu.dma_semaphore, #tpu.memory_space<semaphore_mem>>
    %dma_start3A_1001 = arith.constant 0 : i32
    %dma_start3A_1002 = arith.constant 0 : i32
    %dma_start3A_1003 = tpu.memref_slice %arg6[%dma_start3A_986, %dma_start3A_987, %dma_start3A_988, %dma_start3A_1001, %dma_start3A_1002] : memref<3x8x4x8x128xf32, #tpu.memory_space<vmem>> -> memref<1x1x1x8x128xf32, #tpu.memory_space<vmem>>
    %dma_start3A_1004 = tpu.memref_squeeze %dma_start3A_1003 : memref<1x1x1x8x128xf32, #tpu.memory_space<vmem>> -> memref<8x128xf32, #tpu.memory_space<vmem>>
    %dma_start3A_1005 = tpu.memref_reshape %arg3 : memref<32x1000000xf32, #tpu.memory_space<hbm>> -> memref<4x8x1000000xf32, #tpu.memory_space<hbm>>
    %dma_start3A_1006 = arith.constant 0 : i32
    %dma_start3A_1007 = tpu.memref_slice %dma_start3A_1005[%dma_start3A_985, %dma_start3A_1006, %multiple_of3A_936] : memref<4x8x1000000xf32, #tpu.memory_space<hbm>> -> memref<1x8x128xf32, #tpu.memory_space<hbm>>
    %dma_start3A_1008 = tpu.memref_squeeze %dma_start3A_1007 : memref<1x8x128xf32, #tpu.memory_space<hbm>> -> memref<8x128xf32, #tpu.memory_space<hbm>>
    tpu.enqueue_dma source(%dma_start3A_1008 : memref<8x128xf32, #tpu.memory_space<hbm>>) target(%dma_start3A_1004 : memref<8x128xf32, #tpu.memory_space<vmem>>) target_semaphore(%dma_start3A_1000 : memref<!tpu.dma_semaphore, #tpu.memory_space<semaphore_mem>>)
    %dma_start3A_1009 = arith.constant 3 : i32
    %dma_start3A_1010 = arith.constant 1 : i32
    %dma_start3A_1011 = arith.constant 1 : i32
    %dma_start3A_1012 = arith.constant 3 : i32
    %dma_start3A_1013 = arith.constant 1 : i32
    %dma_start3A_1014 = arith.constant 1 : i32
    %dma_start3A_1015 = arith.constant 0 : i32
    %dma_start3A_1016 = arith.constant 0 : i32
    %dma_start3A_1017 = tpu.memref_slice %arg6[%dma_start3A_1010, %dma_start3A_1011, %dma_start3A_1012, %dma_start3A_1015, %dma_start3A_1016] : memref<3x8x4x8x128xf32, #tpu.memory_space<vmem>> -> memref<1x1x1x8x128xf32, #tpu.memory_space<vmem>>
    %dma_start3A_1018 = tpu.memref_squeeze %dma_start3A_1017 : memref<1x1x1x8x128xf32, #tpu.memory_space<vmem>> -> memref<8x128xf32, #tpu.memory_space<vmem>>
    %dma_start3A_1019 = tpu.memref_reshape %arg3 : memref<32x1000000xf32, #tpu.memory_space<hbm>> -> memref<4x8x1000000xf32, #tpu.memory_space<hbm>>
    %dma_start3A_1020 = arith.constant 0 : i32
    %dma_start3A_1021 = tpu.memref_slice %dma_start3A_1019[%dma_start3A_1009, %dma_start3A_1020, %multiple_of3A_936] : memref<4x8x1000000xf32, #tpu.memory_space<hbm>> -> memref<1x8x128xf32, #tpu.memory_space<hbm>>
    %dma_start3A_1022 = tpu.memref_squeeze %dma_start3A_1021 : memref<1x8x128xf32, #tpu.memory_space<hbm>> -> memref<8x128xf32, #tpu.memory_space<hbm>>
    %dma_start3A_1023 = tpu.memref_slice %arg8[%dma_start3A_1013, %dma_start3A_1014] : memref<3x8x!tpu.dma_semaphore, #tpu.memory_space<semaphore_mem>> -> memref<1x1x!tpu.dma_semaphore, #tpu.memory_space<semaphore_mem>>
    %dma_start3A_1024 = tpu.memref_squeeze %dma_start3A_1023 : memref<1x1x!tpu.dma_semaphore, #tpu.memory_space<semaphore_mem>> -> memref<!tpu.dma_semaphore, #tpu.memory_space<semaphore_mem>>
    %dma_start3A_1025 = arith.constant 0 : i32
    %dma_start3A_1026 = arith.constant 0 : i32
    %dma_start3A_1027 = tpu.memref_slice %arg6[%dma_start3A_1010, %dma_start3A_1011, %dma_start3A_1012, %dma_start3A_1025, %dma_start3A_1026] : memref<3x8x4x8x128xf32, #tpu.memory_space<vmem>> -> memref<1x1x1x8x128xf32, #tpu.memory_space<vmem>>
    %dma_start3A_1028 = tpu.memref_squeeze %dma_start3A_1027 : memref<1x1x1x8x128xf32, #tpu.memory_space<vmem>> -> memref<8x128xf32, #tpu.memory_space<vmem>>
    %dma_start3A_1029 = tpu.memref_reshape %arg3 : memref<32x1000000xf32, #tpu.memory_space<hbm>> -> memref<4x8x1000000xf32, #tpu.memory_space<hbm>>
    %dma_start3A_1030 = arith.constant 0 : i32
    %dma_start3A_1031 = tpu.memref_slice %dma_start3A_1029[%dma_start3A_1009, %dma_start3A_1030, %multiple_of3A_936] : memref<4x8x1000000xf32, #tpu.memory_space<hbm>> -> memref<1x8x128xf32, #tpu.memory_space<hbm>>
    %dma_start3A_1032 = tpu.memref_squeeze %dma_start3A_1031 : memref<1x8x128xf32, #tpu.memory_space<hbm>> -> memref<8x128xf32, #tpu.memory_space<hbm>>
    tpu.enqueue_dma source(%dma_start3A_1032 : memref<8x128xf32, #tpu.memory_space<hbm>>) target(%dma_start3A_1028 : memref<8x128xf32, #tpu.memory_space<vmem>>) target_semaphore(%dma_start3A_1024 : memref<!tpu.dma_semaphore, #tpu.memory_space<semaphore_mem>>)
    %slice3A_1033 = vector.extract_strided_slice %get3A_826 {offsets = [2], sizes = [1], strides = [1]} : vector<16xi32> to vector<1xi32>
    %squeeze3A_1034 = vector.extract %slice3A_1033[0] : i32 from vector<1xi32>
    %shift_right_arithmetic3A_1035 = arith.constant 7 : i32
    %shift_right_arithmetic3A_1036 = arith.shrsi %squeeze3A_1034, %shift_right_arithmetic3A_1035 : i32
    %mul3A_1037 = arith.constant 128 : i32
    %mul3A_1038 = arith.muli %shift_right_arithmetic3A_1036, %mul3A_1037 : i32
    %multiple_of3A_1039 = tpu.assume_multiple %mul3A_1038, 128 : i32
    %dma_start3A_1040 = arith.constant 0 : i32
    %dma_start3A_1041 = arith.constant 1 : i32
    %dma_start3A_1042 = arith.constant 2 : i32
    %dma_start3A_1043 = arith.constant 0 : i32
    %dma_start3A_1044 = arith.constant 1 : i32
    %dma_start3A_1045 = arith.constant 2 : i32
    %dma_start3A_1046 = arith.constant 0 : i32
    %dma_start3A_1047 = arith.constant 0 : i32
    %dma_start3A_1048 = tpu.memref_slice %arg6[%dma_start3A_1041, %dma_start3A_1042, %dma_start3A_1043, %dma_start3A_1046, %dma_start3A_1047] : memref<3x8x4x8x128xf32, #tpu.memory_space<vmem>> -> memref<1x1x1x8x128xf32, #tpu.memory_space<vmem>>
    %dma_start3A_1049 = tpu.memref_squeeze %dma_start3A_1048 : memref<1x1x1x8x128xf32, #tpu.memory_space<vmem>> -> memref<8x128xf32, #tpu.memory_space<vmem>>
    %dma_start3A_1050 = tpu.memref_reshape %arg3 : memref<32x1000000xf32, #tpu.memory_space<hbm>> -> memref<4x8x1000000xf32, #tpu.memory_space<hbm>>
    %dma_start3A_1051 = arith.constant 0 : i32
    %dma_start3A_1052 = tpu.memref_slice %dma_start3A_1050[%dma_start3A_1040, %dma_start3A_1051, %multiple_of3A_1039] : memref<4x8x1000000xf32, #tpu.memory_space<hbm>> -> memref<1x8x128xf32, #tpu.memory_space<hbm>>
    %dma_start3A_1053 = tpu.memref_squeeze %dma_start3A_1052 : memref<1x8x128xf32, #tpu.memory_space<hbm>> -> memref<8x128xf32, #tpu.memory_space<hbm>>
    %dma_start3A_1054 = tpu.memref_slice %arg8[%dma_start3A_1044, %dma_start3A_1045] : memref<3x8x!tpu.dma_semaphore, #tpu.memory_space<semaphore_mem>> -> memref<1x1x!tpu.dma_semaphore, #tpu.memory_space<semaphore_mem>>
    %dma_start3A_1055 = tpu.memref_squeeze %dma_start3A_1054 : memref<1x1x!tpu.dma_semaphore, #tpu.memory_space<semaphore_mem>> -> memref<!tpu.dma_semaphore, #tpu.memory_space<semaphore_mem>>
    %dma_start3A_1056 = arith.constant 0 : i32
    %dma_start3A_1057 = arith.constant 0 : i32
    %dma_start3A_1058 = tpu.memref_slice %arg6[%dma_start3A_1041, %dma_start3A_1042, %dma_start3A_1043, %dma_start3A_1056, %dma_start3A_1057] : memref<3x8x4x8x128xf32, #tpu.memory_space<vmem>> -> memref<1x1x1x8x128xf32, #tpu.memory_space<vmem>>
    %dma_start3A_1059 = tpu.memref_squeeze %dma_start3A_1058 : memref<1x1x1x8x128xf32, #tpu.memory_space<vmem>> -> memref<8x128xf32, #tpu.memory_space<vmem>>
    %dma_start3A_1060 = tpu.memref_reshape %arg3 : memref<32x1000000xf32, #tpu.memory_space<hbm>> -> memref<4x8x1000000xf32, #tpu.memory_space<hbm>>
    %dma_start3A_1061 = arith.constant 0 : i32
    %dma_start3A_1062 = tpu.memref_slice %dma_start3A_1060[%dma_start3A_1040, %dma_start3A_1061, %multiple_of3A_1039] : memref<4x8x1000000xf32, #tpu.memory_space<hbm>> -> memref<1x8x128xf32, #tpu.memory_space<hbm>>
    %dma_start3A_1063 = tpu.memref_squeeze %dma_start3A_1062 : memref<1x8x128xf32, #tpu.memory_space<hbm>> -> memref<8x128xf32, #tpu.memory_space<hbm>>
    tpu.enqueue_dma source(%dma_start3A_1063 : memref<8x128xf32, #tpu.memory_space<hbm>>) target(%dma_start3A_1059 : memref<8x128xf32, #tpu.memory_space<vmem>>) target_semaphore(%dma_start3A_1055 : memref<!tpu.dma_semaphore, #tpu.memory_space<semaphore_mem>>)
    %dma_start3A_1064 = arith.constant 1 : i32
    %dma_start3A_1065 = arith.constant 1 : i32
    %dma_start3A_1066 = arith.constant 2 : i32
    %dma_start3A_1067 = arith.constant 1 : i32
    %dma_start3A_1068 = arith.constant 1 : i32
    %dma_start3A_1069 = arith.constant 2 : i32
    %dma_start3A_1070 = arith.constant 0 : i32
    %dma_start3A_1071 = arith.constant 0 : i32
    %dma_start3A_1072 = tpu.memref_slice %arg6[%dma_start3A_1065, %dma_start3A_1066, %dma_start3A_1067, %dma_start3A_1070, %dma_start3A_1071] : memref<3x8x4x8x128xf32, #tpu.memory_space<vmem>> -> memref<1x1x1x8x128xf32, #tpu.memory_space<vmem>>
    %dma_start3A_1073 = tpu.memref_squeeze %dma_start3A_1072 : memref<1x1x1x8x128xf32, #tpu.memory_space<vmem>> -> memref<8x128xf32, #tpu.memory_space<vmem>>
    %dma_start3A_1074 = tpu.memref_reshape %arg3 : memref<32x1000000xf32, #tpu.memory_space<hbm>> -> memref<4x8x1000000xf32, #tpu.memory_space<hbm>>
    %dma_start3A_1075 = arith.constant 0 : i32
    %dma_start3A_1076 = tpu.memref_slice %dma_start3A_1074[%dma_start3A_1064, %dma_start3A_1075, %multiple_of3A_1039] : memref<4x8x1000000xf32, #tpu.memory_space<hbm>> -> memref<1x8x128xf32, #tpu.memory_space<hbm>>
    %dma_start3A_1077 = tpu.memref_squeeze %dma_start3A_1076 : memref<1x8x128xf32, #tpu.memory_space<hbm>> -> memref<8x128xf32, #tpu.memory_space<hbm>>
    %dma_start3A_1078 = tpu.memref_slice %arg8[%dma_start3A_1068, %dma_start3A_1069] : memref<3x8x!tpu.dma_semaphore, #tpu.memory_space<semaphore_mem>> -> memref<1x1x!tpu.dma_semaphore, #tpu.memory_space<semaphore_mem>>
    %dma_start3A_1079 = tpu.memref_squeeze %dma_start3A_1078 : memref<1x1x!tpu.dma_semaphore, #tpu.memory_space<semaphore_mem>> -> memref<!tpu.dma_semaphore, #tpu.memory_space<semaphore_mem>>
    %dma_start3A_1080 = arith.constant 0 : i32
    %dma_start3A_1081 = arith.constant 0 : i32
    %dma_start3A_1082 = tpu.memref_slice %arg6[%dma_start3A_1065, %dma_start3A_1066, %dma_start3A_1067, %dma_start3A_1080, %dma_start3A_1081] : memref<3x8x4x8x128xf32, #tpu.memory_space<vmem>> -> memref<1x1x1x8x128xf32, #tpu.memory_space<vmem>>
    %dma_start3A_1083 = tpu.memref_squeeze %dma_start3A_1082 : memref<1x1x1x8x128xf32, #tpu.memory_space<vmem>> -> memref<8x128xf32, #tpu.memory_space<vmem>>
    %dma_start3A_1084 = tpu.memref_reshape %arg3 : memref<32x1000000xf32, #tpu.memory_space<hbm>> -> memref<4x8x1000000xf32, #tpu.memory_space<hbm>>
    %dma_start3A_1085 = arith.constant 0 : i32
    %dma_start3A_1086 = tpu.memref_slice %dma_start3A_1084[%dma_start3A_1064, %dma_start3A_1085, %multiple_of3A_1039] : memref<4x8x1000000xf32, #tpu.memory_space<hbm>> -> memref<1x8x128xf32, #tpu.memory_space<hbm>>
    %dma_start3A_1087 = tpu.memref_squeeze %dma_start3A_1086 : memref<1x8x128xf32, #tpu.memory_space<hbm>> -> memref<8x128xf32, #tpu.memory_space<hbm>>
    tpu.enqueue_dma source(%dma_start3A_1087 : memref<8x128xf32, #tpu.memory_space<hbm>>) target(%dma_start3A_1083 : memref<8x128xf32, #tpu.memory_space<vmem>>) target_semaphore(%dma_start3A_1079 : memref<!tpu.dma_semaphore, #tpu.memory_space<semaphore_mem>>)
    %dma_start3A_1088 = arith.constant 2 : i32
    %dma_start3A_1089 = arith.constant 1 : i32
    %dma_start3A_1090 = arith.constant 2 : i32
    %dma_start3A_1091 = arith.constant 2 : i32
    %dma_start3A_1092 = arith.constant 1 : i32
    %dma_start3A_1093 = arith.constant 2 : i32
    %dma_start3A_1094 = arith.constant 0 : i32
    %dma_start3A_1095 = arith.constant 0 : i32
    %dma_start3A_1096 = tpu.memref_slice %arg6[%dma_start3A_1089, %dma_start3A_1090, %dma_start3A_1091, %dma_start3A_1094, %dma_start3A_1095] : memref<3x8x4x8x128xf32, #tpu.memory_space<vmem>> -> memref<1x1x1x8x128xf32, #tpu.memory_space<vmem>>
    %dma_start3A_1097 = tpu.memref_squeeze %dma_start3A_1096 : memref<1x1x1x8x128xf32, #tpu.memory_space<vmem>> -> memref<8x128xf32, #tpu.memory_space<vmem>>
    %dma_start3A_1098 = tpu.memref_reshape %arg3 : memref<32x1000000xf32, #tpu.memory_space<hbm>> -> memref<4x8x1000000xf32, #tpu.memory_space<hbm>>
    %dma_start3A_1099 = arith.constant 0 : i32
    %dma_start3A_1100 = tpu.memref_slice %dma_start3A_1098[%dma_start3A_1088, %dma_start3A_1099, %multiple_of3A_1039] : memref<4x8x1000000xf32, #tpu.memory_space<hbm>> -> memref<1x8x128xf32, #tpu.memory_space<hbm>>
    %dma_start3A_1101 = tpu.memref_squeeze %dma_start3A_1100 : memref<1x8x128xf32, #tpu.memory_space<hbm>> -> memref<8x128xf32, #tpu.memory_space<hbm>>
    %dma_start3A_1102 = tpu.memref_slice %arg8[%dma_start3A_1092, %dma_start3A_1093] : memref<3x8x!tpu.dma_semaphore, #tpu.memory_space<semaphore_mem>> -> memref<1x1x!tpu.dma_semaphore, #tpu.memory_space<semaphore_mem>>
    %dma_start3A_1103 = tpu.memref_squeeze %dma_start3A_1102 : memref<1x1x!tpu.dma_semaphore, #tpu.memory_space<semaphore_mem>> -> memref<!tpu.dma_semaphore, #tpu.memory_space<semaphore_mem>>
    %dma_start3A_1104 = arith.constant 0 : i32
    %dma_start3A_1105 = arith.constant 0 : i32
    %dma_start3A_1106 = tpu.memref_slice %arg6[%dma_start3A_1089, %dma_start3A_1090, %dma_start3A_1091, %dma_start3A_1104, %dma_start3A_1105] : memref<3x8x4x8x128xf32, #tpu.memory_space<vmem>> -> memref<1x1x1x8x128xf32, #tpu.memory_space<vmem>>
    %dma_start3A_1107 = tpu.memref_squeeze %dma_start3A_1106 : memref<1x1x1x8x128xf32, #tpu.memory_space<vmem>> -> memref<8x128xf32, #tpu.memory_space<vmem>>
    %dma_start3A_1108 = tpu.memref_reshape %arg3 : memref<32x1000000xf32, #tpu.memory_space<hbm>> -> memref<4x8x1000000xf32, #tpu.memory_space<hbm>>
    %dma_start3A_1109 = arith.constant 0 : i32
    %dma_start3A_1110 = tpu.memref_slice %dma_start3A_1108[%dma_start3A_1088, %dma_start3A_1109, %multiple_of3A_1039] : memref<4x8x1000000xf32, #tpu.memory_space<hbm>> -> memref<1x8x128xf32, #tpu.memory_space<hbm>>
    %dma_start3A_1111 = tpu.memref_squeeze %dma_start3A_1110 : memref<1x8x128xf32, #tpu.memory_space<hbm>> -> memref<8x128xf32, #tpu.memory_space<hbm>>
    tpu.enqueue_dma source(%dma_start3A_1111 : memref<8x128xf32, #tpu.memory_space<hbm>>) target(%dma_start3A_1107 : memref<8x128xf32, #tpu.memory_space<vmem>>) target_semaphore(%dma_start3A_1103 : memref<!tpu.dma_semaphore, #tpu.memory_space<semaphore_mem>>)
    %dma_start3A_1112 = arith.constant 3 : i32
    %dma_start3A_1113 = arith.constant 1 : i32
    %dma_start3A_1114 = arith.constant 2 : i32
    %dma_start3A_1115 = arith.constant 3 : i32
    %dma_start3A_1116 = arith.constant 1 : i32
    %dma_start3A_1117 = arith.constant 2 : i32
    %dma_start3A_1118 = arith.constant 0 : i32
    %dma_start3A_1119 = arith.constant 0 : i32
    %dma_start3A_1120 = tpu.memref_slice %arg6[%dma_start3A_1113, %dma_start3A_1114, %dma_start3A_1115, %dma_start3A_1118, %dma_start3A_1119] : memref<3x8x4x8x128xf32, #tpu.memory_space<vmem>> -> memref<1x1x1x8x128xf32, #tpu.memory_space<vmem>>
    %dma_start3A_1121 = tpu.memref_squeeze %dma_start3A_1120 : memref<1x1x1x8x128xf32, #tpu.memory_space<vmem>> -> memref<8x128xf32, #tpu.memory_space<vmem>>
    %dma_start3A_1122 = tpu.memref_reshape %arg3 : memref<32x1000000xf32, #tpu.memory_space<hbm>> -> memref<4x8x1000000xf32, #tpu.memory_space<hbm>>
    %dma_start3A_1123 = arith.constant 0 : i32
    %dma_start3A_1124 = tpu.memref_slice %dma_start3A_1122[%dma_start3A_1112, %dma_start3A_1123, %multiple_of3A_1039] : memref<4x8x1000000xf32, #tpu.memory_space<hbm>> -> memref<1x8x128xf32, #tpu.memory_space<hbm>>
    %dma_start3A_1125 = tpu.memref_squeeze %dma_start3A_1124 : memref<1x8x128xf32, #tpu.memory_space<hbm>> -> memref<8x128xf32, #tpu.memory_space<hbm>>
    %dma_start3A_1126 = tpu.memref_slice %arg8[%dma_start3A_1116, %dma_start3A_1117] : memref<3x8x!tpu.dma_semaphore, #tpu.memory_space<semaphore_mem>> -> memref<1x1x!tpu.dma_semaphore, #tpu.memory_space<semaphore_mem>>
    %dma_start3A_1127 = tpu.memref_squeeze %dma_start3A_1126 : memref<1x1x!tpu.dma_semaphore, #tpu.memory_space<semaphore_mem>> -> memref<!tpu.dma_semaphore, #tpu.memory_space<semaphore_mem>>
    %dma_start3A_1128 = arith.constant 0 : i32
    %dma_start3A_1129 = arith.constant 0 : i32
    %dma_start3A_1130 = tpu.memref_slice %arg6[%dma_start3A_1113, %dma_start3A_1114, %dma_start3A_1115, %dma_start3A_1128, %dma_start3A_1129] : memref<3x8x4x8x128xf32, #tpu.memory_space<vmem>> -> memref<1x1x1x8x128xf32, #tpu.memory_space<vmem>>
    %dma_start3A_1131 = tpu.memref_squeeze %dma_start3A_1130 : memref<1x1x1x8x128xf32, #tpu.memory_space<vmem>> -> memref<8x128xf32, #tpu.memory_space<vmem>>
    %dma_start3A_1132 = tpu.memref_reshape %arg3 : memref<32x1000000xf32, #tpu.memory_space<hbm>> -> memref<4x8x1000000xf32, #tpu.memory_space<hbm>>
    %dma_start3A_1133 = arith.constant 0 : i32
    %dma_start3A_1134 = tpu.memref_slice %dma_start3A_1132[%dma_start3A_1112, %dma_start3A_1133, %multiple_of3A_1039] : memref<4x8x1000000xf32, #tpu.memory_space<hbm>> -> memref<1x8x128xf32, #tpu.memory_space<hbm>>
    %dma_start3A_1135 = tpu.memref_squeeze %dma_start3A_1134 : memref<1x8x128xf32, #tpu.memory_space<hbm>> -> memref<8x128xf32, #tpu.memory_space<hbm>>
    tpu.enqueue_dma source(%dma_start3A_1135 : memref<8x128xf32, #tpu.memory_space<hbm>>) target(%dma_start3A_1131 : memref<8x128xf32, #tpu.memory_space<vmem>>) target_semaphore(%dma_start3A_1127 : memref<!tpu.dma_semaphore, #tpu.memory_space<semaphore_mem>>)
    %slice3A_1136 = vector.extract_strided_slice %get3A_826 {offsets = [3], sizes = [1], strides = [1]} : vector<16xi32> to vector<1xi32>
    %squeeze3A_1137 = vector.extract %slice3A_1136[0] : i32 from vector<1xi32>
    %shift_right_arithmetic3A_1138 = arith.constant 7 : i32
    %shift_right_arithmetic3A_1139 = arith.shrsi %squeeze3A_1137, %shift_right_arithmetic3A_1138 : i32
    %mul3A_1140 = arith.constant 128 : i32
    %mul3A_1141 = arith.muli %shift_right_arithmetic3A_1139, %mul3A_1140 : i32
    %multiple_of3A_1142 = tpu.assume_multiple %mul3A_1141, 128 : i32
    %dma_start3A_1143 = arith.constant 0 : i32
    %dma_start3A_1144 = arith.constant 1 : i32
    %dma_start3A_1145 = arith.constant 3 : i32
    %dma_start3A_1146 = arith.constant 0 : i32
    %dma_start3A_1147 = arith.constant 1 : i32
    %dma_start3A_1148 = arith.constant 3 : i32
    %dma_start3A_1149 = arith.constant 0 : i32
    %dma_start3A_1150 = arith.constant 0 : i32
    %dma_start3A_1151 = tpu.memref_slice %arg6[%dma_start3A_1144, %dma_start3A_1145, %dma_start3A_1146, %dma_start3A_1149, %dma_start3A_1150] : memref<3x8x4x8x128xf32, #tpu.memory_space<vmem>> -> memref<1x1x1x8x128xf32, #tpu.memory_space<vmem>>
    %dma_start3A_1152 = tpu.memref_squeeze %dma_start3A_1151 : memref<1x1x1x8x128xf32, #tpu.memory_space<vmem>> -> memref<8x128xf32, #tpu.memory_space<vmem>>
    %dma_start3A_1153 = tpu.memref_reshape %arg3 : memref<32x1000000xf32, #tpu.memory_space<hbm>> -> memref<4x8x1000000xf32, #tpu.memory_space<hbm>>
    %dma_start3A_1154 = arith.constant 0 : i32
    %dma_start3A_1155 = tpu.memref_slice %dma_start3A_1153[%dma_start3A_1143, %dma_start3A_1154, %multiple_of3A_1142] : memref<4x8x1000000xf32, #tpu.memory_space<hbm>> -> memref<1x8x128xf32, #tpu.memory_space<hbm>>
    %dma_start3A_1156 = tpu.memref_squeeze %dma_start3A_1155 : memref<1x8x128xf32, #tpu.memory_space<hbm>> -> memref<8x128xf32, #tpu.memory_space<hbm>>
    %dma_start3A_1157 = tpu.memref_slice %arg8[%dma_start3A_1147, %dma_start3A_1148] : memref<3x8x!tpu.dma_semaphore, #tpu.memory_space<semaphore_mem>> -> memref<1x1x!tpu.dma_semaphore, #tpu.memory_space<semaphore_mem>>
    %dma_start3A_1158 = tpu.memref_squeeze %dma_start3A_1157 : memref<1x1x!tpu.dma_semaphore, #tpu.memory_space<semaphore_mem>> -> memref<!tpu.dma_semaphore, #tpu.memory_space<semaphore_mem>>
    %dma_start3A_1159 = arith.constant 0 : i32
    %dma_start3A_1160 = arith.constant 0 : i32
    %dma_start3A_1161 = tpu.memref_slice %arg6[%dma_start3A_1144, %dma_start3A_1145, %dma_start3A_1146, %dma_start3A_1159, %dma_start3A_1160] : memref<3x8x4x8x128xf32, #tpu.memory_space<vmem>> -> memref<1x1x1x8x128xf32, #tpu.memory_space<vmem>>
    %dma_start3A_1162 = tpu.memref_squeeze %dma_start3A_1161 : memref<1x1x1x8x128xf32, #tpu.memory_space<vmem>> -> memref<8x128xf32, #tpu.memory_space<vmem>>
    %dma_start3A_1163 = tpu.memref_reshape %arg3 : memref<32x1000000xf32, #tpu.memory_space<hbm>> -> memref<4x8x1000000xf32, #tpu.memory_space<hbm>>
    %dma_start3A_1164 = arith.constant 0 : i32
    %dma_start3A_1165 = tpu.memref_slice %dma_start3A_1163[%dma_start3A_1143, %dma_start3A_1164, %multiple_of3A_1142] : memref<4x8x1000000xf32, #tpu.memory_space<hbm>> -> memref<1x8x128xf32, #tpu.memory_space<hbm>>
    %dma_start3A_1166 = tpu.memref_squeeze %dma_start3A_1165 : memref<1x8x128xf32, #tpu.memory_space<hbm>> -> memref<8x128xf32, #tpu.memory_space<hbm>>
    tpu.enqueue_dma source(%dma_start3A_1166 : memref<8x128xf32, #tpu.memory_space<hbm>>) target(%dma_start3A_1162 : memref<8x128xf32, #tpu.memory_space<vmem>>) target_semaphore(%dma_start3A_1158 : memref<!tpu.dma_semaphore, #tpu.memory_space<semaphore_mem>>)
    %dma_start3A_1167 = arith.constant 1 : i32
    %dma_start3A_1168 = arith.constant 1 : i32
    %dma_start3A_1169 = arith.constant 3 : i32
    %dma_start3A_1170 = arith.constant 1 : i32
    %dma_start3A_1171 = arith.constant 1 : i32
    %dma_start3A_1172 = arith.constant 3 : i32
    %dma_start3A_1173 = arith.constant 0 : i32
    %dma_start3A_1174 = arith.constant 0 : i32
    %dma_start3A_1175 = tpu.memref_slice %arg6[%dma_start3A_1168, %dma_start3A_1169, %dma_start3A_1170, %dma_start3A_1173, %dma_start3A_1174] : memref<3x8x4x8x128xf32, #tpu.memory_space<vmem>> -> memref<1x1x1x8x128xf32, #tpu.memory_space<vmem>>
    %dma_start3A_1176 = tpu.memref_squeeze %dma_start3A_1175 : memref<1x1x1x8x128xf32, #tpu.memory_space<vmem>> -> memref<8x128xf32, #tpu.memory_space<vmem>>
    %dma_start3A_1177 = tpu.memref_reshape %arg3 : memref<32x1000000xf32, #tpu.memory_space<hbm>> -> memref<4x8x1000000xf32, #tpu.memory_space<hbm>>
    %dma_start3A_1178 = arith.constant 0 : i32
    %dma_start3A_1179 = tpu.memref_slice %dma_start3A_1177[%dma_start3A_1167, %dma_start3A_1178, %multiple_of3A_1142] : memref<4x8x1000000xf32, #tpu.memory_space<hbm>> -> memref<1x8x128xf32, #tpu.memory_space<hbm>>
    %dma_start3A_1180 = tpu.memref_squeeze %dma_start3A_1179 : memref<1x8x128xf32, #tpu.memory_space<hbm>> -> memref<8x128xf32, #tpu.memory_space<hbm>>
    %dma_start3A_1181 = tpu.memref_slice %arg8[%dma_start3A_1171, %dma_start3A_1172] : memref<3x8x!tpu.dma_semaphore, #tpu.memory_space<semaphore_mem>> -> memref<1x1x!tpu.dma_semaphore, #tpu.memory_space<semaphore_mem>>
    %dma_start3A_1182 = tpu.memref_squeeze %dma_start3A_1181 : memref<1x1x!tpu.dma_semaphore, #tpu.memory_space<semaphore_mem>> -> memref<!tpu.dma_semaphore, #tpu.memory_space<semaphore_mem>>
    %dma_start3A_1183 = arith.constant 0 : i32
    %dma_start3A_1184 = arith.constant 0 : i32
    %dma_start3A_1185 = tpu.memref_slice %arg6[%dma_start3A_1168, %dma_start3A_1169, %dma_start3A_1170, %dma_start3A_1183, %dma_start3A_1184] : memref<3x8x4x8x128xf32, #tpu.memory_space<vmem>> -> memref<1x1x1x8x128xf32, #tpu.memory_space<vmem>>
    %dma_start3A_1186 = tpu.memref_squeeze %dma_start3A_1185 : memref<1x1x1x8x128xf32, #tpu.memory_space<vmem>> -> memref<8x128xf32, #tpu.memory_space<vmem>>
    %dma_start3A_1187 = tpu.memref_reshape %arg3 : memref<32x1000000xf32, #tpu.memory_space<hbm>> -> memref<4x8x1000000xf32, #tpu.memory_space<hbm>>
    %dma_start3A_1188 = arith.constant 0 : i32
    %dma_start3A_1189 = tpu.memref_slice %dma_start3A_1187[%dma_start3A_1167, %dma_start3A_1188, %multiple_of3A_1142] : memref<4x8x1000000xf32, #tpu.memory_space<hbm>> -> memref<1x8x128xf32, #tpu.memory_space<hbm>>
    %dma_start3A_1190 = tpu.memref_squeeze %dma_start3A_1189 : memref<1x8x128xf32, #tpu.memory_space<hbm>> -> memref<8x128xf32, #tpu.memory_space<hbm>>
    tpu.enqueue_dma source(%dma_start3A_1190 : memref<8x128xf32, #tpu.memory_space<hbm>>) target(%dma_start3A_1186 : memref<8x128xf32, #tpu.memory_space<vmem>>) target_semaphore(%dma_start3A_1182 : memref<!tpu.dma_semaphore, #tpu.memory_space<semaphore_mem>>)
    %dma_start3A_1191 = arith.constant 2 : i32
    %dma_start3A_1192 = arith.constant 1 : i32
    %dma_start3A_1193 = arith.constant 3 : i32
    %dma_start3A_1194 = arith.constant 2 : i32
    %dma_start3A_1195 = arith.constant 1 : i32
    %dma_start3A_1196 = arith.constant 3 : i32
    %dma_start3A_1197 = arith.constant 0 : i32
    %dma_start3A_1198 = arith.constant 0 : i32
    %dma_start3A_1199 = tpu.memref_slice %arg6[%dma_start3A_1192, %dma_start3A_1193, %dma_start3A_1194, %dma_start3A_1197, %dma_start3A_1198] : memref<3x8x4x8x128xf32, #tpu.memory_space<vmem>> -> memref<1x1x1x8x128xf32, #tpu.memory_space<vmem>>
    %dma_start3A_1200 = tpu.memref_squeeze %dma_start3A_1199 : memref<1x1x1x8x128xf32, #tpu.memory_space<vmem>> -> memref<8x128xf32, #tpu.memory_space<vmem>>
    %dma_start3A_1201 = tpu.memref_reshape %arg3 : memref<32x1000000xf32, #tpu.memory_space<hbm>> -> memref<4x8x1000000xf32, #tpu.memory_space<hbm>>
    %dma_start3A_1202 = arith.constant 0 : i32
    %dma_start3A_1203 = tpu.memref_slice %dma_start3A_1201[%dma_start3A_1191, %dma_start3A_1202, %multiple_of3A_1142] : memref<4x8x1000000xf32, #tpu.memory_space<hbm>> -> memref<1x8x128xf32, #tpu.memory_space<hbm>>
    %dma_start3A_1204 = tpu.memref_squeeze %dma_start3A_1203 : memref<1x8x128xf32, #tpu.memory_space<hbm>> -> memref<8x128xf32, #tpu.memory_space<hbm>>
    %dma_start3A_1205 = tpu.memref_slice %arg8[%dma_start3A_1195, %dma_start3A_1196] : memref<3x8x!tpu.dma_semaphore, #tpu.memory_space<semaphore_mem>> -> memref<1x1x!tpu.dma_semaphore, #tpu.memory_space<semaphore_mem>>
    %dma_start3A_1206 = tpu.memref_squeeze %dma_start3A_1205 : memref<1x1x!tpu.dma_semaphore, #tpu.memory_space<semaphore_mem>> -> memref<!tpu.dma_semaphore, #tpu.memory_space<semaphore_mem>>
    %dma_start3A_1207 = arith.constant 0 : i32
    %dma_start3A_1208 = arith.constant 0 : i32
    %dma_start3A_1209 = tpu.memref_slice %arg6[%dma_start3A_1192, %dma_start3A_1193, %dma_start3A_1194, %dma_start3A_1207, %dma_start3A_1208] : memref<3x8x4x8x128xf32, #tpu.memory_space<vmem>> -> memref<1x1x1x8x128xf32, #tpu.memory_space<vmem>>
    %dma_start3A_1210 = tpu.memref_squeeze %dma_start3A_1209 : memref<1x1x1x8x128xf32, #tpu.memory_space<vmem>> -> memref<8x128xf32, #tpu.memory_space<vmem>>
    %dma_start3A_1211 = tpu.memref_reshape %arg3 : memref<32x1000000xf32, #tpu.memory_space<hbm>> -> memref<4x8x1000000xf32, #tpu.memory_space<hbm>>
    %dma_start3A_1212 = arith.constant 0 : i32
    %dma_start3A_1213 = tpu.memref_slice %dma_start3A_1211[%dma_start3A_1191, %dma_start3A_1212, %multiple_of3A_1142] : memref<4x8x1000000xf32, #tpu.memory_space<hbm>> -> memref<1x8x128xf32, #tpu.memory_space<hbm>>
    %dma_start3A_1214 = tpu.memref_squeeze %dma_start3A_1213 : memref<1x8x128xf32, #tpu.memory_space<hbm>> -> memref<8x128xf32, #tpu.memory_space<hbm>>
    tpu.enqueue_dma source(%dma_start3A_1214 : memref<8x128xf32, #tpu.memory_space<hbm>>) target(%dma_start3A_1210 : memref<8x128xf32, #tpu.memory_space<vmem>>) target_semaphore(%dma_start3A_1206 : memref<!tpu.dma_semaphore, #tpu.memory_space<semaphore_mem>>)
    %dma_start3A_1215 = arith.constant 3 : i32
    %dma_start3A_1216 = arith.constant 1 : i32
    %dma_start3A_1217 = arith.constant 3 : i32
    %dma_start3A_1218 = arith.constant 3 : i32
    %dma_start3A_1219 = arith.constant 1 : i32
    %dma_start3A_1220 = arith.constant 3 : i32
    %dma_start3A_1221 = arith.constant 0 : i32
    %dma_start3A_1222 = arith.constant 0 : i32
    %dma_start3A_1223 = tpu.memref_slice %arg6[%dma_start3A_1216, %dma_start3A_1217, %dma_start3A_1218, %dma_start3A_1221, %dma_start3A_1222] : memref<3x8x4x8x128xf32, #tpu.memory_space<vmem>> -> memref<1x1x1x8x128xf32, #tpu.memory_space<vmem>>
    %dma_start3A_1224 = tpu.memref_squeeze %dma_start3A_1223 : memref<1x1x1x8x128xf32, #tpu.memory_space<vmem>> -> memref<8x128xf32, #tpu.memory_space<vmem>>
    %dma_start3A_1225 = tpu.memref_reshape %arg3 : memref<32x1000000xf32, #tpu.memory_space<hbm>> -> memref<4x8x1000000xf32, #tpu.memory_space<hbm>>
    %dma_start3A_1226 = arith.constant 0 : i32
    %dma_start3A_1227 = tpu.memref_slice %dma_start3A_1225[%dma_start3A_1215, %dma_start3A_1226, %multiple_of3A_1142] : memref<4x8x1000000xf32, #tpu.memory_space<hbm>> -> memref<1x8x128xf32, #tpu.memory_space<hbm>>
    %dma_start3A_1228 = tpu.memref_squeeze %dma_start3A_1227 : memref<1x8x128xf32, #tpu.memory_space<hbm>> -> memref<8x128xf32, #tpu.memory_space<hbm>>
    %dma_start3A_1229 = tpu.memref_slice %arg8[%dma_start3A_1219, %dma_start3A_1220] : memref<3x8x!tpu.dma_semaphore, #tpu.memory_space<semaphore_mem>> -> memref<1x1x!tpu.dma_semaphore, #tpu.memory_space<semaphore_mem>>
    %dma_start3A_1230 = tpu.memref_squeeze %dma_start3A_1229 : memref<1x1x!tpu.dma_semaphore, #tpu.memory_space<semaphore_mem>> -> memref<!tpu.dma_semaphore, #tpu.memory_space<semaphore_mem>>
    %dma_start3A_1231 = arith.constant 0 : i32
    %dma_start3A_1232 = arith.constant 0 : i32
    %dma_start3A_1233 = tpu.memref_slice %arg6[%dma_start3A_1216, %dma_start3A_1217, %dma_start3A_1218, %dma_start3A_1231, %dma_start3A_1232] : memref<3x8x4x8x128xf32, #tpu.memory_space<vmem>> -> memref<1x1x1x8x128xf32, #tpu.memory_space<vmem>>
    %dma_start3A_1234 = tpu.memref_squeeze %dma_start3A_1233 : memref<1x1x1x8x128xf32, #tpu.memory_space<vmem>> -> memref<8x128xf32, #tpu.memory_space<vmem>>
    %dma_start3A_1235 = tpu.memref_reshape %arg3 : memref<32x1000000xf32, #tpu.memory_space<hbm>> -> memref<4x8x1000000xf32, #tpu.memory_space<hbm>>
    %dma_start3A_1236 = arith.constant 0 : i32
    %dma_start3A_1237 = tpu.memref_slice %dma_start3A_1235[%dma_start3A_1215, %dma_start3A_1236, %multiple_of3A_1142] : memref<4x8x1000000xf32, #tpu.memory_space<hbm>> -> memref<1x8x128xf32, #tpu.memory_space<hbm>>
    %dma_start3A_1238 = tpu.memref_squeeze %dma_start3A_1237 : memref<1x8x128xf32, #tpu.memory_space<hbm>> -> memref<8x128xf32, #tpu.memory_space<hbm>>
    tpu.enqueue_dma source(%dma_start3A_1238 : memref<8x128xf32, #tpu.memory_space<hbm>>) target(%dma_start3A_1234 : memref<8x128xf32, #tpu.memory_space<vmem>>) target_semaphore(%dma_start3A_1230 : memref<!tpu.dma_semaphore, #tpu.memory_space<semaphore_mem>>)
    %slice3A_1239 = vector.extract_strided_slice %get3A_826 {offsets = [4], sizes = [1], strides = [1]} : vector<16xi32> to vector<1xi32>
    %squeeze3A_1240 = vector.extract %slice3A_1239[0] : i32 from vector<1xi32>
    %shift_right_arithmetic3A_1241 = arith.constant 7 : i32
    %shift_right_arithmetic3A_1242 = arith.shrsi %squeeze3A_1240, %shift_right_arithmetic3A_1241 : i32
    %mul3A_1243 = arith.constant 128 : i32
    %mul3A_1244 = arith.muli %shift_right_arithmetic3A_1242, %mul3A_1243 : i32
    %multiple_of3A_1245 = tpu.assume_multiple %mul3A_1244, 128 : i32
    %dma_start3A_1246 = arith.constant 0 : i32
    %dma_start3A_1247 = arith.constant 1 : i32
    %dma_start3A_1248 = arith.constant 4 : i32
    %dma_start3A_1249 = arith.constant 0 : i32
    %dma_start3A_1250 = arith.constant 1 : i32
    %dma_start3A_1251 = arith.constant 4 : i32
    %dma_start3A_1252 = arith.constant 0 : i32
    %dma_start3A_1253 = arith.constant 0 : i32
    %dma_start3A_1254 = tpu.memref_slice %arg6[%dma_start3A_1247, %dma_start3A_1248, %dma_start3A_1249, %dma_start3A_1252, %dma_start3A_1253] : memref<3x8x4x8x128xf32, #tpu.memory_space<vmem>> -> memref<1x1x1x8x128xf32, #tpu.memory_space<vmem>>
    %dma_start3A_1255 = tpu.memref_squeeze %dma_start3A_1254 : memref<1x1x1x8x128xf32, #tpu.memory_space<vmem>> -> memref<8x128xf32, #tpu.memory_space<vmem>>
    %dma_start3A_1256 = tpu.memref_reshape %arg3 : memref<32x1000000xf32, #tpu.memory_space<hbm>> -> memref<4x8x1000000xf32, #tpu.memory_space<hbm>>
    %dma_start3A_1257 = arith.constant 0 : i32
    %dma_start3A_1258 = tpu.memref_slice %dma_start3A_1256[%dma_start3A_1246, %dma_start3A_1257, %multiple_of3A_1245] : memref<4x8x1000000xf32, #tpu.memory_space<hbm>> -> memref<1x8x128xf32, #tpu.memory_space<hbm>>
    %dma_start3A_1259 = tpu.memref_squeeze %dma_start3A_1258 : memref<1x8x128xf32, #tpu.memory_space<hbm>> -> memref<8x128xf32, #tpu.memory_space<hbm>>
    %dma_start3A_1260 = tpu.memref_slice %arg8[%dma_start3A_1250, %dma_start3A_1251] : memref<3x8x!tpu.dma_semaphore, #tpu.memory_space<semaphore_mem>> -> memref<1x1x!tpu.dma_semaphore, #tpu.memory_space<semaphore_mem>>
    %dma_start3A_1261 = tpu.memref_squeeze %dma_start3A_1260 : memref<1x1x!tpu.dma_semaphore, #tpu.memory_space<semaphore_mem>> -> memref<!tpu.dma_semaphore, #tpu.memory_space<semaphore_mem>>
    %dma_start3A_1262 = arith.constant 0 : i32
    %dma_start3A_1263 = arith.constant 0 : i32
    %dma_start3A_1264 = tpu.memref_slice %arg6[%dma_start3A_1247, %dma_start3A_1248, %dma_start3A_1249, %dma_start3A_1262, %dma_start3A_1263] : memref<3x8x4x8x128xf32, #tpu.memory_space<vmem>> -> memref<1x1x1x8x128xf32, #tpu.memory_space<vmem>>
    %dma_start3A_1265 = tpu.memref_squeeze %dma_start3A_1264 : memref<1x1x1x8x128xf32, #tpu.memory_space<vmem>> -> memref<8x128xf32, #tpu.memory_space<vmem>>
    %dma_start3A_1266 = tpu.memref_reshape %arg3 : memref<32x1000000xf32, #tpu.memory_space<hbm>> -> memref<4x8x1000000xf32, #tpu.memory_space<hbm>>
    %dma_start3A_1267 = arith.constant 0 : i32
    %dma_start3A_1268 = tpu.memref_slice %dma_start3A_1266[%dma_start3A_1246, %dma_start3A_1267, %multiple_of3A_1245] : memref<4x8x1000000xf32, #tpu.memory_space<hbm>> -> memref<1x8x128xf32, #tpu.memory_space<hbm>>
    %dma_start3A_1269 = tpu.memref_squeeze %dma_start3A_1268 : memref<1x8x128xf32, #tpu.memory_space<hbm>> -> memref<8x128xf32, #tpu.memory_space<hbm>>
    tpu.enqueue_dma source(%dma_start3A_1269 : memref<8x128xf32, #tpu.memory_space<hbm>>) target(%dma_start3A_1265 : memref<8x128xf32, #tpu.memory_space<vmem>>) target_semaphore(%dma_start3A_1261 : memref<!tpu.dma_semaphore, #tpu.memory_space<semaphore_mem>>)
    %dma_start3A_1270 = arith.constant 1 : i32
    %dma_start3A_1271 = arith.constant 1 : i32
    %dma_start3A_1272 = arith.constant 4 : i32
    %dma_start3A_1273 = arith.constant 1 : i32
    %dma_start3A_1274 = arith.constant 1 : i32
    %dma_start3A_1275 = arith.constant 4 : i32
    %dma_start3A_1276 = arith.constant 0 : i32
    %dma_start3A_1277 = arith.constant 0 : i32
    %dma_start3A_1278 = tpu.memref_slice %arg6[%dma_start3A_1271, %dma_start3A_1272, %dma_start3A_1273, %dma_start3A_1276, %dma_start3A_1277] : memref<3x8x4x8x128xf32, #tpu.memory_space<vmem>> -> memref<1x1x1x8x128xf32, #tpu.memory_space<vmem>>
    %dma_start3A_1279 = tpu.memref_squeeze %dma_start3A_1278 : memref<1x1x1x8x128xf32, #tpu.memory_space<vmem>> -> memref<8x128xf32, #tpu.memory_space<vmem>>
    %dma_start3A_1280 = tpu.memref_reshape %arg3 : memref<32x1000000xf32, #tpu.memory_space<hbm>> -> memref<4x8x1000000xf32, #tpu.memory_space<hbm>>
    %dma_start3A_1281 = arith.constant 0 : i32
    %dma_start3A_1282 = tpu.memref_slice %dma_start3A_1280[%dma_start3A_1270, %dma_start3A_1281, %multiple_of3A_1245] : memref<4x8x1000000xf32, #tpu.memory_space<hbm>> -> memref<1x8x128xf32, #tpu.memory_space<hbm>>
    %dma_start3A_1283 = tpu.memref_squeeze %dma_start3A_1282 : memref<1x8x128xf32, #tpu.memory_space<hbm>> -> memref<8x128xf32, #tpu.memory_space<hbm>>
    %dma_start3A_1284 = tpu.memref_slice %arg8[%dma_start3A_1274, %dma_start3A_1275] : memref<3x8x!tpu.dma_semaphore, #tpu.memory_space<semaphore_mem>> -> memref<1x1x!tpu.dma_semaphore, #tpu.memory_space<semaphore_mem>>
    %dma_start3A_1285 = tpu.memref_squeeze %dma_start3A_1284 : memref<1x1x!tpu.dma_semaphore, #tpu.memory_space<semaphore_mem>> -> memref<!tpu.dma_semaphore, #tpu.memory_space<semaphore_mem>>
    %dma_start3A_1286 = arith.constant 0 : i32
    %dma_start3A_1287 = arith.constant 0 : i32
    %dma_start3A_1288 = tpu.memref_slice %arg6[%dma_start3A_1271, %dma_start3A_1272, %dma_start3A_1273, %dma_start3A_1286, %dma_start3A_1287] : memref<3x8x4x8x128xf32, #tpu.memory_space<vmem>> -> memref<1x1x1x8x128xf32, #tpu.memory_space<vmem>>
    %dma_start3A_1289 = tpu.memref_squeeze %dma_start3A_1288 : memref<1x1x1x8x128xf32, #tpu.memory_space<vmem>> -> memref<8x128xf32, #tpu.memory_space<vmem>>
    %dma_start3A_1290 = tpu.memref_reshape %arg3 : memref<32x1000000xf32, #tpu.memory_space<hbm>> -> memref<4x8x1000000xf32, #tpu.memory_space<hbm>>
    %dma_start3A_1291 = arith.constant 0 : i32
    %dma_start3A_1292 = tpu.memref_slice %dma_start3A_1290[%dma_start3A_1270, %dma_start3A_1291, %multiple_of3A_1245] : memref<4x8x1000000xf32, #tpu.memory_space<hbm>> -> memref<1x8x128xf32, #tpu.memory_space<hbm>>
    %dma_start3A_1293 = tpu.memref_squeeze %dma_start3A_1292 : memref<1x8x128xf32, #tpu.memory_space<hbm>> -> memref<8x128xf32, #tpu.memory_space<hbm>>
    tpu.enqueue_dma source(%dma_start3A_1293 : memref<8x128xf32, #tpu.memory_space<hbm>>) target(%dma_start3A_1289 : memref<8x128xf32, #tpu.memory_space<vmem>>) target_semaphore(%dma_start3A_1285 : memref<!tpu.dma_semaphore, #tpu.memory_space<semaphore_mem>>)
    %dma_start3A_1294 = arith.constant 2 : i32
    %dma_start3A_1295 = arith.constant 1 : i32
    %dma_start3A_1296 = arith.constant 4 : i32
    %dma_start3A_1297 = arith.constant 2 : i32
    %dma_start3A_1298 = arith.constant 1 : i32
    %dma_start3A_1299 = arith.constant 4 : i32
    %dma_start3A_1300 = arith.constant 0 : i32
    %dma_start3A_1301 = arith.constant 0 : i32
    %dma_start3A_1302 = tpu.memref_slice %arg6[%dma_start3A_1295, %dma_start3A_1296, %dma_start3A_1297, %dma_start3A_1300, %dma_start3A_1301] : memref<3x8x4x8x128xf32, #tpu.memory_space<vmem>> -> memref<1x1x1x8x128xf32, #tpu.memory_space<vmem>>
    %dma_start3A_1303 = tpu.memref_squeeze %dma_start3A_1302 : memref<1x1x1x8x128xf32, #tpu.memory_space<vmem>> -> memref<8x128xf32, #tpu.memory_space<vmem>>
    %dma_start3A_1304 = tpu.memref_reshape %arg3 : memref<32x1000000xf32, #tpu.memory_space<hbm>> -> memref<4x8x1000000xf32, #tpu.memory_space<hbm>>
    %dma_start3A_1305 = arith.constant 0 : i32
    %dma_start3A_1306 = tpu.memref_slice %dma_start3A_1304[%dma_start3A_1294, %dma_start3A_1305, %multiple_of3A_1245] : memref<4x8x1000000xf32, #tpu.memory_space<hbm>> -> memref<1x8x128xf32, #tpu.memory_space<hbm>>
    %dma_start3A_1307 = tpu.memref_squeeze %dma_start3A_1306 : memref<1x8x128xf32, #tpu.memory_space<hbm>> -> memref<8x128xf32, #tpu.memory_space<hbm>>
    %dma_start3A_1308 = tpu.memref_slice %arg8[%dma_start3A_1298, %dma_start3A_1299] : memref<3x8x!tpu.dma_semaphore, #tpu.memory_space<semaphore_mem>> -> memref<1x1x!tpu.dma_semaphore, #tpu.memory_space<semaphore_mem>>
    %dma_start3A_1309 = tpu.memref_squeeze %dma_start3A_1308 : memref<1x1x!tpu.dma_semaphore, #tpu.memory_space<semaphore_mem>> -> memref<!tpu.dma_semaphore, #tpu.memory_space<semaphore_mem>>
    %dma_start3A_1310 = arith.constant 0 : i32
    %dma_start3A_1311 = arith.constant 0 : i32
    %dma_start3A_1312 = tpu.memref_slice %arg6[%dma_start3A_1295, %dma_start3A_1296, %dma_start3A_1297, %dma_start3A_1310, %dma_start3A_1311] : memref<3x8x4x8x128xf32, #tpu.memory_space<vmem>> -> memref<1x1x1x8x128xf32, #tpu.memory_space<vmem>>
    %dma_start3A_1313 = tpu.memref_squeeze %dma_start3A_1312 : memref<1x1x1x8x128xf32, #tpu.memory_space<vmem>> -> memref<8x128xf32, #tpu.memory_space<vmem>>
    %dma_start3A_1314 = tpu.memref_reshape %arg3 : memref<32x1000000xf32, #tpu.memory_space<hbm>> -> memref<4x8x1000000xf32, #tpu.memory_space<hbm>>
    %dma_start3A_1315 = arith.constant 0 : i32
    %dma_start3A_1316 = tpu.memref_slice %dma_start3A_1314[%dma_start3A_1294, %dma_start3A_1315, %multiple_of3A_1245] : memref<4x8x1000000xf32, #tpu.memory_space<hbm>> -> memref<1x8x128xf32, #tpu.memory_space<hbm>>
    %dma_start3A_1317 = tpu.memref_squeeze %dma_start3A_1316 : memref<1x8x128xf32, #tpu.memory_space<hbm>> -> memref<8x128xf32, #tpu.memory_space<hbm>>
    tpu.enqueue_dma source(%dma_start3A_1317 : memref<8x128xf32, #tpu.memory_space<hbm>>) target(%dma_start3A_1313 : memref<8x128xf32, #tpu.memory_space<vmem>>) target_semaphore(%dma_start3A_1309 : memref<!tpu.dma_semaphore, #tpu.memory_space<semaphore_mem>>)
    %dma_start3A_1318 = arith.constant 3 : i32
    %dma_start3A_1319 = arith.constant 1 : i32
    %dma_start3A_1320 = arith.constant 4 : i32
    %dma_start3A_1321 = arith.constant 3 : i32
    %dma_start3A_1322 = arith.constant 1 : i32
    %dma_start3A_1323 = arith.constant 4 : i32
    %dma_start3A_1324 = arith.constant 0 : i32
    %dma_start3A_1325 = arith.constant 0 : i32
    %dma_start3A_1326 = tpu.memref_slice %arg6[%dma_start3A_1319, %dma_start3A_1320, %dma_start3A_1321, %dma_start3A_1324, %dma_start3A_1325] : memref<3x8x4x8x128xf32, #tpu.memory_space<vmem>> -> memref<1x1x1x8x128xf32, #tpu.memory_space<vmem>>
    %dma_start3A_1327 = tpu.memref_squeeze %dma_start3A_1326 : memref<1x1x1x8x128xf32, #tpu.memory_space<vmem>> -> memref<8x128xf32, #tpu.memory_space<vmem>>
    %dma_start3A_1328 = tpu.memref_reshape %arg3 : memref<32x1000000xf32, #tpu.memory_space<hbm>> -> memref<4x8x1000000xf32, #tpu.memory_space<hbm>>
    %dma_start3A_1329 = arith.constant 0 : i32
    %dma_start3A_1330 = tpu.memref_slice %dma_start3A_1328[%dma_start3A_1318, %dma_start3A_1329, %multiple_of3A_1245] : memref<4x8x1000000xf32, #tpu.memory_space<hbm>> -> memref<1x8x128xf32, #tpu.memory_space<hbm>>
    %dma_start3A_1331 = tpu.memref_squeeze %dma_start3A_1330 : memref<1x8x128xf32, #tpu.memory_space<hbm>> -> memref<8x128xf32, #tpu.memory_space<hbm>>
    %dma_start3A_1332 = tpu.memref_slice %arg8[%dma_start3A_1322, %dma_start3A_1323] : memref<3x8x!tpu.dma_semaphore, #tpu.memory_space<semaphore_mem>> -> memref<1x1x!tpu.dma_semaphore, #tpu.memory_space<semaphore_mem>>
    %dma_start3A_1333 = tpu.memref_squeeze %dma_start3A_1332 : memref<1x1x!tpu.dma_semaphore, #tpu.memory_space<semaphore_mem>> -> memref<!tpu.dma_semaphore, #tpu.memory_space<semaphore_mem>>
    %dma_start3A_1334 = arith.constant 0 : i32
    %dma_start3A_1335 = arith.constant 0 : i32
    %dma_start3A_1336 = tpu.memref_slice %arg6[%dma_start3A_1319, %dma_start3A_1320, %dma_start3A_1321, %dma_start3A_1334, %dma_start3A_1335] : memref<3x8x4x8x128xf32, #tpu.memory_space<vmem>> -> memref<1x1x1x8x128xf32, #tpu.memory_space<vmem>>
    %dma_start3A_1337 = tpu.memref_squeeze %dma_start3A_1336 : memref<1x1x1x8x128xf32, #tpu.memory_space<vmem>> -> memref<8x128xf32, #tpu.memory_space<vmem>>
    %dma_start3A_1338 = tpu.memref_reshape %arg3 : memref<32x1000000xf32, #tpu.memory_space<hbm>> -> memref<4x8x1000000xf32, #tpu.memory_space<hbm>>
    %dma_start3A_1339 = arith.constant 0 : i32
    %dma_start3A_1340 = tpu.memref_slice %dma_start3A_1338[%dma_start3A_1318, %dma_start3A_1339, %multiple_of3A_1245] : memref<4x8x1000000xf32, #tpu.memory_space<hbm>> -> memref<1x8x128xf32, #tpu.memory_space<hbm>>
    %dma_start3A_1341 = tpu.memref_squeeze %dma_start3A_1340 : memref<1x8x128xf32, #tpu.memory_space<hbm>> -> memref<8x128xf32, #tpu.memory_space<hbm>>
    tpu.enqueue_dma source(%dma_start3A_1341 : memref<8x128xf32, #tpu.memory_space<hbm>>) target(%dma_start3A_1337 : memref<8x128xf32, #tpu.memory_space<vmem>>) target_semaphore(%dma_start3A_1333 : memref<!tpu.dma_semaphore, #tpu.memory_space<semaphore_mem>>)
    %slice3A_1342 = vector.extract_strided_slice %get3A_826 {offsets = [5], sizes = [1], strides = [1]} : vector<16xi32> to vector<1xi32>
    %squeeze3A_1343 = vector.extract %slice3A_1342[0] : i32 from vector<1xi32>
    %shift_right_arithmetic3A_1344 = arith.constant 7 : i32
    %shift_right_arithmetic3A_1345 = arith.shrsi %squeeze3A_1343, %shift_right_arithmetic3A_1344 : i32
    %mul3A_1346 = arith.constant 128 : i32
    %mul3A_1347 = arith.muli %shift_right_arithmetic3A_1345, %mul3A_1346 : i32
    %multiple_of3A_1348 = tpu.assume_multiple %mul3A_1347, 128 : i32
    %dma_start3A_1349 = arith.constant 0 : i32
    %dma_start3A_1350 = arith.constant 1 : i32
    %dma_start3A_1351 = arith.constant 5 : i32
    %dma_start3A_1352 = arith.constant 0 : i32
    %dma_start3A_1353 = arith.constant 1 : i32
    %dma_start3A_1354 = arith.constant 5 : i32
    %dma_start3A_1355 = arith.constant 0 : i32
    %dma_start3A_1356 = arith.constant 0 : i32
    %dma_start3A_1357 = tpu.memref_slice %arg6[%dma_start3A_1350, %dma_start3A_1351, %dma_start3A_1352, %dma_start3A_1355, %dma_start3A_1356] : memref<3x8x4x8x128xf32, #tpu.memory_space<vmem>> -> memref<1x1x1x8x128xf32, #tpu.memory_space<vmem>>
    %dma_start3A_1358 = tpu.memref_squeeze %dma_start3A_1357 : memref<1x1x1x8x128xf32, #tpu.memory_space<vmem>> -> memref<8x128xf32, #tpu.memory_space<vmem>>
    %dma_start3A_1359 = tpu.memref_reshape %arg3 : memref<32x1000000xf32, #tpu.memory_space<hbm>> -> memref<4x8x1000000xf32, #tpu.memory_space<hbm>>
    %dma_start3A_1360 = arith.constant 0 : i32
    %dma_start3A_1361 = tpu.memref_slice %dma_start3A_1359[%dma_start3A_1349, %dma_start3A_1360, %multiple_of3A_1348] : memref<4x8x1000000xf32, #tpu.memory_space<hbm>> -> memref<1x8x128xf32, #tpu.memory_space<hbm>>
    %dma_start3A_1362 = tpu.memref_squeeze %dma_start3A_1361 : memref<1x8x128xf32, #tpu.memory_space<hbm>> -> memref<8x128xf32, #tpu.memory_space<hbm>>
    %dma_start3A_1363 = tpu.memref_slice %arg8[%dma_start3A_1353, %dma_start3A_1354] : memref<3x8x!tpu.dma_semaphore, #tpu.memory_space<semaphore_mem>> -> memref<1x1x!tpu.dma_semaphore, #tpu.memory_space<semaphore_mem>>
    %dma_start3A_1364 = tpu.memref_squeeze %dma_start3A_1363 : memref<1x1x!tpu.dma_semaphore, #tpu.memory_space<semaphore_mem>> -> memref<!tpu.dma_semaphore, #tpu.memory_space<semaphore_mem>>
    %dma_start3A_1365 = arith.constant 0 : i32
    %dma_start3A_1366 = arith.constant 0 : i32
    %dma_start3A_1367 = tpu.memref_slice %arg6[%dma_start3A_1350, %dma_start3A_1351, %dma_start3A_1352, %dma_start3A_1365, %dma_start3A_1366] : memref<3x8x4x8x128xf32, #tpu.memory_space<vmem>> -> memref<1x1x1x8x128xf32, #tpu.memory_space<vmem>>
    %dma_start3A_1368 = tpu.memref_squeeze %dma_start3A_1367 : memref<1x1x1x8x128xf32, #tpu.memory_space<vmem>> -> memref<8x128xf32, #tpu.memory_space<vmem>>
    %dma_start3A_1369 = tpu.memref_reshape %arg3 : memref<32x1000000xf32, #tpu.memory_space<hbm>> -> memref<4x8x1000000xf32, #tpu.memory_space<hbm>>
    %dma_start3A_1370 = arith.constant 0 : i32
    %dma_start3A_1371 = tpu.memref_slice %dma_start3A_1369[%dma_start3A_1349, %dma_start3A_1370, %multiple_of3A_1348] : memref<4x8x1000000xf32, #tpu.memory_space<hbm>> -> memref<1x8x128xf32, #tpu.memory_space<hbm>>
    %dma_start3A_1372 = tpu.memref_squeeze %dma_start3A_1371 : memref<1x8x128xf32, #tpu.memory_space<hbm>> -> memref<8x128xf32, #tpu.memory_space<hbm>>
    tpu.enqueue_dma source(%dma_start3A_1372 : memref<8x128xf32, #tpu.memory_space<hbm>>) target(%dma_start3A_1368 : memref<8x128xf32, #tpu.memory_space<vmem>>) target_semaphore(%dma_start3A_1364 : memref<!tpu.dma_semaphore, #tpu.memory_space<semaphore_mem>>)
    %dma_start3A_1373 = arith.constant 1 : i32
    %dma_start3A_1374 = arith.constant 1 : i32
    %dma_start3A_1375 = arith.constant 5 : i32
    %dma_start3A_1376 = arith.constant 1 : i32
    %dma_start3A_1377 = arith.constant 1 : i32
    %dma_start3A_1378 = arith.constant 5 : i32
    %dma_start3A_1379 = arith.constant 0 : i32
    %dma_start3A_1380 = arith.constant 0 : i32
    %dma_start3A_1381 = tpu.memref_slice %arg6[%dma_start3A_1374, %dma_start3A_1375, %dma_start3A_1376, %dma_start3A_1379, %dma_start3A_1380] : memref<3x8x4x8x128xf32, #tpu.memory_space<vmem>> -> memref<1x1x1x8x128xf32, #tpu.memory_space<vmem>>
    %dma_start3A_1382 = tpu.memref_squeeze %dma_start3A_1381 : memref<1x1x1x8x128xf32, #tpu.memory_space<vmem>> -> memref<8x128xf32, #tpu.memory_space<vmem>>
    %dma_start3A_1383 = tpu.memref_reshape %arg3 : memref<32x1000000xf32, #tpu.memory_space<hbm>> -> memref<4x8x1000000xf32, #tpu.memory_space<hbm>>
    %dma_start3A_1384 = arith.constant 0 : i32
    %dma_start3A_1385 = tpu.memref_slice %dma_start3A_1383[%dma_start3A_1373, %dma_start3A_1384, %multiple_of3A_1348] : memref<4x8x1000000xf32, #tpu.memory_space<hbm>> -> memref<1x8x128xf32, #tpu.memory_space<hbm>>
    %dma_start3A_1386 = tpu.memref_squeeze %dma_start3A_1385 : memref<1x8x128xf32, #tpu.memory_space<hbm>> -> memref<8x128xf32, #tpu.memory_space<hbm>>
    %dma_start3A_1387 = tpu.memref_slice %arg8[%dma_start3A_1377, %dma_start3A_1378] : memref<3x8x!tpu.dma_semaphore, #tpu.memory_space<semaphore_mem>> -> memref<1x1x!tpu.dma_semaphore, #tpu.memory_space<semaphore_mem>>
    %dma_start3A_1388 = tpu.memref_squeeze %dma_start3A_1387 : memref<1x1x!tpu.dma_semaphore, #tpu.memory_space<semaphore_mem>> -> memref<!tpu.dma_semaphore, #tpu.memory_space<semaphore_mem>>
    %dma_start3A_1389 = arith.constant 0 : i32
    %dma_start3A_1390 = arith.constant 0 : i32
    %dma_start3A_1391 = tpu.memref_slice %arg6[%dma_start3A_1374, %dma_start3A_1375, %dma_start3A_1376, %dma_start3A_1389, %dma_start3A_1390] : memref<3x8x4x8x128xf32, #tpu.memory_space<vmem>> -> memref<1x1x1x8x128xf32, #tpu.memory_space<vmem>>
    %dma_start3A_1392 = tpu.memref_squeeze %dma_start3A_1391 : memref<1x1x1x8x128xf32, #tpu.memory_space<vmem>> -> memref<8x128xf32, #tpu.memory_space<vmem>>
    %dma_start3A_1393 = tpu.memref_reshape %arg3 : memref<32x1000000xf32, #tpu.memory_space<hbm>> -> memref<4x8x1000000xf32, #tpu.memory_space<hbm>>
    %dma_start3A_1394 = arith.constant 0 : i32
    %dma_start3A_1395 = tpu.memref_slice %dma_start3A_1393[%dma_start3A_1373, %dma_start3A_1394, %multiple_of3A_1348] : memref<4x8x1000000xf32, #tpu.memory_space<hbm>> -> memref<1x8x128xf32, #tpu.memory_space<hbm>>
    %dma_start3A_1396 = tpu.memref_squeeze %dma_start3A_1395 : memref<1x8x128xf32, #tpu.memory_space<hbm>> -> memref<8x128xf32, #tpu.memory_space<hbm>>
    tpu.enqueue_dma source(%dma_start3A_1396 : memref<8x128xf32, #tpu.memory_space<hbm>>) target(%dma_start3A_1392 : memref<8x128xf32, #tpu.memory_space<vmem>>) target_semaphore(%dma_start3A_1388 : memref<!tpu.dma_semaphore, #tpu.memory_space<semaphore_mem>>)
    %dma_start3A_1397 = arith.constant 2 : i32
    %dma_start3A_1398 = arith.constant 1 : i32
    %dma_start3A_1399 = arith.constant 5 : i32
    %dma_start3A_1400 = arith.constant 2 : i32
    %dma_start3A_1401 = arith.constant 1 : i32
    %dma_start3A_1402 = arith.constant 5 : i32
    %dma_start3A_1403 = arith.constant 0 : i32
    %dma_start3A_1404 = arith.constant 0 : i32
    %dma_start3A_1405 = tpu.memref_slice %arg6[%dma_start3A_1398, %dma_start3A_1399, %dma_start3A_1400, %dma_start3A_1403, %dma_start3A_1404] : memref<3x8x4x8x128xf32, #tpu.memory_space<vmem>> -> memref<1x1x1x8x128xf32, #tpu.memory_space<vmem>>
    %dma_start3A_1406 = tpu.memref_squeeze %dma_start3A_1405 : memref<1x1x1x8x128xf32, #tpu.memory_space<vmem>> -> memref<8x128xf32, #tpu.memory_space<vmem>>
    %dma_start3A_1407 = tpu.memref_reshape %arg3 : memref<32x1000000xf32, #tpu.memory_space<hbm>> -> memref<4x8x1000000xf32, #tpu.memory_space<hbm>>
    %dma_start3A_1408 = arith.constant 0 : i32
    %dma_start3A_1409 = tpu.memref_slice %dma_start3A_1407[%dma_start3A_1397, %dma_start3A_1408, %multiple_of3A_1348] : memref<4x8x1000000xf32, #tpu.memory_space<hbm>> -> memref<1x8x128xf32, #tpu.memory_space<hbm>>
    %dma_start3A_1410 = tpu.memref_squeeze %dma_start3A_1409 : memref<1x8x128xf32, #tpu.memory_space<hbm>> -> memref<8x128xf32, #tpu.memory_space<hbm>>
    %dma_start3A_1411 = tpu.memref_slice %arg8[%dma_start3A_1401, %dma_start3A_1402] : memref<3x8x!tpu.dma_semaphore, #tpu.memory_space<semaphore_mem>> -> memref<1x1x!tpu.dma_semaphore, #tpu.memory_space<semaphore_mem>>
    %dma_start3A_1412 = tpu.memref_squeeze %dma_start3A_1411 : memref<1x1x!tpu.dma_semaphore, #tpu.memory_space<semaphore_mem>> -> memref<!tpu.dma_semaphore, #tpu.memory_space<semaphore_mem>>
    %dma_start3A_1413 = arith.constant 0 : i32
    %dma_start3A_1414 = arith.constant 0 : i32
    %dma_start3A_1415 = tpu.memref_slice %arg6[%dma_start3A_1398, %dma_start3A_1399, %dma_start3A_1400, %dma_start3A_1413, %dma_start3A_1414] : memref<3x8x4x8x128xf32, #tpu.memory_space<vmem>> -> memref<1x1x1x8x128xf32, #tpu.memory_space<vmem>>
    %dma_start3A_1416 = tpu.memref_squeeze %dma_start3A_1415 : memref<1x1x1x8x128xf32, #tpu.memory_space<vmem>> -> memref<8x128xf32, #tpu.memory_space<vmem>>
    %dma_start3A_1417 = tpu.memref_reshape %arg3 : memref<32x1000000xf32, #tpu.memory_space<hbm>> -> memref<4x8x1000000xf32, #tpu.memory_space<hbm>>
    %dma_start3A_1418 = arith.constant 0 : i32
    %dma_start3A_1419 = tpu.memref_slice %dma_start3A_1417[%dma_start3A_1397, %dma_start3A_1418, %multiple_of3A_1348] : memref<4x8x1000000xf32, #tpu.memory_space<hbm>> -> memref<1x8x128xf32, #tpu.memory_space<hbm>>
    %dma_start3A_1420 = tpu.memref_squeeze %dma_start3A_1419 : memref<1x8x128xf32, #tpu.memory_space<hbm>> -> memref<8x128xf32, #tpu.memory_space<hbm>>
    tpu.enqueue_dma source(%dma_start3A_1420 : memref<8x128xf32, #tpu.memory_space<hbm>>) target(%dma_start3A_1416 : memref<8x128xf32, #tpu.memory_space<vmem>>) target_semaphore(%dma_start3A_1412 : memref<!tpu.dma_semaphore, #tpu.memory_space<semaphore_mem>>)
    %dma_start3A_1421 = arith.constant 3 : i32
    %dma_start3A_1422 = arith.constant 1 : i32
    %dma_start3A_1423 = arith.constant 5 : i32
    %dma_start3A_1424 = arith.constant 3 : i32
    %dma_start3A_1425 = arith.constant 1 : i32
    %dma_start3A_1426 = arith.constant 5 : i32
    %dma_start3A_1427 = arith.constant 0 : i32
    %dma_start3A_1428 = arith.constant 0 : i32
    %dma_start3A_1429 = tpu.memref_slice %arg6[%dma_start3A_1422, %dma_start3A_1423, %dma_start3A_1424, %dma_start3A_1427, %dma_start3A_1428] : memref<3x8x4x8x128xf32, #tpu.memory_space<vmem>> -> memref<1x1x1x8x128xf32, #tpu.memory_space<vmem>>
    %dma_start3A_1430 = tpu.memref_squeeze %dma_start3A_1429 : memref<1x1x1x8x128xf32, #tpu.memory_space<vmem>> -> memref<8x128xf32, #tpu.memory_space<vmem>>
    %dma_start3A_1431 = tpu.memref_reshape %arg3 : memref<32x1000000xf32, #tpu.memory_space<hbm>> -> memref<4x8x1000000xf32, #tpu.memory_space<hbm>>
    %dma_start3A_1432 = arith.constant 0 : i32
    %dma_start3A_1433 = tpu.memref_slice %dma_start3A_1431[%dma_start3A_1421, %dma_start3A_1432, %multiple_of3A_1348] : memref<4x8x1000000xf32, #tpu.memory_space<hbm>> -> memref<1x8x128xf32, #tpu.memory_space<hbm>>
    %dma_start3A_1434 = tpu.memref_squeeze %dma_start3A_1433 : memref<1x8x128xf32, #tpu.memory_space<hbm>> -> memref<8x128xf32, #tpu.memory_space<hbm>>
    %dma_start3A_1435 = tpu.memref_slice %arg8[%dma_start3A_1425, %dma_start3A_1426] : memref<3x8x!tpu.dma_semaphore, #tpu.memory_space<semaphore_mem>> -> memref<1x1x!tpu.dma_semaphore, #tpu.memory_space<semaphore_mem>>
    %dma_start3A_1436 = tpu.memref_squeeze %dma_start3A_1435 : memref<1x1x!tpu.dma_semaphore, #tpu.memory_space<semaphore_mem>> -> memref<!tpu.dma_semaphore, #tpu.memory_space<semaphore_mem>>
    %dma_start3A_1437 = arith.constant 0 : i32
    %dma_start3A_1438 = arith.constant 0 : i32
    %dma_start3A_1439 = tpu.memref_slice %arg6[%dma_start3A_1422, %dma_start3A_1423, %dma_start3A_1424, %dma_start3A_1437, %dma_start3A_1438] : memref<3x8x4x8x128xf32, #tpu.memory_space<vmem>> -> memref<1x1x1x8x128xf32, #tpu.memory_space<vmem>>
    %dma_start3A_1440 = tpu.memref_squeeze %dma_start3A_1439 : memref<1x1x1x8x128xf32, #tpu.memory_space<vmem>> -> memref<8x128xf32, #tpu.memory_space<vmem>>
    %dma_start3A_1441 = tpu.memref_reshape %arg3 : memref<32x1000000xf32, #tpu.memory_space<hbm>> -> memref<4x8x1000000xf32, #tpu.memory_space<hbm>>
    %dma_start3A_1442 = arith.constant 0 : i32
    %dma_start3A_1443 = tpu.memref_slice %dma_start3A_1441[%dma_start3A_1421, %dma_start3A_1442, %multiple_of3A_1348] : memref<4x8x1000000xf32, #tpu.memory_space<hbm>> -> memref<1x8x128xf32, #tpu.memory_space<hbm>>
    %dma_start3A_1444 = tpu.memref_squeeze %dma_start3A_1443 : memref<1x8x128xf32, #tpu.memory_space<hbm>> -> memref<8x128xf32, #tpu.memory_space<hbm>>
    tpu.enqueue_dma source(%dma_start3A_1444 : memref<8x128xf32, #tpu.memory_space<hbm>>) target(%dma_start3A_1440 : memref<8x128xf32, #tpu.memory_space<vmem>>) target_semaphore(%dma_start3A_1436 : memref<!tpu.dma_semaphore, #tpu.memory_space<semaphore_mem>>)
    %slice3A_1445 = vector.extract_strided_slice %get3A_826 {offsets = [6], sizes = [1], strides = [1]} : vector<16xi32> to vector<1xi32>
    %squeeze3A_1446 = vector.extract %slice3A_1445[0] : i32 from vector<1xi32>
    %shift_right_arithmetic3A_1447 = arith.constant 7 : i32
    %shift_right_arithmetic3A_1448 = arith.shrsi %squeeze3A_1446, %shift_right_arithmetic3A_1447 : i32
    %mul3A_1449 = arith.constant 128 : i32
    %mul3A_1450 = arith.muli %shift_right_arithmetic3A_1448, %mul3A_1449 : i32
    %multiple_of3A_1451 = tpu.assume_multiple %mul3A_1450, 128 : i32
    %dma_start3A_1452 = arith.constant 0 : i32
    %dma_start3A_1453 = arith.constant 1 : i32
    %dma_start3A_1454 = arith.constant 6 : i32
    %dma_start3A_1455 = arith.constant 0 : i32
    %dma_start3A_1456 = arith.constant 1 : i32
    %dma_start3A_1457 = arith.constant 6 : i32
    %dma_start3A_1458 = arith.constant 0 : i32
    %dma_start3A_1459 = arith.constant 0 : i32
    %dma_start3A_1460 = tpu.memref_slice %arg6[%dma_start3A_1453, %dma_start3A_1454, %dma_start3A_1455, %dma_start3A_1458, %dma_start3A_1459] : memref<3x8x4x8x128xf32, #tpu.memory_space<vmem>> -> memref<1x1x1x8x128xf32, #tpu.memory_space<vmem>>
    %dma_start3A_1461 = tpu.memref_squeeze %dma_start3A_1460 : memref<1x1x1x8x128xf32, #tpu.memory_space<vmem>> -> memref<8x128xf32, #tpu.memory_space<vmem>>
    %dma_start3A_1462 = tpu.memref_reshape %arg3 : memref<32x1000000xf32, #tpu.memory_space<hbm>> -> memref<4x8x1000000xf32, #tpu.memory_space<hbm>>
    %dma_start3A_1463 = arith.constant 0 : i32
    %dma_start3A_1464 = tpu.memref_slice %dma_start3A_1462[%dma_start3A_1452, %dma_start3A_1463, %multiple_of3A_1451] : memref<4x8x1000000xf32, #tpu.memory_space<hbm>> -> memref<1x8x128xf32, #tpu.memory_space<hbm>>
    %dma_start3A_1465 = tpu.memref_squeeze %dma_start3A_1464 : memref<1x8x128xf32, #tpu.memory_space<hbm>> -> memref<8x128xf32, #tpu.memory_space<hbm>>
    %dma_start3A_1466 = tpu.memref_slice %arg8[%dma_start3A_1456, %dma_start3A_1457] : memref<3x8x!tpu.dma_semaphore, #tpu.memory_space<semaphore_mem>> -> memref<1x1x!tpu.dma_semaphore, #tpu.memory_space<semaphore_mem>>
    %dma_start3A_1467 = tpu.memref_squeeze %dma_start3A_1466 : memref<1x1x!tpu.dma_semaphore, #tpu.memory_space<semaphore_mem>> -> memref<!tpu.dma_semaphore, #tpu.memory_space<semaphore_mem>>
    %dma_start3A_1468 = arith.constant 0 : i32
    %dma_start3A_1469 = arith.constant 0 : i32
    %dma_start3A_1470 = tpu.memref_slice %arg6[%dma_start3A_1453, %dma_start3A_1454, %dma_start3A_1455, %dma_start3A_1468, %dma_start3A_1469] : memref<3x8x4x8x128xf32, #tpu.memory_space<vmem>> -> memref<1x1x1x8x128xf32, #tpu.memory_space<vmem>>
    %dma_start3A_1471 = tpu.memref_squeeze %dma_start3A_1470 : memref<1x1x1x8x128xf32, #tpu.memory_space<vmem>> -> memref<8x128xf32, #tpu.memory_space<vmem>>
    %dma_start3A_1472 = tpu.memref_reshape %arg3 : memref<32x1000000xf32, #tpu.memory_space<hbm>> -> memref<4x8x1000000xf32, #tpu.memory_space<hbm>>
    %dma_start3A_1473 = arith.constant 0 : i32
    %dma_start3A_1474 = tpu.memref_slice %dma_start3A_1472[%dma_start3A_1452, %dma_start3A_1473, %multiple_of3A_1451] : memref<4x8x1000000xf32, #tpu.memory_space<hbm>> -> memref<1x8x128xf32, #tpu.memory_space<hbm>>
    %dma_start3A_1475 = tpu.memref_squeeze %dma_start3A_1474 : memref<1x8x128xf32, #tpu.memory_space<hbm>> -> memref<8x128xf32, #tpu.memory_space<hbm>>
    tpu.enqueue_dma source(%dma_start3A_1475 : memref<8x128xf32, #tpu.memory_space<hbm>>) target(%dma_start3A_1471 : memref<8x128xf32, #tpu.memory_space<vmem>>) target_semaphore(%dma_start3A_1467 : memref<!tpu.dma_semaphore, #tpu.memory_space<semaphore_mem>>)
    %dma_start3A_1476 = arith.constant 1 : i32
    %dma_start3A_1477 = arith.constant 1 : i32
    %dma_start3A_1478 = arith.constant 6 : i32
    %dma_start3A_1479 = arith.constant 1 : i32
    %dma_start3A_1480 = arith.constant 1 : i32
    %dma_start3A_1481 = arith.constant 6 : i32
    %dma_start3A_1482 = arith.constant 0 : i32
    %dma_start3A_1483 = arith.constant 0 : i32
    %dma_start3A_1484 = tpu.memref_slice %arg6[%dma_start3A_1477, %dma_start3A_1478, %dma_start3A_1479, %dma_start3A_1482, %dma_start3A_1483] : memref<3x8x4x8x128xf32, #tpu.memory_space<vmem>> -> memref<1x1x1x8x128xf32, #tpu.memory_space<vmem>>
    %dma_start3A_1485 = tpu.memref_squeeze %dma_start3A_1484 : memref<1x1x1x8x128xf32, #tpu.memory_space<vmem>> -> memref<8x128xf32, #tpu.memory_space<vmem>>
    %dma_start3A_1486 = tpu.memref_reshape %arg3 : memref<32x1000000xf32, #tpu.memory_space<hbm>> -> memref<4x8x1000000xf32, #tpu.memory_space<hbm>>
    %dma_start3A_1487 = arith.constant 0 : i32
    %dma_start3A_1488 = tpu.memref_slice %dma_start3A_1486[%dma_start3A_1476, %dma_start3A_1487, %multiple_of3A_1451] : memref<4x8x1000000xf32, #tpu.memory_space<hbm>> -> memref<1x8x128xf32, #tpu.memory_space<hbm>>
    %dma_start3A_1489 = tpu.memref_squeeze %dma_start3A_1488 : memref<1x8x128xf32, #tpu.memory_space<hbm>> -> memref<8x128xf32, #tpu.memory_space<hbm>>
    %dma_start3A_1490 = tpu.memref_slice %arg8[%dma_start3A_1480, %dma_start3A_1481] : memref<3x8x!tpu.dma_semaphore, #tpu.memory_space<semaphore_mem>> -> memref<1x1x!tpu.dma_semaphore, #tpu.memory_space<semaphore_mem>>
    %dma_start3A_1491 = tpu.memref_squeeze %dma_start3A_1490 : memref<1x1x!tpu.dma_semaphore, #tpu.memory_space<semaphore_mem>> -> memref<!tpu.dma_semaphore, #tpu.memory_space<semaphore_mem>>
    %dma_start3A_1492 = arith.constant 0 : i32
    %dma_start3A_1493 = arith.constant 0 : i32
    %dma_start3A_1494 = tpu.memref_slice %arg6[%dma_start3A_1477, %dma_start3A_1478, %dma_start3A_1479, %dma_start3A_1492, %dma_start3A_1493] : memref<3x8x4x8x128xf32, #tpu.memory_space<vmem>> -> memref<1x1x1x8x128xf32, #tpu.memory_space<vmem>>
    %dma_start3A_1495 = tpu.memref_squeeze %dma_start3A_1494 : memref<1x1x1x8x128xf32, #tpu.memory_space<vmem>> -> memref<8x128xf32, #tpu.memory_space<vmem>>
    %dma_start3A_1496 = tpu.memref_reshape %arg3 : memref<32x1000000xf32, #tpu.memory_space<hbm>> -> memref<4x8x1000000xf32, #tpu.memory_space<hbm>>
    %dma_start3A_1497 = arith.constant 0 : i32
    %dma_start3A_1498 = tpu.memref_slice %dma_start3A_1496[%dma_start3A_1476, %dma_start3A_1497, %multiple_of3A_1451] : memref<4x8x1000000xf32, #tpu.memory_space<hbm>> -> memref<1x8x128xf32, #tpu.memory_space<hbm>>
    %dma_start3A_1499 = tpu.memref_squeeze %dma_start3A_1498 : memref<1x8x128xf32, #tpu.memory_space<hbm>> -> memref<8x128xf32, #tpu.memory_space<hbm>>
    tpu.enqueue_dma source(%dma_start3A_1499 : memref<8x128xf32, #tpu.memory_space<hbm>>) target(%dma_start3A_1495 : memref<8x128xf32, #tpu.memory_space<vmem>>) target_semaphore(%dma_start3A_1491 : memref<!tpu.dma_semaphore, #tpu.memory_space<semaphore_mem>>)
    %dma_start3A_1500 = arith.constant 2 : i32
    %dma_start3A_1501 = arith.constant 1 : i32
    %dma_start3A_1502 = arith.constant 6 : i32
    %dma_start3A_1503 = arith.constant 2 : i32
    %dma_start3A_1504 = arith.constant 1 : i32
    %dma_start3A_1505 = arith.constant 6 : i32
    %dma_start3A_1506 = arith.constant 0 : i32
    %dma_start3A_1507 = arith.constant 0 : i32
    %dma_start3A_1508 = tpu.memref_slice %arg6[%dma_start3A_1501, %dma_start3A_1502, %dma_start3A_1503, %dma_start3A_1506, %dma_start3A_1507] : memref<3x8x4x8x128xf32, #tpu.memory_space<vmem>> -> memref<1x1x1x8x128xf32, #tpu.memory_space<vmem>>
    %dma_start3A_1509 = tpu.memref_squeeze %dma_start3A_1508 : memref<1x1x1x8x128xf32, #tpu.memory_space<vmem>> -> memref<8x128xf32, #tpu.memory_space<vmem>>
    %dma_start3A_1510 = tpu.memref_reshape %arg3 : memref<32x1000000xf32, #tpu.memory_space<hbm>> -> memref<4x8x1000000xf32, #tpu.memory_space<hbm>>
    %dma_start3A_1511 = arith.constant 0 : i32
    %dma_start3A_1512 = tpu.memref_slice %dma_start3A_1510[%dma_start3A_1500, %dma_start3A_1511, %multiple_of3A_1451] : memref<4x8x1000000xf32, #tpu.memory_space<hbm>> -> memref<1x8x128xf32, #tpu.memory_space<hbm>>
    %dma_start3A_1513 = tpu.memref_squeeze %dma_start3A_1512 : memref<1x8x128xf32, #tpu.memory_space<hbm>> -> memref<8x128xf32, #tpu.memory_space<hbm>>
    %dma_start3A_1514 = tpu.memref_slice %arg8[%dma_start3A_1504, %dma_start3A_1505] : memref<3x8x!tpu.dma_semaphore, #tpu.memory_space<semaphore_mem>> -> memref<1x1x!tpu.dma_semaphore, #tpu.memory_space<semaphore_mem>>
    %dma_start3A_1515 = tpu.memref_squeeze %dma_start3A_1514 : memref<1x1x!tpu.dma_semaphore, #tpu.memory_space<semaphore_mem>> -> memref<!tpu.dma_semaphore, #tpu.memory_space<semaphore_mem>>
    %dma_start3A_1516 = arith.constant 0 : i32
    %dma_start3A_1517 = arith.constant 0 : i32
    %dma_start3A_1518 = tpu.memref_slice %arg6[%dma_start3A_1501, %dma_start3A_1502, %dma_start3A_1503, %dma_start3A_1516, %dma_start3A_1517] : memref<3x8x4x8x128xf32, #tpu.memory_space<vmem>> -> memref<1x1x1x8x128xf32, #tpu.memory_space<vmem>>
    %dma_start3A_1519 = tpu.memref_squeeze %dma_start3A_1518 : memref<1x1x1x8x128xf32, #tpu.memory_space<vmem>> -> memref<8x128xf32, #tpu.memory_space<vmem>>
    %dma_start3A_1520 = tpu.memref_reshape %arg3 : memref<32x1000000xf32, #tpu.memory_space<hbm>> -> memref<4x8x1000000xf32, #tpu.memory_space<hbm>>
    %dma_start3A_1521 = arith.constant 0 : i32
    %dma_start3A_1522 = tpu.memref_slice %dma_start3A_1520[%dma_start3A_1500, %dma_start3A_1521, %multiple_of3A_1451] : memref<4x8x1000000xf32, #tpu.memory_space<hbm>> -> memref<1x8x128xf32, #tpu.memory_space<hbm>>
    %dma_start3A_1523 = tpu.memref_squeeze %dma_start3A_1522 : memref<1x8x128xf32, #tpu.memory_space<hbm>> -> memref<8x128xf32, #tpu.memory_space<hbm>>
    tpu.enqueue_dma source(%dma_start3A_1523 : memref<8x128xf32, #tpu.memory_space<hbm>>) target(%dma_start3A_1519 : memref<8x128xf32, #tpu.memory_space<vmem>>) target_semaphore(%dma_start3A_1515 : memref<!tpu.dma_semaphore, #tpu.memory_space<semaphore_mem>>)
    %dma_start3A_1524 = arith.constant 3 : i32
    %dma_start3A_1525 = arith.constant 1 : i32
    %dma_start3A_1526 = arith.constant 6 : i32
    %dma_start3A_1527 = arith.constant 3 : i32
    %dma_start3A_1528 = arith.constant 1 : i32
    %dma_start3A_1529 = arith.constant 6 : i32
    %dma_start3A_1530 = arith.constant 0 : i32
    %dma_start3A_1531 = arith.constant 0 : i32
    %dma_start3A_1532 = tpu.memref_slice %arg6[%dma_start3A_1525, %dma_start3A_1526, %dma_start3A_1527, %dma_start3A_1530, %dma_start3A_1531] : memref<3x8x4x8x128xf32, #tpu.memory_space<vmem>> -> memref<1x1x1x8x128xf32, #tpu.memory_space<vmem>>
    %dma_start3A_1533 = tpu.memref_squeeze %dma_start3A_1532 : memref<1x1x1x8x128xf32, #tpu.memory_space<vmem>> -> memref<8x128xf32, #tpu.memory_space<vmem>>
    %dma_start3A_1534 = tpu.memref_reshape %arg3 : memref<32x1000000xf32, #tpu.memory_space<hbm>> -> memref<4x8x1000000xf32, #tpu.memory_space<hbm>>
    %dma_start3A_1535 = arith.constant 0 : i32
    %dma_start3A_1536 = tpu.memref_slice %dma_start3A_1534[%dma_start3A_1524, %dma_start3A_1535, %multiple_of3A_1451] : memref<4x8x1000000xf32, #tpu.memory_space<hbm>> -> memref<1x8x128xf32, #tpu.memory_space<hbm>>
    %dma_start3A_1537 = tpu.memref_squeeze %dma_start3A_1536 : memref<1x8x128xf32, #tpu.memory_space<hbm>> -> memref<8x128xf32, #tpu.memory_space<hbm>>
    %dma_start3A_1538 = tpu.memref_slice %arg8[%dma_start3A_1528, %dma_start3A_1529] : memref<3x8x!tpu.dma_semaphore, #tpu.memory_space<semaphore_mem>> -> memref<1x1x!tpu.dma_semaphore, #tpu.memory_space<semaphore_mem>>
    %dma_start3A_1539 = tpu.memref_squeeze %dma_start3A_1538 : memref<1x1x!tpu.dma_semaphore, #tpu.memory_space<semaphore_mem>> -> memref<!tpu.dma_semaphore, #tpu.memory_space<semaphore_mem>>
    %dma_start3A_1540 = arith.constant 0 : i32
    %dma_start3A_1541 = arith.constant 0 : i32
    %dma_start3A_1542 = tpu.memref_slice %arg6[%dma_start3A_1525, %dma_start3A_1526, %dma_start3A_1527, %dma_start3A_1540, %dma_start3A_1541] : memref<3x8x4x8x128xf32, #tpu.memory_space<vmem>> -> memref<1x1x1x8x128xf32, #tpu.memory_space<vmem>>
    %dma_start3A_1543 = tpu.memref_squeeze %dma_start3A_1542 : memref<1x1x1x8x128xf32, #tpu.memory_space<vmem>> -> memref<8x128xf32, #tpu.memory_space<vmem>>
    %dma_start3A_1544 = tpu.memref_reshape %arg3 : memref<32x1000000xf32, #tpu.memory_space<hbm>> -> memref<4x8x1000000xf32, #tpu.memory_space<hbm>>
    %dma_start3A_1545 = arith.constant 0 : i32
    %dma_start3A_1546 = tpu.memref_slice %dma_start3A_1544[%dma_start3A_1524, %dma_start3A_1545, %multiple_of3A_1451] : memref<4x8x1000000xf32, #tpu.memory_space<hbm>> -> memref<1x8x128xf32, #tpu.memory_space<hbm>>
    %dma_start3A_1547 = tpu.memref_squeeze %dma_start3A_1546 : memref<1x8x128xf32, #tpu.memory_space<hbm>> -> memref<8x128xf32, #tpu.memory_space<hbm>>
    tpu.enqueue_dma source(%dma_start3A_1547 : memref<8x128xf32, #tpu.memory_space<hbm>>) target(%dma_start3A_1543 : memref<8x128xf32, #tpu.memory_space<vmem>>) target_semaphore(%dma_start3A_1539 : memref<!tpu.dma_semaphore, #tpu.memory_space<semaphore_mem>>)
    %slice3A_1548 = vector.extract_strided_slice %get3A_826 {offsets = [7], sizes = [1], strides = [1]} : vector<16xi32> to vector<1xi32>
    %squeeze3A_1549 = vector.extract %slice3A_1548[0] : i32 from vector<1xi32>
    %shift_right_arithmetic3A_1550 = arith.constant 7 : i32
    %shift_right_arithmetic3A_1551 = arith.shrsi %squeeze3A_1549, %shift_right_arithmetic3A_1550 : i32
    %mul3A_1552 = arith.constant 128 : i32
    %mul3A_1553 = arith.muli %shift_right_arithmetic3A_1551, %mul3A_1552 : i32
    %multiple_of3A_1554 = tpu.assume_multiple %mul3A_1553, 128 : i32
    %dma_start3A_1555 = arith.constant 0 : i32
    %dma_start3A_1556 = arith.constant 1 : i32
    %dma_start3A_1557 = arith.constant 7 : i32
    %dma_start3A_1558 = arith.constant 0 : i32
    %dma_start3A_1559 = arith.constant 1 : i32
    %dma_start3A_1560 = arith.constant 7 : i32
    %dma_start3A_1561 = arith.constant 0 : i32
    %dma_start3A_1562 = arith.constant 0 : i32
    %dma_start3A_1563 = tpu.memref_slice %arg6[%dma_start3A_1556, %dma_start3A_1557, %dma_start3A_1558, %dma_start3A_1561, %dma_start3A_1562] : memref<3x8x4x8x128xf32, #tpu.memory_space<vmem>> -> memref<1x1x1x8x128xf32, #tpu.memory_space<vmem>>
    %dma_start3A_1564 = tpu.memref_squeeze %dma_start3A_1563 : memref<1x1x1x8x128xf32, #tpu.memory_space<vmem>> -> memref<8x128xf32, #tpu.memory_space<vmem>>
    %dma_start3A_1565 = tpu.memref_reshape %arg3 : memref<32x1000000xf32, #tpu.memory_space<hbm>> -> memref<4x8x1000000xf32, #tpu.memory_space<hbm>>
    %dma_start3A_1566 = arith.constant 0 : i32
    %dma_start3A_1567 = tpu.memref_slice %dma_start3A_1565[%dma_start3A_1555, %dma_start3A_1566, %multiple_of3A_1554] : memref<4x8x1000000xf32, #tpu.memory_space<hbm>> -> memref<1x8x128xf32, #tpu.memory_space<hbm>>
    %dma_start3A_1568 = tpu.memref_squeeze %dma_start3A_1567 : memref<1x8x128xf32, #tpu.memory_space<hbm>> -> memref<8x128xf32, #tpu.memory_space<hbm>>
    %dma_start3A_1569 = tpu.memref_slice %arg8[%dma_start3A_1559, %dma_start3A_1560] : memref<3x8x!tpu.dma_semaphore, #tpu.memory_space<semaphore_mem>> -> memref<1x1x!tpu.dma_semaphore, #tpu.memory_space<semaphore_mem>>
    %dma_start3A_1570 = tpu.memref_squeeze %dma_start3A_1569 : memref<1x1x!tpu.dma_semaphore, #tpu.memory_space<semaphore_mem>> -> memref<!tpu.dma_semaphore, #tpu.memory_space<semaphore_mem>>
    %dma_start3A_1571 = arith.constant 0 : i32
    %dma_start3A_1572 = arith.constant 0 : i32
    %dma_start3A_1573 = tpu.memref_slice %arg6[%dma_start3A_1556, %dma_start3A_1557, %dma_start3A_1558, %dma_start3A_1571, %dma_start3A_1572] : memref<3x8x4x8x128xf32, #tpu.memory_space<vmem>> -> memref<1x1x1x8x128xf32, #tpu.memory_space<vmem>>
    %dma_start3A_1574 = tpu.memref_squeeze %dma_start3A_1573 : memref<1x1x1x8x128xf32, #tpu.memory_space<vmem>> -> memref<8x128xf32, #tpu.memory_space<vmem>>
    %dma_start3A_1575 = tpu.memref_reshape %arg3 : memref<32x1000000xf32, #tpu.memory_space<hbm>> -> memref<4x8x1000000xf32, #tpu.memory_space<hbm>>
    %dma_start3A_1576 = arith.constant 0 : i32
    %dma_start3A_1577 = tpu.memref_slice %dma_start3A_1575[%dma_start3A_1555, %dma_start3A_1576, %multiple_of3A_1554] : memref<4x8x1000000xf32, #tpu.memory_space<hbm>> -> memref<1x8x128xf32, #tpu.memory_space<hbm>>
    %dma_start3A_1578 = tpu.memref_squeeze %dma_start3A_1577 : memref<1x8x128xf32, #tpu.memory_space<hbm>> -> memref<8x128xf32, #tpu.memory_space<hbm>>
    tpu.enqueue_dma source(%dma_start3A_1578 : memref<8x128xf32, #tpu.memory_space<hbm>>) target(%dma_start3A_1574 : memref<8x128xf32, #tpu.memory_space<vmem>>) target_semaphore(%dma_start3A_1570 : memref<!tpu.dma_semaphore, #tpu.memory_space<semaphore_mem>>)
    %dma_start3A_1579 = arith.constant 1 : i32
    %dma_start3A_1580 = arith.constant 1 : i32
    %dma_start3A_1581 = arith.constant 7 : i32
    %dma_start3A_1582 = arith.constant 1 : i32
    %dma_start3A_1583 = arith.constant 1 : i32
    %dma_start3A_1584 = arith.constant 7 : i32
    %dma_start3A_1585 = arith.constant 0 : i32
    %dma_start3A_1586 = arith.constant 0 : i32
    %dma_start3A_1587 = tpu.memref_slice %arg6[%dma_start3A_1580, %dma_start3A_1581, %dma_start3A_1582, %dma_start3A_1585, %dma_start3A_1586] : memref<3x8x4x8x128xf32, #tpu.memory_space<vmem>> -> memref<1x1x1x8x128xf32, #tpu.memory_space<vmem>>
    %dma_start3A_1588 = tpu.memref_squeeze %dma_start3A_1587 : memref<1x1x1x8x128xf32, #tpu.memory_space<vmem>> -> memref<8x128xf32, #tpu.memory_space<vmem>>
    %dma_start3A_1589 = tpu.memref_reshape %arg3 : memref<32x1000000xf32, #tpu.memory_space<hbm>> -> memref<4x8x1000000xf32, #tpu.memory_space<hbm>>
    %dma_start3A_1590 = arith.constant 0 : i32
    %dma_start3A_1591 = tpu.memref_slice %dma_start3A_1589[%dma_start3A_1579, %dma_start3A_1590, %multiple_of3A_1554] : memref<4x8x1000000xf32, #tpu.memory_space<hbm>> -> memref<1x8x128xf32, #tpu.memory_space<hbm>>
    %dma_start3A_1592 = tpu.memref_squeeze %dma_start3A_1591 : memref<1x8x128xf32, #tpu.memory_space<hbm>> -> memref<8x128xf32, #tpu.memory_space<hbm>>
    %dma_start3A_1593 = tpu.memref_slice %arg8[%dma_start3A_1583, %dma_start3A_1584] : memref<3x8x!tpu.dma_semaphore, #tpu.memory_space<semaphore_mem>> -> memref<1x1x!tpu.dma_semaphore, #tpu.memory_space<semaphore_mem>>
    %dma_start3A_1594 = tpu.memref_squeeze %dma_start3A_1593 : memref<1x1x!tpu.dma_semaphore, #tpu.memory_space<semaphore_mem>> -> memref<!tpu.dma_semaphore, #tpu.memory_space<semaphore_mem>>
    %dma_start3A_1595 = arith.constant 0 : i32
    %dma_start3A_1596 = arith.constant 0 : i32
    %dma_start3A_1597 = tpu.memref_slice %arg6[%dma_start3A_1580, %dma_start3A_1581, %dma_start3A_1582, %dma_start3A_1595, %dma_start3A_1596] : memref<3x8x4x8x128xf32, #tpu.memory_space<vmem>> -> memref<1x1x1x8x128xf32, #tpu.memory_space<vmem>>
    %dma_start3A_1598 = tpu.memref_squeeze %dma_start3A_1597 : memref<1x1x1x8x128xf32, #tpu.memory_space<vmem>> -> memref<8x128xf32, #tpu.memory_space<vmem>>
    %dma_start3A_1599 = tpu.memref_reshape %arg3 : memref<32x1000000xf32, #tpu.memory_space<hbm>> -> memref<4x8x1000000xf32, #tpu.memory_space<hbm>>
    %dma_start3A_1600 = arith.constant 0 : i32
    %dma_start3A_1601 = tpu.memref_slice %dma_start3A_1599[%dma_start3A_1579, %dma_start3A_1600, %multiple_of3A_1554] : memref<4x8x1000000xf32, #tpu.memory_space<hbm>> -> memref<1x8x128xf32, #tpu.memory_space<hbm>>
    %dma_start3A_1602 = tpu.memref_squeeze %dma_start3A_1601 : memref<1x8x128xf32, #tpu.memory_space<hbm>> -> memref<8x128xf32, #tpu.memory_space<hbm>>
    tpu.enqueue_dma source(%dma_start3A_1602 : memref<8x128xf32, #tpu.memory_space<hbm>>) target(%dma_start3A_1598 : memref<8x128xf32, #tpu.memory_space<vmem>>) target_semaphore(%dma_start3A_1594 : memref<!tpu.dma_semaphore, #tpu.memory_space<semaphore_mem>>)
    %dma_start3A_1603 = arith.constant 2 : i32
    %dma_start3A_1604 = arith.constant 1 : i32
    %dma_start3A_1605 = arith.constant 7 : i32
    %dma_start3A_1606 = arith.constant 2 : i32
    %dma_start3A_1607 = arith.constant 1 : i32
    %dma_start3A_1608 = arith.constant 7 : i32
    %dma_start3A_1609 = arith.constant 0 : i32
    %dma_start3A_1610 = arith.constant 0 : i32
    %dma_start3A_1611 = tpu.memref_slice %arg6[%dma_start3A_1604, %dma_start3A_1605, %dma_start3A_1606, %dma_start3A_1609, %dma_start3A_1610] : memref<3x8x4x8x128xf32, #tpu.memory_space<vmem>> -> memref<1x1x1x8x128xf32, #tpu.memory_space<vmem>>
    %dma_start3A_1612 = tpu.memref_squeeze %dma_start3A_1611 : memref<1x1x1x8x128xf32, #tpu.memory_space<vmem>> -> memref<8x128xf32, #tpu.memory_space<vmem>>
    %dma_start3A_1613 = tpu.memref_reshape %arg3 : memref<32x1000000xf32, #tpu.memory_space<hbm>> -> memref<4x8x1000000xf32, #tpu.memory_space<hbm>>
    %dma_start3A_1614 = arith.constant 0 : i32
    %dma_start3A_1615 = tpu.memref_slice %dma_start3A_1613[%dma_start3A_1603, %dma_start3A_1614, %multiple_of3A_1554] : memref<4x8x1000000xf32, #tpu.memory_space<hbm>> -> memref<1x8x128xf32, #tpu.memory_space<hbm>>
    %dma_start3A_1616 = tpu.memref_squeeze %dma_start3A_1615 : memref<1x8x128xf32, #tpu.memory_space<hbm>> -> memref<8x128xf32, #tpu.memory_space<hbm>>
    %dma_start3A_1617 = tpu.memref_slice %arg8[%dma_start3A_1607, %dma_start3A_1608] : memref<3x8x!tpu.dma_semaphore, #tpu.memory_space<semaphore_mem>> -> memref<1x1x!tpu.dma_semaphore, #tpu.memory_space<semaphore_mem>>
    %dma_start3A_1618 = tpu.memref_squeeze %dma_start3A_1617 : memref<1x1x!tpu.dma_semaphore, #tpu.memory_space<semaphore_mem>> -> memref<!tpu.dma_semaphore, #tpu.memory_space<semaphore_mem>>
    %dma_start3A_1619 = arith.constant 0 : i32
    %dma_start3A_1620 = arith.constant 0 : i32
    %dma_start3A_1621 = tpu.memref_slice %arg6[%dma_start3A_1604, %dma_start3A_1605, %dma_start3A_1606, %dma_start3A_1619, %dma_start3A_1620] : memref<3x8x4x8x128xf32, #tpu.memory_space<vmem>> -> memref<1x1x1x8x128xf32, #tpu.memory_space<vmem>>
    %dma_start3A_1622 = tpu.memref_squeeze %dma_start3A_1621 : memref<1x1x1x8x128xf32, #tpu.memory_space<vmem>> -> memref<8x128xf32, #tpu.memory_space<vmem>>
    %dma_start3A_1623 = tpu.memref_reshape %arg3 : memref<32x1000000xf32, #tpu.memory_space<hbm>> -> memref<4x8x1000000xf32, #tpu.memory_space<hbm>>
    %dma_start3A_1624 = arith.constant 0 : i32
    %dma_start3A_1625 = tpu.memref_slice %dma_start3A_1623[%dma_start3A_1603, %dma_start3A_1624, %multiple_of3A_1554] : memref<4x8x1000000xf32, #tpu.memory_space<hbm>> -> memref<1x8x128xf32, #tpu.memory_space<hbm>>
    %dma_start3A_1626 = tpu.memref_squeeze %dma_start3A_1625 : memref<1x8x128xf32, #tpu.memory_space<hbm>> -> memref<8x128xf32, #tpu.memory_space<hbm>>
    tpu.enqueue_dma source(%dma_start3A_1626 : memref<8x128xf32, #tpu.memory_space<hbm>>) target(%dma_start3A_1622 : memref<8x128xf32, #tpu.memory_space<vmem>>) target_semaphore(%dma_start3A_1618 : memref<!tpu.dma_semaphore, #tpu.memory_space<semaphore_mem>>)
    %dma_start3A_1627 = arith.constant 3 : i32
    %dma_start3A_1628 = arith.constant 1 : i32
    %dma_start3A_1629 = arith.constant 7 : i32
    %dma_start3A_1630 = arith.constant 3 : i32
    %dma_start3A_1631 = arith.constant 1 : i32
    %dma_start3A_1632 = arith.constant 7 : i32
    %dma_start3A_1633 = arith.constant 0 : i32
    %dma_start3A_1634 = arith.constant 0 : i32
    %dma_start3A_1635 = tpu.memref_slice %arg6[%dma_start3A_1628, %dma_start3A_1629, %dma_start3A_1630, %dma_start3A_1633, %dma_start3A_1634] : memref<3x8x4x8x128xf32, #tpu.memory_space<vmem>> -> memref<1x1x1x8x128xf32, #tpu.memory_space<vmem>>
    %dma_start3A_1636 = tpu.memref_squeeze %dma_start3A_1635 : memref<1x1x1x8x128xf32, #tpu.memory_space<vmem>> -> memref<8x128xf32, #tpu.memory_space<vmem>>
    %dma_start3A_1637 = tpu.memref_reshape %arg3 : memref<32x1000000xf32, #tpu.memory_space<hbm>> -> memref<4x8x1000000xf32, #tpu.memory_space<hbm>>
    %dma_start3A_1638 = arith.constant 0 : i32
    %dma_start3A_1639 = tpu.memref_slice %dma_start3A_1637[%dma_start3A_1627, %dma_start3A_1638, %multiple_of3A_1554] : memref<4x8x1000000xf32, #tpu.memory_space<hbm>> -> memref<1x8x128xf32, #tpu.memory_space<hbm>>
    %dma_start3A_1640 = tpu.memref_squeeze %dma_start3A_1639 : memref<1x8x128xf32, #tpu.memory_space<hbm>> -> memref<8x128xf32, #tpu.memory_space<hbm>>
    %dma_start3A_1641 = tpu.memref_slice %arg8[%dma_start3A_1631, %dma_start3A_1632] : memref<3x8x!tpu.dma_semaphore, #tpu.memory_space<semaphore_mem>> -> memref<1x1x!tpu.dma_semaphore, #tpu.memory_space<semaphore_mem>>
    %dma_start3A_1642 = tpu.memref_squeeze %dma_start3A_1641 : memref<1x1x!tpu.dma_semaphore, #tpu.memory_space<semaphore_mem>> -> memref<!tpu.dma_semaphore, #tpu.memory_space<semaphore_mem>>
    %dma_start3A_1643 = arith.constant 0 : i32
    %dma_start3A_1644 = arith.constant 0 : i32
    %dma_start3A_1645 = tpu.memref_slice %arg6[%dma_start3A_1628, %dma_start3A_1629, %dma_start3A_1630, %dma_start3A_1643, %dma_start3A_1644] : memref<3x8x4x8x128xf32, #tpu.memory_space<vmem>> -> memref<1x1x1x8x128xf32, #tpu.memory_space<vmem>>
    %dma_start3A_1646 = tpu.memref_squeeze %dma_start3A_1645 : memref<1x1x1x8x128xf32, #tpu.memory_space<vmem>> -> memref<8x128xf32, #tpu.memory_space<vmem>>
    %dma_start3A_1647 = tpu.memref_reshape %arg3 : memref<32x1000000xf32, #tpu.memory_space<hbm>> -> memref<4x8x1000000xf32, #tpu.memory_space<hbm>>
    %dma_start3A_1648 = arith.constant 0 : i32
    %dma_start3A_1649 = tpu.memref_slice %dma_start3A_1647[%dma_start3A_1627, %dma_start3A_1648, %multiple_of3A_1554] : memref<4x8x1000000xf32, #tpu.memory_space<hbm>> -> memref<1x8x128xf32, #tpu.memory_space<hbm>>
    %dma_start3A_1650 = tpu.memref_squeeze %dma_start3A_1649 : memref<1x8x128xf32, #tpu.memory_space<hbm>> -> memref<8x128xf32, #tpu.memory_space<hbm>>
    tpu.enqueue_dma source(%dma_start3A_1650 : memref<8x128xf32, #tpu.memory_space<hbm>>) target(%dma_start3A_1646 : memref<8x128xf32, #tpu.memory_space<vmem>>) target_semaphore(%dma_start3A_1642 : memref<!tpu.dma_semaphore, #tpu.memory_space<semaphore_mem>>)
    %scan3A = arith.constant 0 : i32
    %scan3A_1651 = arith.constant 64 : i32
    %scan3A_1652 = arith.addi %scan3A, %scan3A_1651 : i32
    %scan3A_1653 = arith.constant 1 : i32
    %scan3A_1654:2 = scf.for %scan3A_1658 = %scan3A to %scan3A_1652 step %scan3A_1653 iter_args(%scan3A_1659 = %get3A_3, %scan3A_1660 = %get3A_826) -> (vector<16xi32>, vector<16xi32>)  : i32 {
      %rem3A = arith.constant 3 : i32
      %rem3A_1661 = arith.remsi %scan3A_1658, %rem3A : i32
      %add3A_1662 = arith.constant 2 : i32
      %add3A_1663 = arith.addi %scan3A_1658, %add3A_1662 : i32
      %mul3A_1664 = arith.constant 8 : i32
      %mul3A_1665 = arith.muli %add3A_1663, %mul3A_1664 : i32
      %shift_right_arithmetic3A_1666 = arith.constant 7 : i32
      %shift_right_arithmetic3A_1667 = arith.shrsi %mul3A_1665, %shift_right_arithmetic3A_1666 : i32
      %and3A = arith.constant 127 : i32
      %and3A_1668 = arith.andi %mul3A_1665, %and3A : i32
      %get3A_1669 = arith.index_cast %shift_right_arithmetic3A_1667 : i32 to index
      %get3A_1670 = arith.index_cast %and3A_1668 : i32 to index
      %get3A_1671 = tpu.vector_load %arg5[%get3A_1669, %get3A_1670] {strides = array<i32>} : memref<5x128xi32, #tpu.memory_space<vmem>>, vector<16xi32>,
      %add3A_1672 = arith.constant 2 : i32
      %add3A_1673 = arith.addi %scan3A_1658, %add3A_1672 : i32
      %lt3A = arith.constant 64 : i32
      %lt3A_1674 = arith.cmpi slt, %add3A_1673, %lt3A : i32
      %convert_element_type3A = arith.extui %lt3A_1674 : i1 to i32
      %cond3A = arith.constant 0 : i32
      %cond3A_1675 = arith.cmpi ne, %convert_element_type3A, %cond3A : i32
      scf.if %cond3A_1675 {
        %add3A_2201 = arith.constant 2 : i32
        %add3A_2202 = arith.addi %scan3A_1658, %add3A_2201 : i32
        %rem3A_2203 = arith.constant 3 : i32
        %rem3A_2204 = arith.remsi %add3A_2202, %rem3A_2203 : i32
        %slice3A_2205 = vector.extract_strided_slice %get3A_1671 {offsets = [0], sizes = [1], strides = [1]} : vector<16xi32> to vector<1xi32>
        %squeeze3A_2206 = vector.extract %slice3A_2205[0] : i32 from vector<1xi32>
        %shift_right_arithmetic3A_2207 = arith.constant 7 : i32
        %shift_right_arithmetic3A_2208 = arith.shrsi %squeeze3A_2206, %shift_right_arithmetic3A_2207 : i32
        %mul3A_2209 = arith.constant 128 : i32
        %mul3A_2210 = arith.muli %shift_right_arithmetic3A_2208, %mul3A_2209 : i32
        %multiple_of3A_2211 = tpu.assume_multiple %mul3A_2210, 128 : i32
        %dma_start3A_2212 = arith.constant 0 : i32
        %dma_start3A_2213 = arith.constant 0 : i32
        %dma_start3A_2214 = arith.constant 0 : i32
        %dma_start3A_2215 = arith.constant 0 : i32
        %dma_start3A_2216 = arith.constant 0 : i32
        %dma_start3A_2217 = arith.constant 0 : i32
        %dma_start3A_2218 = tpu.memref_slice %arg6[%rem3A_2204, %dma_start3A_2213, %dma_start3A_2214, %dma_start3A_2216, %dma_start3A_2217] : memref<3x8x4x8x128xf32, #tpu.memory_space<vmem>> -> memref<1x1x1x8x128xf32, #tpu.memory_space<vmem>>
        %dma_start3A_2219 = tpu.memref_squeeze %dma_start3A_2218 : memref<1x1x1x8x128xf32, #tpu.memory_space<vmem>> -> memref<8x128xf32, #tpu.memory_space<vmem>>
        %dma_start3A_2220 = tpu.memref_reshape %arg3 : memref<32x1000000xf32, #tpu.memory_space<hbm>> -> memref<4x8x1000000xf32, #tpu.memory_space<hbm>>
        %dma_start3A_2221 = arith.constant 0 : i32
        %dma_start3A_2222 = tpu.memref_slice %dma_start3A_2220[%dma_start3A_2212, %dma_start3A_2221, %multiple_of3A_2211] : memref<4x8x1000000xf32, #tpu.memory_space<hbm>> -> memref<1x8x128xf32, #tpu.memory_space<hbm>>
        %dma_start3A_2223 = tpu.memref_squeeze %dma_start3A_2222 : memref<1x8x128xf32, #tpu.memory_space<hbm>> -> memref<8x128xf32, #tpu.memory_space<hbm>>
        %dma_start3A_2224 = tpu.memref_slice %arg8[%rem3A_2204, %dma_start3A_2215] : memref<3x8x!tpu.dma_semaphore, #tpu.memory_space<semaphore_mem>> -> memref<1x1x!tpu.dma_semaphore, #tpu.memory_space<semaphore_mem>>
        %dma_start3A_2225 = tpu.memref_squeeze %dma_start3A_2224 : memref<1x1x!tpu.dma_semaphore, #tpu.memory_space<semaphore_mem>> -> memref<!tpu.dma_semaphore, #tpu.memory_space<semaphore_mem>>
        %dma_start3A_2226 = arith.constant 0 : i32
        %dma_start3A_2227 = arith.constant 0 : i32
        %dma_start3A_2228 = tpu.memref_slice %arg6[%rem3A_2204, %dma_start3A_2213, %dma_start3A_2214, %dma_start3A_2226, %dma_start3A_2227] : memref<3x8x4x8x128xf32, #tpu.memory_space<vmem>> -> memref<1x1x1x8x128xf32, #tpu.memory_space<vmem>>
        %dma_start3A_2229 = tpu.memref_squeeze %dma_start3A_2228 : memref<1x1x1x8x128xf32, #tpu.memory_space<vmem>> -> memref<8x128xf32, #tpu.memory_space<vmem>>
        %dma_start3A_2230 = tpu.memref_reshape %arg3 : memref<32x1000000xf32, #tpu.memory_space<hbm>> -> memref<4x8x1000000xf32, #tpu.memory_space<hbm>>
        %dma_start3A_2231 = arith.constant 0 : i32
        %dma_start3A_2232 = tpu.memref_slice %dma_start3A_2230[%dma_start3A_2212, %dma_start3A_2231, %multiple_of3A_2211] : memref<4x8x1000000xf32, #tpu.memory_space<hbm>> -> memref<1x8x128xf32, #tpu.memory_space<hbm>>
        %dma_start3A_2233 = tpu.memref_squeeze %dma_start3A_2232 : memref<1x8x128xf32, #tpu.memory_space<hbm>> -> memref<8x128xf32, #tpu.memory_space<hbm>>
        tpu.enqueue_dma source(%dma_start3A_2233 : memref<8x128xf32, #tpu.memory_space<hbm>>) target(%dma_start3A_2229 : memref<8x128xf32, #tpu.memory_space<vmem>>) target_semaphore(%dma_start3A_2225 : memref<!tpu.dma_semaphore, #tpu.memory_space<semaphore_mem>>)
        %dma_start3A_2234 = arith.constant 1 : i32
        %dma_start3A_2235 = arith.constant 0 : i32
        %dma_start3A_2236 = arith.constant 1 : i32
        %dma_start3A_2237 = arith.constant 0 : i32
        %dma_start3A_2238 = arith.constant 0 : i32
        %dma_start3A_2239 = arith.constant 0 : i32
        %dma_start3A_2240 = tpu.memref_slice %arg6[%rem3A_2204, %dma_start3A_2235, %dma_start3A_2236, %dma_start3A_2238, %dma_start3A_2239] : memref<3x8x4x8x128xf32, #tpu.memory_space<vmem>> -> memref<1x1x1x8x128xf32, #tpu.memory_space<vmem>>
        %dma_start3A_2241 = tpu.memref_squeeze %dma_start3A_2240 : memref<1x1x1x8x128xf32, #tpu.memory_space<vmem>> -> memref<8x128xf32, #tpu.memory_space<vmem>>
        %dma_start3A_2242 = tpu.memref_reshape %arg3 : memref<32x1000000xf32, #tpu.memory_space<hbm>> -> memref<4x8x1000000xf32, #tpu.memory_space<hbm>>
        %dma_start3A_2243 = arith.constant 0 : i32
        %dma_start3A_2244 = tpu.memref_slice %dma_start3A_2242[%dma_start3A_2234, %dma_start3A_2243, %multiple_of3A_2211] : memref<4x8x1000000xf32, #tpu.memory_space<hbm>> -> memref<1x8x128xf32, #tpu.memory_space<hbm>>
        %dma_start3A_2245 = tpu.memref_squeeze %dma_start3A_2244 : memref<1x8x128xf32, #tpu.memory_space<hbm>> -> memref<8x128xf32, #tpu.memory_space<hbm>>
        %dma_start3A_2246 = tpu.memref_slice %arg8[%rem3A_2204, %dma_start3A_2237] : memref<3x8x!tpu.dma_semaphore, #tpu.memory_space<semaphore_mem>> -> memref<1x1x!tpu.dma_semaphore, #tpu.memory_space<semaphore_mem>>
        %dma_start3A_2247 = tpu.memref_squeeze %dma_start3A_2246 : memref<1x1x!tpu.dma_semaphore, #tpu.memory_space<semaphore_mem>> -> memref<!tpu.dma_semaphore, #tpu.memory_space<semaphore_mem>>
        %dma_start3A_2248 = arith.constant 0 : i32
        %dma_start3A_2249 = arith.constant 0 : i32
        %dma_start3A_2250 = tpu.memref_slice %arg6[%rem3A_2204, %dma_start3A_2235, %dma_start3A_2236, %dma_start3A_2248, %dma_start3A_2249] : memref<3x8x4x8x128xf32, #tpu.memory_space<vmem>> -> memref<1x1x1x8x128xf32, #tpu.memory_space<vmem>>
        %dma_start3A_2251 = tpu.memref_squeeze %dma_start3A_2250 : memref<1x1x1x8x128xf32, #tpu.memory_space<vmem>> -> memref<8x128xf32, #tpu.memory_space<vmem>>
        %dma_start3A_2252 = tpu.memref_reshape %arg3 : memref<32x1000000xf32, #tpu.memory_space<hbm>> -> memref<4x8x1000000xf32, #tpu.memory_space<hbm>>
        %dma_start3A_2253 = arith.constant 0 : i32
        %dma_start3A_2254 = tpu.memref_slice %dma_start3A_2252[%dma_start3A_2234, %dma_start3A_2253, %multiple_of3A_2211] : memref<4x8x1000000xf32, #tpu.memory_space<hbm>> -> memref<1x8x128xf32, #tpu.memory_space<hbm>>
        %dma_start3A_2255 = tpu.memref_squeeze %dma_start3A_2254 : memref<1x8x128xf32, #tpu.memory_space<hbm>> -> memref<8x128xf32, #tpu.memory_space<hbm>>
        tpu.enqueue_dma source(%dma_start3A_2255 : memref<8x128xf32, #tpu.memory_space<hbm>>) target(%dma_start3A_2251 : memref<8x128xf32, #tpu.memory_space<vmem>>) target_semaphore(%dma_start3A_2247 : memref<!tpu.dma_semaphore, #tpu.memory_space<semaphore_mem>>)
        %dma_start3A_2256 = arith.constant 2 : i32
        %dma_start3A_2257 = arith.constant 0 : i32
        %dma_start3A_2258 = arith.constant 2 : i32
        %dma_start3A_2259 = arith.constant 0 : i32
        %dma_start3A_2260 = arith.constant 0 : i32
        %dma_start3A_2261 = arith.constant 0 : i32
        %dma_start3A_2262 = tpu.memref_slice %arg6[%rem3A_2204, %dma_start3A_2257, %dma_start3A_2258, %dma_start3A_2260, %dma_start3A_2261] : memref<3x8x4x8x128xf32, #tpu.memory_space<vmem>> -> memref<1x1x1x8x128xf32, #tpu.memory_space<vmem>>
        %dma_start3A_2263 = tpu.memref_squeeze %dma_start3A_2262 : memref<1x1x1x8x128xf32, #tpu.memory_space<vmem>> -> memref<8x128xf32, #tpu.memory_space<vmem>>
        %dma_start3A_2264 = tpu.memref_reshape %arg3 : memref<32x1000000xf32, #tpu.memory_space<hbm>> -> memref<4x8x1000000xf32, #tpu.memory_space<hbm>>
        %dma_start3A_2265 = arith.constant 0 : i32
        %dma_start3A_2266 = tpu.memref_slice %dma_start3A_2264[%dma_start3A_2256, %dma_start3A_2265, %multiple_of3A_2211] : memref<4x8x1000000xf32, #tpu.memory_space<hbm>> -> memref<1x8x128xf32, #tpu.memory_space<hbm>>
        %dma_start3A_2267 = tpu.memref_squeeze %dma_start3A_2266 : memref<1x8x128xf32, #tpu.memory_space<hbm>> -> memref<8x128xf32, #tpu.memory_space<hbm>>
        %dma_start3A_2268 = tpu.memref_slice %arg8[%rem3A_2204, %dma_start3A_2259] : memref<3x8x!tpu.dma_semaphore, #tpu.memory_space<semaphore_mem>> -> memref<1x1x!tpu.dma_semaphore, #tpu.memory_space<semaphore_mem>>
        %dma_start3A_2269 = tpu.memref_squeeze %dma_start3A_2268 : memref<1x1x!tpu.dma_semaphore, #tpu.memory_space<semaphore_mem>> -> memref<!tpu.dma_semaphore, #tpu.memory_space<semaphore_mem>>
        %dma_start3A_2270 = arith.constant 0 : i32
        %dma_start3A_2271 = arith.constant 0 : i32
        %dma_start3A_2272 = tpu.memref_slice %arg6[%rem3A_2204, %dma_start3A_2257, %dma_start3A_2258, %dma_start3A_2270, %dma_start3A_2271] : memref<3x8x4x8x128xf32, #tpu.memory_space<vmem>> -> memref<1x1x1x8x128xf32, #tpu.memory_space<vmem>>
        %dma_start3A_2273 = tpu.memref_squeeze %dma_start3A_2272 : memref<1x1x1x8x128xf32, #tpu.memory_space<vmem>> -> memref<8x128xf32, #tpu.memory_space<vmem>>
        %dma_start3A_2274 = tpu.memref_reshape %arg3 : memref<32x1000000xf32, #tpu.memory_space<hbm>> -> memref<4x8x1000000xf32, #tpu.memory_space<hbm>>
        %dma_start3A_2275 = arith.constant 0 : i32
        %dma_start3A_2276 = tpu.memref_slice %dma_start3A_2274[%dma_start3A_2256, %dma_start3A_2275, %multiple_of3A_2211] : memref<4x8x1000000xf32, #tpu.memory_space<hbm>> -> memref<1x8x128xf32, #tpu.memory_space<hbm>>
        %dma_start3A_2277 = tpu.memref_squeeze %dma_start3A_2276 : memref<1x8x128xf32, #tpu.memory_space<hbm>> -> memref<8x128xf32, #tpu.memory_space<hbm>>
        tpu.enqueue_dma source(%dma_start3A_2277 : memref<8x128xf32, #tpu.memory_space<hbm>>) target(%dma_start3A_2273 : memref<8x128xf32, #tpu.memory_space<vmem>>) target_semaphore(%dma_start3A_2269 : memref<!tpu.dma_semaphore, #tpu.memory_space<semaphore_mem>>)
        %dma_start3A_2278 = arith.constant 3 : i32
        %dma_start3A_2279 = arith.constant 0 : i32
        %dma_start3A_2280 = arith.constant 3 : i32
        %dma_start3A_2281 = arith.constant 0 : i32
        %dma_start3A_2282 = arith.constant 0 : i32
        %dma_start3A_2283 = arith.constant 0 : i32
        %dma_start3A_2284 = tpu.memref_slice %arg6[%rem3A_2204, %dma_start3A_2279, %dma_start3A_2280, %dma_start3A_2282, %dma_start3A_2283] : memref<3x8x4x8x128xf32, #tpu.memory_space<vmem>> -> memref<1x1x1x8x128xf32, #tpu.memory_space<vmem>>
        %dma_start3A_2285 = tpu.memref_squeeze %dma_start3A_2284 : memref<1x1x1x8x128xf32, #tpu.memory_space<vmem>> -> memref<8x128xf32, #tpu.memory_space<vmem>>
        %dma_start3A_2286 = tpu.memref_reshape %arg3 : memref<32x1000000xf32, #tpu.memory_space<hbm>> -> memref<4x8x1000000xf32, #tpu.memory_space<hbm>>
        %dma_start3A_2287 = arith.constant 0 : i32
        %dma_start3A_2288 = tpu.memref_slice %dma_start3A_2286[%dma_start3A_2278, %dma_start3A_2287, %multiple_of3A_2211] : memref<4x8x1000000xf32, #tpu.memory_space<hbm>> -> memref<1x8x128xf32, #tpu.memory_space<hbm>>
        %dma_start3A_2289 = tpu.memref_squeeze %dma_start3A_2288 : memref<1x8x128xf32, #tpu.memory_space<hbm>> -> memref<8x128xf32, #tpu.memory_space<hbm>>
        %dma_start3A_2290 = tpu.memref_slice %arg8[%rem3A_2204, %dma_start3A_2281] : memref<3x8x!tpu.dma_semaphore, #tpu.memory_space<semaphore_mem>> -> memref<1x1x!tpu.dma_semaphore, #tpu.memory_space<semaphore_mem>>
        %dma_start3A_2291 = tpu.memref_squeeze %dma_start3A_2290 : memref<1x1x!tpu.dma_semaphore, #tpu.memory_space<semaphore_mem>> -> memref<!tpu.dma_semaphore, #tpu.memory_space<semaphore_mem>>
        %dma_start3A_2292 = arith.constant 0 : i32
        %dma_start3A_2293 = arith.constant 0 : i32
        %dma_start3A_2294 = tpu.memref_slice %arg6[%rem3A_2204, %dma_start3A_2279, %dma_start3A_2280, %dma_start3A_2292, %dma_start3A_2293] : memref<3x8x4x8x128xf32, #tpu.memory_space<vmem>> -> memref<1x1x1x8x128xf32, #tpu.memory_space<vmem>>
        %dma_start3A_2295 = tpu.memref_squeeze %dma_start3A_2294 : memref<1x1x1x8x128xf32, #tpu.memory_space<vmem>> -> memref<8x128xf32, #tpu.memory_space<vmem>>
        %dma_start3A_2296 = tpu.memref_reshape %arg3 : memref<32x1000000xf32, #tpu.memory_space<hbm>> -> memref<4x8x1000000xf32, #tpu.memory_space<hbm>>
        %dma_start3A_2297 = arith.constant 0 : i32
        %dma_start3A_2298 = tpu.memref_slice %dma_start3A_2296[%dma_start3A_2278, %dma_start3A_2297, %multiple_of3A_2211] : memref<4x8x1000000xf32, #tpu.memory_space<hbm>> -> memref<1x8x128xf32, #tpu.memory_space<hbm>>
        %dma_start3A_2299 = tpu.memref_squeeze %dma_start3A_2298 : memref<1x8x128xf32, #tpu.memory_space<hbm>> -> memref<8x128xf32, #tpu.memory_space<hbm>>
        tpu.enqueue_dma source(%dma_start3A_2299 : memref<8x128xf32, #tpu.memory_space<hbm>>) target(%dma_start3A_2295 : memref<8x128xf32, #tpu.memory_space<vmem>>) target_semaphore(%dma_start3A_2291 : memref<!tpu.dma_semaphore, #tpu.memory_space<semaphore_mem>>)
        %slice3A_2300 = vector.extract_strided_slice %get3A_1671 {offsets = [1], sizes = [1], strides = [1]} : vector<16xi32> to vector<1xi32>
        %squeeze3A_2301 = vector.extract %slice3A_2300[0] : i32 from vector<1xi32>
        %shift_right_arithmetic3A_2302 = arith.constant 7 : i32
        %shift_right_arithmetic3A_2303 = arith.shrsi %squeeze3A_2301, %shift_right_arithmetic3A_2302 : i32
        %mul3A_2304 = arith.constant 128 : i32
        %mul3A_2305 = arith.muli %shift_right_arithmetic3A_2303, %mul3A_2304 : i32
        %multiple_of3A_2306 = tpu.assume_multiple %mul3A_2305, 128 : i32
        %dma_start3A_2307 = arith.constant 0 : i32
        %dma_start3A_2308 = arith.constant 1 : i32
        %dma_start3A_2309 = arith.constant 0 : i32
        %dma_start3A_2310 = arith.constant 1 : i32
        %dma_start3A_2311 = arith.constant 0 : i32
        %dma_start3A_2312 = arith.constant 0 : i32
        %dma_start3A_2313 = tpu.memref_slice %arg6[%rem3A_2204, %dma_start3A_2308, %dma_start3A_2309, %dma_start3A_2311, %dma_start3A_2312] : memref<3x8x4x8x128xf32, #tpu.memory_space<vmem>> -> memref<1x1x1x8x128xf32, #tpu.memory_space<vmem>>
        %dma_start3A_2314 = tpu.memref_squeeze %dma_start3A_2313 : memref<1x1x1x8x128xf32, #tpu.memory_space<vmem>> -> memref<8x128xf32, #tpu.memory_space<vmem>>
        %dma_start3A_2315 = tpu.memref_reshape %arg3 : memref<32x1000000xf32, #tpu.memory_space<hbm>> -> memref<4x8x1000000xf32, #tpu.memory_space<hbm>>
        %dma_start3A_2316 = arith.constant 0 : i32
        %dma_start3A_2317 = tpu.memref_slice %dma_start3A_2315[%dma_start3A_2307, %dma_start3A_2316, %multiple_of3A_2306] : memref<4x8x1000000xf32, #tpu.memory_space<hbm>> -> memref<1x8x128xf32, #tpu.memory_space<hbm>>
        %dma_start3A_2318 = tpu.memref_squeeze %dma_start3A_2317 : memref<1x8x128xf32, #tpu.memory_space<hbm>> -> memref<8x128xf32, #tpu.memory_space<hbm>>
        %dma_start3A_2319 = tpu.memref_slice %arg8[%rem3A_2204, %dma_start3A_2310] : memref<3x8x!tpu.dma_semaphore, #tpu.memory_space<semaphore_mem>> -> memref<1x1x!tpu.dma_semaphore, #tpu.memory_space<semaphore_mem>>
        %dma_start3A_2320 = tpu.memref_squeeze %dma_start3A_2319 : memref<1x1x!tpu.dma_semaphore, #tpu.memory_space<semaphore_mem>> -> memref<!tpu.dma_semaphore, #tpu.memory_space<semaphore_mem>>
        %dma_start3A_2321 = arith.constant 0 : i32
        %dma_start3A_2322 = arith.constant 0 : i32
        %dma_start3A_2323 = tpu.memref_slice %arg6[%rem3A_2204, %dma_start3A_2308, %dma_start3A_2309, %dma_start3A_2321, %dma_start3A_2322] : memref<3x8x4x8x128xf32, #tpu.memory_space<vmem>> -> memref<1x1x1x8x128xf32, #tpu.memory_space<vmem>>
        %dma_start3A_2324 = tpu.memref_squeeze %dma_start3A_2323 : memref<1x1x1x8x128xf32, #tpu.memory_space<vmem>> -> memref<8x128xf32, #tpu.memory_space<vmem>>
        %dma_start3A_2325 = tpu.memref_reshape %arg3 : memref<32x1000000xf32, #tpu.memory_space<hbm>> -> memref<4x8x1000000xf32, #tpu.memory_space<hbm>>
        %dma_start3A_2326 = arith.constant 0 : i32
        %dma_start3A_2327 = tpu.memref_slice %dma_start3A_2325[%dma_start3A_2307, %dma_start3A_2326, %multiple_of3A_2306] : memref<4x8x1000000xf32, #tpu.memory_space<hbm>> -> memref<1x8x128xf32, #tpu.memory_space<hbm>>
        %dma_start3A_2328 = tpu.memref_squeeze %dma_start3A_2327 : memref<1x8x128xf32, #tpu.memory_space<hbm>> -> memref<8x128xf32, #tpu.memory_space<hbm>>
        tpu.enqueue_dma source(%dma_start3A_2328 : memref<8x128xf32, #tpu.memory_space<hbm>>) target(%dma_start3A_2324 : memref<8x128xf32, #tpu.memory_space<vmem>>) target_semaphore(%dma_start3A_2320 : memref<!tpu.dma_semaphore, #tpu.memory_space<semaphore_mem>>)
        %dma_start3A_2329 = arith.constant 1 : i32
        %dma_start3A_2330 = arith.constant 1 : i32
        %dma_start3A_2331 = arith.constant 1 : i32
        %dma_start3A_2332 = arith.constant 1 : i32
        %dma_start3A_2333 = arith.constant 0 : i32
        %dma_start3A_2334 = arith.constant 0 : i32
        %dma_start3A_2335 = tpu.memref_slice %arg6[%rem3A_2204, %dma_start3A_2330, %dma_start3A_2331, %dma_start3A_2333, %dma_start3A_2334] : memref<3x8x4x8x128xf32, #tpu.memory_space<vmem>> -> memref<1x1x1x8x128xf32, #tpu.memory_space<vmem>>
        %dma_start3A_2336 = tpu.memref_squeeze %dma_start3A_2335 : memref<1x1x1x8x128xf32, #tpu.memory_space<vmem>> -> memref<8x128xf32, #tpu.memory_space<vmem>>
        %dma_start3A_2337 = tpu.memref_reshape %arg3 : memref<32x1000000xf32, #tpu.memory_space<hbm>> -> memref<4x8x1000000xf32, #tpu.memory_space<hbm>>
        %dma_start3A_2338 = arith.constant 0 : i32
        %dma_start3A_2339 = tpu.memref_slice %dma_start3A_2337[%dma_start3A_2329, %dma_start3A_2338, %multiple_of3A_2306] : memref<4x8x1000000xf32, #tpu.memory_space<hbm>> -> memref<1x8x128xf32, #tpu.memory_space<hbm>>
        %dma_start3A_2340 = tpu.memref_squeeze %dma_start3A_2339 : memref<1x8x128xf32, #tpu.memory_space<hbm>> -> memref<8x128xf32, #tpu.memory_space<hbm>>
        %dma_start3A_2341 = tpu.memref_slice %arg8[%rem3A_2204, %dma_start3A_2332] : memref<3x8x!tpu.dma_semaphore, #tpu.memory_space<semaphore_mem>> -> memref<1x1x!tpu.dma_semaphore, #tpu.memory_space<semaphore_mem>>
        %dma_start3A_2342 = tpu.memref_squeeze %dma_start3A_2341 : memref<1x1x!tpu.dma_semaphore, #tpu.memory_space<semaphore_mem>> -> memref<!tpu.dma_semaphore, #tpu.memory_space<semaphore_mem>>
        %dma_start3A_2343 = arith.constant 0 : i32
        %dma_start3A_2344 = arith.constant 0 : i32
        %dma_start3A_2345 = tpu.memref_slice %arg6[%rem3A_2204, %dma_start3A_2330, %dma_start3A_2331, %dma_start3A_2343, %dma_start3A_2344] : memref<3x8x4x8x128xf32, #tpu.memory_space<vmem>> -> memref<1x1x1x8x128xf32, #tpu.memory_space<vmem>>
        %dma_start3A_2346 = tpu.memref_squeeze %dma_start3A_2345 : memref<1x1x1x8x128xf32, #tpu.memory_space<vmem>> -> memref<8x128xf32, #tpu.memory_space<vmem>>
        %dma_start3A_2347 = tpu.memref_reshape %arg3 : memref<32x1000000xf32, #tpu.memory_space<hbm>> -> memref<4x8x1000000xf32, #tpu.memory_space<hbm>>
        %dma_start3A_2348 = arith.constant 0 : i32
        %dma_start3A_2349 = tpu.memref_slice %dma_start3A_2347[%dma_start3A_2329, %dma_start3A_2348, %multiple_of3A_2306] : memref<4x8x1000000xf32, #tpu.memory_space<hbm>> -> memref<1x8x128xf32, #tpu.memory_space<hbm>>
        %dma_start3A_2350 = tpu.memref_squeeze %dma_start3A_2349 : memref<1x8x128xf32, #tpu.memory_space<hbm>> -> memref<8x128xf32, #tpu.memory_space<hbm>>
        tpu.enqueue_dma source(%dma_start3A_2350 : memref<8x128xf32, #tpu.memory_space<hbm>>) target(%dma_start3A_2346 : memref<8x128xf32, #tpu.memory_space<vmem>>) target_semaphore(%dma_start3A_2342 : memref<!tpu.dma_semaphore, #tpu.memory_space<semaphore_mem>>)
        %dma_start3A_2351 = arith.constant 2 : i32
        %dma_start3A_2352 = arith.constant 1 : i32
        %dma_start3A_2353 = arith.constant 2 : i32
        %dma_start3A_2354 = arith.constant 1 : i32
        %dma_start3A_2355 = arith.constant 0 : i32
        %dma_start3A_2356 = arith.constant 0 : i32
        %dma_start3A_2357 = tpu.memref_slice %arg6[%rem3A_2204, %dma_start3A_2352, %dma_start3A_2353, %dma_start3A_2355, %dma_start3A_2356] : memref<3x8x4x8x128xf32, #tpu.memory_space<vmem>> -> memref<1x1x1x8x128xf32, #tpu.memory_space<vmem>>
        %dma_start3A_2358 = tpu.memref_squeeze %dma_start3A_2357 : memref<1x1x1x8x128xf32, #tpu.memory_space<vmem>> -> memref<8x128xf32, #tpu.memory_space<vmem>>
        %dma_start3A_2359 = tpu.memref_reshape %arg3 : memref<32x1000000xf32, #tpu.memory_space<hbm>> -> memref<4x8x1000000xf32, #tpu.memory_space<hbm>>
        %dma_start3A_2360 = arith.constant 0 : i32
        %dma_start3A_2361 = tpu.memref_slice %dma_start3A_2359[%dma_start3A_2351, %dma_start3A_2360, %multiple_of3A_2306] : memref<4x8x1000000xf32, #tpu.memory_space<hbm>> -> memref<1x8x128xf32, #tpu.memory_space<hbm>>
        %dma_start3A_2362 = tpu.memref_squeeze %dma_start3A_2361 : memref<1x8x128xf32, #tpu.memory_space<hbm>> -> memref<8x128xf32, #tpu.memory_space<hbm>>
        %dma_start3A_2363 = tpu.memref_slice %arg8[%rem3A_2204, %dma_start3A_2354] : memref<3x8x!tpu.dma_semaphore, #tpu.memory_space<semaphore_mem>> -> memref<1x1x!tpu.dma_semaphore, #tpu.memory_space<semaphore_mem>>
        %dma_start3A_2364 = tpu.memref_squeeze %dma_start3A_2363 : memref<1x1x!tpu.dma_semaphore, #tpu.memory_space<semaphore_mem>> -> memref<!tpu.dma_semaphore, #tpu.memory_space<semaphore_mem>>
        %dma_start3A_2365 = arith.constant 0 : i32
        %dma_start3A_2366 = arith.constant 0 : i32
        %dma_start3A_2367 = tpu.memref_slice %arg6[%rem3A_2204, %dma_start3A_2352, %dma_start3A_2353, %dma_start3A_2365, %dma_start3A_2366] : memref<3x8x4x8x128xf32, #tpu.memory_space<vmem>> -> memref<1x1x1x8x128xf32, #tpu.memory_space<vmem>>
        %dma_start3A_2368 = tpu.memref_squeeze %dma_start3A_2367 : memref<1x1x1x8x128xf32, #tpu.memory_space<vmem>> -> memref<8x128xf32, #tpu.memory_space<vmem>>
        %dma_start3A_2369 = tpu.memref_reshape %arg3 : memref<32x1000000xf32, #tpu.memory_space<hbm>> -> memref<4x8x1000000xf32, #tpu.memory_space<hbm>>
        %dma_start3A_2370 = arith.constant 0 : i32
        %dma_start3A_2371 = tpu.memref_slice %dma_start3A_2369[%dma_start3A_2351, %dma_start3A_2370, %multiple_of3A_2306] : memref<4x8x1000000xf32, #tpu.memory_space<hbm>> -> memref<1x8x128xf32, #tpu.memory_space<hbm>>
        %dma_start3A_2372 = tpu.memref_squeeze %dma_start3A_2371 : memref<1x8x128xf32, #tpu.memory_space<hbm>> -> memref<8x128xf32, #tpu.memory_space<hbm>>
        tpu.enqueue_dma source(%dma_start3A_2372 : memref<8x128xf32, #tpu.memory_space<hbm>>) target(%dma_start3A_2368 : memref<8x128xf32, #tpu.memory_space<vmem>>) target_semaphore(%dma_start3A_2364 : memref<!tpu.dma_semaphore, #tpu.memory_space<semaphore_mem>>)
        %dma_start3A_2373 = arith.constant 3 : i32
        %dma_start3A_2374 = arith.constant 1 : i32
        %dma_start3A_2375 = arith.constant 3 : i32
        %dma_start3A_2376 = arith.constant 1 : i32
        %dma_start3A_2377 = arith.constant 0 : i32
        %dma_start3A_2378 = arith.constant 0 : i32
        %dma_start3A_2379 = tpu.memref_slice %arg6[%rem3A_2204, %dma_start3A_2374, %dma_start3A_2375, %dma_start3A_2377, %dma_start3A_2378] : memref<3x8x4x8x128xf32, #tpu.memory_space<vmem>> -> memref<1x1x1x8x128xf32, #tpu.memory_space<vmem>>
        %dma_start3A_2380 = tpu.memref_squeeze %dma_start3A_2379 : memref<1x1x1x8x128xf32, #tpu.memory_space<vmem>> -> memref<8x128xf32, #tpu.memory_space<vmem>>
        %dma_start3A_2381 = tpu.memref_reshape %arg3 : memref<32x1000000xf32, #tpu.memory_space<hbm>> -> memref<4x8x1000000xf32, #tpu.memory_space<hbm>>
        %dma_start3A_2382 = arith.constant 0 : i32
        %dma_start3A_2383 = tpu.memref_slice %dma_start3A_2381[%dma_start3A_2373, %dma_start3A_2382, %multiple_of3A_2306] : memref<4x8x1000000xf32, #tpu.memory_space<hbm>> -> memref<1x8x128xf32, #tpu.memory_space<hbm>>
        %dma_start3A_2384 = tpu.memref_squeeze %dma_start3A_2383 : memref<1x8x128xf32, #tpu.memory_space<hbm>> -> memref<8x128xf32, #tpu.memory_space<hbm>>
        %dma_start3A_2385 = tpu.memref_slice %arg8[%rem3A_2204, %dma_start3A_2376] : memref<3x8x!tpu.dma_semaphore, #tpu.memory_space<semaphore_mem>> -> memref<1x1x!tpu.dma_semaphore, #tpu.memory_space<semaphore_mem>>
        %dma_start3A_2386 = tpu.memref_squeeze %dma_start3A_2385 : memref<1x1x!tpu.dma_semaphore, #tpu.memory_space<semaphore_mem>> -> memref<!tpu.dma_semaphore, #tpu.memory_space<semaphore_mem>>
        %dma_start3A_2387 = arith.constant 0 : i32
        %dma_start3A_2388 = arith.constant 0 : i32
        %dma_start3A_2389 = tpu.memref_slice %arg6[%rem3A_2204, %dma_start3A_2374, %dma_start3A_2375, %dma_start3A_2387, %dma_start3A_2388] : memref<3x8x4x8x128xf32, #tpu.memory_space<vmem>> -> memref<1x1x1x8x128xf32, #tpu.memory_space<vmem>>
        %dma_start3A_2390 = tpu.memref_squeeze %dma_start3A_2389 : memref<1x1x1x8x128xf32, #tpu.memory_space<vmem>> -> memref<8x128xf32, #tpu.memory_space<vmem>>
        %dma_start3A_2391 = tpu.memref_reshape %arg3 : memref<32x1000000xf32, #tpu.memory_space<hbm>> -> memref<4x8x1000000xf32, #tpu.memory_space<hbm>>
        %dma_start3A_2392 = arith.constant 0 : i32
        %dma_start3A_2393 = tpu.memref_slice %dma_start3A_2391[%dma_start3A_2373, %dma_start3A_2392, %multiple_of3A_2306] : memref<4x8x1000000xf32, #tpu.memory_space<hbm>> -> memref<1x8x128xf32, #tpu.memory_space<hbm>>
        %dma_start3A_2394 = tpu.memref_squeeze %dma_start3A_2393 : memref<1x8x128xf32, #tpu.memory_space<hbm>> -> memref<8x128xf32, #tpu.memory_space<hbm>>
        tpu.enqueue_dma source(%dma_start3A_2394 : memref<8x128xf32, #tpu.memory_space<hbm>>) target(%dma_start3A_2390 : memref<8x128xf32, #tpu.memory_space<vmem>>) target_semaphore(%dma_start3A_2386 : memref<!tpu.dma_semaphore, #tpu.memory_space<semaphore_mem>>)
        %slice3A_2395 = vector.extract_strided_slice %get3A_1671 {offsets = [2], sizes = [1], strides = [1]} : vector<16xi32> to vector<1xi32>
        %squeeze3A_2396 = vector.extract %slice3A_2395[0] : i32 from vector<1xi32>
        %shift_right_arithmetic3A_2397 = arith.constant 7 : i32
        %shift_right_arithmetic3A_2398 = arith.shrsi %squeeze3A_2396, %shift_right_arithmetic3A_2397 : i32
        %mul3A_2399 = arith.constant 128 : i32
        %mul3A_2400 = arith.muli %shift_right_arithmetic3A_2398, %mul3A_2399 : i32
        %multiple_of3A_2401 = tpu.assume_multiple %mul3A_2400, 128 : i32
        %dma_start3A_2402 = arith.constant 0 : i32
        %dma_start3A_2403 = arith.constant 2 : i32
        %dma_start3A_2404 = arith.constant 0 : i32
        %dma_start3A_2405 = arith.constant 2 : i32
        %dma_start3A_2406 = arith.constant 0 : i32
        %dma_start3A_2407 = arith.constant 0 : i32
        %dma_start3A_2408 = tpu.memref_slice %arg6[%rem3A_2204, %dma_start3A_2403, %dma_start3A_2404, %dma_start3A_2406, %dma_start3A_2407] : memref<3x8x4x8x128xf32, #tpu.memory_space<vmem>> -> memref<1x1x1x8x128xf32, #tpu.memory_space<vmem>>
        %dma_start3A_2409 = tpu.memref_squeeze %dma_start3A_2408 : memref<1x1x1x8x128xf32, #tpu.memory_space<vmem>> -> memref<8x128xf32, #tpu.memory_space<vmem>>
        %dma_start3A_2410 = tpu.memref_reshape %arg3 : memref<32x1000000xf32, #tpu.memory_space<hbm>> -> memref<4x8x1000000xf32, #tpu.memory_space<hbm>>
        %dma_start3A_2411 = arith.constant 0 : i32
        %dma_start3A_2412 = tpu.memref_slice %dma_start3A_2410[%dma_start3A_2402, %dma_start3A_2411, %multiple_of3A_2401] : memref<4x8x1000000xf32, #tpu.memory_space<hbm>> -> memref<1x8x128xf32, #tpu.memory_space<hbm>>
        %dma_start3A_2413 = tpu.memref_squeeze %dma_start3A_2412 : memref<1x8x128xf32, #tpu.memory_space<hbm>> -> memref<8x128xf32, #tpu.memory_space<hbm>>
        %dma_start3A_2414 = tpu.memref_slice %arg8[%rem3A_2204, %dma_start3A_2405] : memref<3x8x!tpu.dma_semaphore, #tpu.memory_space<semaphore_mem>> -> memref<1x1x!tpu.dma_semaphore, #tpu.memory_space<semaphore_mem>>
        %dma_start3A_2415 = tpu.memref_squeeze %dma_start3A_2414 : memref<1x1x!tpu.dma_semaphore, #tpu.memory_space<semaphore_mem>> -> memref<!tpu.dma_semaphore, #tpu.memory_space<semaphore_mem>>
        %dma_start3A_2416 = arith.constant 0 : i32
        %dma_start3A_2417 = arith.constant 0 : i32
        %dma_start3A_2418 = tpu.memref_slice %arg6[%rem3A_2204, %dma_start3A_2403, %dma_start3A_2404, %dma_start3A_2416, %dma_start3A_2417] : memref<3x8x4x8x128xf32, #tpu.memory_space<vmem>> -> memref<1x1x1x8x128xf32, #tpu.memory_space<vmem>>
        %dma_start3A_2419 = tpu.memref_squeeze %dma_start3A_2418 : memref<1x1x1x8x128xf32, #tpu.memory_space<vmem>> -> memref<8x128xf32, #tpu.memory_space<vmem>>
        %dma_start3A_2420 = tpu.memref_reshape %arg3 : memref<32x1000000xf32, #tpu.memory_space<hbm>> -> memref<4x8x1000000xf32, #tpu.memory_space<hbm>>
        %dma_start3A_2421 = arith.constant 0 : i32
        %dma_start3A_2422 = tpu.memref_slice %dma_start3A_2420[%dma_start3A_2402, %dma_start3A_2421, %multiple_of3A_2401] : memref<4x8x1000000xf32, #tpu.memory_space<hbm>> -> memref<1x8x128xf32, #tpu.memory_space<hbm>>
        %dma_start3A_2423 = tpu.memref_squeeze %dma_start3A_2422 : memref<1x8x128xf32, #tpu.memory_space<hbm>> -> memref<8x128xf32, #tpu.memory_space<hbm>>
        tpu.enqueue_dma source(%dma_start3A_2423 : memref<8x128xf32, #tpu.memory_space<hbm>>) target(%dma_start3A_2419 : memref<8x128xf32, #tpu.memory_space<vmem>>) target_semaphore(%dma_start3A_2415 : memref<!tpu.dma_semaphore, #tpu.memory_space<semaphore_mem>>)
        %dma_start3A_2424 = arith.constant 1 : i32
        %dma_start3A_2425 = arith.constant 2 : i32
        %dma_start3A_2426 = arith.constant 1 : i32
        %dma_start3A_2427 = arith.constant 2 : i32
        %dma_start3A_2428 = arith.constant 0 : i32
        %dma_start3A_2429 = arith.constant 0 : i32
        %dma_start3A_2430 = tpu.memref_slice %arg6[%rem3A_2204, %dma_start3A_2425, %dma_start3A_2426, %dma_start3A_2428, %dma_start3A_2429] : memref<3x8x4x8x128xf32, #tpu.memory_space<vmem>> -> memref<1x1x1x8x128xf32, #tpu.memory_space<vmem>>
        %dma_start3A_2431 = tpu.memref_squeeze %dma_start3A_2430 : memref<1x1x1x8x128xf32, #tpu.memory_space<vmem>> -> memref<8x128xf32, #tpu.memory_space<vmem>>
        %dma_start3A_2432 = tpu.memref_reshape %arg3 : memref<32x1000000xf32, #tpu.memory_space<hbm>> -> memref<4x8x1000000xf32, #tpu.memory_space<hbm>>
        %dma_start3A_2433 = arith.constant 0 : i32
        %dma_start3A_2434 = tpu.memref_slice %dma_start3A_2432[%dma_start3A_2424, %dma_start3A_2433, %multiple_of3A_2401] : memref<4x8x1000000xf32, #tpu.memory_space<hbm>> -> memref<1x8x128xf32, #tpu.memory_space<hbm>>
        %dma_start3A_2435 = tpu.memref_squeeze %dma_start3A_2434 : memref<1x8x128xf32, #tpu.memory_space<hbm>> -> memref<8x128xf32, #tpu.memory_space<hbm>>
        %dma_start3A_2436 = tpu.memref_slice %arg8[%rem3A_2204, %dma_start3A_2427] : memref<3x8x!tpu.dma_semaphore, #tpu.memory_space<semaphore_mem>> -> memref<1x1x!tpu.dma_semaphore, #tpu.memory_space<semaphore_mem>>
        %dma_start3A_2437 = tpu.memref_squeeze %dma_start3A_2436 : memref<1x1x!tpu.dma_semaphore, #tpu.memory_space<semaphore_mem>> -> memref<!tpu.dma_semaphore, #tpu.memory_space<semaphore_mem>>
        %dma_start3A_2438 = arith.constant 0 : i32
        %dma_start3A_2439 = arith.constant 0 : i32
        %dma_start3A_2440 = tpu.memref_slice %arg6[%rem3A_2204, %dma_start3A_2425, %dma_start3A_2426, %dma_start3A_2438, %dma_start3A_2439] : memref<3x8x4x8x128xf32, #tpu.memory_space<vmem>> -> memref<1x1x1x8x128xf32, #tpu.memory_space<vmem>>
        %dma_start3A_2441 = tpu.memref_squeeze %dma_start3A_2440 : memref<1x1x1x8x128xf32, #tpu.memory_space<vmem>> -> memref<8x128xf32, #tpu.memory_space<vmem>>
        %dma_start3A_2442 = tpu.memref_reshape %arg3 : memref<32x1000000xf32, #tpu.memory_space<hbm>> -> memref<4x8x1000000xf32, #tpu.memory_space<hbm>>
        %dma_start3A_2443 = arith.constant 0 : i32
        %dma_start3A_2444 = tpu.memref_slice %dma_start3A_2442[%dma_start3A_2424, %dma_start3A_2443, %multiple_of3A_2401] : memref<4x8x1000000xf32, #tpu.memory_space<hbm>> -> memref<1x8x128xf32, #tpu.memory_space<hbm>>
        %dma_start3A_2445 = tpu.memref_squeeze %dma_start3A_2444 : memref<1x8x128xf32, #tpu.memory_space<hbm>> -> memref<8x128xf32, #tpu.memory_space<hbm>>
        tpu.enqueue_dma source(%dma_start3A_2445 : memref<8x128xf32, #tpu.memory_space<hbm>>) target(%dma_start3A_2441 : memref<8x128xf32, #tpu.memory_space<vmem>>) target_semaphore(%dma_start3A_2437 : memref<!tpu.dma_semaphore, #tpu.memory_space<semaphore_mem>>)
        %dma_start3A_2446 = arith.constant 2 : i32
        %dma_start3A_2447 = arith.constant 2 : i32
        %dma_start3A_2448 = arith.constant 2 : i32
        %dma_start3A_2449 = arith.constant 2 : i32
        %dma_start3A_2450 = arith.constant 0 : i32
        %dma_start3A_2451 = arith.constant 0 : i32
        %dma_start3A_2452 = tpu.memref_slice %arg6[%rem3A_2204, %dma_start3A_2447, %dma_start3A_2448, %dma_start3A_2450, %dma_start3A_2451] : memref<3x8x4x8x128xf32, #tpu.memory_space<vmem>> -> memref<1x1x1x8x128xf32, #tpu.memory_space<vmem>>
        %dma_start3A_2453 = tpu.memref_squeeze %dma_start3A_2452 : memref<1x1x1x8x128xf32, #tpu.memory_space<vmem>> -> memref<8x128xf32, #tpu.memory_space<vmem>>
        %dma_start3A_2454 = tpu.memref_reshape %arg3 : memref<32x1000000xf32, #tpu.memory_space<hbm>> -> memref<4x8x1000000xf32, #tpu.memory_space<hbm>>
        %dma_start3A_2455 = arith.constant 0 : i32
        %dma_start3A_2456 = tpu.memref_slice %dma_start3A_2454[%dma_start3A_2446, %dma_start3A_2455, %multiple_of3A_2401] : memref<4x8x1000000xf32, #tpu.memory_space<hbm>> -> memref<1x8x128xf32, #tpu.memory_space<hbm>>
        %dma_start3A_2457 = tpu.memref_squeeze %dma_start3A_2456 : memref<1x8x128xf32, #tpu.memory_space<hbm>> -> memref<8x128xf32, #tpu.memory_space<hbm>>
        %dma_start3A_2458 = tpu.memref_slice %arg8[%rem3A_2204, %dma_start3A_2449] : memref<3x8x!tpu.dma_semaphore, #tpu.memory_space<semaphore_mem>> -> memref<1x1x!tpu.dma_semaphore, #tpu.memory_space<semaphore_mem>>
        %dma_start3A_2459 = tpu.memref_squeeze %dma_start3A_2458 : memref<1x1x!tpu.dma_semaphore, #tpu.memory_space<semaphore_mem>> -> memref<!tpu.dma_semaphore, #tpu.memory_space<semaphore_mem>>
        %dma_start3A_2460 = arith.constant 0 : i32
        %dma_start3A_2461 = arith.constant 0 : i32
        %dma_start3A_2462 = tpu.memref_slice %arg6[%rem3A_2204, %dma_start3A_2447, %dma_start3A_2448, %dma_start3A_2460, %dma_start3A_2461] : memref<3x8x4x8x128xf32, #tpu.memory_space<vmem>> -> memref<1x1x1x8x128xf32, #tpu.memory_space<vmem>>
        %dma_start3A_2463 = tpu.memref_squeeze %dma_start3A_2462 : memref<1x1x1x8x128xf32, #tpu.memory_space<vmem>> -> memref<8x128xf32, #tpu.memory_space<vmem>>
        %dma_start3A_2464 = tpu.memref_reshape %arg3 : memref<32x1000000xf32, #tpu.memory_space<hbm>> -> memref<4x8x1000000xf32, #tpu.memory_space<hbm>>
        %dma_start3A_2465 = arith.constant 0 : i32
        %dma_start3A_2466 = tpu.memref_slice %dma_start3A_2464[%dma_start3A_2446, %dma_start3A_2465, %multiple_of3A_2401] : memref<4x8x1000000xf32, #tpu.memory_space<hbm>> -> memref<1x8x128xf32, #tpu.memory_space<hbm>>
        %dma_start3A_2467 = tpu.memref_squeeze %dma_start3A_2466 : memref<1x8x128xf32, #tpu.memory_space<hbm>> -> memref<8x128xf32, #tpu.memory_space<hbm>>
        tpu.enqueue_dma source(%dma_start3A_2467 : memref<8x128xf32, #tpu.memory_space<hbm>>) target(%dma_start3A_2463 : memref<8x128xf32, #tpu.memory_space<vmem>>) target_semaphore(%dma_start3A_2459 : memref<!tpu.dma_semaphore, #tpu.memory_space<semaphore_mem>>)
        %dma_start3A_2468 = arith.constant 3 : i32
        %dma_start3A_2469 = arith.constant 2 : i32
        %dma_start3A_2470 = arith.constant 3 : i32
        %dma_start3A_2471 = arith.constant 2 : i32
        %dma_start3A_2472 = arith.constant 0 : i32
        %dma_start3A_2473 = arith.constant 0 : i32
        %dma_start3A_2474 = tpu.memref_slice %arg6[%rem3A_2204, %dma_start3A_2469, %dma_start3A_2470, %dma_start3A_2472, %dma_start3A_2473] : memref<3x8x4x8x128xf32, #tpu.memory_space<vmem>> -> memref<1x1x1x8x128xf32, #tpu.memory_space<vmem>>
        %dma_start3A_2475 = tpu.memref_squeeze %dma_start3A_2474 : memref<1x1x1x8x128xf32, #tpu.memory_space<vmem>> -> memref<8x128xf32, #tpu.memory_space<vmem>>
        %dma_start3A_2476 = tpu.memref_reshape %arg3 : memref<32x1000000xf32, #tpu.memory_space<hbm>> -> memref<4x8x1000000xf32, #tpu.memory_space<hbm>>
        %dma_start3A_2477 = arith.constant 0 : i32
        %dma_start3A_2478 = tpu.memref_slice %dma_start3A_2476[%dma_start3A_2468, %dma_start3A_2477, %multiple_of3A_2401] : memref<4x8x1000000xf32, #tpu.memory_space<hbm>> -> memref<1x8x128xf32, #tpu.memory_space<hbm>>
        %dma_start3A_2479 = tpu.memref_squeeze %dma_start3A_2478 : memref<1x8x128xf32, #tpu.memory_space<hbm>> -> memref<8x128xf32, #tpu.memory_space<hbm>>
        %dma_start3A_2480 = tpu.memref_slice %arg8[%rem3A_2204, %dma_start3A_2471] : memref<3x8x!tpu.dma_semaphore, #tpu.memory_space<semaphore_mem>> -> memref<1x1x!tpu.dma_semaphore, #tpu.memory_space<semaphore_mem>>
        %dma_start3A_2481 = tpu.memref_squeeze %dma_start3A_2480 : memref<1x1x!tpu.dma_semaphore, #tpu.memory_space<semaphore_mem>> -> memref<!tpu.dma_semaphore, #tpu.memory_space<semaphore_mem>>
        %dma_start3A_2482 = arith.constant 0 : i32
        %dma_start3A_2483 = arith.constant 0 : i32
        %dma_start3A_2484 = tpu.memref_slice %arg6[%rem3A_2204, %dma_start3A_2469, %dma_start3A_2470, %dma_start3A_2482, %dma_start3A_2483] : memref<3x8x4x8x128xf32, #tpu.memory_space<vmem>> -> memref<1x1x1x8x128xf32, #tpu.memory_space<vmem>>
        %dma_start3A_2485 = tpu.memref_squeeze %dma_start3A_2484 : memref<1x1x1x8x128xf32, #tpu.memory_space<vmem>> -> memref<8x128xf32, #tpu.memory_space<vmem>>
        %dma_start3A_2486 = tpu.memref_reshape %arg3 : memref<32x1000000xf32, #tpu.memory_space<hbm>> -> memref<4x8x1000000xf32, #tpu.memory_space<hbm>>
        %dma_start3A_2487 = arith.constant 0 : i32
        %dma_start3A_2488 = tpu.memref_slice %dma_start3A_2486[%dma_start3A_2468, %dma_start3A_2487, %multiple_of3A_2401] : memref<4x8x1000000xf32, #tpu.memory_space<hbm>> -> memref<1x8x128xf32, #tpu.memory_space<hbm>>
        %dma_start3A_2489 = tpu.memref_squeeze %dma_start3A_2488 : memref<1x8x128xf32, #tpu.memory_space<hbm>> -> memref<8x128xf32, #tpu.memory_space<hbm>>
        tpu.enqueue_dma source(%dma_start3A_2489 : memref<8x128xf32, #tpu.memory_space<hbm>>) target(%dma_start3A_2485 : memref<8x128xf32, #tpu.memory_space<vmem>>) target_semaphore(%dma_start3A_2481 : memref<!tpu.dma_semaphore, #tpu.memory_space<semaphore_mem>>)
        %slice3A_2490 = vector.extract_strided_slice %get3A_1671 {offsets = [3], sizes = [1], strides = [1]} : vector<16xi32> to vector<1xi32>
        %squeeze3A_2491 = vector.extract %slice3A_2490[0] : i32 from vector<1xi32>
        %shift_right_arithmetic3A_2492 = arith.constant 7 : i32
        %shift_right_arithmetic3A_2493 = arith.shrsi %squeeze3A_2491, %shift_right_arithmetic3A_2492 : i32
        %mul3A_2494 = arith.constant 128 : i32
        %mul3A_2495 = arith.muli %shift_right_arithmetic3A_2493, %mul3A_2494 : i32
        %multiple_of3A_2496 = tpu.assume_multiple %mul3A_2495, 128 : i32
        %dma_start3A_2497 = arith.constant 0 : i32
        %dma_start3A_2498 = arith.constant 3 : i32
        %dma_start3A_2499 = arith.constant 0 : i32
        %dma_start3A_2500 = arith.constant 3 : i32
        %dma_start3A_2501 = arith.constant 0 : i32
        %dma_start3A_2502 = arith.constant 0 : i32
        %dma_start3A_2503 = tpu.memref_slice %arg6[%rem3A_2204, %dma_start3A_2498, %dma_start3A_2499, %dma_start3A_2501, %dma_start3A_2502] : memref<3x8x4x8x128xf32, #tpu.memory_space<vmem>> -> memref<1x1x1x8x128xf32, #tpu.memory_space<vmem>>
        %dma_start3A_2504 = tpu.memref_squeeze %dma_start3A_2503 : memref<1x1x1x8x128xf32, #tpu.memory_space<vmem>> -> memref<8x128xf32, #tpu.memory_space<vmem>>
        %dma_start3A_2505 = tpu.memref_reshape %arg3 : memref<32x1000000xf32, #tpu.memory_space<hbm>> -> memref<4x8x1000000xf32, #tpu.memory_space<hbm>>
        %dma_start3A_2506 = arith.constant 0 : i32
        %dma_start3A_2507 = tpu.memref_slice %dma_start3A_2505[%dma_start3A_2497, %dma_start3A_2506, %multiple_of3A_2496] : memref<4x8x1000000xf32, #tpu.memory_space<hbm>> -> memref<1x8x128xf32, #tpu.memory_space<hbm>>
        %dma_start3A_2508 = tpu.memref_squeeze %dma_start3A_2507 : memref<1x8x128xf32, #tpu.memory_space<hbm>> -> memref<8x128xf32, #tpu.memory_space<hbm>>
        %dma_start3A_2509 = tpu.memref_slice %arg8[%rem3A_2204, %dma_start3A_2500] : memref<3x8x!tpu.dma_semaphore, #tpu.memory_space<semaphore_mem>> -> memref<1x1x!tpu.dma_semaphore, #tpu.memory_space<semaphore_mem>>
        %dma_start3A_2510 = tpu.memref_squeeze %dma_start3A_2509 : memref<1x1x!tpu.dma_semaphore, #tpu.memory_space<semaphore_mem>> -> memref<!tpu.dma_semaphore, #tpu.memory_space<semaphore_mem>>
        %dma_start3A_2511 = arith.constant 0 : i32
        %dma_start3A_2512 = arith.constant 0 : i32
        %dma_start3A_2513 = tpu.memref_slice %arg6[%rem3A_2204, %dma_start3A_2498, %dma_start3A_2499, %dma_start3A_2511, %dma_start3A_2512] : memref<3x8x4x8x128xf32, #tpu.memory_space<vmem>> -> memref<1x1x1x8x128xf32, #tpu.memory_space<vmem>>
        %dma_start3A_2514 = tpu.memref_squeeze %dma_start3A_2513 : memref<1x1x1x8x128xf32, #tpu.memory_space<vmem>> -> memref<8x128xf32, #tpu.memory_space<vmem>>
        %dma_start3A_2515 = tpu.memref_reshape %arg3 : memref<32x1000000xf32, #tpu.memory_space<hbm>> -> memref<4x8x1000000xf32, #tpu.memory_space<hbm>>
        %dma_start3A_2516 = arith.constant 0 : i32
        %dma_start3A_2517 = tpu.memref_slice %dma_start3A_2515[%dma_start3A_2497, %dma_start3A_2516, %multiple_of3A_2496] : memref<4x8x1000000xf32, #tpu.memory_space<hbm>> -> memref<1x8x128xf32, #tpu.memory_space<hbm>>
        %dma_start3A_2518 = tpu.memref_squeeze %dma_start3A_2517 : memref<1x8x128xf32, #tpu.memory_space<hbm>> -> memref<8x128xf32, #tpu.memory_space<hbm>>
        tpu.enqueue_dma source(%dma_start3A_2518 : memref<8x128xf32, #tpu.memory_space<hbm>>) target(%dma_start3A_2514 : memref<8x128xf32, #tpu.memory_space<vmem>>) target_semaphore(%dma_start3A_2510 : memref<!tpu.dma_semaphore, #tpu.memory_space<semaphore_mem>>)
        %dma_start3A_2519 = arith.constant 1 : i32
        %dma_start3A_2520 = arith.constant 3 : i32
        %dma_start3A_2521 = arith.constant 1 : i32
        %dma_start3A_2522 = arith.constant 3 : i32
        %dma_start3A_2523 = arith.constant 0 : i32
        %dma_start3A_2524 = arith.constant 0 : i32
        %dma_start3A_2525 = tpu.memref_slice %arg6[%rem3A_2204, %dma_start3A_2520, %dma_start3A_2521, %dma_start3A_2523, %dma_start3A_2524] : memref<3x8x4x8x128xf32, #tpu.memory_space<vmem>> -> memref<1x1x1x8x128xf32, #tpu.memory_space<vmem>>
        %dma_start3A_2526 = tpu.memref_squeeze %dma_start3A_2525 : memref<1x1x1x8x128xf32, #tpu.memory_space<vmem>> -> memref<8x128xf32, #tpu.memory_space<vmem>>
        %dma_start3A_2527 = tpu.memref_reshape %arg3 : memref<32x1000000xf32, #tpu.memory_space<hbm>> -> memref<4x8x1000000xf32, #tpu.memory_space<hbm>>
        %dma_start3A_2528 = arith.constant 0 : i32
        %dma_start3A_2529 = tpu.memref_slice %dma_start3A_2527[%dma_start3A_2519, %dma_start3A_2528, %multiple_of3A_2496] : memref<4x8x1000000xf32, #tpu.memory_space<hbm>> -> memref<1x8x128xf32, #tpu.memory_space<hbm>>
        %dma_start3A_2530 = tpu.memref_squeeze %dma_start3A_2529 : memref<1x8x128xf32, #tpu.memory_space<hbm>> -> memref<8x128xf32, #tpu.memory_space<hbm>>
        %dma_start3A_2531 = tpu.memref_slice %arg8[%rem3A_2204, %dma_start3A_2522] : memref<3x8x!tpu.dma_semaphore, #tpu.memory_space<semaphore_mem>> -> memref<1x1x!tpu.dma_semaphore, #tpu.memory_space<semaphore_mem>>
        %dma_start3A_2532 = tpu.memref_squeeze %dma_start3A_2531 : memref<1x1x!tpu.dma_semaphore, #tpu.memory_space<semaphore_mem>> -> memref<!tpu.dma_semaphore, #tpu.memory_space<semaphore_mem>>
        %dma_start3A_2533 = arith.constant 0 : i32
        %dma_start3A_2534 = arith.constant 0 : i32
        %dma_start3A_2535 = tpu.memref_slice %arg6[%rem3A_2204, %dma_start3A_2520, %dma_start3A_2521, %dma_start3A_2533, %dma_start3A_2534] : memref<3x8x4x8x128xf32, #tpu.memory_space<vmem>> -> memref<1x1x1x8x128xf32, #tpu.memory_space<vmem>>
        %dma_start3A_2536 = tpu.memref_squeeze %dma_start3A_2535 : memref<1x1x1x8x128xf32, #tpu.memory_space<vmem>> -> memref<8x128xf32, #tpu.memory_space<vmem>>
        %dma_start3A_2537 = tpu.memref_reshape %arg3 : memref<32x1000000xf32, #tpu.memory_space<hbm>> -> memref<4x8x1000000xf32, #tpu.memory_space<hbm>>
        %dma_start3A_2538 = arith.constant 0 : i32
        %dma_start3A_2539 = tpu.memref_slice %dma_start3A_2537[%dma_start3A_2519, %dma_start3A_2538, %multiple_of3A_2496] : memref<4x8x1000000xf32, #tpu.memory_space<hbm>> -> memref<1x8x128xf32, #tpu.memory_space<hbm>>
        %dma_start3A_2540 = tpu.memref_squeeze %dma_start3A_2539 : memref<1x8x128xf32, #tpu.memory_space<hbm>> -> memref<8x128xf32, #tpu.memory_space<hbm>>
        tpu.enqueue_dma source(%dma_start3A_2540 : memref<8x128xf32, #tpu.memory_space<hbm>>) target(%dma_start3A_2536 : memref<8x128xf32, #tpu.memory_space<vmem>>) target_semaphore(%dma_start3A_2532 : memref<!tpu.dma_semaphore, #tpu.memory_space<semaphore_mem>>)
        %dma_start3A_2541 = arith.constant 2 : i32
        %dma_start3A_2542 = arith.constant 3 : i32
        %dma_start3A_2543 = arith.constant 2 : i32
        %dma_start3A_2544 = arith.constant 3 : i32
        %dma_start3A_2545 = arith.constant 0 : i32
        %dma_start3A_2546 = arith.constant 0 : i32
        %dma_start3A_2547 = tpu.memref_slice %arg6[%rem3A_2204, %dma_start3A_2542, %dma_start3A_2543, %dma_start3A_2545, %dma_start3A_2546] : memref<3x8x4x8x128xf32, #tpu.memory_space<vmem>> -> memref<1x1x1x8x128xf32, #tpu.memory_space<vmem>>
        %dma_start3A_2548 = tpu.memref_squeeze %dma_start3A_2547 : memref<1x1x1x8x128xf32, #tpu.memory_space<vmem>> -> memref<8x128xf32, #tpu.memory_space<vmem>>
        %dma_start3A_2549 = tpu.memref_reshape %arg3 : memref<32x1000000xf32, #tpu.memory_space<hbm>> -> memref<4x8x1000000xf32, #tpu.memory_space<hbm>>
        %dma_start3A_2550 = arith.constant 0 : i32
        %dma_start3A_2551 = tpu.memref_slice %dma_start3A_2549[%dma_start3A_2541, %dma_start3A_2550, %multiple_of3A_2496] : memref<4x8x1000000xf32, #tpu.memory_space<hbm>> -> memref<1x8x128xf32, #tpu.memory_space<hbm>>
        %dma_start3A_2552 = tpu.memref_squeeze %dma_start3A_2551 : memref<1x8x128xf32, #tpu.memory_space<hbm>> -> memref<8x128xf32, #tpu.memory_space<hbm>>
        %dma_start3A_2553 = tpu.memref_slice %arg8[%rem3A_2204, %dma_start3A_2544] : memref<3x8x!tpu.dma_semaphore, #tpu.memory_space<semaphore_mem>> -> memref<1x1x!tpu.dma_semaphore, #tpu.memory_space<semaphore_mem>>
        %dma_start3A_2554 = tpu.memref_squeeze %dma_start3A_2553 : memref<1x1x!tpu.dma_semaphore, #tpu.memory_space<semaphore_mem>> -> memref<!tpu.dma_semaphore, #tpu.memory_space<semaphore_mem>>
        %dma_start3A_2555 = arith.constant 0 : i32
        %dma_start3A_2556 = arith.constant 0 : i32
        %dma_start3A_2557 = tpu.memref_slice %arg6[%rem3A_2204, %dma_start3A_2542, %dma_start3A_2543, %dma_start3A_2555, %dma_start3A_2556] : memref<3x8x4x8x128xf32, #tpu.memory_space<vmem>> -> memref<1x1x1x8x128xf32, #tpu.memory_space<vmem>>
        %dma_start3A_2558 = tpu.memref_squeeze %dma_start3A_2557 : memref<1x1x1x8x128xf32, #tpu.memory_space<vmem>> -> memref<8x128xf32, #tpu.memory_space<vmem>>
        %dma_start3A_2559 = tpu.memref_reshape %arg3 : memref<32x1000000xf32, #tpu.memory_space<hbm>> -> memref<4x8x1000000xf32, #tpu.memory_space<hbm>>
        %dma_start3A_2560 = arith.constant 0 : i32
        %dma_start3A_2561 = tpu.memref_slice %dma_start3A_2559[%dma_start3A_2541, %dma_start3A_2560, %multiple_of3A_2496] : memref<4x8x1000000xf32, #tpu.memory_space<hbm>> -> memref<1x8x128xf32, #tpu.memory_space<hbm>>
        %dma_start3A_2562 = tpu.memref_squeeze %dma_start3A_2561 : memref<1x8x128xf32, #tpu.memory_space<hbm>> -> memref<8x128xf32, #tpu.memory_space<hbm>>
        tpu.enqueue_dma source(%dma_start3A_2562 : memref<8x128xf32, #tpu.memory_space<hbm>>) target(%dma_start3A_2558 : memref<8x128xf32, #tpu.memory_space<vmem>>) target_semaphore(%dma_start3A_2554 : memref<!tpu.dma_semaphore, #tpu.memory_space<semaphore_mem>>)
        %dma_start3A_2563 = arith.constant 3 : i32
        %dma_start3A_2564 = arith.constant 3 : i32
        %dma_start3A_2565 = arith.constant 3 : i32
        %dma_start3A_2566 = arith.constant 3 : i32
        %dma_start3A_2567 = arith.constant 0 : i32
        %dma_start3A_2568 = arith.constant 0 : i32
        %dma_start3A_2569 = tpu.memref_slice %arg6[%rem3A_2204, %dma_start3A_2564, %dma_start3A_2565, %dma_start3A_2567, %dma_start3A_2568] : memref<3x8x4x8x128xf32, #tpu.memory_space<vmem>> -> memref<1x1x1x8x128xf32, #tpu.memory_space<vmem>>
        %dma_start3A_2570 = tpu.memref_squeeze %dma_start3A_2569 : memref<1x1x1x8x128xf32, #tpu.memory_space<vmem>> -> memref<8x128xf32, #tpu.memory_space<vmem>>
        %dma_start3A_2571 = tpu.memref_reshape %arg3 : memref<32x1000000xf32, #tpu.memory_space<hbm>> -> memref<4x8x1000000xf32, #tpu.memory_space<hbm>>
        %dma_start3A_2572 = arith.constant 0 : i32
        %dma_start3A_2573 = tpu.memref_slice %dma_start3A_2571[%dma_start3A_2563, %dma_start3A_2572, %multiple_of3A_2496] : memref<4x8x1000000xf32, #tpu.memory_space<hbm>> -> memref<1x8x128xf32, #tpu.memory_space<hbm>>
        %dma_start3A_2574 = tpu.memref_squeeze %dma_start3A_2573 : memref<1x8x128xf32, #tpu.memory_space<hbm>> -> memref<8x128xf32, #tpu.memory_space<hbm>>
        %dma_start3A_2575 = tpu.memref_slice %arg8[%rem3A_2204, %dma_start3A_2566] : memref<3x8x!tpu.dma_semaphore, #tpu.memory_space<semaphore_mem>> -> memref<1x1x!tpu.dma_semaphore, #tpu.memory_space<semaphore_mem>>
        %dma_start3A_2576 = tpu.memref_squeeze %dma_start3A_2575 : memref<1x1x!tpu.dma_semaphore, #tpu.memory_space<semaphore_mem>> -> memref<!tpu.dma_semaphore, #tpu.memory_space<semaphore_mem>>
        %dma_start3A_2577 = arith.constant 0 : i32
        %dma_start3A_2578 = arith.constant 0 : i32
        %dma_start3A_2579 = tpu.memref_slice %arg6[%rem3A_2204, %dma_start3A_2564, %dma_start3A_2565, %dma_start3A_2577, %dma_start3A_2578] : memref<3x8x4x8x128xf32, #tpu.memory_space<vmem>> -> memref<1x1x1x8x128xf32, #tpu.memory_space<vmem>>
        %dma_start3A_2580 = tpu.memref_squeeze %dma_start3A_2579 : memref<1x1x1x8x128xf32, #tpu.memory_space<vmem>> -> memref<8x128xf32, #tpu.memory_space<vmem>>
        %dma_start3A_2581 = tpu.memref_reshape %arg3 : memref<32x1000000xf32, #tpu.memory_space<hbm>> -> memref<4x8x1000000xf32, #tpu.memory_space<hbm>>
        %dma_start3A_2582 = arith.constant 0 : i32
        %dma_start3A_2583 = tpu.memref_slice %dma_start3A_2581[%dma_start3A_2563, %dma_start3A_2582, %multiple_of3A_2496] : memref<4x8x1000000xf32, #tpu.memory_space<hbm>> -> memref<1x8x128xf32, #tpu.memory_space<hbm>>
        %dma_start3A_2584 = tpu.memref_squeeze %dma_start3A_2583 : memref<1x8x128xf32, #tpu.memory_space<hbm>> -> memref<8x128xf32, #tpu.memory_space<hbm>>
        tpu.enqueue_dma source(%dma_start3A_2584 : memref<8x128xf32, #tpu.memory_space<hbm>>) target(%dma_start3A_2580 : memref<8x128xf32, #tpu.memory_space<vmem>>) target_semaphore(%dma_start3A_2576 : memref<!tpu.dma_semaphore, #tpu.memory_space<semaphore_mem>>)
        %slice3A_2585 = vector.extract_strided_slice %get3A_1671 {offsets = [4], sizes = [1], strides = [1]} : vector<16xi32> to vector<1xi32>
        %squeeze3A_2586 = vector.extract %slice3A_2585[0] : i32 from vector<1xi32>
        %shift_right_arithmetic3A_2587 = arith.constant 7 : i32
        %shift_right_arithmetic3A_2588 = arith.shrsi %squeeze3A_2586, %shift_right_arithmetic3A_2587 : i32
        %mul3A_2589 = arith.constant 128 : i32
        %mul3A_2590 = arith.muli %shift_right_arithmetic3A_2588, %mul3A_2589 : i32
        %multiple_of3A_2591 = tpu.assume_multiple %mul3A_2590, 128 : i32
        %dma_start3A_2592 = arith.constant 0 : i32
        %dma_start3A_2593 = arith.constant 4 : i32
        %dma_start3A_2594 = arith.constant 0 : i32
        %dma_start3A_2595 = arith.constant 4 : i32
        %dma_start3A_2596 = arith.constant 0 : i32
        %dma_start3A_2597 = arith.constant 0 : i32
        %dma_start3A_2598 = tpu.memref_slice %arg6[%rem3A_2204, %dma_start3A_2593, %dma_start3A_2594, %dma_start3A_2596, %dma_start3A_2597] : memref<3x8x4x8x128xf32, #tpu.memory_space<vmem>> -> memref<1x1x1x8x128xf32, #tpu.memory_space<vmem>>
        %dma_start3A_2599 = tpu.memref_squeeze %dma_start3A_2598 : memref<1x1x1x8x128xf32, #tpu.memory_space<vmem>> -> memref<8x128xf32, #tpu.memory_space<vmem>>
        %dma_start3A_2600 = tpu.memref_reshape %arg3 : memref<32x1000000xf32, #tpu.memory_space<hbm>> -> memref<4x8x1000000xf32, #tpu.memory_space<hbm>>
        %dma_start3A_2601 = arith.constant 0 : i32
        %dma_start3A_2602 = tpu.memref_slice %dma_start3A_2600[%dma_start3A_2592, %dma_start3A_2601, %multiple_of3A_2591] : memref<4x8x1000000xf32, #tpu.memory_space<hbm>> -> memref<1x8x128xf32, #tpu.memory_space<hbm>>
        %dma_start3A_2603 = tpu.memref_squeeze %dma_start3A_2602 : memref<1x8x128xf32, #tpu.memory_space<hbm>> -> memref<8x128xf32, #tpu.memory_space<hbm>>
        %dma_start3A_2604 = tpu.memref_slice %arg8[%rem3A_2204, %dma_start3A_2595] : memref<3x8x!tpu.dma_semaphore, #tpu.memory_space<semaphore_mem>> -> memref<1x1x!tpu.dma_semaphore, #tpu.memory_space<semaphore_mem>>
        %dma_start3A_2605 = tpu.memref_squeeze %dma_start3A_2604 : memref<1x1x!tpu.dma_semaphore, #tpu.memory_space<semaphore_mem>> -> memref<!tpu.dma_semaphore, #tpu.memory_space<semaphore_mem>>
        %dma_start3A_2606 = arith.constant 0 : i32
        %dma_start3A_2607 = arith.constant 0 : i32
        %dma_start3A_2608 = tpu.memref_slice %arg6[%rem3A_2204, %dma_start3A_2593, %dma_start3A_2594, %dma_start3A_2606, %dma_start3A_2607] : memref<3x8x4x8x128xf32, #tpu.memory_space<vmem>> -> memref<1x1x1x8x128xf32, #tpu.memory_space<vmem>>
        %dma_start3A_2609 = tpu.memref_squeeze %dma_start3A_2608 : memref<1x1x1x8x128xf32, #tpu.memory_space<vmem>> -> memref<8x128xf32, #tpu.memory_space<vmem>>
        %dma_start3A_2610 = tpu.memref_reshape %arg3 : memref<32x1000000xf32, #tpu.memory_space<hbm>> -> memref<4x8x1000000xf32, #tpu.memory_space<hbm>>
        %dma_start3A_2611 = arith.constant 0 : i32
        %dma_start3A_2612 = tpu.memref_slice %dma_start3A_2610[%dma_start3A_2592, %dma_start3A_2611, %multiple_of3A_2591] : memref<4x8x1000000xf32, #tpu.memory_space<hbm>> -> memref<1x8x128xf32, #tpu.memory_space<hbm>>
        %dma_start3A_2613 = tpu.memref_squeeze %dma_start3A_2612 : memref<1x8x128xf32, #tpu.memory_space<hbm>> -> memref<8x128xf32, #tpu.memory_space<hbm>>
        tpu.enqueue_dma source(%dma_start3A_2613 : memref<8x128xf32, #tpu.memory_space<hbm>>) target(%dma_start3A_2609 : memref<8x128xf32, #tpu.memory_space<vmem>>) target_semaphore(%dma_start3A_2605 : memref<!tpu.dma_semaphore, #tpu.memory_space<semaphore_mem>>)
        %dma_start3A_2614 = arith.constant 1 : i32
        %dma_start3A_2615 = arith.constant 4 : i32
        %dma_start3A_2616 = arith.constant 1 : i32
        %dma_start3A_2617 = arith.constant 4 : i32
        %dma_start3A_2618 = arith.constant 0 : i32
        %dma_start3A_2619 = arith.constant 0 : i32
        %dma_start3A_2620 = tpu.memref_slice %arg6[%rem3A_2204, %dma_start3A_2615, %dma_start3A_2616, %dma_start3A_2618, %dma_start3A_2619] : memref<3x8x4x8x128xf32, #tpu.memory_space<vmem>> -> memref<1x1x1x8x128xf32, #tpu.memory_space<vmem>>
        %dma_start3A_2621 = tpu.memref_squeeze %dma_start3A_2620 : memref<1x1x1x8x128xf32, #tpu.memory_space<vmem>> -> memref<8x128xf32, #tpu.memory_space<vmem>>
        %dma_start3A_2622 = tpu.memref_reshape %arg3 : memref<32x1000000xf32, #tpu.memory_space<hbm>> -> memref<4x8x1000000xf32, #tpu.memory_space<hbm>>
        %dma_start3A_2623 = arith.constant 0 : i32
        %dma_start3A_2624 = tpu.memref_slice %dma_start3A_2622[%dma_start3A_2614, %dma_start3A_2623, %multiple_of3A_2591] : memref<4x8x1000000xf32, #tpu.memory_space<hbm>> -> memref<1x8x128xf32, #tpu.memory_space<hbm>>
        %dma_start3A_2625 = tpu.memref_squeeze %dma_start3A_2624 : memref<1x8x128xf32, #tpu.memory_space<hbm>> -> memref<8x128xf32, #tpu.memory_space<hbm>>
        %dma_start3A_2626 = tpu.memref_slice %arg8[%rem3A_2204, %dma_start3A_2617] : memref<3x8x!tpu.dma_semaphore, #tpu.memory_space<semaphore_mem>> -> memref<1x1x!tpu.dma_semaphore, #tpu.memory_space<semaphore_mem>>
        %dma_start3A_2627 = tpu.memref_squeeze %dma_start3A_2626 : memref<1x1x!tpu.dma_semaphore, #tpu.memory_space<semaphore_mem>> -> memref<!tpu.dma_semaphore, #tpu.memory_space<semaphore_mem>>
        %dma_start3A_2628 = arith.constant 0 : i32
        %dma_start3A_2629 = arith.constant 0 : i32
        %dma_start3A_2630 = tpu.memref_slice %arg6[%rem3A_2204, %dma_start3A_2615, %dma_start3A_2616, %dma_start3A_2628, %dma_start3A_2629] : memref<3x8x4x8x128xf32, #tpu.memory_space<vmem>> -> memref<1x1x1x8x128xf32, #tpu.memory_space<vmem>>
        %dma_start3A_2631 = tpu.memref_squeeze %dma_start3A_2630 : memref<1x1x1x8x128xf32, #tpu.memory_space<vmem>> -> memref<8x128xf32, #tpu.memory_space<vmem>>
        %dma_start3A_2632 = tpu.memref_reshape %arg3 : memref<32x1000000xf32, #tpu.memory_space<hbm>> -> memref<4x8x1000000xf32, #tpu.memory_space<hbm>>
        %dma_start3A_2633 = arith.constant 0 : i32
        %dma_start3A_2634 = tpu.memref_slice %dma_start3A_2632[%dma_start3A_2614, %dma_start3A_2633, %multiple_of3A_2591] : memref<4x8x1000000xf32, #tpu.memory_space<hbm>> -> memref<1x8x128xf32, #tpu.memory_space<hbm>>
        %dma_start3A_2635 = tpu.memref_squeeze %dma_start3A_2634 : memref<1x8x128xf32, #tpu.memory_space<hbm>> -> memref<8x128xf32, #tpu.memory_space<hbm>>
        tpu.enqueue_dma source(%dma_start3A_2635 : memref<8x128xf32, #tpu.memory_space<hbm>>) target(%dma_start3A_2631 : memref<8x128xf32, #tpu.memory_space<vmem>>) target_semaphore(%dma_start3A_2627 : memref<!tpu.dma_semaphore, #tpu.memory_space<semaphore_mem>>)
        %dma_start3A_2636 = arith.constant 2 : i32
        %dma_start3A_2637 = arith.constant 4 : i32
        %dma_start3A_2638 = arith.constant 2 : i32
        %dma_start3A_2639 = arith.constant 4 : i32
        %dma_start3A_2640 = arith.constant 0 : i32
        %dma_start3A_2641 = arith.constant 0 : i32
        %dma_start3A_2642 = tpu.memref_slice %arg6[%rem3A_2204, %dma_start3A_2637, %dma_start3A_2638, %dma_start3A_2640, %dma_start3A_2641] : memref<3x8x4x8x128xf32, #tpu.memory_space<vmem>> -> memref<1x1x1x8x128xf32, #tpu.memory_space<vmem>>
        %dma_start3A_2643 = tpu.memref_squeeze %dma_start3A_2642 : memref<1x1x1x8x128xf32, #tpu.memory_space<vmem>> -> memref<8x128xf32, #tpu.memory_space<vmem>>
        %dma_start3A_2644 = tpu.memref_reshape %arg3 : memref<32x1000000xf32, #tpu.memory_space<hbm>> -> memref<4x8x1000000xf32, #tpu.memory_space<hbm>>
        %dma_start3A_2645 = arith.constant 0 : i32
        %dma_start3A_2646 = tpu.memref_slice %dma_start3A_2644[%dma_start3A_2636, %dma_start3A_2645, %multiple_of3A_2591] : memref<4x8x1000000xf32, #tpu.memory_space<hbm>> -> memref<1x8x128xf32, #tpu.memory_space<hbm>>
        %dma_start3A_2647 = tpu.memref_squeeze %dma_start3A_2646 : memref<1x8x128xf32, #tpu.memory_space<hbm>> -> memref<8x128xf32, #tpu.memory_space<hbm>>
        %dma_start3A_2648 = tpu.memref_slice %arg8[%rem3A_2204, %dma_start3A_2639] : memref<3x8x!tpu.dma_semaphore, #tpu.memory_space<semaphore_mem>> -> memref<1x1x!tpu.dma_semaphore, #tpu.memory_space<semaphore_mem>>
        %dma_start3A_2649 = tpu.memref_squeeze %dma_start3A_2648 : memref<1x1x!tpu.dma_semaphore, #tpu.memory_space<semaphore_mem>> -> memref<!tpu.dma_semaphore, #tpu.memory_space<semaphore_mem>>
        %dma_start3A_2650 = arith.constant 0 : i32
        %dma_start3A_2651 = arith.constant 0 : i32
        %dma_start3A_2652 = tpu.memref_slice %arg6[%rem3A_2204, %dma_start3A_2637, %dma_start3A_2638, %dma_start3A_2650, %dma_start3A_2651] : memref<3x8x4x8x128xf32, #tpu.memory_space<vmem>> -> memref<1x1x1x8x128xf32, #tpu.memory_space<vmem>>
        %dma_start3A_2653 = tpu.memref_squeeze %dma_start3A_2652 : memref<1x1x1x8x128xf32, #tpu.memory_space<vmem>> -> memref<8x128xf32, #tpu.memory_space<vmem>>
        %dma_start3A_2654 = tpu.memref_reshape %arg3 : memref<32x1000000xf32, #tpu.memory_space<hbm>> -> memref<4x8x1000000xf32, #tpu.memory_space<hbm>>
        %dma_start3A_2655 = arith.constant 0 : i32
        %dma_start3A_2656 = tpu.memref_slice %dma_start3A_2654[%dma_start3A_2636, %dma_start3A_2655, %multiple_of3A_2591] : memref<4x8x1000000xf32, #tpu.memory_space<hbm>> -> memref<1x8x128xf32, #tpu.memory_space<hbm>>
        %dma_start3A_2657 = tpu.memref_squeeze %dma_start3A_2656 : memref<1x8x128xf32, #tpu.memory_space<hbm>> -> memref<8x128xf32, #tpu.memory_space<hbm>>
        tpu.enqueue_dma source(%dma_start3A_2657 : memref<8x128xf32, #tpu.memory_space<hbm>>) target(%dma_start3A_2653 : memref<8x128xf32, #tpu.memory_space<vmem>>) target_semaphore(%dma_start3A_2649 : memref<!tpu.dma_semaphore, #tpu.memory_space<semaphore_mem>>)
        %dma_start3A_2658 = arith.constant 3 : i32
        %dma_start3A_2659 = arith.constant 4 : i32
        %dma_start3A_2660 = arith.constant 3 : i32
        %dma_start3A_2661 = arith.constant 4 : i32
        %dma_start3A_2662 = arith.constant 0 : i32
        %dma_start3A_2663 = arith.constant 0 : i32
        %dma_start3A_2664 = tpu.memref_slice %arg6[%rem3A_2204, %dma_start3A_2659, %dma_start3A_2660, %dma_start3A_2662, %dma_start3A_2663] : memref<3x8x4x8x128xf32, #tpu.memory_space<vmem>> -> memref<1x1x1x8x128xf32, #tpu.memory_space<vmem>>
        %dma_start3A_2665 = tpu.memref_squeeze %dma_start3A_2664 : memref<1x1x1x8x128xf32, #tpu.memory_space<vmem>> -> memref<8x128xf32, #tpu.memory_space<vmem>>
        %dma_start3A_2666 = tpu.memref_reshape %arg3 : memref<32x1000000xf32, #tpu.memory_space<hbm>> -> memref<4x8x1000000xf32, #tpu.memory_space<hbm>>
        %dma_start3A_2667 = arith.constant 0 : i32
        %dma_start3A_2668 = tpu.memref_slice %dma_start3A_2666[%dma_start3A_2658, %dma_start3A_2667, %multiple_of3A_2591] : memref<4x8x1000000xf32, #tpu.memory_space<hbm>> -> memref<1x8x128xf32, #tpu.memory_space<hbm>>
        %dma_start3A_2669 = tpu.memref_squeeze %dma_start3A_2668 : memref<1x8x128xf32, #tpu.memory_space<hbm>> -> memref<8x128xf32, #tpu.memory_space<hbm>>
        %dma_start3A_2670 = tpu.memref_slice %arg8[%rem3A_2204, %dma_start3A_2661] : memref<3x8x!tpu.dma_semaphore, #tpu.memory_space<semaphore_mem>> -> memref<1x1x!tpu.dma_semaphore, #tpu.memory_space<semaphore_mem>>
        %dma_start3A_2671 = tpu.memref_squeeze %dma_start3A_2670 : memref<1x1x!tpu.dma_semaphore, #tpu.memory_space<semaphore_mem>> -> memref<!tpu.dma_semaphore, #tpu.memory_space<semaphore_mem>>
        %dma_start3A_2672 = arith.constant 0 : i32
        %dma_start3A_2673 = arith.constant 0 : i32
        %dma_start3A_2674 = tpu.memref_slice %arg6[%rem3A_2204, %dma_start3A_2659, %dma_start3A_2660, %dma_start3A_2672, %dma_start3A_2673] : memref<3x8x4x8x128xf32, #tpu.memory_space<vmem>> -> memref<1x1x1x8x128xf32, #tpu.memory_space<vmem>>
        %dma_start3A_2675 = tpu.memref_squeeze %dma_start3A_2674 : memref<1x1x1x8x128xf32, #tpu.memory_space<vmem>> -> memref<8x128xf32, #tpu.memory_space<vmem>>
        %dma_start3A_2676 = tpu.memref_reshape %arg3 : memref<32x1000000xf32, #tpu.memory_space<hbm>> -> memref<4x8x1000000xf32, #tpu.memory_space<hbm>>
        %dma_start3A_2677 = arith.constant 0 : i32
        %dma_start3A_2678 = tpu.memref_slice %dma_start3A_2676[%dma_start3A_2658, %dma_start3A_2677, %multiple_of3A_2591] : memref<4x8x1000000xf32, #tpu.memory_space<hbm>> -> memref<1x8x128xf32, #tpu.memory_space<hbm>>
        %dma_start3A_2679 = tpu.memref_squeeze %dma_start3A_2678 : memref<1x8x128xf32, #tpu.memory_space<hbm>> -> memref<8x128xf32, #tpu.memory_space<hbm>>
        tpu.enqueue_dma source(%dma_start3A_2679 : memref<8x128xf32, #tpu.memory_space<hbm>>) target(%dma_start3A_2675 : memref<8x128xf32, #tpu.memory_space<vmem>>) target_semaphore(%dma_start3A_2671 : memref<!tpu.dma_semaphore, #tpu.memory_space<semaphore_mem>>)
        %slice3A_2680 = vector.extract_strided_slice %get3A_1671 {offsets = [5], sizes = [1], strides = [1]} : vector<16xi32> to vector<1xi32>
        %squeeze3A_2681 = vector.extract %slice3A_2680[0] : i32 from vector<1xi32>
        %shift_right_arithmetic3A_2682 = arith.constant 7 : i32
        %shift_right_arithmetic3A_2683 = arith.shrsi %squeeze3A_2681, %shift_right_arithmetic3A_2682 : i32
        %mul3A_2684 = arith.constant 128 : i32
        %mul3A_2685 = arith.muli %shift_right_arithmetic3A_2683, %mul3A_2684 : i32
        %multiple_of3A_2686 = tpu.assume_multiple %mul3A_2685, 128 : i32
        %dma_start3A_2687 = arith.constant 0 : i32
        %dma_start3A_2688 = arith.constant 5 : i32
        %dma_start3A_2689 = arith.constant 0 : i32
        %dma_start3A_2690 = arith.constant 5 : i32
        %dma_start3A_2691 = arith.constant 0 : i32
        %dma_start3A_2692 = arith.constant 0 : i32
        %dma_start3A_2693 = tpu.memref_slice %arg6[%rem3A_2204, %dma_start3A_2688, %dma_start3A_2689, %dma_start3A_2691, %dma_start3A_2692] : memref<3x8x4x8x128xf32, #tpu.memory_space<vmem>> -> memref<1x1x1x8x128xf32, #tpu.memory_space<vmem>>
        %dma_start3A_2694 = tpu.memref_squeeze %dma_start3A_2693 : memref<1x1x1x8x128xf32, #tpu.memory_space<vmem>> -> memref<8x128xf32, #tpu.memory_space<vmem>>
        %dma_start3A_2695 = tpu.memref_reshape %arg3 : memref<32x1000000xf32, #tpu.memory_space<hbm>> -> memref<4x8x1000000xf32, #tpu.memory_space<hbm>>
        %dma_start3A_2696 = arith.constant 0 : i32
        %dma_start3A_2697 = tpu.memref_slice %dma_start3A_2695[%dma_start3A_2687, %dma_start3A_2696, %multiple_of3A_2686] : memref<4x8x1000000xf32, #tpu.memory_space<hbm>> -> memref<1x8x128xf32, #tpu.memory_space<hbm>>
        %dma_start3A_2698 = tpu.memref_squeeze %dma_start3A_2697 : memref<1x8x128xf32, #tpu.memory_space<hbm>> -> memref<8x128xf32, #tpu.memory_space<hbm>>
        %dma_start3A_2699 = tpu.memref_slice %arg8[%rem3A_2204, %dma_start3A_2690] : memref<3x8x!tpu.dma_semaphore, #tpu.memory_space<semaphore_mem>> -> memref<1x1x!tpu.dma_semaphore, #tpu.memory_space<semaphore_mem>>
        %dma_start3A_2700 = tpu.memref_squeeze %dma_start3A_2699 : memref<1x1x!tpu.dma_semaphore, #tpu.memory_space<semaphore_mem>> -> memref<!tpu.dma_semaphore, #tpu.memory_space<semaphore_mem>>
        %dma_start3A_2701 = arith.constant 0 : i32
        %dma_start3A_2702 = arith.constant 0 : i32
        %dma_start3A_2703 = tpu.memref_slice %arg6[%rem3A_2204, %dma_start3A_2688, %dma_start3A_2689, %dma_start3A_2701, %dma_start3A_2702] : memref<3x8x4x8x128xf32, #tpu.memory_space<vmem>> -> memref<1x1x1x8x128xf32, #tpu.memory_space<vmem>>
        %dma_start3A_2704 = tpu.memref_squeeze %dma_start3A_2703 : memref<1x1x1x8x128xf32, #tpu.memory_space<vmem>> -> memref<8x128xf32, #tpu.memory_space<vmem>>
        %dma_start3A_2705 = tpu.memref_reshape %arg3 : memref<32x1000000xf32, #tpu.memory_space<hbm>> -> memref<4x8x1000000xf32, #tpu.memory_space<hbm>>
        %dma_start3A_2706 = arith.constant 0 : i32
        %dma_start3A_2707 = tpu.memref_slice %dma_start3A_2705[%dma_start3A_2687, %dma_start3A_2706, %multiple_of3A_2686] : memref<4x8x1000000xf32, #tpu.memory_space<hbm>> -> memref<1x8x128xf32, #tpu.memory_space<hbm>>
        %dma_start3A_2708 = tpu.memref_squeeze %dma_start3A_2707 : memref<1x8x128xf32, #tpu.memory_space<hbm>> -> memref<8x128xf32, #tpu.memory_space<hbm>>
        tpu.enqueue_dma source(%dma_start3A_2708 : memref<8x128xf32, #tpu.memory_space<hbm>>) target(%dma_start3A_2704 : memref<8x128xf32, #tpu.memory_space<vmem>>) target_semaphore(%dma_start3A_2700 : memref<!tpu.dma_semaphore, #tpu.memory_space<semaphore_mem>>)
        %dma_start3A_2709 = arith.constant 1 : i32
        %dma_start3A_2710 = arith.constant 5 : i32
        %dma_start3A_2711 = arith.constant 1 : i32
        %dma_start3A_2712 = arith.constant 5 : i32
        %dma_start3A_2713 = arith.constant 0 : i32
        %dma_start3A_2714 = arith.constant 0 : i32
        %dma_start3A_2715 = tpu.memref_slice %arg6[%rem3A_2204, %dma_start3A_2710, %dma_start3A_2711, %dma_start3A_2713, %dma_start3A_2714] : memref<3x8x4x8x128xf32, #tpu.memory_space<vmem>> -> memref<1x1x1x8x128xf32, #tpu.memory_space<vmem>>
        %dma_start3A_2716 = tpu.memref_squeeze %dma_start3A_2715 : memref<1x1x1x8x128xf32, #tpu.memory_space<vmem>> -> memref<8x128xf32, #tpu.memory_space<vmem>>
        %dma_start3A_2717 = tpu.memref_reshape %arg3 : memref<32x1000000xf32, #tpu.memory_space<hbm>> -> memref<4x8x1000000xf32, #tpu.memory_space<hbm>>
        %dma_start3A_2718 = arith.constant 0 : i32
        %dma_start3A_2719 = tpu.memref_slice %dma_start3A_2717[%dma_start3A_2709, %dma_start3A_2718, %multiple_of3A_2686] : memref<4x8x1000000xf32, #tpu.memory_space<hbm>> -> memref<1x8x128xf32, #tpu.memory_space<hbm>>
        %dma_start3A_2720 = tpu.memref_squeeze %dma_start3A_2719 : memref<1x8x128xf32, #tpu.memory_space<hbm>> -> memref<8x128xf32, #tpu.memory_space<hbm>>
        %dma_start3A_2721 = tpu.memref_slice %arg8[%rem3A_2204, %dma_start3A_2712] : memref<3x8x!tpu.dma_semaphore, #tpu.memory_space<semaphore_mem>> -> memref<1x1x!tpu.dma_semaphore, #tpu.memory_space<semaphore_mem>>
        %dma_start3A_2722 = tpu.memref_squeeze %dma_start3A_2721 : memref<1x1x!tpu.dma_semaphore, #tpu.memory_space<semaphore_mem>> -> memref<!tpu.dma_semaphore, #tpu.memory_space<semaphore_mem>>
        %dma_start3A_2723 = arith.constant 0 : i32
        %dma_start3A_2724 = arith.constant 0 : i32
        %dma_start3A_2725 = tpu.memref_slice %arg6[%rem3A_2204, %dma_start3A_2710, %dma_start3A_2711, %dma_start3A_2723, %dma_start3A_2724] : memref<3x8x4x8x128xf32, #tpu.memory_space<vmem>> -> memref<1x1x1x8x128xf32, #tpu.memory_space<vmem>>
        %dma_start3A_2726 = tpu.memref_squeeze %dma_start3A_2725 : memref<1x1x1x8x128xf32, #tpu.memory_space<vmem>> -> memref<8x128xf32, #tpu.memory_space<vmem>>
        %dma_start3A_2727 = tpu.memref_reshape %arg3 : memref<32x1000000xf32, #tpu.memory_space<hbm>> -> memref<4x8x1000000xf32, #tpu.memory_space<hbm>>
        %dma_start3A_2728 = arith.constant 0 : i32
        %dma_start3A_2729 = tpu.memref_slice %dma_start3A_2727[%dma_start3A_2709, %dma_start3A_2728, %multiple_of3A_2686] : memref<4x8x1000000xf32, #tpu.memory_space<hbm>> -> memref<1x8x128xf32, #tpu.memory_space<hbm>>
        %dma_start3A_2730 = tpu.memref_squeeze %dma_start3A_2729 : memref<1x8x128xf32, #tpu.memory_space<hbm>> -> memref<8x128xf32, #tpu.memory_space<hbm>>
        tpu.enqueue_dma source(%dma_start3A_2730 : memref<8x128xf32, #tpu.memory_space<hbm>>) target(%dma_start3A_2726 : memref<8x128xf32, #tpu.memory_space<vmem>>) target_semaphore(%dma_start3A_2722 : memref<!tpu.dma_semaphore, #tpu.memory_space<semaphore_mem>>)
        %dma_start3A_2731 = arith.constant 2 : i32
        %dma_start3A_2732 = arith.constant 5 : i32
        %dma_start3A_2733 = arith.constant 2 : i32
        %dma_start3A_2734 = arith.constant 5 : i32
        %dma_start3A_2735 = arith.constant 0 : i32
        %dma_start3A_2736 = arith.constant 0 : i32
        %dma_start3A_2737 = tpu.memref_slice %arg6[%rem3A_2204, %dma_start3A_2732, %dma_start3A_2733, %dma_start3A_2735, %dma_start3A_2736] : memref<3x8x4x8x128xf32, #tpu.memory_space<vmem>> -> memref<1x1x1x8x128xf32, #tpu.memory_space<vmem>>
        %dma_start3A_2738 = tpu.memref_squeeze %dma_start3A_2737 : memref<1x1x1x8x128xf32, #tpu.memory_space<vmem>> -> memref<8x128xf32, #tpu.memory_space<vmem>>
        %dma_start3A_2739 = tpu.memref_reshape %arg3 : memref<32x1000000xf32, #tpu.memory_space<hbm>> -> memref<4x8x1000000xf32, #tpu.memory_space<hbm>>
        %dma_start3A_2740 = arith.constant 0 : i32
        %dma_start3A_2741 = tpu.memref_slice %dma_start3A_2739[%dma_start3A_2731, %dma_start3A_2740, %multiple_of3A_2686] : memref<4x8x1000000xf32, #tpu.memory_space<hbm>> -> memref<1x8x128xf32, #tpu.memory_space<hbm>>
        %dma_start3A_2742 = tpu.memref_squeeze %dma_start3A_2741 : memref<1x8x128xf32, #tpu.memory_space<hbm>> -> memref<8x128xf32, #tpu.memory_space<hbm>>
        %dma_start3A_2743 = tpu.memref_slice %arg8[%rem3A_2204, %dma_start3A_2734] : memref<3x8x!tpu.dma_semaphore, #tpu.memory_space<semaphore_mem>> -> memref<1x1x!tpu.dma_semaphore, #tpu.memory_space<semaphore_mem>>
        %dma_start3A_2744 = tpu.memref_squeeze %dma_start3A_2743 : memref<1x1x!tpu.dma_semaphore, #tpu.memory_space<semaphore_mem>> -> memref<!tpu.dma_semaphore, #tpu.memory_space<semaphore_mem>>
        %dma_start3A_2745 = arith.constant 0 : i32
        %dma_start3A_2746 = arith.constant 0 : i32
        %dma_start3A_2747 = tpu.memref_slice %arg6[%rem3A_2204, %dma_start3A_2732, %dma_start3A_2733, %dma_start3A_2745, %dma_start3A_2746] : memref<3x8x4x8x128xf32, #tpu.memory_space<vmem>> -> memref<1x1x1x8x128xf32, #tpu.memory_space<vmem>>
        %dma_start3A_2748 = tpu.memref_squeeze %dma_start3A_2747 : memref<1x1x1x8x128xf32, #tpu.memory_space<vmem>> -> memref<8x128xf32, #tpu.memory_space<vmem>>
        %dma_start3A_2749 = tpu.memref_reshape %arg3 : memref<32x1000000xf32, #tpu.memory_space<hbm>> -> memref<4x8x1000000xf32, #tpu.memory_space<hbm>>
        %dma_start3A_2750 = arith.constant 0 : i32
        %dma_start3A_2751 = tpu.memref_slice %dma_start3A_2749[%dma_start3A_2731, %dma_start3A_2750, %multiple_of3A_2686] : memref<4x8x1000000xf32, #tpu.memory_space<hbm>> -> memref<1x8x128xf32, #tpu.memory_space<hbm>>
        %dma_start3A_2752 = tpu.memref_squeeze %dma_start3A_2751 : memref<1x8x128xf32, #tpu.memory_space<hbm>> -> memref<8x128xf32, #tpu.memory_space<hbm>>
        tpu.enqueue_dma source(%dma_start3A_2752 : memref<8x128xf32, #tpu.memory_space<hbm>>) target(%dma_start3A_2748 : memref<8x128xf32, #tpu.memory_space<vmem>>) target_semaphore(%dma_start3A_2744 : memref<!tpu.dma_semaphore, #tpu.memory_space<semaphore_mem>>)
        %dma_start3A_2753 = arith.constant 3 : i32
        %dma_start3A_2754 = arith.constant 5 : i32
        %dma_start3A_2755 = arith.constant 3 : i32
        %dma_start3A_2756 = arith.constant 5 : i32
        %dma_start3A_2757 = arith.constant 0 : i32
        %dma_start3A_2758 = arith.constant 0 : i32
        %dma_start3A_2759 = tpu.memref_slice %arg6[%rem3A_2204, %dma_start3A_2754, %dma_start3A_2755, %dma_start3A_2757, %dma_start3A_2758] : memref<3x8x4x8x128xf32, #tpu.memory_space<vmem>> -> memref<1x1x1x8x128xf32, #tpu.memory_space<vmem>>
        %dma_start3A_2760 = tpu.memref_squeeze %dma_start3A_2759 : memref<1x1x1x8x128xf32, #tpu.memory_space<vmem>> -> memref<8x128xf32, #tpu.memory_space<vmem>>
        %dma_start3A_2761 = tpu.memref_reshape %arg3 : memref<32x1000000xf32, #tpu.memory_space<hbm>> -> memref<4x8x1000000xf32, #tpu.memory_space<hbm>>
        %dma_start3A_2762 = arith.constant 0 : i32
        %dma_start3A_2763 = tpu.memref_slice %dma_start3A_2761[%dma_start3A_2753, %dma_start3A_2762, %multiple_of3A_2686] : memref<4x8x1000000xf32, #tpu.memory_space<hbm>> -> memref<1x8x128xf32, #tpu.memory_space<hbm>>
        %dma_start3A_2764 = tpu.memref_squeeze %dma_start3A_2763 : memref<1x8x128xf32, #tpu.memory_space<hbm>> -> memref<8x128xf32, #tpu.memory_space<hbm>>
        %dma_start3A_2765 = tpu.memref_slice %arg8[%rem3A_2204, %dma_start3A_2756] : memref<3x8x!tpu.dma_semaphore, #tpu.memory_space<semaphore_mem>> -> memref<1x1x!tpu.dma_semaphore, #tpu.memory_space<semaphore_mem>>
        %dma_start3A_2766 = tpu.memref_squeeze %dma_start3A_2765 : memref<1x1x!tpu.dma_semaphore, #tpu.memory_space<semaphore_mem>> -> memref<!tpu.dma_semaphore, #tpu.memory_space<semaphore_mem>>
        %dma_start3A_2767 = arith.constant 0 : i32
        %dma_start3A_2768 = arith.constant 0 : i32
        %dma_start3A_2769 = tpu.memref_slice %arg6[%rem3A_2204, %dma_start3A_2754, %dma_start3A_2755, %dma_start3A_2767, %dma_start3A_2768] : memref<3x8x4x8x128xf32, #tpu.memory_space<vmem>> -> memref<1x1x1x8x128xf32, #tpu.memory_space<vmem>>
        %dma_start3A_2770 = tpu.memref_squeeze %dma_start3A_2769 : memref<1x1x1x8x128xf32, #tpu.memory_space<vmem>> -> memref<8x128xf32, #tpu.memory_space<vmem>>
        %dma_start3A_2771 = tpu.memref_reshape %arg3 : memref<32x1000000xf32, #tpu.memory_space<hbm>> -> memref<4x8x1000000xf32, #tpu.memory_space<hbm>>
        %dma_start3A_2772 = arith.constant 0 : i32
        %dma_start3A_2773 = tpu.memref_slice %dma_start3A_2771[%dma_start3A_2753, %dma_start3A_2772, %multiple_of3A_2686] : memref<4x8x1000000xf32, #tpu.memory_space<hbm>> -> memref<1x8x128xf32, #tpu.memory_space<hbm>>
        %dma_start3A_2774 = tpu.memref_squeeze %dma_start3A_2773 : memref<1x8x128xf32, #tpu.memory_space<hbm>> -> memref<8x128xf32, #tpu.memory_space<hbm>>
        tpu.enqueue_dma source(%dma_start3A_2774 : memref<8x128xf32, #tpu.memory_space<hbm>>) target(%dma_start3A_2770 : memref<8x128xf32, #tpu.memory_space<vmem>>) target_semaphore(%dma_start3A_2766 : memref<!tpu.dma_semaphore, #tpu.memory_space<semaphore_mem>>)
        %slice3A_2775 = vector.extract_strided_slice %get3A_1671 {offsets = [6], sizes = [1], strides = [1]} : vector<16xi32> to vector<1xi32>
        %squeeze3A_2776 = vector.extract %slice3A_2775[0] : i32 from vector<1xi32>
        %shift_right_arithmetic3A_2777 = arith.constant 7 : i32
        %shift_right_arithmetic3A_2778 = arith.shrsi %squeeze3A_2776, %shift_right_arithmetic3A_2777 : i32
        %mul3A_2779 = arith.constant 128 : i32
        %mul3A_2780 = arith.muli %shift_right_arithmetic3A_2778, %mul3A_2779 : i32
        %multiple_of3A_2781 = tpu.assume_multiple %mul3A_2780, 128 : i32
        %dma_start3A_2782 = arith.constant 0 : i32
        %dma_start3A_2783 = arith.constant 6 : i32
        %dma_start3A_2784 = arith.constant 0 : i32
        %dma_start3A_2785 = arith.constant 6 : i32
        %dma_start3A_2786 = arith.constant 0 : i32
        %dma_start3A_2787 = arith.constant 0 : i32
        %dma_start3A_2788 = tpu.memref_slice %arg6[%rem3A_2204, %dma_start3A_2783, %dma_start3A_2784, %dma_start3A_2786, %dma_start3A_2787] : memref<3x8x4x8x128xf32, #tpu.memory_space<vmem>> -> memref<1x1x1x8x128xf32, #tpu.memory_space<vmem>>
        %dma_start3A_2789 = tpu.memref_squeeze %dma_start3A_2788 : memref<1x1x1x8x128xf32, #tpu.memory_space<vmem>> -> memref<8x128xf32, #tpu.memory_space<vmem>>
        %dma_start3A_2790 = tpu.memref_reshape %arg3 : memref<32x1000000xf32, #tpu.memory_space<hbm>> -> memref<4x8x1000000xf32, #tpu.memory_space<hbm>>
        %dma_start3A_2791 = arith.constant 0 : i32
        %dma_start3A_2792 = tpu.memref_slice %dma_start3A_2790[%dma_start3A_2782, %dma_start3A_2791, %multiple_of3A_2781] : memref<4x8x1000000xf32, #tpu.memory_space<hbm>> -> memref<1x8x128xf32, #tpu.memory_space<hbm>>
        %dma_start3A_2793 = tpu.memref_squeeze %dma_start3A_2792 : memref<1x8x128xf32, #tpu.memory_space<hbm>> -> memref<8x128xf32, #tpu.memory_space<hbm>>
        %dma_start3A_2794 = tpu.memref_slice %arg8[%rem3A_2204, %dma_start3A_2785] : memref<3x8x!tpu.dma_semaphore, #tpu.memory_space<semaphore_mem>> -> memref<1x1x!tpu.dma_semaphore, #tpu.memory_space<semaphore_mem>>
        %dma_start3A_2795 = tpu.memref_squeeze %dma_start3A_2794 : memref<1x1x!tpu.dma_semaphore, #tpu.memory_space<semaphore_mem>> -> memref<!tpu.dma_semaphore, #tpu.memory_space<semaphore_mem>>
        %dma_start3A_2796 = arith.constant 0 : i32
        %dma_start3A_2797 = arith.constant 0 : i32
        %dma_start3A_2798 = tpu.memref_slice %arg6[%rem3A_2204, %dma_start3A_2783, %dma_start3A_2784, %dma_start3A_2796, %dma_start3A_2797] : memref<3x8x4x8x128xf32, #tpu.memory_space<vmem>> -> memref<1x1x1x8x128xf32, #tpu.memory_space<vmem>>
        %dma_start3A_2799 = tpu.memref_squeeze %dma_start3A_2798 : memref<1x1x1x8x128xf32, #tpu.memory_space<vmem>> -> memref<8x128xf32, #tpu.memory_space<vmem>>
        %dma_start3A_2800 = tpu.memref_reshape %arg3 : memref<32x1000000xf32, #tpu.memory_space<hbm>> -> memref<4x8x1000000xf32, #tpu.memory_space<hbm>>
        %dma_start3A_2801 = arith.constant 0 : i32
        %dma_start3A_2802 = tpu.memref_slice %dma_start3A_2800[%dma_start3A_2782, %dma_start3A_2801, %multiple_of3A_2781] : memref<4x8x1000000xf32, #tpu.memory_space<hbm>> -> memref<1x8x128xf32, #tpu.memory_space<hbm>>
        %dma_start3A_2803 = tpu.memref_squeeze %dma_start3A_2802 : memref<1x8x128xf32, #tpu.memory_space<hbm>> -> memref<8x128xf32, #tpu.memory_space<hbm>>
        tpu.enqueue_dma source(%dma_start3A_2803 : memref<8x128xf32, #tpu.memory_space<hbm>>) target(%dma_start3A_2799 : memref<8x128xf32, #tpu.memory_space<vmem>>) target_semaphore(%dma_start3A_2795 : memref<!tpu.dma_semaphore, #tpu.memory_space<semaphore_mem>>)
        %dma_start3A_2804 = arith.constant 1 : i32
        %dma_start3A_2805 = arith.constant 6 : i32
        %dma_start3A_2806 = arith.constant 1 : i32
        %dma_start3A_2807 = arith.constant 6 : i32
        %dma_start3A_2808 = arith.constant 0 : i32
        %dma_start3A_2809 = arith.constant 0 : i32
        %dma_start3A_2810 = tpu.memref_slice %arg6[%rem3A_2204, %dma_start3A_2805, %dma_start3A_2806, %dma_start3A_2808, %dma_start3A_2809] : memref<3x8x4x8x128xf32, #tpu.memory_space<vmem>> -> memref<1x1x1x8x128xf32, #tpu.memory_space<vmem>>
        %dma_start3A_2811 = tpu.memref_squeeze %dma_start3A_2810 : memref<1x1x1x8x128xf32, #tpu.memory_space<vmem>> -> memref<8x128xf32, #tpu.memory_space<vmem>>
        %dma_start3A_2812 = tpu.memref_reshape %arg3 : memref<32x1000000xf32, #tpu.memory_space<hbm>> -> memref<4x8x1000000xf32, #tpu.memory_space<hbm>>
        %dma_start3A_2813 = arith.constant 0 : i32
        %dma_start3A_2814 = tpu.memref_slice %dma_start3A_2812[%dma_start3A_2804, %dma_start3A_2813, %multiple_of3A_2781] : memref<4x8x1000000xf32, #tpu.memory_space<hbm>> -> memref<1x8x128xf32, #tpu.memory_space<hbm>>
        %dma_start3A_2815 = tpu.memref_squeeze %dma_start3A_2814 : memref<1x8x128xf32, #tpu.memory_space<hbm>> -> memref<8x128xf32, #tpu.memory_space<hbm>>
        %dma_start3A_2816 = tpu.memref_slice %arg8[%rem3A_2204, %dma_start3A_2807] : memref<3x8x!tpu.dma_semaphore, #tpu.memory_space<semaphore_mem>> -> memref<1x1x!tpu.dma_semaphore, #tpu.memory_space<semaphore_mem>>
        %dma_start3A_2817 = tpu.memref_squeeze %dma_start3A_2816 : memref<1x1x!tpu.dma_semaphore, #tpu.memory_space<semaphore_mem>> -> memref<!tpu.dma_semaphore, #tpu.memory_space<semaphore_mem>>
        %dma_start3A_2818 = arith.constant 0 : i32
        %dma_start3A_2819 = arith.constant 0 : i32
        %dma_start3A_2820 = tpu.memref_slice %arg6[%rem3A_2204, %dma_start3A_2805, %dma_start3A_2806, %dma_start3A_2818, %dma_start3A_2819] : memref<3x8x4x8x128xf32, #tpu.memory_space<vmem>> -> memref<1x1x1x8x128xf32, #tpu.memory_space<vmem>>
        %dma_start3A_2821 = tpu.memref_squeeze %dma_start3A_2820 : memref<1x1x1x8x128xf32, #tpu.memory_space<vmem>> -> memref<8x128xf32, #tpu.memory_space<vmem>>
        %dma_start3A_2822 = tpu.memref_reshape %arg3 : memref<32x1000000xf32, #tpu.memory_space<hbm>> -> memref<4x8x1000000xf32, #tpu.memory_space<hbm>>
        %dma_start3A_2823 = arith.constant 0 : i32
        %dma_start3A_2824 = tpu.memref_slice %dma_start3A_2822[%dma_start3A_2804, %dma_start3A_2823, %multiple_of3A_2781] : memref<4x8x1000000xf32, #tpu.memory_space<hbm>> -> memref<1x8x128xf32, #tpu.memory_space<hbm>>
        %dma_start3A_2825 = tpu.memref_squeeze %dma_start3A_2824 : memref<1x8x128xf32, #tpu.memory_space<hbm>> -> memref<8x128xf32, #tpu.memory_space<hbm>>
        tpu.enqueue_dma source(%dma_start3A_2825 : memref<8x128xf32, #tpu.memory_space<hbm>>) target(%dma_start3A_2821 : memref<8x128xf32, #tpu.memory_space<vmem>>) target_semaphore(%dma_start3A_2817 : memref<!tpu.dma_semaphore, #tpu.memory_space<semaphore_mem>>)
        %dma_start3A_2826 = arith.constant 2 : i32
        %dma_start3A_2827 = arith.constant 6 : i32
        %dma_start3A_2828 = arith.constant 2 : i32
        %dma_start3A_2829 = arith.constant 6 : i32
        %dma_start3A_2830 = arith.constant 0 : i32
        %dma_start3A_2831 = arith.constant 0 : i32
        %dma_start3A_2832 = tpu.memref_slice %arg6[%rem3A_2204, %dma_start3A_2827, %dma_start3A_2828, %dma_start3A_2830, %dma_start3A_2831] : memref<3x8x4x8x128xf32, #tpu.memory_space<vmem>> -> memref<1x1x1x8x128xf32, #tpu.memory_space<vmem>>
        %dma_start3A_2833 = tpu.memref_squeeze %dma_start3A_2832 : memref<1x1x1x8x128xf32, #tpu.memory_space<vmem>> -> memref<8x128xf32, #tpu.memory_space<vmem>>
        %dma_start3A_2834 = tpu.memref_reshape %arg3 : memref<32x1000000xf32, #tpu.memory_space<hbm>> -> memref<4x8x1000000xf32, #tpu.memory_space<hbm>>
        %dma_start3A_2835 = arith.constant 0 : i32
        %dma_start3A_2836 = tpu.memref_slice %dma_start3A_2834[%dma_start3A_2826, %dma_start3A_2835, %multiple_of3A_2781] : memref<4x8x1000000xf32, #tpu.memory_space<hbm>> -> memref<1x8x128xf32, #tpu.memory_space<hbm>>
        %dma_start3A_2837 = tpu.memref_squeeze %dma_start3A_2836 : memref<1x8x128xf32, #tpu.memory_space<hbm>> -> memref<8x128xf32, #tpu.memory_space<hbm>>
        %dma_start3A_2838 = tpu.memref_slice %arg8[%rem3A_2204, %dma_start3A_2829] : memref<3x8x!tpu.dma_semaphore, #tpu.memory_space<semaphore_mem>> -> memref<1x1x!tpu.dma_semaphore, #tpu.memory_space<semaphore_mem>>
        %dma_start3A_2839 = tpu.memref_squeeze %dma_start3A_2838 : memref<1x1x!tpu.dma_semaphore, #tpu.memory_space<semaphore_mem>> -> memref<!tpu.dma_semaphore, #tpu.memory_space<semaphore_mem>>
        %dma_start3A_2840 = arith.constant 0 : i32
        %dma_start3A_2841 = arith.constant 0 : i32
        %dma_start3A_2842 = tpu.memref_slice %arg6[%rem3A_2204, %dma_start3A_2827, %dma_start3A_2828, %dma_start3A_2840, %dma_start3A_2841] : memref<3x8x4x8x128xf32, #tpu.memory_space<vmem>> -> memref<1x1x1x8x128xf32, #tpu.memory_space<vmem>>
        %dma_start3A_2843 = tpu.memref_squeeze %dma_start3A_2842 : memref<1x1x1x8x128xf32, #tpu.memory_space<vmem>> -> memref<8x128xf32, #tpu.memory_space<vmem>>
        %dma_start3A_2844 = tpu.memref_reshape %arg3 : memref<32x1000000xf32, #tpu.memory_space<hbm>> -> memref<4x8x1000000xf32, #tpu.memory_space<hbm>>
        %dma_start3A_2845 = arith.constant 0 : i32
        %dma_start3A_2846 = tpu.memref_slice %dma_start3A_2844[%dma_start3A_2826, %dma_start3A_2845, %multiple_of3A_2781] : memref<4x8x1000000xf32, #tpu.memory_space<hbm>> -> memref<1x8x128xf32, #tpu.memory_space<hbm>>
        %dma_start3A_2847 = tpu.memref_squeeze %dma_start3A_2846 : memref<1x8x128xf32, #tpu.memory_space<hbm>> -> memref<8x128xf32, #tpu.memory_space<hbm>>
        tpu.enqueue_dma source(%dma_start3A_2847 : memref<8x128xf32, #tpu.memory_space<hbm>>) target(%dma_start3A_2843 : memref<8x128xf32, #tpu.memory_space<vmem>>) target_semaphore(%dma_start3A_2839 : memref<!tpu.dma_semaphore, #tpu.memory_space<semaphore_mem>>)
        %dma_start3A_2848 = arith.constant 3 : i32
        %dma_start3A_2849 = arith.constant 6 : i32
        %dma_start3A_2850 = arith.constant 3 : i32
        %dma_start3A_2851 = arith.constant 6 : i32
        %dma_start3A_2852 = arith.constant 0 : i32
        %dma_start3A_2853 = arith.constant 0 : i32
        %dma_start3A_2854 = tpu.memref_slice %arg6[%rem3A_2204, %dma_start3A_2849, %dma_start3A_2850, %dma_start3A_2852, %dma_start3A_2853] : memref<3x8x4x8x128xf32, #tpu.memory_space<vmem>> -> memref<1x1x1x8x128xf32, #tpu.memory_space<vmem>>
        %dma_start3A_2855 = tpu.memref_squeeze %dma_start3A_2854 : memref<1x1x1x8x128xf32, #tpu.memory_space<vmem>> -> memref<8x128xf32, #tpu.memory_space<vmem>>
        %dma_start3A_2856 = tpu.memref_reshape %arg3 : memref<32x1000000xf32, #tpu.memory_space<hbm>> -> memref<4x8x1000000xf32, #tpu.memory_space<hbm>>
        %dma_start3A_2857 = arith.constant 0 : i32
        %dma_start3A_2858 = tpu.memref_slice %dma_start3A_2856[%dma_start3A_2848, %dma_start3A_2857, %multiple_of3A_2781] : memref<4x8x1000000xf32, #tpu.memory_space<hbm>> -> memref<1x8x128xf32, #tpu.memory_space<hbm>>
        %dma_start3A_2859 = tpu.memref_squeeze %dma_start3A_2858 : memref<1x8x128xf32, #tpu.memory_space<hbm>> -> memref<8x128xf32, #tpu.memory_space<hbm>>
        %dma_start3A_2860 = tpu.memref_slice %arg8[%rem3A_2204, %dma_start3A_2851] : memref<3x8x!tpu.dma_semaphore, #tpu.memory_space<semaphore_mem>> -> memref<1x1x!tpu.dma_semaphore, #tpu.memory_space<semaphore_mem>>
        %dma_start3A_2861 = tpu.memref_squeeze %dma_start3A_2860 : memref<1x1x!tpu.dma_semaphore, #tpu.memory_space<semaphore_mem>> -> memref<!tpu.dma_semaphore, #tpu.memory_space<semaphore_mem>>
        %dma_start3A_2862 = arith.constant 0 : i32
        %dma_start3A_2863 = arith.constant 0 : i32
        %dma_start3A_2864 = tpu.memref_slice %arg6[%rem3A_2204, %dma_start3A_2849, %dma_start3A_2850, %dma_start3A_2862, %dma_start3A_2863] : memref<3x8x4x8x128xf32, #tpu.memory_space<vmem>> -> memref<1x1x1x8x128xf32, #tpu.memory_space<vmem>>
        %dma_start3A_2865 = tpu.memref_squeeze %dma_start3A_2864 : memref<1x1x1x8x128xf32, #tpu.memory_space<vmem>> -> memref<8x128xf32, #tpu.memory_space<vmem>>
        %dma_start3A_2866 = tpu.memref_reshape %arg3 : memref<32x1000000xf32, #tpu.memory_space<hbm>> -> memref<4x8x1000000xf32, #tpu.memory_space<hbm>>
        %dma_start3A_2867 = arith.constant 0 : i32
        %dma_start3A_2868 = tpu.memref_slice %dma_start3A_2866[%dma_start3A_2848, %dma_start3A_2867, %multiple_of3A_2781] : memref<4x8x1000000xf32, #tpu.memory_space<hbm>> -> memref<1x8x128xf32, #tpu.memory_space<hbm>>
        %dma_start3A_2869 = tpu.memref_squeeze %dma_start3A_2868 : memref<1x8x128xf32, #tpu.memory_space<hbm>> -> memref<8x128xf32, #tpu.memory_space<hbm>>
        tpu.enqueue_dma source(%dma_start3A_2869 : memref<8x128xf32, #tpu.memory_space<hbm>>) target(%dma_start3A_2865 : memref<8x128xf32, #tpu.memory_space<vmem>>) target_semaphore(%dma_start3A_2861 : memref<!tpu.dma_semaphore, #tpu.memory_space<semaphore_mem>>)
        %slice3A_2870 = vector.extract_strided_slice %get3A_1671 {offsets = [7], sizes = [1], strides = [1]} : vector<16xi32> to vector<1xi32>
        %squeeze3A_2871 = vector.extract %slice3A_2870[0] : i32 from vector<1xi32>
        %shift_right_arithmetic3A_2872 = arith.constant 7 : i32
        %shift_right_arithmetic3A_2873 = arith.shrsi %squeeze3A_2871, %shift_right_arithmetic3A_2872 : i32
        %mul3A_2874 = arith.constant 128 : i32
        %mul3A_2875 = arith.muli %shift_right_arithmetic3A_2873, %mul3A_2874 : i32
        %multiple_of3A_2876 = tpu.assume_multiple %mul3A_2875, 128 : i32
        %dma_start3A_2877 = arith.constant 0 : i32
        %dma_start3A_2878 = arith.constant 7 : i32
        %dma_start3A_2879 = arith.constant 0 : i32
        %dma_start3A_2880 = arith.constant 7 : i32
        %dma_start3A_2881 = arith.constant 0 : i32
        %dma_start3A_2882 = arith.constant 0 : i32
        %dma_start3A_2883 = tpu.memref_slice %arg6[%rem3A_2204, %dma_start3A_2878, %dma_start3A_2879, %dma_start3A_2881, %dma_start3A_2882] : memref<3x8x4x8x128xf32, #tpu.memory_space<vmem>> -> memref<1x1x1x8x128xf32, #tpu.memory_space<vmem>>
        %dma_start3A_2884 = tpu.memref_squeeze %dma_start3A_2883 : memref<1x1x1x8x128xf32, #tpu.memory_space<vmem>> -> memref<8x128xf32, #tpu.memory_space<vmem>>
        %dma_start3A_2885 = tpu.memref_reshape %arg3 : memref<32x1000000xf32, #tpu.memory_space<hbm>> -> memref<4x8x1000000xf32, #tpu.memory_space<hbm>>
        %dma_start3A_2886 = arith.constant 0 : i32
        %dma_start3A_2887 = tpu.memref_slice %dma_start3A_2885[%dma_start3A_2877, %dma_start3A_2886, %multiple_of3A_2876] : memref<4x8x1000000xf32, #tpu.memory_space<hbm>> -> memref<1x8x128xf32, #tpu.memory_space<hbm>>
        %dma_start3A_2888 = tpu.memref_squeeze %dma_start3A_2887 : memref<1x8x128xf32, #tpu.memory_space<hbm>> -> memref<8x128xf32, #tpu.memory_space<hbm>>
        %dma_start3A_2889 = tpu.memref_slice %arg8[%rem3A_2204, %dma_start3A_2880] : memref<3x8x!tpu.dma_semaphore, #tpu.memory_space<semaphore_mem>> -> memref<1x1x!tpu.dma_semaphore, #tpu.memory_space<semaphore_mem>>
        %dma_start3A_2890 = tpu.memref_squeeze %dma_start3A_2889 : memref<1x1x!tpu.dma_semaphore, #tpu.memory_space<semaphore_mem>> -> memref<!tpu.dma_semaphore, #tpu.memory_space<semaphore_mem>>
        %dma_start3A_2891 = arith.constant 0 : i32
        %dma_start3A_2892 = arith.constant 0 : i32
        %dma_start3A_2893 = tpu.memref_slice %arg6[%rem3A_2204, %dma_start3A_2878, %dma_start3A_2879, %dma_start3A_2891, %dma_start3A_2892] : memref<3x8x4x8x128xf32, #tpu.memory_space<vmem>> -> memref<1x1x1x8x128xf32, #tpu.memory_space<vmem>>
        %dma_start3A_2894 = tpu.memref_squeeze %dma_start3A_2893 : memref<1x1x1x8x128xf32, #tpu.memory_space<vmem>> -> memref<8x128xf32, #tpu.memory_space<vmem>>
        %dma_start3A_2895 = tpu.memref_reshape %arg3 : memref<32x1000000xf32, #tpu.memory_space<hbm>> -> memref<4x8x1000000xf32, #tpu.memory_space<hbm>>
        %dma_start3A_2896 = arith.constant 0 : i32
        %dma_start3A_2897 = tpu.memref_slice %dma_start3A_2895[%dma_start3A_2877, %dma_start3A_2896, %multiple_of3A_2876] : memref<4x8x1000000xf32, #tpu.memory_space<hbm>> -> memref<1x8x128xf32, #tpu.memory_space<hbm>>
        %dma_start3A_2898 = tpu.memref_squeeze %dma_start3A_2897 : memref<1x8x128xf32, #tpu.memory_space<hbm>> -> memref<8x128xf32, #tpu.memory_space<hbm>>
        tpu.enqueue_dma source(%dma_start3A_2898 : memref<8x128xf32, #tpu.memory_space<hbm>>) target(%dma_start3A_2894 : memref<8x128xf32, #tpu.memory_space<vmem>>) target_semaphore(%dma_start3A_2890 : memref<!tpu.dma_semaphore, #tpu.memory_space<semaphore_mem>>)
        %dma_start3A_2899 = arith.constant 1 : i32
        %dma_start3A_2900 = arith.constant 7 : i32
        %dma_start3A_2901 = arith.constant 1 : i32
        %dma_start3A_2902 = arith.constant 7 : i32
        %dma_start3A_2903 = arith.constant 0 : i32
        %dma_start3A_2904 = arith.constant 0 : i32
        %dma_start3A_2905 = tpu.memref_slice %arg6[%rem3A_2204, %dma_start3A_2900, %dma_start3A_2901, %dma_start3A_2903, %dma_start3A_2904] : memref<3x8x4x8x128xf32, #tpu.memory_space<vmem>> -> memref<1x1x1x8x128xf32, #tpu.memory_space<vmem>>
        %dma_start3A_2906 = tpu.memref_squeeze %dma_start3A_2905 : memref<1x1x1x8x128xf32, #tpu.memory_space<vmem>> -> memref<8x128xf32, #tpu.memory_space<vmem>>
        %dma_start3A_2907 = tpu.memref_reshape %arg3 : memref<32x1000000xf32, #tpu.memory_space<hbm>> -> memref<4x8x1000000xf32, #tpu.memory_space<hbm>>
        %dma_start3A_2908 = arith.constant 0 : i32
        %dma_start3A_2909 = tpu.memref_slice %dma_start3A_2907[%dma_start3A_2899, %dma_start3A_2908, %multiple_of3A_2876] : memref<4x8x1000000xf32, #tpu.memory_space<hbm>> -> memref<1x8x128xf32, #tpu.memory_space<hbm>>
        %dma_start3A_2910 = tpu.memref_squeeze %dma_start3A_2909 : memref<1x8x128xf32, #tpu.memory_space<hbm>> -> memref<8x128xf32, #tpu.memory_space<hbm>>
        %dma_start3A_2911 = tpu.memref_slice %arg8[%rem3A_2204, %dma_start3A_2902] : memref<3x8x!tpu.dma_semaphore, #tpu.memory_space<semaphore_mem>> -> memref<1x1x!tpu.dma_semaphore, #tpu.memory_space<semaphore_mem>>
        %dma_start3A_2912 = tpu.memref_squeeze %dma_start3A_2911 : memref<1x1x!tpu.dma_semaphore, #tpu.memory_space<semaphore_mem>> -> memref<!tpu.dma_semaphore, #tpu.memory_space<semaphore_mem>>
        %dma_start3A_2913 = arith.constant 0 : i32
        %dma_start3A_2914 = arith.constant 0 : i32
        %dma_start3A_2915 = tpu.memref_slice %arg6[%rem3A_2204, %dma_start3A_2900, %dma_start3A_2901, %dma_start3A_2913, %dma_start3A_2914] : memref<3x8x4x8x128xf32, #tpu.memory_space<vmem>> -> memref<1x1x1x8x128xf32, #tpu.memory_space<vmem>>
        %dma_start3A_2916 = tpu.memref_squeeze %dma_start3A_2915 : memref<1x1x1x8x128xf32, #tpu.memory_space<vmem>> -> memref<8x128xf32, #tpu.memory_space<vmem>>
        %dma_start3A_2917 = tpu.memref_reshape %arg3 : memref<32x1000000xf32, #tpu.memory_space<hbm>> -> memref<4x8x1000000xf32, #tpu.memory_space<hbm>>
        %dma_start3A_2918 = arith.constant 0 : i32
        %dma_start3A_2919 = tpu.memref_slice %dma_start3A_2917[%dma_start3A_2899, %dma_start3A_2918, %multiple_of3A_2876] : memref<4x8x1000000xf32, #tpu.memory_space<hbm>> -> memref<1x8x128xf32, #tpu.memory_space<hbm>>
        %dma_start3A_2920 = tpu.memref_squeeze %dma_start3A_2919 : memref<1x8x128xf32, #tpu.memory_space<hbm>> -> memref<8x128xf32, #tpu.memory_space<hbm>>
        tpu.enqueue_dma source(%dma_start3A_2920 : memref<8x128xf32, #tpu.memory_space<hbm>>) target(%dma_start3A_2916 : memref<8x128xf32, #tpu.memory_space<vmem>>) target_semaphore(%dma_start3A_2912 : memref<!tpu.dma_semaphore, #tpu.memory_space<semaphore_mem>>)
        %dma_start3A_2921 = arith.constant 2 : i32
        %dma_start3A_2922 = arith.constant 7 : i32
        %dma_start3A_2923 = arith.constant 2 : i32
        %dma_start3A_2924 = arith.constant 7 : i32
        %dma_start3A_2925 = arith.constant 0 : i32
        %dma_start3A_2926 = arith.constant 0 : i32
        %dma_start3A_2927 = tpu.memref_slice %arg6[%rem3A_2204, %dma_start3A_2922, %dma_start3A_2923, %dma_start3A_2925, %dma_start3A_2926] : memref<3x8x4x8x128xf32, #tpu.memory_space<vmem>> -> memref<1x1x1x8x128xf32, #tpu.memory_space<vmem>>
        %dma_start3A_2928 = tpu.memref_squeeze %dma_start3A_2927 : memref<1x1x1x8x128xf32, #tpu.memory_space<vmem>> -> memref<8x128xf32, #tpu.memory_space<vmem>>
        %dma_start3A_2929 = tpu.memref_reshape %arg3 : memref<32x1000000xf32, #tpu.memory_space<hbm>> -> memref<4x8x1000000xf32, #tpu.memory_space<hbm>>
        %dma_start3A_2930 = arith.constant 0 : i32
        %dma_start3A_2931 = tpu.memref_slice %dma_start3A_2929[%dma_start3A_2921, %dma_start3A_2930, %multiple_of3A_2876] : memref<4x8x1000000xf32, #tpu.memory_space<hbm>> -> memref<1x8x128xf32, #tpu.memory_space<hbm>>
        %dma_start3A_2932 = tpu.memref_squeeze %dma_start3A_2931 : memref<1x8x128xf32, #tpu.memory_space<hbm>> -> memref<8x128xf32, #tpu.memory_space<hbm>>
        %dma_start3A_2933 = tpu.memref_slice %arg8[%rem3A_2204, %dma_start3A_2924] : memref<3x8x!tpu.dma_semaphore, #tpu.memory_space<semaphore_mem>> -> memref<1x1x!tpu.dma_semaphore, #tpu.memory_space<semaphore_mem>>
        %dma_start3A_2934 = tpu.memref_squeeze %dma_start3A_2933 : memref<1x1x!tpu.dma_semaphore, #tpu.memory_space<semaphore_mem>> -> memref<!tpu.dma_semaphore, #tpu.memory_space<semaphore_mem>>
        %dma_start3A_2935 = arith.constant 0 : i32
        %dma_start3A_2936 = arith.constant 0 : i32
        %dma_start3A_2937 = tpu.memref_slice %arg6[%rem3A_2204, %dma_start3A_2922, %dma_start3A_2923, %dma_start3A_2935, %dma_start3A_2936] : memref<3x8x4x8x128xf32, #tpu.memory_space<vmem>> -> memref<1x1x1x8x128xf32, #tpu.memory_space<vmem>>
        %dma_start3A_2938 = tpu.memref_squeeze %dma_start3A_2937 : memref<1x1x1x8x128xf32, #tpu.memory_space<vmem>> -> memref<8x128xf32, #tpu.memory_space<vmem>>
        %dma_start3A_2939 = tpu.memref_reshape %arg3 : memref<32x1000000xf32, #tpu.memory_space<hbm>> -> memref<4x8x1000000xf32, #tpu.memory_space<hbm>>
        %dma_start3A_2940 = arith.constant 0 : i32
        %dma_start3A_2941 = tpu.memref_slice %dma_start3A_2939[%dma_start3A_2921, %dma_start3A_2940, %multiple_of3A_2876] : memref<4x8x1000000xf32, #tpu.memory_space<hbm>> -> memref<1x8x128xf32, #tpu.memory_space<hbm>>
        %dma_start3A_2942 = tpu.memref_squeeze %dma_start3A_2941 : memref<1x8x128xf32, #tpu.memory_space<hbm>> -> memref<8x128xf32, #tpu.memory_space<hbm>>
        tpu.enqueue_dma source(%dma_start3A_2942 : memref<8x128xf32, #tpu.memory_space<hbm>>) target(%dma_start3A_2938 : memref<8x128xf32, #tpu.memory_space<vmem>>) target_semaphore(%dma_start3A_2934 : memref<!tpu.dma_semaphore, #tpu.memory_space<semaphore_mem>>)
        %dma_start3A_2943 = arith.constant 3 : i32
        %dma_start3A_2944 = arith.constant 7 : i32
        %dma_start3A_2945 = arith.constant 3 : i32
        %dma_start3A_2946 = arith.constant 7 : i32
        %dma_start3A_2947 = arith.constant 0 : i32
        %dma_start3A_2948 = arith.constant 0 : i32
        %dma_start3A_2949 = tpu.memref_slice %arg6[%rem3A_2204, %dma_start3A_2944, %dma_start3A_2945, %dma_start3A_2947, %dma_start3A_2948] : memref<3x8x4x8x128xf32, #tpu.memory_space<vmem>> -> memref<1x1x1x8x128xf32, #tpu.memory_space<vmem>>
        %dma_start3A_2950 = tpu.memref_squeeze %dma_start3A_2949 : memref<1x1x1x8x128xf32, #tpu.memory_space<vmem>> -> memref<8x128xf32, #tpu.memory_space<vmem>>
        %dma_start3A_2951 = tpu.memref_reshape %arg3 : memref<32x1000000xf32, #tpu.memory_space<hbm>> -> memref<4x8x1000000xf32, #tpu.memory_space<hbm>>
        %dma_start3A_2952 = arith.constant 0 : i32
        %dma_start3A_2953 = tpu.memref_slice %dma_start3A_2951[%dma_start3A_2943, %dma_start3A_2952, %multiple_of3A_2876] : memref<4x8x1000000xf32, #tpu.memory_space<hbm>> -> memref<1x8x128xf32, #tpu.memory_space<hbm>>
        %dma_start3A_2954 = tpu.memref_squeeze %dma_start3A_2953 : memref<1x8x128xf32, #tpu.memory_space<hbm>> -> memref<8x128xf32, #tpu.memory_space<hbm>>
        %dma_start3A_2955 = tpu.memref_slice %arg8[%rem3A_2204, %dma_start3A_2946] : memref<3x8x!tpu.dma_semaphore, #tpu.memory_space<semaphore_mem>> -> memref<1x1x!tpu.dma_semaphore, #tpu.memory_space<semaphore_mem>>
        %dma_start3A_2956 = tpu.memref_squeeze %dma_start3A_2955 : memref<1x1x!tpu.dma_semaphore, #tpu.memory_space<semaphore_mem>> -> memref<!tpu.dma_semaphore, #tpu.memory_space<semaphore_mem>>
        %dma_start3A_2957 = arith.constant 0 : i32
        %dma_start3A_2958 = arith.constant 0 : i32
        %dma_start3A_2959 = tpu.memref_slice %arg6[%rem3A_2204, %dma_start3A_2944, %dma_start3A_2945, %dma_start3A_2957, %dma_start3A_2958] : memref<3x8x4x8x128xf32, #tpu.memory_space<vmem>> -> memref<1x1x1x8x128xf32, #tpu.memory_space<vmem>>
        %dma_start3A_2960 = tpu.memref_squeeze %dma_start3A_2959 : memref<1x1x1x8x128xf32, #tpu.memory_space<vmem>> -> memref<8x128xf32, #tpu.memory_space<vmem>>
        %dma_start3A_2961 = tpu.memref_reshape %arg3 : memref<32x1000000xf32, #tpu.memory_space<hbm>> -> memref<4x8x1000000xf32, #tpu.memory_space<hbm>>
        %dma_start3A_2962 = arith.constant 0 : i32
        %dma_start3A_2963 = tpu.memref_slice %dma_start3A_2961[%dma_start3A_2943, %dma_start3A_2962, %multiple_of3A_2876] : memref<4x8x1000000xf32, #tpu.memory_space<hbm>> -> memref<1x8x128xf32, #tpu.memory_space<hbm>>
        %dma_start3A_2964 = tpu.memref_squeeze %dma_start3A_2963 : memref<1x8x128xf32, #tpu.memory_space<hbm>> -> memref<8x128xf32, #tpu.memory_space<hbm>>
        tpu.enqueue_dma source(%dma_start3A_2964 : memref<8x128xf32, #tpu.memory_space<hbm>>) target(%dma_start3A_2960 : memref<8x128xf32, #tpu.memory_space<vmem>>) target_semaphore(%dma_start3A_2956 : memref<!tpu.dma_semaphore, #tpu.memory_space<semaphore_mem>>)
      } else {
      }
      %slice3A_1676 = vector.extract_strided_slice %scan3A_1659 {offsets = [0], sizes = [1], strides = [1]} : vector<16xi32> to vector<1xi32>
      %squeeze3A_1677 = vector.extract %slice3A_1676[0] : i32 from vector<1xi32>
      %dma_wait3A = arith.constant 0 : i32
      %dma_wait3A_1678 = arith.constant 0 : i32
      %dma_wait3A_1679 = arith.constant 0 : i32
      %dma_wait3A_1680 = arith.constant 0 : i32
      %dma_wait3A_1681 = arith.constant 0 : i32
      %dma_wait3A_1682 = tpu.memref_slice %arg6[%rem3A_1661, %dma_wait3A, %dma_wait3A_1679, %dma_wait3A_1680, %dma_wait3A_1681] : memref<3x8x4x8x128xf32, #tpu.memory_space<vmem>> -> memref<1x1x4x8x128xf32, #tpu.memory_space<vmem>>
      %dma_wait3A_1683 = tpu.memref_squeeze %dma_wait3A_1682 : memref<1x1x4x8x128xf32, #tpu.memory_space<vmem>> -> memref<4x8x128xf32, #tpu.memory_space<vmem>>
      %dma_wait3A_1684 = tpu.memref_reshape %arg3 : memref<32x1000000xf32, #tpu.memory_space<hbm>> -> memref<4x8x1000000xf32, #tpu.memory_space<hbm>>
      %dma_wait3A_1685 = arith.constant 0 : i32
      %dma_wait3A_1686 = arith.constant 0 : i32
      %dma_wait3A_1687 = arith.constant 0 : i32
      %dma_wait3A_1688 = tpu.memref_slice %dma_wait3A_1684[%dma_wait3A_1685, %dma_wait3A_1686, %dma_wait3A_1687] : memref<4x8x1000000xf32, #tpu.memory_space<hbm>> -> memref<4x8x128xf32, #tpu.memory_space<hbm>>
      %dma_wait3A_1689 = tpu.memref_slice %arg8[%rem3A_1661, %dma_wait3A_1678] : memref<3x8x!tpu.dma_semaphore, #tpu.memory_space<semaphore_mem>> -> memref<1x1x!tpu.dma_semaphore, #tpu.memory_space<semaphore_mem>>
      %dma_wait3A_1690 = tpu.memref_squeeze %dma_wait3A_1689 : memref<1x1x!tpu.dma_semaphore, #tpu.memory_space<semaphore_mem>> -> memref<!tpu.dma_semaphore, #tpu.memory_space<semaphore_mem>>
      %dma_wait3A_1691 = arith.constant 0 : i32
      %dma_wait3A_1692 = arith.constant 0 : i32
      %dma_wait3A_1693 = arith.constant 0 : i32
      %dma_wait3A_1694 = tpu.memref_slice %arg6[%rem3A_1661, %dma_wait3A, %dma_wait3A_1691, %dma_wait3A_1692, %dma_wait3A_1693] : memref<3x8x4x8x128xf32, #tpu.memory_space<vmem>> -> memref<1x1x4x8x128xf32, #tpu.memory_space<vmem>>
      %dma_wait3A_1695 = tpu.memref_squeeze %dma_wait3A_1694 : memref<1x1x4x8x128xf32, #tpu.memory_space<vmem>> -> memref<4x8x128xf32, #tpu.memory_space<vmem>>
      %dma_wait3A_1696 = tpu.memref_reshape %arg3 : memref<32x1000000xf32, #tpu.memory_space<hbm>> -> memref<4x8x1000000xf32, #tpu.memory_space<hbm>>
      %dma_wait3A_1697 = arith.constant 0 : i32
      %dma_wait3A_1698 = arith.constant 0 : i32
      %dma_wait3A_1699 = arith.constant 0 : i32
      %dma_wait3A_1700 = tpu.memref_slice %dma_wait3A_1696[%dma_wait3A_1697, %dma_wait3A_1698, %dma_wait3A_1699] : memref<4x8x1000000xf32, #tpu.memory_space<hbm>> -> memref<4x8x128xf32, #tpu.memory_space<hbm>>
      tpu.wait_dma2 semaphore(%dma_wait3A_1690 : memref<!tpu.dma_semaphore, #tpu.memory_space<semaphore_mem>>) src(%dma_wait3A_1700 : memref<4x8x128xf32, #tpu.memory_space<hbm>>) dst(%dma_wait3A_1695 : memref<4x8x128xf32, #tpu.memory_space<vmem>>)
      %and3A_1701 = arith.constant 127 : i32
      %and3A_1702 = arith.andi %squeeze3A_1677, %and3A_1701 : i32
      %broadcast_in_dim3A = vector.broadcast %and3A_1702 : i32 to vector<16xi32>
      %mul3A_1703 = arith.constant 8 : i32
      %mul3A_1704 = arith.muli %scan3A_1658, %mul3A_1703 : i32
      %add3A_1705 = arith.constant 0 : i32
      %add3A_1706 = arith.addi %mul3A_1704, %add3A_1705 : i32
      %broadcast_in_dim3A_1707 = vector.broadcast %add3A_1706 : i32 to vector<16xi32>
      %add3A_1708 = arith.constant 0 : i32
      %add3A_1709 = vector.broadcast %add3A_1708 : i32 to vector<16xi32>
      %add3A_1710 = arith.addi %iota3A, %add3A_1709 : vector<16xi32>
      %shift_right_arithmetic3A_1711 = arith.constant 3 : i32
      %shift_right_arithmetic3A_1712 = vector.broadcast %shift_right_arithmetic3A_1711 : i32 to vector<16xi32>
      %shift_right_arithmetic3A_1713 = arith.shrsi %add3A_1710, %shift_right_arithmetic3A_1712 : vector<16xi32>
      %and3A_1714 = arith.constant 7 : i32
      %and3A_1715 = vector.broadcast %and3A_1714 : i32 to vector<16xi32>
      %and3A_1716 = arith.andi %add3A_1710, %and3A_1715 : vector<16xi32>
      %gather3A = arith.constant 0 : i32
      %gather3A_1717 = arith.constant 0 : i32
      %gather3A_1718 = arith.constant 0 : i32
      %gather3A_1719 = arith.constant 0 : i32
      %gather3A_1720 = tpu.memref_slice %arg6[%rem3A_1661, %gather3A, %gather3A_1717, %gather3A_1718, %gather3A_1719] : memref<3x8x4x8x128xf32, #tpu.memory_space<vmem>> -> memref<1x1x4x8x128xf32, #tpu.memory_space<vmem>>
      %gather3A_1721 = tpu.memref_squeeze %gather3A_1720 : memref<1x1x4x8x128xf32, #tpu.memory_space<vmem>> -> memref<4x8x128xf32, #tpu.memory_space<vmem>>
      %gather3A_1722 = tpu.vector_load_idx %gather3A_1721[%shift_right_arithmetic3A_1713, %and3A_1716, %broadcast_in_dim3A] : memref<4x8x128xf32, #tpu.memory_space<vmem>>[vector<16xi32>, vector<16xi32>, vector<16xi32>], vector<16xf32>,
      tpu.vector_store_idx %arg7[%add3A_1710, %broadcast_in_dim3A_1707], %gather3A_1722 : memref<32x512xf32, #tpu.memory_space<vmem>>[vector<16xi32>, vector<16xi32>], vector<16xf32>,
      %add3A_1723 = arith.constant 16 : i32
      %add3A_1724 = vector.broadcast %add3A_1723 : i32 to vector<16xi32>
      %add3A_1725 = arith.addi %iota3A, %add3A_1724 : vector<16xi32>
      %shift_right_arithmetic3A_1726 = arith.constant 3 : i32
      %shift_right_arithmetic3A_1727 = vector.broadcast %shift_right_arithmetic3A_1726 : i32 to vector<16xi32>
      %shift_right_arithmetic3A_1728 = arith.shrsi %add3A_1725, %shift_right_arithmetic3A_1727 : vector<16xi32>
      %and3A_1729 = arith.constant 7 : i32
      %and3A_1730 = vector.broadcast %and3A_1729 : i32 to vector<16xi32>
      %and3A_1731 = arith.andi %add3A_1725, %and3A_1730 : vector<16xi32>
      %gather3A_1732 = arith.constant 0 : i32
      %gather3A_1733 = arith.constant 0 : i32
      %gather3A_1734 = arith.constant 0 : i32
      %gather3A_1735 = arith.constant 0 : i32
      %gather3A_1736 = tpu.memref_slice %arg6[%rem3A_1661, %gather3A_1732, %gather3A_1733, %gather3A_1734, %gather3A_1735] : memref<3x8x4x8x128xf32, #tpu.memory_space<vmem>> -> memref<1x1x4x8x128xf32, #tpu.memory_space<vmem>>
      %gather3A_1737 = tpu.memref_squeeze %gather3A_1736 : memref<1x1x4x8x128xf32, #tpu.memory_space<vmem>> -> memref<4x8x128xf32, #tpu.memory_space<vmem>>
      %gather3A_1738 = tpu.vector_load_idx %gather3A_1737[%shift_right_arithmetic3A_1728, %and3A_1731, %broadcast_in_dim3A] : memref<4x8x128xf32, #tpu.memory_space<vmem>>[vector<16xi32>, vector<16xi32>, vector<16xi32>], vector<16xf32>,
      tpu.vector_store_idx %arg7[%add3A_1725, %broadcast_in_dim3A_1707], %gather3A_1738 : memref<32x512xf32, #tpu.memory_space<vmem>>[vector<16xi32>, vector<16xi32>], vector<16xf32>,
      %slice3A_1739 = vector.extract_strided_slice %scan3A_1659 {offsets = [1], sizes = [1], strides = [1]} : vector<16xi32> to vector<1xi32>
      %squeeze3A_1740 = vector.extract %slice3A_1739[0] : i32 from vector<1xi32>
      %dma_wait3A_1741 = arith.constant 1 : i32
      %dma_wait3A_1742 = arith.constant 1 : i32
      %dma_wait3A_1743 = arith.constant 0 : i32
      %dma_wait3A_1744 = arith.constant 0 : i32
      %dma_wait3A_1745 = arith.constant 0 : i32
      %dma_wait3A_1746 = tpu.memref_slice %arg6[%rem3A_1661, %dma_wait3A_1741, %dma_wait3A_1743, %dma_wait3A_1744, %dma_wait3A_1745] : memref<3x8x4x8x128xf32, #tpu.memory_space<vmem>> -> memref<1x1x4x8x128xf32, #tpu.memory_space<vmem>>
      %dma_wait3A_1747 = tpu.memref_squeeze %dma_wait3A_1746 : memref<1x1x4x8x128xf32, #tpu.memory_space<vmem>> -> memref<4x8x128xf32, #tpu.memory_space<vmem>>
      %dma_wait3A_1748 = tpu.memref_reshape %arg3 : memref<32x1000000xf32, #tpu.memory_space<hbm>> -> memref<4x8x1000000xf32, #tpu.memory_space<hbm>>
      %dma_wait3A_1749 = arith.constant 0 : i32
      %dma_wait3A_1750 = arith.constant 0 : i32
      %dma_wait3A_1751 = arith.constant 0 : i32
      %dma_wait3A_1752 = tpu.memref_slice %dma_wait3A_1748[%dma_wait3A_1749, %dma_wait3A_1750, %dma_wait3A_1751] : memref<4x8x1000000xf32, #tpu.memory_space<hbm>> -> memref<4x8x128xf32, #tpu.memory_space<hbm>>
      %dma_wait3A_1753 = tpu.memref_slice %arg8[%rem3A_1661, %dma_wait3A_1742] : memref<3x8x!tpu.dma_semaphore, #tpu.memory_space<semaphore_mem>> -> memref<1x1x!tpu.dma_semaphore, #tpu.memory_space<semaphore_mem>>
      %dma_wait3A_1754 = tpu.memref_squeeze %dma_wait3A_1753 : memref<1x1x!tpu.dma_semaphore, #tpu.memory_space<semaphore_mem>> -> memref<!tpu.dma_semaphore, #tpu.memory_space<semaphore_mem>>
      %dma_wait3A_1755 = arith.constant 0 : i32
      %dma_wait3A_1756 = arith.constant 0 : i32
      %dma_wait3A_1757 = arith.constant 0 : i32
      %dma_wait3A_1758 = tpu.memref_slice %arg6[%rem3A_1661, %dma_wait3A_1741, %dma_wait3A_1755, %dma_wait3A_1756, %dma_wait3A_1757] : memref<3x8x4x8x128xf32, #tpu.memory_space<vmem>> -> memref<1x1x4x8x128xf32, #tpu.memory_space<vmem>>
      %dma_wait3A_1759 = tpu.memref_squeeze %dma_wait3A_1758 : memref<1x1x4x8x128xf32, #tpu.memory_space<vmem>> -> memref<4x8x128xf32, #tpu.memory_space<vmem>>
      %dma_wait3A_1760 = tpu.memref_reshape %arg3 : memref<32x1000000xf32, #tpu.memory_space<hbm>> -> memref<4x8x1000000xf32, #tpu.memory_space<hbm>>
      %dma_wait3A_1761 = arith.constant 0 : i32
      %dma_wait3A_1762 = arith.constant 0 : i32
      %dma_wait3A_1763 = arith.constant 0 : i32
      %dma_wait3A_1764 = tpu.memref_slice %dma_wait3A_1760[%dma_wait3A_1761, %dma_wait3A_1762, %dma_wait3A_1763] : memref<4x8x1000000xf32, #tpu.memory_space<hbm>> -> memref<4x8x128xf32, #tpu.memory_space<hbm>>
      tpu.wait_dma2 semaphore(%dma_wait3A_1754 : memref<!tpu.dma_semaphore, #tpu.memory_space<semaphore_mem>>) src(%dma_wait3A_1764 : memref<4x8x128xf32, #tpu.memory_space<hbm>>) dst(%dma_wait3A_1759 : memref<4x8x128xf32, #tpu.memory_space<vmem>>)
      %and3A_1765 = arith.constant 127 : i32
      %and3A_1766 = arith.andi %squeeze3A_1740, %and3A_1765 : i32
      %broadcast_in_dim3A_1767 = vector.broadcast %and3A_1766 : i32 to vector<16xi32>
      %mul3A_1768 = arith.constant 8 : i32
      %mul3A_1769 = arith.muli %scan3A_1658, %mul3A_1768 : i32
      %add3A_1770 = arith.constant 1 : i32
      %add3A_1771 = arith.addi %mul3A_1769, %add3A_1770 : i32
      %broadcast_in_dim3A_1772 = vector.broadcast %add3A_1771 : i32 to vector<16xi32>
      %add3A_1773 = arith.constant 0 : i32
      %add3A_1774 = vector.broadcast %add3A_1773 : i32 to vector<16xi32>
      %add3A_1775 = arith.addi %iota3A, %add3A_1774 : vector<16xi32>
      %shift_right_arithmetic3A_1776 = arith.constant 3 : i32
      %shift_right_arithmetic3A_1777 = vector.broadcast %shift_right_arithmetic3A_1776 : i32 to vector<16xi32>
      %shift_right_arithmetic3A_1778 = arith.shrsi %add3A_1775, %shift_right_arithmetic3A_1777 : vector<16xi32>
      %and3A_1779 = arith.constant 7 : i32
      %and3A_1780 = vector.broadcast %and3A_1779 : i32 to vector<16xi32>
      %and3A_1781 = arith.andi %add3A_1775, %and3A_1780 : vector<16xi32>
      %gather3A_1782 = arith.constant 1 : i32
      %gather3A_1783 = arith.constant 0 : i32
      %gather3A_1784 = arith.constant 0 : i32
      %gather3A_1785 = arith.constant 0 : i32
      %gather3A_1786 = tpu.memref_slice %arg6[%rem3A_1661, %gather3A_1782, %gather3A_1783, %gather3A_1784, %gather3A_1785] : memref<3x8x4x8x128xf32, #tpu.memory_space<vmem>> -> memref<1x1x4x8x128xf32, #tpu.memory_space<vmem>>
      %gather3A_1787 = tpu.memref_squeeze %gather3A_1786 : memref<1x1x4x8x128xf32, #tpu.memory_space<vmem>> -> memref<4x8x128xf32, #tpu.memory_space<vmem>>
      %gather3A_1788 = tpu.vector_load_idx %gather3A_1787[%shift_right_arithmetic3A_1778, %and3A_1781, %broadcast_in_dim3A_1767] : memref<4x8x128xf32, #tpu.memory_space<vmem>>[vector<16xi32>, vector<16xi32>, vector<16xi32>], vector<16xf32>,
      tpu.vector_store_idx %arg7[%add3A_1775, %broadcast_in_dim3A_1772], %gather3A_1788 : memref<32x512xf32, #tpu.memory_space<vmem>>[vector<16xi32>, vector<16xi32>], vector<16xf32>,
      %add3A_1789 = arith.constant 16 : i32
      %add3A_1790 = vector.broadcast %add3A_1789 : i32 to vector<16xi32>
      %add3A_1791 = arith.addi %iota3A, %add3A_1790 : vector<16xi32>
      %shift_right_arithmetic3A_1792 = arith.constant 3 : i32
      %shift_right_arithmetic3A_1793 = vector.broadcast %shift_right_arithmetic3A_1792 : i32 to vector<16xi32>
      %shift_right_arithmetic3A_1794 = arith.shrsi %add3A_1791, %shift_right_arithmetic3A_1793 : vector<16xi32>
      %and3A_1795 = arith.constant 7 : i32
      %and3A_1796 = vector.broadcast %and3A_1795 : i32 to vector<16xi32>
      %and3A_1797 = arith.andi %add3A_1791, %and3A_1796 : vector<16xi32>
      %gather3A_1798 = arith.constant 1 : i32
      %gather3A_1799 = arith.constant 0 : i32
      %gather3A_1800 = arith.constant 0 : i32
      %gather3A_1801 = arith.constant 0 : i32
      %gather3A_1802 = tpu.memref_slice %arg6[%rem3A_1661, %gather3A_1798, %gather3A_1799, %gather3A_1800, %gather3A_1801] : memref<3x8x4x8x128xf32, #tpu.memory_space<vmem>> -> memref<1x1x4x8x128xf32, #tpu.memory_space<vmem>>
      %gather3A_1803 = tpu.memref_squeeze %gather3A_1802 : memref<1x1x4x8x128xf32, #tpu.memory_space<vmem>> -> memref<4x8x128xf32, #tpu.memory_space<vmem>>
      %gather3A_1804 = tpu.vector_load_idx %gather3A_1803[%shift_right_arithmetic3A_1794, %and3A_1797, %broadcast_in_dim3A_1767] : memref<4x8x128xf32, #tpu.memory_space<vmem>>[vector<16xi32>, vector<16xi32>, vector<16xi32>], vector<16xf32>,
      tpu.vector_store_idx %arg7[%add3A_1791, %broadcast_in_dim3A_1772], %gather3A_1804 : memref<32x512xf32, #tpu.memory_space<vmem>>[vector<16xi32>, vector<16xi32>], vector<16xf32>,
      %slice3A_1805 = vector.extract_strided_slice %scan3A_1659 {offsets = [2], sizes = [1], strides = [1]} : vector<16xi32> to vector<1xi32>
      %squeeze3A_1806 = vector.extract %slice3A_1805[0] : i32 from vector<1xi32>
      %dma_wait3A_1807 = arith.constant 2 : i32
      %dma_wait3A_1808 = arith.constant 2 : i32
      %dma_wait3A_1809 = arith.constant 0 : i32
      %dma_wait3A_1810 = arith.constant 0 : i32
      %dma_wait3A_1811 = arith.constant 0 : i32
      %dma_wait3A_1812 = tpu.memref_slice %arg6[%rem3A_1661, %dma_wait3A_1807, %dma_wait3A_1809, %dma_wait3A_1810, %dma_wait3A_1811] : memref<3x8x4x8x128xf32, #tpu.memory_space<vmem>> -> memref<1x1x4x8x128xf32, #tpu.memory_space<vmem>>
      %dma_wait3A_1813 = tpu.memref_squeeze %dma_wait3A_1812 : memref<1x1x4x8x128xf32, #tpu.memory_space<vmem>> -> memref<4x8x128xf32, #tpu.memory_space<vmem>>
      %dma_wait3A_1814 = tpu.memref_reshape %arg3 : memref<32x1000000xf32, #tpu.memory_space<hbm>> -> memref<4x8x1000000xf32, #tpu.memory_space<hbm>>
      %dma_wait3A_1815 = arith.constant 0 : i32
      %dma_wait3A_1816 = arith.constant 0 : i32
      %dma_wait3A_1817 = arith.constant 0 : i32
      %dma_wait3A_1818 = tpu.memref_slice %dma_wait3A_1814[%dma_wait3A_1815, %dma_wait3A_1816, %dma_wait3A_1817] : memref<4x8x1000000xf32, #tpu.memory_space<hbm>> -> memref<4x8x128xf32, #tpu.memory_space<hbm>>
      %dma_wait3A_1819 = tpu.memref_slice %arg8[%rem3A_1661, %dma_wait3A_1808] : memref<3x8x!tpu.dma_semaphore, #tpu.memory_space<semaphore_mem>> -> memref<1x1x!tpu.dma_semaphore, #tpu.memory_space<semaphore_mem>>
      %dma_wait3A_1820 = tpu.memref_squeeze %dma_wait3A_1819 : memref<1x1x!tpu.dma_semaphore, #tpu.memory_space<semaphore_mem>> -> memref<!tpu.dma_semaphore, #tpu.memory_space<semaphore_mem>>
      %dma_wait3A_1821 = arith.constant 0 : i32
      %dma_wait3A_1822 = arith.constant 0 : i32
      %dma_wait3A_1823 = arith.constant 0 : i32
      %dma_wait3A_1824 = tpu.memref_slice %arg6[%rem3A_1661, %dma_wait3A_1807, %dma_wait3A_1821, %dma_wait3A_1822, %dma_wait3A_1823] : memref<3x8x4x8x128xf32, #tpu.memory_space<vmem>> -> memref<1x1x4x8x128xf32, #tpu.memory_space<vmem>>
      %dma_wait3A_1825 = tpu.memref_squeeze %dma_wait3A_1824 : memref<1x1x4x8x128xf32, #tpu.memory_space<vmem>> -> memref<4x8x128xf32, #tpu.memory_space<vmem>>
      %dma_wait3A_1826 = tpu.memref_reshape %arg3 : memref<32x1000000xf32, #tpu.memory_space<hbm>> -> memref<4x8x1000000xf32, #tpu.memory_space<hbm>>
      %dma_wait3A_1827 = arith.constant 0 : i32
      %dma_wait3A_1828 = arith.constant 0 : i32
      %dma_wait3A_1829 = arith.constant 0 : i32
      %dma_wait3A_1830 = tpu.memref_slice %dma_wait3A_1826[%dma_wait3A_1827, %dma_wait3A_1828, %dma_wait3A_1829] : memref<4x8x1000000xf32, #tpu.memory_space<hbm>> -> memref<4x8x128xf32, #tpu.memory_space<hbm>>
      tpu.wait_dma2 semaphore(%dma_wait3A_1820 : memref<!tpu.dma_semaphore, #tpu.memory_space<semaphore_mem>>) src(%dma_wait3A_1830 : memref<4x8x128xf32, #tpu.memory_space<hbm>>) dst(%dma_wait3A_1825 : memref<4x8x128xf32, #tpu.memory_space<vmem>>)
      %and3A_1831 = arith.constant 127 : i32
      %and3A_1832 = arith.andi %squeeze3A_1806, %and3A_1831 : i32
      %broadcast_in_dim3A_1833 = vector.broadcast %and3A_1832 : i32 to vector<16xi32>
      %mul3A_1834 = arith.constant 8 : i32
      %mul3A_1835 = arith.muli %scan3A_1658, %mul3A_1834 : i32
      %add3A_1836 = arith.constant 2 : i32
      %add3A_1837 = arith.addi %mul3A_1835, %add3A_1836 : i32
      %broadcast_in_dim3A_1838 = vector.broadcast %add3A_1837 : i32 to vector<16xi32>
      %add3A_1839 = arith.constant 0 : i32
      %add3A_1840 = vector.broadcast %add3A_1839 : i32 to vector<16xi32>
      %add3A_1841 = arith.addi %iota3A, %add3A_1840 : vector<16xi32>
      %shift_right_arithmetic3A_1842 = arith.constant 3 : i32
      %shift_right_arithmetic3A_1843 = vector.broadcast %shift_right_arithmetic3A_1842 : i32 to vector<16xi32>
      %shift_right_arithmetic3A_1844 = arith.shrsi %add3A_1841, %shift_right_arithmetic3A_1843 : vector<16xi32>
      %and3A_1845 = arith.constant 7 : i32
      %and3A_1846 = vector.broadcast %and3A_1845 : i32 to vector<16xi32>
      %and3A_1847 = arith.andi %add3A_1841, %and3A_1846 : vector<16xi32>
      %gather3A_1848 = arith.constant 2 : i32
      %gather3A_1849 = arith.constant 0 : i32
      %gather3A_1850 = arith.constant 0 : i32
      %gather3A_1851 = arith.constant 0 : i32
      %gather3A_1852 = tpu.memref_slice %arg6[%rem3A_1661, %gather3A_1848, %gather3A_1849, %gather3A_1850, %gather3A_1851] : memref<3x8x4x8x128xf32, #tpu.memory_space<vmem>> -> memref<1x1x4x8x128xf32, #tpu.memory_space<vmem>>
      %gather3A_1853 = tpu.memref_squeeze %gather3A_1852 : memref<1x1x4x8x128xf32, #tpu.memory_space<vmem>> -> memref<4x8x128xf32, #tpu.memory_space<vmem>>
      %gather3A_1854 = tpu.vector_load_idx %gather3A_1853[%shift_right_arithmetic3A_1844, %and3A_1847, %broadcast_in_dim3A_1833] : memref<4x8x128xf32, #tpu.memory_space<vmem>>[vector<16xi32>, vector<16xi32>, vector<16xi32>], vector<16xf32>,
      tpu.vector_store_idx %arg7[%add3A_1841, %broadcast_in_dim3A_1838], %gather3A_1854 : memref<32x512xf32, #tpu.memory_space<vmem>>[vector<16xi32>, vector<16xi32>], vector<16xf32>,
      %add3A_1855 = arith.constant 16 : i32
      %add3A_1856 = vector.broadcast %add3A_1855 : i32 to vector<16xi32>
      %add3A_1857 = arith.addi %iota3A, %add3A_1856 : vector<16xi32>
      %shift_right_arithmetic3A_1858 = arith.constant 3 : i32
      %shift_right_arithmetic3A_1859 = vector.broadcast %shift_right_arithmetic3A_1858 : i32 to vector<16xi32>
      %shift_right_arithmetic3A_1860 = arith.shrsi %add3A_1857, %shift_right_arithmetic3A_1859 : vector<16xi32>
      %and3A_1861 = arith.constant 7 : i32
      %and3A_1862 = vector.broadcast %and3A_1861 : i32 to vector<16xi32>
      %and3A_1863 = arith.andi %add3A_1857, %and3A_1862 : vector<16xi32>
      %gather3A_1864 = arith.constant 2 : i32
      %gather3A_1865 = arith.constant 0 : i32
      %gather3A_1866 = arith.constant 0 : i32
      %gather3A_1867 = arith.constant 0 : i32
      %gather3A_1868 = tpu.memref_slice %arg6[%rem3A_1661, %gather3A_1864, %gather3A_1865, %gather3A_1866, %gather3A_1867] : memref<3x8x4x8x128xf32, #tpu.memory_space<vmem>> -> memref<1x1x4x8x128xf32, #tpu.memory_space<vmem>>
      %gather3A_1869 = tpu.memref_squeeze %gather3A_1868 : memref<1x1x4x8x128xf32, #tpu.memory_space<vmem>> -> memref<4x8x128xf32, #tpu.memory_space<vmem>>
      %gather3A_1870 = tpu.vector_load_idx %gather3A_1869[%shift_right_arithmetic3A_1860, %and3A_1863, %broadcast_in_dim3A_1833] : memref<4x8x128xf32, #tpu.memory_space<vmem>>[vector<16xi32>, vector<16xi32>, vector<16xi32>], vector<16xf32>,
      tpu.vector_store_idx %arg7[%add3A_1857, %broadcast_in_dim3A_1838], %gather3A_1870 : memref<32x512xf32, #tpu.memory_space<vmem>>[vector<16xi32>, vector<16xi32>], vector<16xf32>,
      %slice3A_1871 = vector.extract_strided_slice %scan3A_1659 {offsets = [3], sizes = [1], strides = [1]} : vector<16xi32> to vector<1xi32>
      %squeeze3A_1872 = vector.extract %slice3A_1871[0] : i32 from vector<1xi32>
      %dma_wait3A_1873 = arith.constant 3 : i32
      %dma_wait3A_1874 = arith.constant 3 : i32
      %dma_wait3A_1875 = arith.constant 0 : i32
      %dma_wait3A_1876 = arith.constant 0 : i32
      %dma_wait3A_1877 = arith.constant 0 : i32
      %dma_wait3A_1878 = tpu.memref_slice %arg6[%rem3A_1661, %dma_wait3A_1873, %dma_wait3A_1875, %dma_wait3A_1876, %dma_wait3A_1877] : memref<3x8x4x8x128xf32, #tpu.memory_space<vmem>> -> memref<1x1x4x8x128xf32, #tpu.memory_space<vmem>>
      %dma_wait3A_1879 = tpu.memref_squeeze %dma_wait3A_1878 : memref<1x1x4x8x128xf32, #tpu.memory_space<vmem>> -> memref<4x8x128xf32, #tpu.memory_space<vmem>>
      %dma_wait3A_1880 = tpu.memref_reshape %arg3 : memref<32x1000000xf32, #tpu.memory_space<hbm>> -> memref<4x8x1000000xf32, #tpu.memory_space<hbm>>
      %dma_wait3A_1881 = arith.constant 0 : i32
      %dma_wait3A_1882 = arith.constant 0 : i32
      %dma_wait3A_1883 = arith.constant 0 : i32
      %dma_wait3A_1884 = tpu.memref_slice %dma_wait3A_1880[%dma_wait3A_1881, %dma_wait3A_1882, %dma_wait3A_1883] : memref<4x8x1000000xf32, #tpu.memory_space<hbm>> -> memref<4x8x128xf32, #tpu.memory_space<hbm>>
      %dma_wait3A_1885 = tpu.memref_slice %arg8[%rem3A_1661, %dma_wait3A_1874] : memref<3x8x!tpu.dma_semaphore, #tpu.memory_space<semaphore_mem>> -> memref<1x1x!tpu.dma_semaphore, #tpu.memory_space<semaphore_mem>>
      %dma_wait3A_1886 = tpu.memref_squeeze %dma_wait3A_1885 : memref<1x1x!tpu.dma_semaphore, #tpu.memory_space<semaphore_mem>> -> memref<!tpu.dma_semaphore, #tpu.memory_space<semaphore_mem>>
      %dma_wait3A_1887 = arith.constant 0 : i32
      %dma_wait3A_1888 = arith.constant 0 : i32
      %dma_wait3A_1889 = arith.constant 0 : i32
      %dma_wait3A_1890 = tpu.memref_slice %arg6[%rem3A_1661, %dma_wait3A_1873, %dma_wait3A_1887, %dma_wait3A_1888, %dma_wait3A_1889] : memref<3x8x4x8x128xf32, #tpu.memory_space<vmem>> -> memref<1x1x4x8x128xf32, #tpu.memory_space<vmem>>
      %dma_wait3A_1891 = tpu.memref_squeeze %dma_wait3A_1890 : memref<1x1x4x8x128xf32, #tpu.memory_space<vmem>> -> memref<4x8x128xf32, #tpu.memory_space<vmem>>
      %dma_wait3A_1892 = tpu.memref_reshape %arg3 : memref<32x1000000xf32, #tpu.memory_space<hbm>> -> memref<4x8x1000000xf32, #tpu.memory_space<hbm>>
      %dma_wait3A_1893 = arith.constant 0 : i32
      %dma_wait3A_1894 = arith.constant 0 : i32
      %dma_wait3A_1895 = arith.constant 0 : i32
      %dma_wait3A_1896 = tpu.memref_slice %dma_wait3A_1892[%dma_wait3A_1893, %dma_wait3A_1894, %dma_wait3A_1895] : memref<4x8x1000000xf32, #tpu.memory_space<hbm>> -> memref<4x8x128xf32, #tpu.memory_space<hbm>>
      tpu.wait_dma2 semaphore(%dma_wait3A_1886 : memref<!tpu.dma_semaphore, #tpu.memory_space<semaphore_mem>>) src(%dma_wait3A_1896 : memref<4x8x128xf32, #tpu.memory_space<hbm>>) dst(%dma_wait3A_1891 : memref<4x8x128xf32, #tpu.memory_space<vmem>>)
      %and3A_1897 = arith.constant 127 : i32
      %and3A_1898 = arith.andi %squeeze3A_1872, %and3A_1897 : i32
      %broadcast_in_dim3A_1899 = vector.broadcast %and3A_1898 : i32 to vector<16xi32>
      %mul3A_1900 = arith.constant 8 : i32
      %mul3A_1901 = arith.muli %scan3A_1658, %mul3A_1900 : i32
      %add3A_1902 = arith.constant 3 : i32
      %add3A_1903 = arith.addi %mul3A_1901, %add3A_1902 : i32
      %broadcast_in_dim3A_1904 = vector.broadcast %add3A_1903 : i32 to vector<16xi32>
      %add3A_1905 = arith.constant 0 : i32
      %add3A_1906 = vector.broadcast %add3A_1905 : i32 to vector<16xi32>
      %add3A_1907 = arith.addi %iota3A, %add3A_1906 : vector<16xi32>
      %shift_right_arithmetic3A_1908 = arith.constant 3 : i32
      %shift_right_arithmetic3A_1909 = vector.broadcast %shift_right_arithmetic3A_1908 : i32 to vector<16xi32>
      %shift_right_arithmetic3A_1910 = arith.shrsi %add3A_1907, %shift_right_arithmetic3A_1909 : vector<16xi32>
      %and3A_1911 = arith.constant 7 : i32
      %and3A_1912 = vector.broadcast %and3A_1911 : i32 to vector<16xi32>
      %and3A_1913 = arith.andi %add3A_1907, %and3A_1912 : vector<16xi32>
      %gather3A_1914 = arith.constant 3 : i32
      %gather3A_1915 = arith.constant 0 : i32
      %gather3A_1916 = arith.constant 0 : i32
      %gather3A_1917 = arith.constant 0 : i32
      %gather3A_1918 = tpu.memref_slice %arg6[%rem3A_1661, %gather3A_1914, %gather3A_1915, %gather3A_1916, %gather3A_1917] : memref<3x8x4x8x128xf32, #tpu.memory_space<vmem>> -> memref<1x1x4x8x128xf32, #tpu.memory_space<vmem>>
      %gather3A_1919 = tpu.memref_squeeze %gather3A_1918 : memref<1x1x4x8x128xf32, #tpu.memory_space<vmem>> -> memref<4x8x128xf32, #tpu.memory_space<vmem>>
      %gather3A_1920 = tpu.vector_load_idx %gather3A_1919[%shift_right_arithmetic3A_1910, %and3A_1913, %broadcast_in_dim3A_1899] : memref<4x8x128xf32, #tpu.memory_space<vmem>>[vector<16xi32>, vector<16xi32>, vector<16xi32>], vector<16xf32>,
      tpu.vector_store_idx %arg7[%add3A_1907, %broadcast_in_dim3A_1904], %gather3A_1920 : memref<32x512xf32, #tpu.memory_space<vmem>>[vector<16xi32>, vector<16xi32>], vector<16xf32>,
      %add3A_1921 = arith.constant 16 : i32
      %add3A_1922 = vector.broadcast %add3A_1921 : i32 to vector<16xi32>
      %add3A_1923 = arith.addi %iota3A, %add3A_1922 : vector<16xi32>
      %shift_right_arithmetic3A_1924 = arith.constant 3 : i32
      %shift_right_arithmetic3A_1925 = vector.broadcast %shift_right_arithmetic3A_1924 : i32 to vector<16xi32>
      %shift_right_arithmetic3A_1926 = arith.shrsi %add3A_1923, %shift_right_arithmetic3A_1925 : vector<16xi32>
      %and3A_1927 = arith.constant 7 : i32
      %and3A_1928 = vector.broadcast %and3A_1927 : i32 to vector<16xi32>
      %and3A_1929 = arith.andi %add3A_1923, %and3A_1928 : vector<16xi32>
      %gather3A_1930 = arith.constant 3 : i32
      %gather3A_1931 = arith.constant 0 : i32
      %gather3A_1932 = arith.constant 0 : i32
      %gather3A_1933 = arith.constant 0 : i32
      %gather3A_1934 = tpu.memref_slice %arg6[%rem3A_1661, %gather3A_1930, %gather3A_1931, %gather3A_1932, %gather3A_1933] : memref<3x8x4x8x128xf32, #tpu.memory_space<vmem>> -> memref<1x1x4x8x128xf32, #tpu.memory_space<vmem>>
      %gather3A_1935 = tpu.memref_squeeze %gather3A_1934 : memref<1x1x4x8x128xf32, #tpu.memory_space<vmem>> -> memref<4x8x128xf32, #tpu.memory_space<vmem>>
      %gather3A_1936 = tpu.vector_load_idx %gather3A_1935[%shift_right_arithmetic3A_1926, %and3A_1929, %broadcast_in_dim3A_1899] : memref<4x8x128xf32, #tpu.memory_space<vmem>>[vector<16xi32>, vector<16xi32>, vector<16xi32>], vector<16xf32>,
      tpu.vector_store_idx %arg7[%add3A_1923, %broadcast_in_dim3A_1904], %gather3A_1936 : memref<32x512xf32, #tpu.memory_space<vmem>>[vector<16xi32>, vector<16xi32>], vector<16xf32>,
      %slice3A_1937 = vector.extract_strided_slice %scan3A_1659 {offsets = [4], sizes = [1], strides = [1]} : vector<16xi32> to vector<1xi32>
      %squeeze3A_1938 = vector.extract %slice3A_1937[0] : i32 from vector<1xi32>
      %dma_wait3A_1939 = arith.constant 4 : i32
      %dma_wait3A_1940 = arith.constant 4 : i32
      %dma_wait3A_1941 = arith.constant 0 : i32
      %dma_wait3A_1942 = arith.constant 0 : i32
      %dma_wait3A_1943 = arith.constant 0 : i32
      %dma_wait3A_1944 = tpu.memref_slice %arg6[%rem3A_1661, %dma_wait3A_1939, %dma_wait3A_1941, %dma_wait3A_1942, %dma_wait3A_1943] : memref<3x8x4x8x128xf32, #tpu.memory_space<vmem>> -> memref<1x1x4x8x128xf32, #tpu.memory_space<vmem>>
      %dma_wait3A_1945 = tpu.memref_squeeze %dma_wait3A_1944 : memref<1x1x4x8x128xf32, #tpu.memory_space<vmem>> -> memref<4x8x128xf32, #tpu.memory_space<vmem>>
      %dma_wait3A_1946 = tpu.memref_reshape %arg3 : memref<32x1000000xf32, #tpu.memory_space<hbm>> -> memref<4x8x1000000xf32, #tpu.memory_space<hbm>>
      %dma_wait3A_1947 = arith.constant 0 : i32
      %dma_wait3A_1948 = arith.constant 0 : i32
      %dma_wait3A_1949 = arith.constant 0 : i32
      %dma_wait3A_1950 = tpu.memref_slice %dma_wait3A_1946[%dma_wait3A_1947, %dma_wait3A_1948, %dma_wait3A_1949] : memref<4x8x1000000xf32, #tpu.memory_space<hbm>> -> memref<4x8x128xf32, #tpu.memory_space<hbm>>
      %dma_wait3A_1951 = tpu.memref_slice %arg8[%rem3A_1661, %dma_wait3A_1940] : memref<3x8x!tpu.dma_semaphore, #tpu.memory_space<semaphore_mem>> -> memref<1x1x!tpu.dma_semaphore, #tpu.memory_space<semaphore_mem>>
      %dma_wait3A_1952 = tpu.memref_squeeze %dma_wait3A_1951 : memref<1x1x!tpu.dma_semaphore, #tpu.memory_space<semaphore_mem>> -> memref<!tpu.dma_semaphore, #tpu.memory_space<semaphore_mem>>
      %dma_wait3A_1953 = arith.constant 0 : i32
      %dma_wait3A_1954 = arith.constant 0 : i32
      %dma_wait3A_1955 = arith.constant 0 : i32
      %dma_wait3A_1956 = tpu.memref_slice %arg6[%rem3A_1661, %dma_wait3A_1939, %dma_wait3A_1953, %dma_wait3A_1954, %dma_wait3A_1955] : memref<3x8x4x8x128xf32, #tpu.memory_space<vmem>> -> memref<1x1x4x8x128xf32, #tpu.memory_space<vmem>>
      %dma_wait3A_1957 = tpu.memref_squeeze %dma_wait3A_1956 : memref<1x1x4x8x128xf32, #tpu.memory_space<vmem>> -> memref<4x8x128xf32, #tpu.memory_space<vmem>>
      %dma_wait3A_1958 = tpu.memref_reshape %arg3 : memref<32x1000000xf32, #tpu.memory_space<hbm>> -> memref<4x8x1000000xf32, #tpu.memory_space<hbm>>
      %dma_wait3A_1959 = arith.constant 0 : i32
      %dma_wait3A_1960 = arith.constant 0 : i32
      %dma_wait3A_1961 = arith.constant 0 : i32
      %dma_wait3A_1962 = tpu.memref_slice %dma_wait3A_1958[%dma_wait3A_1959, %dma_wait3A_1960, %dma_wait3A_1961] : memref<4x8x1000000xf32, #tpu.memory_space<hbm>> -> memref<4x8x128xf32, #tpu.memory_space<hbm>>
      tpu.wait_dma2 semaphore(%dma_wait3A_1952 : memref<!tpu.dma_semaphore, #tpu.memory_space<semaphore_mem>>) src(%dma_wait3A_1962 : memref<4x8x128xf32, #tpu.memory_space<hbm>>) dst(%dma_wait3A_1957 : memref<4x8x128xf32, #tpu.memory_space<vmem>>)
      %and3A_1963 = arith.constant 127 : i32
      %and3A_1964 = arith.andi %squeeze3A_1938, %and3A_1963 : i32
      %broadcast_in_dim3A_1965 = vector.broadcast %and3A_1964 : i32 to vector<16xi32>
      %mul3A_1966 = arith.constant 8 : i32
      %mul3A_1967 = arith.muli %scan3A_1658, %mul3A_1966 : i32
      %add3A_1968 = arith.constant 4 : i32
      %add3A_1969 = arith.addi %mul3A_1967, %add3A_1968 : i32
      %broadcast_in_dim3A_1970 = vector.broadcast %add3A_1969 : i32 to vector<16xi32>
      %add3A_1971 = arith.constant 0 : i32
      %add3A_1972 = vector.broadcast %add3A_1971 : i32 to vector<16xi32>
      %add3A_1973 = arith.addi %iota3A, %add3A_1972 : vector<16xi32>
      %shift_right_arithmetic3A_1974 = arith.constant 3 : i32
      %shift_right_arithmetic3A_1975 = vector.broadcast %shift_right_arithmetic3A_1974 : i32 to vector<16xi32>
      %shift_right_arithmetic3A_1976 = arith.shrsi %add3A_1973, %shift_right_arithmetic3A_1975 : vector<16xi32>
      %and3A_1977 = arith.constant 7 : i32
      %and3A_1978 = vector.broadcast %and3A_1977 : i32 to vector<16xi32>
      %and3A_1979 = arith.andi %add3A_1973, %and3A_1978 : vector<16xi32>
      %gather3A_1980 = arith.constant 4 : i32
      %gather3A_1981 = arith.constant 0 : i32
      %gather3A_1982 = arith.constant 0 : i32
      %gather3A_1983 = arith.constant 0 : i32
      %gather3A_1984 = tpu.memref_slice %arg6[%rem3A_1661, %gather3A_1980, %gather3A_1981, %gather3A_1982, %gather3A_1983] : memref<3x8x4x8x128xf32, #tpu.memory_space<vmem>> -> memref<1x1x4x8x128xf32, #tpu.memory_space<vmem>>
      %gather3A_1985 = tpu.memref_squeeze %gather3A_1984 : memref<1x1x4x8x128xf32, #tpu.memory_space<vmem>> -> memref<4x8x128xf32, #tpu.memory_space<vmem>>
      %gather3A_1986 = tpu.vector_load_idx %gather3A_1985[%shift_right_arithmetic3A_1976, %and3A_1979, %broadcast_in_dim3A_1965] : memref<4x8x128xf32, #tpu.memory_space<vmem>>[vector<16xi32>, vector<16xi32>, vector<16xi32>], vector<16xf32>,
      tpu.vector_store_idx %arg7[%add3A_1973, %broadcast_in_dim3A_1970], %gather3A_1986 : memref<32x512xf32, #tpu.memory_space<vmem>>[vector<16xi32>, vector<16xi32>], vector<16xf32>,
      %add3A_1987 = arith.constant 16 : i32
      %add3A_1988 = vector.broadcast %add3A_1987 : i32 to vector<16xi32>
      %add3A_1989 = arith.addi %iota3A, %add3A_1988 : vector<16xi32>
      %shift_right_arithmetic3A_1990 = arith.constant 3 : i32
      %shift_right_arithmetic3A_1991 = vector.broadcast %shift_right_arithmetic3A_1990 : i32 to vector<16xi32>
      %shift_right_arithmetic3A_1992 = arith.shrsi %add3A_1989, %shift_right_arithmetic3A_1991 : vector<16xi32>
      %and3A_1993 = arith.constant 7 : i32
      %and3A_1994 = vector.broadcast %and3A_1993 : i32 to vector<16xi32>
      %and3A_1995 = arith.andi %add3A_1989, %and3A_1994 : vector<16xi32>
      %gather3A_1996 = arith.constant 4 : i32
      %gather3A_1997 = arith.constant 0 : i32
      %gather3A_1998 = arith.constant 0 : i32
      %gather3A_1999 = arith.constant 0 : i32
      %gather3A_2000 = tpu.memref_slice %arg6[%rem3A_1661, %gather3A_1996, %gather3A_1997, %gather3A_1998, %gather3A_1999] : memref<3x8x4x8x128xf32, #tpu.memory_space<vmem>> -> memref<1x1x4x8x128xf32, #tpu.memory_space<vmem>>
      %gather3A_2001 = tpu.memref_squeeze %gather3A_2000 : memref<1x1x4x8x128xf32, #tpu.memory_space<vmem>> -> memref<4x8x128xf32, #tpu.memory_space<vmem>>
      %gather3A_2002 = tpu.vector_load_idx %gather3A_2001[%shift_right_arithmetic3A_1992, %and3A_1995, %broadcast_in_dim3A_1965] : memref<4x8x128xf32, #tpu.memory_space<vmem>>[vector<16xi32>, vector<16xi32>, vector<16xi32>], vector<16xf32>,
      tpu.vector_store_idx %arg7[%add3A_1989, %broadcast_in_dim3A_1970], %gather3A_2002 : memref<32x512xf32, #tpu.memory_space<vmem>>[vector<16xi32>, vector<16xi32>], vector<16xf32>,
      %slice3A_2003 = vector.extract_strided_slice %scan3A_1659 {offsets = [5], sizes = [1], strides = [1]} : vector<16xi32> to vector<1xi32>
      %squeeze3A_2004 = vector.extract %slice3A_2003[0] : i32 from vector<1xi32>
      %dma_wait3A_2005 = arith.constant 5 : i32
      %dma_wait3A_2006 = arith.constant 5 : i32
      %dma_wait3A_2007 = arith.constant 0 : i32
      %dma_wait3A_2008 = arith.constant 0 : i32
      %dma_wait3A_2009 = arith.constant 0 : i32
      %dma_wait3A_2010 = tpu.memref_slice %arg6[%rem3A_1661, %dma_wait3A_2005, %dma_wait3A_2007, %dma_wait3A_2008, %dma_wait3A_2009] : memref<3x8x4x8x128xf32, #tpu.memory_space<vmem>> -> memref<1x1x4x8x128xf32, #tpu.memory_space<vmem>>
      %dma_wait3A_2011 = tpu.memref_squeeze %dma_wait3A_2010 : memref<1x1x4x8x128xf32, #tpu.memory_space<vmem>> -> memref<4x8x128xf32, #tpu.memory_space<vmem>>
      %dma_wait3A_2012 = tpu.memref_reshape %arg3 : memref<32x1000000xf32, #tpu.memory_space<hbm>> -> memref<4x8x1000000xf32, #tpu.memory_space<hbm>>
      %dma_wait3A_2013 = arith.constant 0 : i32
      %dma_wait3A_2014 = arith.constant 0 : i32
      %dma_wait3A_2015 = arith.constant 0 : i32
      %dma_wait3A_2016 = tpu.memref_slice %dma_wait3A_2012[%dma_wait3A_2013, %dma_wait3A_2014, %dma_wait3A_2015] : memref<4x8x1000000xf32, #tpu.memory_space<hbm>> -> memref<4x8x128xf32, #tpu.memory_space<hbm>>
      %dma_wait3A_2017 = tpu.memref_slice %arg8[%rem3A_1661, %dma_wait3A_2006] : memref<3x8x!tpu.dma_semaphore, #tpu.memory_space<semaphore_mem>> -> memref<1x1x!tpu.dma_semaphore, #tpu.memory_space<semaphore_mem>>
      %dma_wait3A_2018 = tpu.memref_squeeze %dma_wait3A_2017 : memref<1x1x!tpu.dma_semaphore, #tpu.memory_space<semaphore_mem>> -> memref<!tpu.dma_semaphore, #tpu.memory_space<semaphore_mem>>
      %dma_wait3A_2019 = arith.constant 0 : i32
      %dma_wait3A_2020 = arith.constant 0 : i32
      %dma_wait3A_2021 = arith.constant 0 : i32
      %dma_wait3A_2022 = tpu.memref_slice %arg6[%rem3A_1661, %dma_wait3A_2005, %dma_wait3A_2019, %dma_wait3A_2020, %dma_wait3A_2021] : memref<3x8x4x8x128xf32, #tpu.memory_space<vmem>> -> memref<1x1x4x8x128xf32, #tpu.memory_space<vmem>>
      %dma_wait3A_2023 = tpu.memref_squeeze %dma_wait3A_2022 : memref<1x1x4x8x128xf32, #tpu.memory_space<vmem>> -> memref<4x8x128xf32, #tpu.memory_space<vmem>>
      %dma_wait3A_2024 = tpu.memref_reshape %arg3 : memref<32x1000000xf32, #tpu.memory_space<hbm>> -> memref<4x8x1000000xf32, #tpu.memory_space<hbm>>
      %dma_wait3A_2025 = arith.constant 0 : i32
      %dma_wait3A_2026 = arith.constant 0 : i32
      %dma_wait3A_2027 = arith.constant 0 : i32
      %dma_wait3A_2028 = tpu.memref_slice %dma_wait3A_2024[%dma_wait3A_2025, %dma_wait3A_2026, %dma_wait3A_2027] : memref<4x8x1000000xf32, #tpu.memory_space<hbm>> -> memref<4x8x128xf32, #tpu.memory_space<hbm>>
      tpu.wait_dma2 semaphore(%dma_wait3A_2018 : memref<!tpu.dma_semaphore, #tpu.memory_space<semaphore_mem>>) src(%dma_wait3A_2028 : memref<4x8x128xf32, #tpu.memory_space<hbm>>) dst(%dma_wait3A_2023 : memref<4x8x128xf32, #tpu.memory_space<vmem>>)
      %and3A_2029 = arith.constant 127 : i32
      %and3A_2030 = arith.andi %squeeze3A_2004, %and3A_2029 : i32
      %broadcast_in_dim3A_2031 = vector.broadcast %and3A_2030 : i32 to vector<16xi32>
      %mul3A_2032 = arith.constant 8 : i32
      %mul3A_2033 = arith.muli %scan3A_1658, %mul3A_2032 : i32
      %add3A_2034 = arith.constant 5 : i32
      %add3A_2035 = arith.addi %mul3A_2033, %add3A_2034 : i32
      %broadcast_in_dim3A_2036 = vector.broadcast %add3A_2035 : i32 to vector<16xi32>
      %add3A_2037 = arith.constant 0 : i32
      %add3A_2038 = vector.broadcast %add3A_2037 : i32 to vector<16xi32>
      %add3A_2039 = arith.addi %iota3A, %add3A_2038 : vector<16xi32>
      %shift_right_arithmetic3A_2040 = arith.constant 3 : i32
      %shift_right_arithmetic3A_2041 = vector.broadcast %shift_right_arithmetic3A_2040 : i32 to vector<16xi32>
      %shift_right_arithmetic3A_2042 = arith.shrsi %add3A_2039, %shift_right_arithmetic3A_2041 : vector<16xi32>
      %and3A_2043 = arith.constant 7 : i32
      %and3A_2044 = vector.broadcast %and3A_2043 : i32 to vector<16xi32>
      %and3A_2045 = arith.andi %add3A_2039, %and3A_2044 : vector<16xi32>
      %gather3A_2046 = arith.constant 5 : i32
      %gather3A_2047 = arith.constant 0 : i32
      %gather3A_2048 = arith.constant 0 : i32
      %gather3A_2049 = arith.constant 0 : i32
      %gather3A_2050 = tpu.memref_slice %arg6[%rem3A_1661, %gather3A_2046, %gather3A_2047, %gather3A_2048, %gather3A_2049] : memref<3x8x4x8x128xf32, #tpu.memory_space<vmem>> -> memref<1x1x4x8x128xf32, #tpu.memory_space<vmem>>
      %gather3A_2051 = tpu.memref_squeeze %gather3A_2050 : memref<1x1x4x8x128xf32, #tpu.memory_space<vmem>> -> memref<4x8x128xf32, #tpu.memory_space<vmem>>
      %gather3A_2052 = tpu.vector_load_idx %gather3A_2051[%shift_right_arithmetic3A_2042, %and3A_2045, %broadcast_in_dim3A_2031] : memref<4x8x128xf32, #tpu.memory_space<vmem>>[vector<16xi32>, vector<16xi32>, vector<16xi32>], vector<16xf32>,
      tpu.vector_store_idx %arg7[%add3A_2039, %broadcast_in_dim3A_2036], %gather3A_2052 : memref<32x512xf32, #tpu.memory_space<vmem>>[vector<16xi32>, vector<16xi32>], vector<16xf32>,
      %add3A_2053 = arith.constant 16 : i32
      %add3A_2054 = vector.broadcast %add3A_2053 : i32 to vector<16xi32>
      %add3A_2055 = arith.addi %iota3A, %add3A_2054 : vector<16xi32>
      %shift_right_arithmetic3A_2056 = arith.constant 3 : i32
      %shift_right_arithmetic3A_2057 = vector.broadcast %shift_right_arithmetic3A_2056 : i32 to vector<16xi32>
      %shift_right_arithmetic3A_2058 = arith.shrsi %add3A_2055, %shift_right_arithmetic3A_2057 : vector<16xi32>
      %and3A_2059 = arith.constant 7 : i32
      %and3A_2060 = vector.broadcast %and3A_2059 : i32 to vector<16xi32>
      %and3A_2061 = arith.andi %add3A_2055, %and3A_2060 : vector<16xi32>
      %gather3A_2062 = arith.constant 5 : i32
      %gather3A_2063 = arith.constant 0 : i32
      %gather3A_2064 = arith.constant 0 : i32
      %gather3A_2065 = arith.constant 0 : i32
      %gather3A_2066 = tpu.memref_slice %arg6[%rem3A_1661, %gather3A_2062, %gather3A_2063, %gather3A_2064, %gather3A_2065] : memref<3x8x4x8x128xf32, #tpu.memory_space<vmem>> -> memref<1x1x4x8x128xf32, #tpu.memory_space<vmem>>
      %gather3A_2067 = tpu.memref_squeeze %gather3A_2066 : memref<1x1x4x8x128xf32, #tpu.memory_space<vmem>> -> memref<4x8x128xf32, #tpu.memory_space<vmem>>
      %gather3A_2068 = tpu.vector_load_idx %gather3A_2067[%shift_right_arithmetic3A_2058, %and3A_2061, %broadcast_in_dim3A_2031] : memref<4x8x128xf32, #tpu.memory_space<vmem>>[vector<16xi32>, vector<16xi32>, vector<16xi32>], vector<16xf32>,
      tpu.vector_store_idx %arg7[%add3A_2055, %broadcast_in_dim3A_2036], %gather3A_2068 : memref<32x512xf32, #tpu.memory_space<vmem>>[vector<16xi32>, vector<16xi32>], vector<16xf32>,
      %slice3A_2069 = vector.extract_strided_slice %scan3A_1659 {offsets = [6], sizes = [1], strides = [1]} : vector<16xi32> to vector<1xi32>
      %squeeze3A_2070 = vector.extract %slice3A_2069[0] : i32 from vector<1xi32>
      %dma_wait3A_2071 = arith.constant 6 : i32
      %dma_wait3A_2072 = arith.constant 6 : i32
      %dma_wait3A_2073 = arith.constant 0 : i32
      %dma_wait3A_2074 = arith.constant 0 : i32
      %dma_wait3A_2075 = arith.constant 0 : i32
      %dma_wait3A_2076 = tpu.memref_slice %arg6[%rem3A_1661, %dma_wait3A_2071, %dma_wait3A_2073, %dma_wait3A_2074, %dma_wait3A_2075] : memref<3x8x4x8x128xf32, #tpu.memory_space<vmem>> -> memref<1x1x4x8x128xf32, #tpu.memory_space<vmem>>
      %dma_wait3A_2077 = tpu.memref_squeeze %dma_wait3A_2076 : memref<1x1x4x8x128xf32, #tpu.memory_space<vmem>> -> memref<4x8x128xf32, #tpu.memory_space<vmem>>
      %dma_wait3A_2078 = tpu.memref_reshape %arg3 : memref<32x1000000xf32, #tpu.memory_space<hbm>> -> memref<4x8x1000000xf32, #tpu.memory_space<hbm>>
      %dma_wait3A_2079 = arith.constant 0 : i32
      %dma_wait3A_2080 = arith.constant 0 : i32
      %dma_wait3A_2081 = arith.constant 0 : i32
      %dma_wait3A_2082 = tpu.memref_slice %dma_wait3A_2078[%dma_wait3A_2079, %dma_wait3A_2080, %dma_wait3A_2081] : memref<4x8x1000000xf32, #tpu.memory_space<hbm>> -> memref<4x8x128xf32, #tpu.memory_space<hbm>>
      %dma_wait3A_2083 = tpu.memref_slice %arg8[%rem3A_1661, %dma_wait3A_2072] : memref<3x8x!tpu.dma_semaphore, #tpu.memory_space<semaphore_mem>> -> memref<1x1x!tpu.dma_semaphore, #tpu.memory_space<semaphore_mem>>
      %dma_wait3A_2084 = tpu.memref_squeeze %dma_wait3A_2083 : memref<1x1x!tpu.dma_semaphore, #tpu.memory_space<semaphore_mem>> -> memref<!tpu.dma_semaphore, #tpu.memory_space<semaphore_mem>>
      %dma_wait3A_2085 = arith.constant 0 : i32
      %dma_wait3A_2086 = arith.constant 0 : i32
      %dma_wait3A_2087 = arith.constant 0 : i32
      %dma_wait3A_2088 = tpu.memref_slice %arg6[%rem3A_1661, %dma_wait3A_2071, %dma_wait3A_2085, %dma_wait3A_2086, %dma_wait3A_2087] : memref<3x8x4x8x128xf32, #tpu.memory_space<vmem>> -> memref<1x1x4x8x128xf32, #tpu.memory_space<vmem>>
      %dma_wait3A_2089 = tpu.memref_squeeze %dma_wait3A_2088 : memref<1x1x4x8x128xf32, #tpu.memory_space<vmem>> -> memref<4x8x128xf32, #tpu.memory_space<vmem>>
      %dma_wait3A_2090 = tpu.memref_reshape %arg3 : memref<32x1000000xf32, #tpu.memory_space<hbm>> -> memref<4x8x1000000xf32, #tpu.memory_space<hbm>>
      %dma_wait3A_2091 = arith.constant 0 : i32
      %dma_wait3A_2092 = arith.constant 0 : i32
      %dma_wait3A_2093 = arith.constant 0 : i32
      %dma_wait3A_2094 = tpu.memref_slice %dma_wait3A_2090[%dma_wait3A_2091, %dma_wait3A_2092, %dma_wait3A_2093] : memref<4x8x1000000xf32, #tpu.memory_space<hbm>> -> memref<4x8x128xf32, #tpu.memory_space<hbm>>
      tpu.wait_dma2 semaphore(%dma_wait3A_2084 : memref<!tpu.dma_semaphore, #tpu.memory_space<semaphore_mem>>) src(%dma_wait3A_2094 : memref<4x8x128xf32, #tpu.memory_space<hbm>>) dst(%dma_wait3A_2089 : memref<4x8x128xf32, #tpu.memory_space<vmem>>)
      %and3A_2095 = arith.constant 127 : i32
      %and3A_2096 = arith.andi %squeeze3A_2070, %and3A_2095 : i32
      %broadcast_in_dim3A_2097 = vector.broadcast %and3A_2096 : i32 to vector<16xi32>
      %mul3A_2098 = arith.constant 8 : i32
      %mul3A_2099 = arith.muli %scan3A_1658, %mul3A_2098 : i32
      %add3A_2100 = arith.constant 6 : i32
      %add3A_2101 = arith.addi %mul3A_2099, %add3A_2100 : i32
      %broadcast_in_dim3A_2102 = vector.broadcast %add3A_2101 : i32 to vector<16xi32>
      %add3A_2103 = arith.constant 0 : i32
      %add3A_2104 = vector.broadcast %add3A_2103 : i32 to vector<16xi32>
      %add3A_2105 = arith.addi %iota3A, %add3A_2104 : vector<16xi32>
      %shift_right_arithmetic3A_2106 = arith.constant 3 : i32
      %shift_right_arithmetic3A_2107 = vector.broadcast %shift_right_arithmetic3A_2106 : i32 to vector<16xi32>
      %shift_right_arithmetic3A_2108 = arith.shrsi %add3A_2105, %shift_right_arithmetic3A_2107 : vector<16xi32>
      %and3A_2109 = arith.constant 7 : i32
      %and3A_2110 = vector.broadcast %and3A_2109 : i32 to vector<16xi32>
      %and3A_2111 = arith.andi %add3A_2105, %and3A_2110 : vector<16xi32>
      %gather3A_2112 = arith.constant 6 : i32
      %gather3A_2113 = arith.constant 0 : i32
      %gather3A_2114 = arith.constant 0 : i32
      %gather3A_2115 = arith.constant 0 : i32
      %gather3A_2116 = tpu.memref_slice %arg6[%rem3A_1661, %gather3A_2112, %gather3A_2113, %gather3A_2114, %gather3A_2115] : memref<3x8x4x8x128xf32, #tpu.memory_space<vmem>> -> memref<1x1x4x8x128xf32, #tpu.memory_space<vmem>>
      %gather3A_2117 = tpu.memref_squeeze %gather3A_2116 : memref<1x1x4x8x128xf32, #tpu.memory_space<vmem>> -> memref<4x8x128xf32, #tpu.memory_space<vmem>>
      %gather3A_2118 = tpu.vector_load_idx %gather3A_2117[%shift_right_arithmetic3A_2108, %and3A_2111, %broadcast_in_dim3A_2097] : memref<4x8x128xf32, #tpu.memory_space<vmem>>[vector<16xi32>, vector<16xi32>, vector<16xi32>], vector<16xf32>,
      tpu.vector_store_idx %arg7[%add3A_2105, %broadcast_in_dim3A_2102], %gather3A_2118 : memref<32x512xf32, #tpu.memory_space<vmem>>[vector<16xi32>, vector<16xi32>], vector<16xf32>,
      %add3A_2119 = arith.constant 16 : i32
      %add3A_2120 = vector.broadcast %add3A_2119 : i32 to vector<16xi32>
      %add3A_2121 = arith.addi %iota3A, %add3A_2120 : vector<16xi32>
      %shift_right_arithmetic3A_2122 = arith.constant 3 : i32
      %shift_right_arithmetic3A_2123 = vector.broadcast %shift_right_arithmetic3A_2122 : i32 to vector<16xi32>
      %shift_right_arithmetic3A_2124 = arith.shrsi %add3A_2121, %shift_right_arithmetic3A_2123 : vector<16xi32>
      %and3A_2125 = arith.constant 7 : i32
      %and3A_2126 = vector.broadcast %and3A_2125 : i32 to vector<16xi32>
      %and3A_2127 = arith.andi %add3A_2121, %and3A_2126 : vector<16xi32>
      %gather3A_2128 = arith.constant 6 : i32
      %gather3A_2129 = arith.constant 0 : i32
      %gather3A_2130 = arith.constant 0 : i32
      %gather3A_2131 = arith.constant 0 : i32
      %gather3A_2132 = tpu.memref_slice %arg6[%rem3A_1661, %gather3A_2128, %gather3A_2129, %gather3A_2130, %gather3A_2131] : memref<3x8x4x8x128xf32, #tpu.memory_space<vmem>> -> memref<1x1x4x8x128xf32, #tpu.memory_space<vmem>>
      %gather3A_2133 = tpu.memref_squeeze %gather3A_2132 : memref<1x1x4x8x128xf32, #tpu.memory_space<vmem>> -> memref<4x8x128xf32, #tpu.memory_space<vmem>>
      %gather3A_2134 = tpu.vector_load_idx %gather3A_2133[%shift_right_arithmetic3A_2124, %and3A_2127, %broadcast_in_dim3A_2097] : memref<4x8x128xf32, #tpu.memory_space<vmem>>[vector<16xi32>, vector<16xi32>, vector<16xi32>], vector<16xf32>,
      tpu.vector_store_idx %arg7[%add3A_2121, %broadcast_in_dim3A_2102], %gather3A_2134 : memref<32x512xf32, #tpu.memory_space<vmem>>[vector<16xi32>, vector<16xi32>], vector<16xf32>,
      %slice3A_2135 = vector.extract_strided_slice %scan3A_1659 {offsets = [7], sizes = [1], strides = [1]} : vector<16xi32> to vector<1xi32>
      %squeeze3A_2136 = vector.extract %slice3A_2135[0] : i32 from vector<1xi32>
      %dma_wait3A_2137 = arith.constant 7 : i32
      %dma_wait3A_2138 = arith.constant 7 : i32
      %dma_wait3A_2139 = arith.constant 0 : i32
      %dma_wait3A_2140 = arith.constant 0 : i32
      %dma_wait3A_2141 = arith.constant 0 : i32
      %dma_wait3A_2142 = tpu.memref_slice %arg6[%rem3A_1661, %dma_wait3A_2137, %dma_wait3A_2139, %dma_wait3A_2140, %dma_wait3A_2141] : memref<3x8x4x8x128xf32, #tpu.memory_space<vmem>> -> memref<1x1x4x8x128xf32, #tpu.memory_space<vmem>>
      %dma_wait3A_2143 = tpu.memref_squeeze %dma_wait3A_2142 : memref<1x1x4x8x128xf32, #tpu.memory_space<vmem>> -> memref<4x8x128xf32, #tpu.memory_space<vmem>>
      %dma_wait3A_2144 = tpu.memref_reshape %arg3 : memref<32x1000000xf32, #tpu.memory_space<hbm>> -> memref<4x8x1000000xf32, #tpu.memory_space<hbm>>
      %dma_wait3A_2145 = arith.constant 0 : i32
      %dma_wait3A_2146 = arith.constant 0 : i32
      %dma_wait3A_2147 = arith.constant 0 : i32
      %dma_wait3A_2148 = tpu.memref_slice %dma_wait3A_2144[%dma_wait3A_2145, %dma_wait3A_2146, %dma_wait3A_2147] : memref<4x8x1000000xf32, #tpu.memory_space<hbm>> -> memref<4x8x128xf32, #tpu.memory_space<hbm>>
      %dma_wait3A_2149 = tpu.memref_slice %arg8[%rem3A_1661, %dma_wait3A_2138] : memref<3x8x!tpu.dma_semaphore, #tpu.memory_space<semaphore_mem>> -> memref<1x1x!tpu.dma_semaphore, #tpu.memory_space<semaphore_mem>>
      %dma_wait3A_2150 = tpu.memref_squeeze %dma_wait3A_2149 : memref<1x1x!tpu.dma_semaphore, #tpu.memory_space<semaphore_mem>> -> memref<!tpu.dma_semaphore, #tpu.memory_space<semaphore_mem>>
      %dma_wait3A_2151 = arith.constant 0 : i32
      %dma_wait3A_2152 = arith.constant 0 : i32
      %dma_wait3A_2153 = arith.constant 0 : i32
      %dma_wait3A_2154 = tpu.memref_slice %arg6[%rem3A_1661, %dma_wait3A_2137, %dma_wait3A_2151, %dma_wait3A_2152, %dma_wait3A_2153] : memref<3x8x4x8x128xf32, #tpu.memory_space<vmem>> -> memref<1x1x4x8x128xf32, #tpu.memory_space<vmem>>
      %dma_wait3A_2155 = tpu.memref_squeeze %dma_wait3A_2154 : memref<1x1x4x8x128xf32, #tpu.memory_space<vmem>> -> memref<4x8x128xf32, #tpu.memory_space<vmem>>
      %dma_wait3A_2156 = tpu.memref_reshape %arg3 : memref<32x1000000xf32, #tpu.memory_space<hbm>> -> memref<4x8x1000000xf32, #tpu.memory_space<hbm>>
      %dma_wait3A_2157 = arith.constant 0 : i32
      %dma_wait3A_2158 = arith.constant 0 : i32
      %dma_wait3A_2159 = arith.constant 0 : i32
      %dma_wait3A_2160 = tpu.memref_slice %dma_wait3A_2156[%dma_wait3A_2157, %dma_wait3A_2158, %dma_wait3A_2159] : memref<4x8x1000000xf32, #tpu.memory_space<hbm>> -> memref<4x8x128xf32, #tpu.memory_space<hbm>>
      tpu.wait_dma2 semaphore(%dma_wait3A_2150 : memref<!tpu.dma_semaphore, #tpu.memory_space<semaphore_mem>>) src(%dma_wait3A_2160 : memref<4x8x128xf32, #tpu.memory_space<hbm>>) dst(%dma_wait3A_2155 : memref<4x8x128xf32, #tpu.memory_space<vmem>>)
      %and3A_2161 = arith.constant 127 : i32
      %and3A_2162 = arith.andi %squeeze3A_2136, %and3A_2161 : i32
      %broadcast_in_dim3A_2163 = vector.broadcast %and3A_2162 : i32 to vector<16xi32>
      %mul3A_2164 = arith.constant 8 : i32
      %mul3A_2165 = arith.muli %scan3A_1658, %mul3A_2164 : i32
      %add3A_2166 = arith.constant 7 : i32
      %add3A_2167 = arith.addi %mul3A_2165, %add3A_2166 : i32
      %broadcast_in_dim3A_2168 = vector.broadcast %add3A_2167 : i32 to vector<16xi32>
      %add3A_2169 = arith.constant 0 : i32
      %add3A_2170 = vector.broadcast %add3A_2169 : i32 to vector<16xi32>
      %add3A_2171 = arith.addi %iota3A, %add3A_2170 : vector<16xi32>
      %shift_right_arithmetic3A_2172 = arith.constant 3 : i32
      %shift_right_arithmetic3A_2173 = vector.broadcast %shift_right_arithmetic3A_2172 : i32 to vector<16xi32>
      %shift_right_arithmetic3A_2174 = arith.shrsi %add3A_2171, %shift_right_arithmetic3A_2173 : vector<16xi32>
      %and3A_2175 = arith.constant 7 : i32
      %and3A_2176 = vector.broadcast %and3A_2175 : i32 to vector<16xi32>
      %and3A_2177 = arith.andi %add3A_2171, %and3A_2176 : vector<16xi32>
      %gather3A_2178 = arith.constant 7 : i32
      %gather3A_2179 = arith.constant 0 : i32
      %gather3A_2180 = arith.constant 0 : i32
      %gather3A_2181 = arith.constant 0 : i32
      %gather3A_2182 = tpu.memref_slice %arg6[%rem3A_1661, %gather3A_2178, %gather3A_2179, %gather3A_2180, %gather3A_2181] : memref<3x8x4x8x128xf32, #tpu.memory_space<vmem>> -> memref<1x1x4x8x128xf32, #tpu.memory_space<vmem>>
      %gather3A_2183 = tpu.memref_squeeze %gather3A_2182 : memref<1x1x4x8x128xf32, #tpu.memory_space<vmem>> -> memref<4x8x128xf32, #tpu.memory_space<vmem>>
      %gather3A_2184 = tpu.vector_load_idx %gather3A_2183[%shift_right_arithmetic3A_2174, %and3A_2177, %broadcast_in_dim3A_2163] : memref<4x8x128xf32, #tpu.memory_space<vmem>>[vector<16xi32>, vector<16xi32>, vector<16xi32>], vector<16xf32>,
      tpu.vector_store_idx %arg7[%add3A_2171, %broadcast_in_dim3A_2168], %gather3A_2184 : memref<32x512xf32, #tpu.memory_space<vmem>>[vector<16xi32>, vector<16xi32>], vector<16xf32>,
      %add3A_2185 = arith.constant 16 : i32
      %add3A_2186 = vector.broadcast %add3A_2185 : i32 to vector<16xi32>
      %add3A_2187 = arith.addi %iota3A, %add3A_2186 : vector<16xi32>
      %shift_right_arithmetic3A_2188 = arith.constant 3 : i32
      %shift_right_arithmetic3A_2189 = vector.broadcast %shift_right_arithmetic3A_2188 : i32 to vector<16xi32>
      %shift_right_arithmetic3A_2190 = arith.shrsi %add3A_2187, %shift_right_arithmetic3A_2189 : vector<16xi32>
      %and3A_2191 = arith.constant 7 : i32
      %and3A_2192 = vector.broadcast %and3A_2191 : i32 to vector<16xi32>
      %and3A_2193 = arith.andi %add3A_2187, %and3A_2192 : vector<16xi32>
      %gather3A_2194 = arith.constant 7 : i32
      %gather3A_2195 = arith.constant 0 : i32
      %gather3A_2196 = arith.constant 0 : i32
      %gather3A_2197 = arith.constant 0 : i32
      %gather3A_2198 = tpu.memref_slice %arg6[%rem3A_1661, %gather3A_2194, %gather3A_2195, %gather3A_2196, %gather3A_2197] : memref<3x8x4x8x128xf32, #tpu.memory_space<vmem>> -> memref<1x1x4x8x128xf32, #tpu.memory_space<vmem>>
      %gather3A_2199 = tpu.memref_squeeze %gather3A_2198 : memref<1x1x4x8x128xf32, #tpu.memory_space<vmem>> -> memref<4x8x128xf32, #tpu.memory_space<vmem>>
      %gather3A_2200 = tpu.vector_load_idx %gather3A_2199[%shift_right_arithmetic3A_2190, %and3A_2193, %broadcast_in_dim3A_2163] : memref<4x8x128xf32, #tpu.memory_space<vmem>>[vector<16xi32>, vector<16xi32>, vector<16xi32>], vector<16xf32>,
      tpu.vector_store_idx %arg7[%add3A_2187, %broadcast_in_dim3A_2168], %gather3A_2200 : memref<32x512xf32, #tpu.memory_space<vmem>>[vector<16xi32>, vector<16xi32>], vector<16xf32>,
      scf.yield %scan3A_1660, %get3A_1671 : vector<16xi32>, vector<16xi32>
    }
    %scan3A_1655 = arith.constant 64 : i32
    %mul3A_1656 = arith.constant 512 : i32
    %mul3A_1657 = arith.muli %add3A, %mul3A_1656 : i32
    "tpu.region"() ({
      %run_scoped3A = tpu.sem_alloc : memref<!tpu.dma_semaphore, #tpu.memory_space<semaphore_mem>>
      %dma_start3A_1658 = arith.constant 0 : i32
      %dma_start3A_1659 = tpu.memref_slice %arg4[%dma_start3A_1658, %mul3A_1657] : memref<32x16384xf32, #tpu.memory_space<hbm>> -> memref<32x512xf32, #tpu.memory_space<hbm>>
      %dma_start3A_1660 = arith.constant 0 : i32
      %dma_start3A_1661 = tpu.memref_slice %arg4[%dma_start3A_1660, %mul3A_1657] : memref<32x16384xf32, #tpu.memory_space<hbm>> -> memref<32x512xf32, #tpu.memory_space<hbm>>
      tpu.enqueue_dma source(%arg7 : memref<32x512xf32, #tpu.memory_space<vmem>>) target(%dma_start3A_1661 : memref<32x512xf32, #tpu.memory_space<hbm>>) target_semaphore(%run_scoped3A : memref<!tpu.dma_semaphore, #tpu.memory_space<semaphore_mem>>)
      %dma_wait3A = arith.constant 0 : i32
      %dma_wait3A_1662 = tpu.memref_slice %arg4[%dma_wait3A, %mul3A_1657] : memref<32x16384xf32, #tpu.memory_space<hbm>> -> memref<32x512xf32, #tpu.memory_space<hbm>>
      %dma_wait3A_1663 = arith.constant 0 : i32
      %dma_wait3A_1664 = tpu.memref_slice %arg4[%dma_wait3A_1663, %mul3A_1657] : memref<32x16384xf32, #tpu.memory_space<hbm>> -> memref<32x512xf32, #tpu.memory_space<hbm>>
      tpu.wait_dma2 semaphore(%run_scoped3A : memref<!tpu.dma_semaphore, #tpu.memory_space<semaphore_mem>>) src(%arg7 : memref<32x512xf32, #tpu.memory_space<vmem>>) dst(%dma_wait3A_1664 : memref<32x512xf32, #tpu.memory_space<hbm>>)
      tpu.yield
    }) : () -> ()
    return
  }
}

</mosaic_0001>

<sc_bundles>
// kernel: kernel.3.cloned.1.call-start
scs
__scs_entry_jumppad:
0x0: {  	(pc) =	sbr.rel $0x88, $3  }
0x1: {  	(tag) =	ssettag $0x0;
	lr =	simm.s32 $0x1  }
0x2: {  	[smem:$0x3F9F] =	sst lr;
	_ =	strace $0xD0000000  }
0x3: {  	_ = 	snop  }
0x4: {  	_ = 	snop  }
0x5: {  	_ = 	snop  }
0x6: {  	_ = 	snop  }
0x7: {  	_ = 	snop  }
__scs_overlays_trampoline_lowered:
0x8: {  	[smem:$0x3FAE] =	sst s0  }
0x9: {  	[smem:$0x3FAF] =	sst s1  }
0xa: {  	[smem:$0x3FB0] =	sst s2  }
0xb: {  	[smem:$0x3FB1] =	sst s3  }
0xc: {  	[smem:$0x3FB2] =	sst s4  }
0xd: {  	[smem:$0x3FB3] =	sst s5  }
0xe: {  	[smem:$0x3FB4] =	sst s6  }
0xf: {  	[smem:$0x3FB5] =	sst s7  }
0x10: {  	[smem:$0x3FB6] =	sst s8  }
0x11: {  	[smem:$0x3FB7] =	sst s9;
	s0 =	simm.s32 @!p0 $0x0  }
0x12: {  	s1 =	sld [smem:$0x3F9D];
	s0 =	simm.s32 @p0 $0x1  }
0x13: {  	[smem:$0x3FB8] =	sst s0;
	s0 =	simm.s32 @!p1 $0x0  }
0x14: {  	s2 =	sld [smem:$0x3F9C];
	s0 =	simm.s32 @p1 $0x1  }
0x15: {  	[smem:$0x3FB9] =	sst s0;
	s0 =	simm.s32 @!p2 $0x0  }
0x16: {  	s3 =	sld [smem:$0x3FDB];
	s0 =	simm.s32 @p2 $0x1  }
0x17: {  	s4 =	simm.s32 $0x1BF5;
	[smem:$0x3FBB] =	sst s0  }
0x18: {  	s0 =	sld [smem:$0x3F9E];
	_ =	swait.ge [sflag:s4], $0x0  }
0x19: {  	s7 =	sld [smem:$0x3F9F]  }
0x1a: {  	s8 =	sadd.s32 $0xFFFFE003, lr  }
0x1b: {  	s9 =	sadd.s32 $0xFFFFFEF7, lr;
	s5 =	simm.s32 $0xFFFFFFFF;
	p2 =	slt.u32 s8, $0xFFFFF086  }
0x1c: {  	p1 =	slt.u32 s9, $0xF7A;
	s5 =	simm.s32 @!p2 $0x0  }
0x1d: {  	s5 =	simm.s32 @p1 $0x1;
	p0 =	seq.s32 s7, s2  }
0x1e: {  	s7 =	smul.u32 @!p0 $0xF7A, s2;
	p2 =	seq.s32 @!p0 s5, $0x0  }
0x1f: {  	s9 =	smul.u32 $0xF7A, s1;
	s8 =	simm.s32 @!p0 $0x1BF5;
	p2 =	por !p2, p0  }
0x20: {  	[sflag:s8] =	ssyncset.s32 @!p0 $0xFFFFF086;
	s6 =	sadd.s32 @!p0 s3, s7;
	s7 =	simm.s32 @!p0 $0x108  }
0x21: {  	s3 =	sadd.s32 s3, s9;
	s6 =	sadd.s32 @!p0 $0x88, s6;
	s7 =	simm.s32 @p2 $0x1082  }
0x22: {  	[simem:s7], [sflag:s8] =	dma.local @!p0 [hbm:s6], $0xF7A  }
0x23: {  	s9 =	sor.u32 $0xD0000000, s2;
	s6 =	simm.s32 $0x108;
	_ =	swait.ge @!p0 [sflag:s8], $0x0  }
0x24: {  	s3 =	sadd.s32 $0x88, s3;
	s6 =	simm.s32 @!p1 $0x1082;
	[sflag:s4] =	ssyncset.s32 $0xFFFFF086  }
0x25: {  	[simem:s6], [sflag:s4] =	dma.local [hbm:s3], $0xF7A  }
0x26: {  	[smem:$0x3F9F] =	sst s1;
	(tag) =	ssettag s2;
	_ =	strace s9  }
0x27: {  	s1 =	sld [smem:$0x3FAF]  }
0x28: {  	s2 =	sld [smem:$0x3FB0]  }
0x29: {  	s4 =	sld [smem:$0x3FB2]  }
0x2a: {  	p0 =	seq.s32 s5, $0x0;
	s5 =	sld [smem:$0x3FB3]  }
0x2b: {  	s6 =	sld [smem:$0x3FB4]  }
0x2c: {  	s7 =	sld [smem:$0x3FB5]  }
0x2d: {  	s3 =	simm.s32 $0x108;
	s8 =	sld [smem:$0x3FB6]  }
0x2e: {  	s3 =	simm.s32 @!p0 $0x1082;
	s9 =	sld [smem:$0x3FB7]  }
0x2f: {  	lr =	sadd.s32 s0, s3;
	s0 =	sld [smem:$0x3FAE]  }
0x30: {  	s3 =	sld [smem:$0x3FB1]  }
0x31: {  	[smem:$0x3FBA] =	sst s10  }
0x32: {  	s10 =	sld [smem:$0x3FB8];
	_ =	sdelay $0x3  }
0x33: {  	p0 =	seq.s32 s10, $0x1;
	s10 =	sld [smem:$0x3FBA];
	_ =	sdelay $0x3  }
0x34: {  	[smem:$0x3FBA] =	sst s10  }
0x35: {  	s10 =	sld [smem:$0x3FB9];
	_ =	sdelay $0x3  }
0x36: {  	p1 =	seq.s32 s10, $0x1;
	s10 =	sld [smem:$0x3FBA];
	_ =	sdelay $0x3  }
0x37: {  	[smem:$0x3FBA] =	sst s10  }
0x38: {  	s10 =	sld [smem:$0x3FBB]  }
0x39: {  	_ = 	snop;
	(pc) =	sbr.ind lr, $3  }
0x3a: {  	_ = 	snop  }
0x3b: {  	_ = 	snop  }
0x3c: {  	p2 =	seq.s32 s10, $0x1;
	s10 =	sld [smem:$0x3FBA]  }
0x3d: {  	_ =	shalt  }
0x3e: {  	_ =	shalt  }
0x3f: {  	_ =	shalt  }
0x40: {  	_ =	shalt  }
0x41: {  	_ =	shalt  }
0x42: {  	_ =	shalt  }
0x43: {  	_ =	shalt  }
0x44: {  	_ =	shalt  }
0x45: {  	_ =	shalt  }
0x46: {  	_ =	shalt  }
0x47: {  	_ =	shalt  }
0x48: {  	_ =	shalt  }
0x49: {  	_ =	shalt  }
0x4a: {  	_ =	shalt  }
0x4b: {  	_ =	shalt  }
0x4c: {  	_ =	shalt  }
0x4d: {  	_ =	shalt  }
0x4e: {  	_ =	shalt  }
0x4f: {  	_ =	shalt  }
0x50: {  	_ =	shalt  }
0x51: {  	_ =	shalt  }
0x52: {  	_ =	shalt  }
0x53: {  	_ =	shalt  }
0x54: {  	_ =	shalt  }
0x55: {  	_ =	shalt  }
0x56: {  	_ =	shalt  }
0x57: {  	_ =	shalt  }
0x58: {  	_ =	shalt  }
0x59: {  	_ =	shalt  }
0x5a: {  	_ =	shalt  }
0x5b: {  	_ =	shalt  }
0x5c: {  	_ =	shalt  }
0x5d: {  	_ =	shalt  }
0x5e: {  	_ =	shalt  }
0x5f: {  	_ =	shalt  }
0x60: {  	_ =	shalt  }
0x61: {  	_ =	shalt  }
0x62: {  	_ =	shalt  }
0x63: {  	_ =	shalt  }
0x64: {  	_ =	shalt  }
0x65: {  	_ =	shalt  }
0x66: {  	_ =	shalt  }
0x67: {  	_ =	shalt  }
0x68: {  	_ =	shalt  }
0x69: {  	_ =	shalt  }
0x6a: {  	_ =	shalt  }
0x6b: {  	_ =	shalt  }
0x6c: {  	_ =	shalt  }
0x6d: {  	_ =	shalt  }
0x6e: {  	_ =	shalt  }
0x6f: {  	_ =	shalt  }
0x70: {  	_ =	shalt  }
0x71: {  	_ =	shalt  }
0x72: {  	_ =	shalt  }
0x73: {  	_ =	shalt  }
0x74: {  	_ =	shalt  }
0x75: {  	_ =	shalt  }
0x76: {  	_ =	shalt  }
0x77: {  	_ =	shalt  }
0x78: {  	_ =	shalt  }
0x79: {  	_ =	shalt  }
0x7a: {  	_ =	shalt  }
0x7b: {  	_ =	shalt  }
0x7c: {  	_ =	shalt  }
0x7d: {  	_ =	shalt  }
0x7e: {  	_ =	shalt  }
0x7f: {  	_ =	shalt  }
0x80: {  	_ =	shalt  }
0x81: {  	_ =	shalt  }
0x82: {  	_ =	shalt  }
0x83: {  	_ =	shalt  }
0x84: {  	_ =	shalt  }
0x85: {  	_ =	shalt  }
0x86: {  	_ =	shalt  }
0x87: {  	_ =	shalt  }
.Lfunc_end0:
.L_simem_size_0:
called_computation_lowered:
.L_overlay_start_0:
0x88: {  	s2 =	sld [smem:$0x3FD9]  }
0x89: {  	s3 =	sld [smem:$0x3FFE];
	_ =	sdelay $0x1  }
0x8a: {  	s1 =	srdreg.scid  }
0x8b: {  	s0 =	sand.u32 $0x1, s1  }
0x8c: {  	s18 =	sshll.u32 s0, $0xA;
	s2 =	sadd.s32 s3, s2  }
0x8d: {  	s2 =	sadd.s32 s2, s18  }
0x8e: {  	[smem:$0x3FC6] =	sst s2  }
0x8f: {  	_ = 	snop  }
0x90: {  	s2 =	sld [smem:$0x3FC9]  }
0x91: {  	s19 =	sld [smem:$0x3FC8]  }
0x92: {  	s4 =	sld [smem:$0x3FD0];
	(tm) =	ssettm $0x1  }
0x93: {  	s5 =	sld [smem:$0x3FFB];
	_ =	sdelay $0x3  }
0x94: {  	_ =	strace s5  }
0x95: {  	s5 =	sld [smem:$0x3FFC];
	_ =	sdelay $0x3  }
0x96: {  	_ =	strace s5  }
0x97: {  	s5 =	sld [smem:$0x3FFD];
	_ =	sdelay $0x3  }
0x98: {  	_ =	strace s5  }
0x99: {  	_ =	strace $0x8FFFFFFF  }
0x9a: {  	s20 =	sld [smem:$0x3FDB];
	_ =	sdelay $0x1  }
0x9b: {  	s6 =	simm.s32 $_scs_section_size  }
0x9c: {  	s7 =	simm.s32 $_size__tile_overlayer_lowered;
	s8 =	simm.s32 $_tile_overlayer_lowered  }
0x9d: {  	s23 =	simm.s32 $0x1BFF;
	s22 =	sshll.u32 s8, $0x1;
	s5 =	sadd.s32 s6, s20  }
0x9e: {  	s9 =	simm.s32 $0x0;
	s21 =	sshll.u32 s7, $0x1;
	s7 =	sadd.s32 s22, s5  }
0x9f: {  	[timem:s9], [sflag:s23] =	dma.local [hbm:s7], s21  }
0xa0: {  	_ =	swait.ge [sflag:s23], s21  }
0xa1: {  	s6 =	ssub.s32 $0x0, s21;
	[sflag:s23] =	ssyncset.done $0x0  }
0xa2: {  	[sflag:s23] =	ssyncadd.s32 s6;
	_ =	sdelay $0x1  }
0xa3: {  	s24 =	simm.s32 $0x1B8B  }
0xa4: {  	_ =	swait.ge [sflag:s24], $0x1  }
0xa5: {  	[sflag:s24] =	ssyncset.done $0x0  }
0xa6: {  	s25 =	simm.s32 $0x1B8E;
	[sflag:s24] =	ssyncadd.s32 $0xFFFFFFFF  }
0xa7: {  	s26 =	simm.s32 $execute0_lowered;
	[smem:$0x3FD2] =	sst s25  }
0xa8: {  	s6 =	sshll.u32 s26, $0x1;
	_ =	strace $0x80000046;
	[dreg:$0x1] =	wrdreg $0xFFFFFFFF  }
0xa9: {  	s28 =	simm.s32 $_size_execute0_lowered;
	s5 =	sadd.s32 s5, s6;
	[dreg:$0x0] =	wrdreg $0x0  }
0xaa: {  	s6 =	sshll.u32 s28, $0x1;
	[dreg:$0x2] =	wrdreg s5  }
0xab: {  	[dreg:$0x3] =	wrdreg s6  }
0xac: {  	[dreg:$0x4] =	wrdreg $0xC0  }
0xad: {  	_ =	task [dreg:s9], $0x5FFFF  }
0xae: {  	[dreg:$0x1] =	wrdreg $0xFFFFFFFF  }
0xaf: {  	[dreg:$0x0] =	wrdreg $0x60  }
0xb0: {  	[dreg:$0x2] =	wrdreg s2  }
0xb1: {  	[dreg:$0x3] =	wrdreg s19  }
0xb2: {  	[dreg:$0x4] =	wrdreg s4  }
0xb3: {  	[dreg:$0x5] =	wrdreg $0x9  }
0xb4: {  	_ =	task.clear_ibuf [dreg:s9], $0x6FFFF;
	_ =	strace $0x90000046  }
0xb5: {  	s29 =	simm.s32 $0x9;
	_ =	strace $0x80000048  }
0xb6: {  	_ =	swait.ge [sflag:s29], $0x1  }
0xb7: {  	[sflag:s29] =	ssyncadd.s32 $0xFFFFFFFF  }
0xb8: {  	_ =	strace $0x90000048  }
0xb9: {  	_ =	sfence  }
0xba: {  	s30 =	sld [smem:$0x0];
	_ =	sdelay $0x2  }
0xbb: {  	s31 =	sshll.u32 s1, $0xD;
	s1 =	sshrl.u32 s1, $0x2  }
0xbc: {  	s3 =	sand.u32 $0x4000, s31;
	s1 =	sadd.s32 s1, s30  }
0xbd: {  	s0 =	sor.u32 s3, s0;
	s1 =	sshll.u32 s1, $0x11  }
0xbe: {  	s0 =	sor.u32 s1, s0  }
0xbf: {  	s0 =	sadd.s32 $0x8F2B, s0  }
0xc0: {  	[sflag:s0] =	ssyncadd.remote.s32 $0x1  }
0xc1: {  	_ =	sfence.sel $0xFFFF  }
0xc2: {  	[dreg:$0x0] =	wrdreg $0xFFFFFFFF;
	(pc) =	sbr.abs _section_cstart, $3  }
0xc3: {  	[dreg:$0x1] =	wrdreg $0xFFFFFFFF  }
0xc4: {  	_ =	task.clear_ibuf [dreg:s9], $0x2FFFF;
	_ =	strace $0x9FFFFFFF  }
0xc5: {  	(tm) =	ssettm $0x7FFFFFFF  }
tec
execute0_lowered:
.L_overlay_start_1:
0x0: {  	(tag) =	ssettag $0x1  }
0x1: {  	v0 =	vlaneseq.u32;
	v1 =	vimm.s32 $0x1380  }
0x2: {  	vm0 =	vcmask $0x300;
	v2 =	vimm.s32 $0x3380;
	vm1 =	vcmask $0x704  }
0x3: {  	vm15 =	vcmask $0xB08;
	v1 =	vsel vm0, $0x0, v1;
	v2 =	vsel vm0, $0x2000, v2  }
0x4: {  	s0 =	rddreg [dreg:$0x0];
	vm4 =	vcmask $0xF0C;
	v1 =	vsel vm1, $0x80, v1;
	v2 =	vsel vm1, $0x2080, v2  }
0x5: {  	s2 =	rddreg [dreg:$0x1];
	vm5 =	vcmask $0x1310;
	v1 =	vsel vm15, $0x100, v1;
	v2 =	vsel vm15, $0x2100, v2  }
0x6: {  	s1 =	rddreg [dreg:$0x2];
	vm6 =	vcmask $0x1714;
	v1 =	vsel vm4, $0x180, v1;
	v2 =	vsel vm4, $0x2180, v2  }
0x7: {  	s3 =	srdreg.scid;
	s5 =	stileid.u32;
	vm7 =	vcmask $0x1B18;
	v1 =	vsel vm5, $0x200, v1;
	v2 =	vsel vm5, $0x2200, v2  }
0x8: {  	s11 =	simm.s32 $0x1000;
	vm8 =	vcmask $0x1F1C;
	s14 =	simm.s32 $0xDC00;
	s15 =	simm.s32 $0xE000;
	v1 =	vsel vm6, $0x280, v1;
	v2 =	vsel vm6, $0x2280, v2  }
0x9: {  	vm9 =	vcmask $0x2320;
	s16 =	simm.s32 $0xE400;
	s17 =	simm.s32 $0xE800;
	s18 =	simm.s32 $0xEC00;
	v1 =	vsel vm7, $0x300, v1;
	v2 =	vsel vm7, $0x2300, v2  }
0xa: {  	vm10 =	vcmask $0x2724;
	s19 =	simm.s32 $0xF000;
	s20 =	simm.s32 $0xF400;
	s21 =	simm.s32 $0xF800;
	v1 =	vsel vm8, $0x380, v1;
	v2 =	vsel vm8, $0x2380, v2  }
0xb: {  	vm11 =	vcmask $0x2B28;
	s22 =	simm.s32 $0xFC00;
	s23 =	simm.s32 $0x10000;
	s24 =	simm.s32 $0x18400;
	v1 =	vsel vm9, $0x1000, v1;
	v2 =	vsel vm9, $0x3000, v2  }
0xc: {  	vm12 =	vcmask $0x2F2C;
	s25 =	simm.s32 $0x20000;
	s26 =	simm.s32 $0x0;
	s4 =	sand.u32 $0x1, s3;
	v1 =	vsel vm10, $0x1080, v1;
	v2 =	vsel vm10, $0x3080, v2  }
.Ltmp0:
0xd: {  	vm13 =	vcmask $0x3330;
	s3 =	simm.s32 $0x0;
	s5 =	sshll.u32 s5, $0xA;
	v1 =	vsel vm11, $0x1100, v1;
	v2 =	vsel vm11, $0x3100, v2;
	(pc) =	sbr.rel .LBB2_1-.Ltmp0, $4  }
0xe: {  	vm14 =	vcmask $0x3734;
	s6 =	sshll.u32 s4, $0x9;
	[smem:$0x7FF] =	sst s3;
	s4 =	ssub.s32 $0x2, s4;
	v1 =	vsel vm12, $0x1180, v1;
	v2 =	vsel vm12, $0x3180, v2  }
0xf: {  	v0 =	vmul.u32 $0x80, v0;
	s5 =	sor.u32 s6, s5;
	_ =	strace $0x80000047;
	s31 =	sshrl.u32 s4, $0x1;
	v1 =	vsel vm13, $0x1200, v1;
	v2 =	vsel vm13, $0x3200, v2  }
0x10: {  	vm15 =	vcmask $0x3B38;
	s7 =	sshrl.u32 s5, $0x3;
	s6 =	ssub.s32 s4, s31;
	s5 =	sadd.s32 s1, s5;
	v1 =	vsel vm14, $0x1280, v1;
	v3 =	vsel vm14, $0x3280, v2  }
0x11: {  	s4 =	sadd.s32 s0, s7;
	s6 =	smax.u32 s6, $0x1;
	s7 =	simm.s32 $0x19;
	v2 =	vor.u32 $0x800, v0;
	v1 =	vsel vm15, $0x1300, v1;
	v3 =	vsel vm15, $0x3300, v3  }
.LBB2_5:
0x12: {  	s26 =	sadd.s32 $0x1, s26  }
0x13: {  	p0 =	sne.s32 s26, s6  }
.Ltmp1:
0x14: {  	_ = 	snop;
	(pc) =	sbr.rel @!p0 .LBB2_6-.Ltmp1, $4  }
0x15: {  	[hbm4b:s5+s11] =	stream.strided.scatter [tilespmem:s24], [sflag:$0x19], $0x4000, s25, s11, $0x38;
	[tilespmem:$0x1C400] =	vst v63  }
0x16: {  	_ =	swait.ge [sflag:s7], $0x4000  }
0x17: {  	[sflag:s7] =	ssyncset.done $0x0  }
0x18: {  	[sflag:s7] =	ssyncadd.s32 $0xFFFFC000  }
.LBB2_1:
0x19: {  	[tilespmem:s3], [sflag:$0x19] =	stream.linear.gather [hbm4b:s4+s3], $0x200, $0x38;
	[tilespmem:$0x1C400] =	vst v63  }
0x1a: {  	_ =	swait.ge [sflag:s7], $0x200  }
0x1b: {  	[sflag:s7] =	ssyncset.done $0x0  }
0x1c: {  	[sflag:s7] =	ssyncadd.s32 $0xFFFFFE00  }
0x1d: {  	v4 =	vld [tilespmem:$0x0];
	_ =	sdelay $0x4  }
0x1e: {  	(v2sf) =	vpush v4, $0x0;
	_ =	sdelay $0x7  }
0x1f: {  	(v2sf) =	vpush v4, $0x1;
	_ =	sdelay $0x6  }
0x20: {  	s0 =	spop (v2sf)  }
0x21: {  	s0 =	sand.u32 $0xFFFFF80, s0  }
0x22: {  	s1 =	simm.s32 $0x400;
	(v2sf) =	vpush v4, $0x2;
	s0 =	sadd.s32 s2, s0  }
0x23: {  	[tilespmem:s1], [sflag:$0x1] =	stream.linear.gather [hbm4b:s0+s3], $0x400, $0x38;
	[tilespmem:$0x1C400] =	vst v63  }
0x24: {  	s8 =	simm.s32 $0x800;
	s12 =	sadd.s32 $0xF4280, s0  }
0x25: {  	[tilespmem:s8], [sflag:$0x1] =	stream.linear.gather [hbm4b:s12+s3], $0x400, $0x38;
	[tilespmem:$0x1C400] =	vst v63  }
0x26: {  	s31 =	simm.s32 $0xC00;
	s13 =	sadd.s32 $0x1E8500, s0  }
0x27: {  	[tilespmem:s31], [sflag:$0x1] =	stream.linear.gather [hbm4b:s13+s3], $0x400, $0x38;
	[tilespmem:$0x1C400] =	vst v63  }
0x28: {  	s0 =	sadd.s32 $0x2DC780, s0;
	s1 =	spop (v2sf)  }
0x29: {  	[tilespmem:s11], [sflag:$0x1] =	stream.linear.gather [hbm4b:s0+s3], $0x400, $0x38;
	[tilespmem:$0x1C400] =	vst v63  }
0x2a: {  	s0 =	sand.u32 $0xFFFFF80, s1  }
0x2b: {  	(v2sf) =	vpush v4, $0x3;
	s8 =	simm.s32 $0x1400;
	s0 =	sadd.s32 s2, s0  }
0x2c: {  	[tilespmem:s8], [sflag:$0x2] =	stream.linear.gather [hbm4b:s0+s3], $0x400, $0x38;
	[tilespmem:$0x1C400] =	vst v63  }
0x2d: {  	s10 =	simm.s32 $0x1800;
	s9 =	sadd.s32 $0xF4280, s0  }
0x2e: {  	[tilespmem:s10], [sflag:$0x2] =	stream.linear.gather [hbm4b:s9+s3], $0x400, $0x38;
	[tilespmem:$0x1C400] =	vst v63  }
0x2f: {  	s13 =	simm.s32 $0x1C00;
	s12 =	sadd.s32 $0x1E8500, s0  }
0x30: {  	[tilespmem:s13], [sflag:$0x2] =	stream.linear.gather [hbm4b:s12+s3], $0x400, $0x38;
	[tilespmem:$0x1C400] =	vst v63  }
0x31: {  	s31 =	simm.s32 $0x2000;
	s0 =	sadd.s32 $0x2DC780, s0;
	s1 =	spop (v2sf)  }
0x32: {  	[tilespmem:s31], [sflag:$0x2] =	stream.linear.gather [hbm4b:s0+s3], $0x400, $0x38;
	[tilespmem:$0x1C400] =	vst v63  }
0x33: {  	s0 =	sand.u32 $0xFFFFF80, s1  }
0x34: {  	s8 =	simm.s32 $0x2400;
	(v2sf) =	vpush v4, $0x4;
	s0 =	sadd.s32 s2, s0  }
0x35: {  	[tilespmem:s8], [sflag:$0x3] =	stream.linear.gather [hbm4b:s0+s3], $0x400, $0x38;
	[tilespmem:$0x1C400] =	vst v63  }
0x36: {  	s10 =	simm.s32 $0x2800;
	s9 =	sadd.s32 $0xF4280, s0  }
0x37: {  	[tilespmem:s10], [sflag:$0x3] =	stream.linear.gather [hbm4b:s9+s3], $0x400, $0x38;
	[tilespmem:$0x1C400] =	vst v63  }
0x38: {  	s13 =	simm.s32 $0x2C00;
	s12 =	sadd.s32 $0x1E8500, s0  }
0x39: {  	[tilespmem:s13], [sflag:$0x3] =	stream.linear.gather [hbm4b:s12+s3], $0x400, $0x38;
	[tilespmem:$0x1C400] =	vst v63  }
0x3a: {  	s31 =	simm.s32 $0x3000;
	s1 =	spop (v2sf);
	s0 =	sadd.s32 $0x2DC780, s0  }
0x3b: {  	[tilespmem:s31], [sflag:$0x3] =	stream.linear.gather [hbm4b:s0+s3], $0x400, $0x38;
	[tilespmem:$0x1C400] =	vst v63  }
0x3c: {  	s0 =	sand.u32 $0xFFFFF80, s1  }
0x3d: {  	(v2sf) =	vpush v4, $0x5;
	s8 =	simm.s32 $0x3400;
	s0 =	sadd.s32 s2, s0  }
0x3e: {  	[tilespmem:s8], [sflag:$0x4] =	stream.linear.gather [hbm4b:s0+s3], $0x400, $0x38;
	[tilespmem:$0x1C400] =	vst v63  }
0x3f: {  	s10 =	simm.s32 $0x3800;
	s9 =	sadd.s32 $0xF4280, s0  }
0x40: {  	[tilespmem:s10], [sflag:$0x4] =	stream.linear.gather [hbm4b:s9+s3], $0x400, $0x38;
	[tilespmem:$0x1C400] =	vst v63  }
0x41: {  	s13 =	simm.s32 $0x3C00;
	s12 =	sadd.s32 $0x1E8500, s0  }
0x42: {  	[tilespmem:s13], [sflag:$0x4] =	stream.linear.gather [hbm4b:s12+s3], $0x400, $0x38;
	[tilespmem:$0x1C400] =	vst v63  }
0x43: {  	s31 =	simm.s32 $0x4000;
	s0 =	sadd.s32 $0x2DC780, s0;
	s1 =	spop (v2sf)  }
0x44: {  	[tilespmem:s31], [sflag:$0x4] =	stream.linear.gather [hbm4b:s0+s3], $0x400, $0x38;
	[tilespmem:$0x1C400] =	vst v63  }
0x45: {  	s0 =	sand.u32 $0xFFFFF80, s1  }
0x46: {  	s8 =	simm.s32 $0x4400;
	(v2sf) =	vpush v4, $0x6;
	s0 =	sadd.s32 s2, s0  }
0x47: {  	[tilespmem:s8], [sflag:$0x5] =	stream.linear.gather [hbm4b:s0+s3], $0x400, $0x38;
	[tilespmem:$0x1C400] =	vst v63  }
0x48: {  	s10 =	simm.s32 $0x4800;
	s9 =	sadd.s32 $0xF4280, s0  }
0x49: {  	[tilespmem:s10], [sflag:$0x5] =	stream.linear.gather [hbm4b:s9+s3], $0x400, $0x38;
	[tilespmem:$0x1C400] =	vst v63  }
0x4a: {  	s13 =	simm.s32 $0x4C00;
	s12 =	sadd.s32 $0x1E8500, s0  }
0x4b: {  	[tilespmem:s13], [sflag:$0x5] =	stream.linear.gather [hbm4b:s12+s3], $0x400, $0x38;
	[tilespmem:$0x1C400] =	vst v63  }
0x4c: {  	s31 =	simm.s32 $0x5000;
	s1 =	spop (v2sf);
	s0 =	sadd.s32 $0x2DC780, s0  }
0x4d: {  	[tilespmem:s31], [sflag:$0x5] =	stream.linear.gather [hbm4b:s0+s3], $0x400, $0x38;
	[tilespmem:$0x1C400] =	vst v63  }
0x4e: {  	s0 =	sand.u32 $0xFFFFF80, s1  }
0x4f: {  	(v2sf) =	vpush v4, $0x7;
	s8 =	simm.s32 $0x5400;
	s0 =	sadd.s32 s2, s0  }
0x50: {  	[tilespmem:s8], [sflag:$0x6] =	stream.linear.gather [hbm4b:s0+s3], $0x400, $0x38;
	[tilespmem:$0x1C400] =	vst v63  }
0x51: {  	s10 =	simm.s32 $0x5800;
	s9 =	sadd.s32 $0xF4280, s0  }
0x52: {  	[tilespmem:s10], [sflag:$0x6] =	stream.linear.gather [hbm4b:s9+s3], $0x400, $0x38;
	[tilespmem:$0x1C400] =	vst v63  }
0x53: {  	s13 =	simm.s32 $0x5C00;
	s12 =	sadd.s32 $0x1E8500, s0  }
0x54: {  	[tilespmem:s13], [sflag:$0x6] =	stream.linear.gather [hbm4b:s12+s3], $0x400, $0x38;
	[tilespmem:$0x1C400] =	vst v63  }
0x55: {  	s31 =	simm.s32 $0x6000;
	s0 =	sadd.s32 $0x2DC780, s0;
	s1 =	spop (v2sf)  }
0x56: {  	[tilespmem:s31], [sflag:$0x6] =	stream.linear.gather [hbm4b:s0+s3], $0x400, $0x38;
	[tilespmem:$0x1C400] =	vst v63  }
0x57: {  	s0 =	sand.u32 $0xFFFFF80, s1  }
0x58: {  	s8 =	simm.s32 $0x6400;
	s0 =	sadd.s32 s2, s0  }
0x59: {  	[tilespmem:s8], [sflag:$0x7] =	stream.linear.gather [hbm4b:s0+s3], $0x400, $0x38;
	[tilespmem:$0x1C400] =	vst v63  }
0x5a: {  	s10 =	simm.s32 $0x6800;
	s9 =	sadd.s32 $0xF4280, s0  }
0x5b: {  	[tilespmem:s10], [sflag:$0x7] =	stream.linear.gather [hbm4b:s9+s3], $0x400, $0x38;
	[tilespmem:$0x1C400] =	vst v63  }
0x5c: {  	s13 =	simm.s32 $0x6C00;
	s12 =	sadd.s32 $0x1E8500, s0  }
0x5d: {  	[tilespmem:s13], [sflag:$0x7] =	stream.linear.gather [hbm4b:s12+s3], $0x400, $0x38;
	[tilespmem:$0x1C400] =	vst v63  }
0x5e: {  	s31 =	simm.s32 $0x7000;
	s1 =	spop (v2sf);
	s0 =	sadd.s32 $0x2DC780, s0  }
0x5f: {  	[tilespmem:s31], [sflag:$0x7] =	stream.linear.gather [hbm4b:s0+s3], $0x400, $0x38;
	[tilespmem:$0x1C400] =	vst v63  }
0x60: {  	s0 =	sand.u32 $0xFFFFF80, s1  }
0x61: {  	s8 =	simm.s32 $0x7400;
	s0 =	sadd.s32 s2, s0  }
0x62: {  	[tilespmem:s8], [sflag:$0x8] =	stream.linear.gather [hbm4b:s0+s3], $0x400, $0x38;
	[tilespmem:$0x1C400] =	vst v63  }
0x63: {  	s10 =	simm.s32 $0x7800;
	s9 =	sadd.s32 $0xF4280, s0  }
0x64: {  	[tilespmem:s10], [sflag:$0x8] =	stream.linear.gather [hbm4b:s9+s3], $0x400, $0x38;
	[tilespmem:$0x1C400] =	vst v63  }
0x65: {  	s13 =	simm.s32 $0x7C00;
	s12 =	sadd.s32 $0x1E8500, s0  }
0x66: {  	[tilespmem:s13], [sflag:$0x8] =	stream.linear.gather [hbm4b:s12+s3], $0x400, $0x38;
	[tilespmem:$0x1C400] =	vst v63  }
0x67: {  	s31 =	simm.s32 $0x8000;
	s0 =	sadd.s32 $0x2DC780, s0  }
0x68: {  	[tilespmem:s31], [sflag:$0x8] =	stream.linear.gather [hbm4b:s0+s3], $0x400, $0x38;
	[tilespmem:$0x1C400] =	vst v63  }
0x69: {  	v5 =	vld [tilespmem:$0x8];
	_ =	sdelay $0x4  }
0x6a: {  	(v2sf) =	vpush v5, $0x0;
	_ =	sdelay $0x7  }
0x6b: {  	(v2sf) =	vpush v5, $0x1;
	_ =	sdelay $0x6  }
0x6c: {  	s1 =	spop (v2sf)  }
0x6d: {  	s0 =	sand.u32 $0xFFFFF80, s1  }
0x6e: {  	s8 =	simm.s32 $0x8400;
	(v2sf) =	vpush v5, $0x2;
	s0 =	sadd.s32 s2, s0  }
0x6f: {  	[tilespmem:s8], [sflag:$0x9] =	stream.linear.gather [hbm4b:s0+s3], $0x400, $0x38;
	[tilespmem:$0x1C400] =	vst v63  }
0x70: {  	s10 =	simm.s32 $0x8800;
	s9 =	sadd.s32 $0xF4280, s0  }
0x71: {  	[tilespmem:s10], [sflag:$0x9] =	stream.linear.gather [hbm4b:s9+s3], $0x400, $0x38;
	[tilespmem:$0x1C400] =	vst v63  }
0x72: {  	s13 =	simm.s32 $0x8C00;
	s12 =	sadd.s32 $0x1E8500, s0  }
0x73: {  	[tilespmem:s13], [sflag:$0x9] =	stream.linear.gather [hbm4b:s12+s3], $0x400, $0x38;
	[tilespmem:$0x1C400] =	vst v63  }
0x74: {  	s31 =	simm.s32 $0x9000;
	s1 =	spop (v2sf);
	s0 =	sadd.s32 $0x2DC780, s0  }
0x75: {  	[tilespmem:s31], [sflag:$0x9] =	stream.linear.gather [hbm4b:s0+s3], $0x400, $0x38;
	[tilespmem:$0x1C400] =	vst v63  }
0x76: {  	s0 =	sand.u32 $0xFFFFF80, s1  }
0x77: {  	(v2sf) =	vpush v5, $0x3;
	s8 =	simm.s32 $0x9400;
	s0 =	sadd.s32 s2, s0  }
0x78: {  	[tilespmem:s8], [sflag:$0xA] =	stream.linear.gather [hbm4b:s0+s3], $0x400, $0x38;
	[tilespmem:$0x1C400] =	vst v63  }
0x79: {  	s10 =	simm.s32 $0x9800;
	s9 =	sadd.s32 $0xF4280, s0  }
0x7a: {  	[tilespmem:s10], [sflag:$0xA] =	stream.linear.gather [hbm4b:s9+s3], $0x400, $0x38;
	[tilespmem:$0x1C400] =	vst v63  }
0x7b: {  	s13 =	simm.s32 $0x9C00;
	s12 =	sadd.s32 $0x1E8500, s0  }
0x7c: {  	[tilespmem:s13], [sflag:$0xA] =	stream.linear.gather [hbm4b:s12+s3], $0x400, $0x38;
	[tilespmem:$0x1C400] =	vst v63  }
0x7d: {  	s31 =	simm.s32 $0xA000;
	s0 =	sadd.s32 $0x2DC780, s0;
	s1 =	spop (v2sf)  }
0x7e: {  	[tilespmem:s31], [sflag:$0xA] =	stream.linear.gather [hbm4b:s0+s3], $0x400, $0x38;
	[tilespmem:$0x1C400] =	vst v63  }
0x7f: {  	s0 =	sand.u32 $0xFFFFF80, s1  }
0x80: {  	s8 =	simm.s32 $0xA400;
	(v2sf) =	vpush v5, $0x4;
	s0 =	sadd.s32 s2, s0  }
0x81: {  	[tilespmem:s8], [sflag:$0xB] =	stream.linear.gather [hbm4b:s0+s3], $0x400, $0x38;
	[tilespmem:$0x1C400] =	vst v63  }
0x82: {  	s10 =	simm.s32 $0xA800;
	s9 =	sadd.s32 $0xF4280, s0  }
0x83: {  	[tilespmem:s10], [sflag:$0xB] =	stream.linear.gather [hbm4b:s9+s3], $0x400, $0x38;
	[tilespmem:$0x1C400] =	vst v63  }
0x84: {  	s13 =	simm.s32 $0xAC00;
	s12 =	sadd.s32 $0x1E8500, s0  }
0x85: {  	[tilespmem:s13], [sflag:$0xB] =	stream.linear.gather [hbm4b:s12+s3], $0x400, $0x38;
	[tilespmem:$0x1C400] =	vst v63  }
0x86: {  	s31 =	simm.s32 $0xB000;
	s1 =	spop (v2sf);
	s0 =	sadd.s32 $0x2DC780, s0  }
0x87: {  	[tilespmem:s31], [sflag:$0xB] =	stream.linear.gather [hbm4b:s0+s3], $0x400, $0x38;
	[tilespmem:$0x1C400] =	vst v63  }
0x88: {  	s0 =	sand.u32 $0xFFFFF80, s1  }
0x89: {  	(v2sf) =	vpush v5, $0x5;
	s8 =	simm.s32 $0xB400;
	s0 =	sadd.s32 s2, s0  }
0x8a: {  	[tilespmem:s8], [sflag:$0xC] =	stream.linear.gather [hbm4b:s0+s3], $0x400, $0x38;
	[tilespmem:$0x1C400] =	vst v63  }
0x8b: {  	s10 =	simm.s32 $0xB800;
	s9 =	sadd.s32 $0xF4280, s0  }
0x8c: {  	[tilespmem:s10], [sflag:$0xC] =	stream.linear.gather [hbm4b:s9+s3], $0x400, $0x38;
	[tilespmem:$0x1C400] =	vst v63  }
0x8d: {  	s13 =	simm.s32 $0xBC00;
	s12 =	sadd.s32 $0x1E8500, s0  }
0x8e: {  	[tilespmem:s13], [sflag:$0xC] =	stream.linear.gather [hbm4b:s12+s3], $0x400, $0x38;
	[tilespmem:$0x1C400] =	vst v63  }
0x8f: {  	s31 =	simm.s32 $0xC000;
	s0 =	sadd.s32 $0x2DC780, s0;
	s1 =	spop (v2sf)  }
0x90: {  	(v2sf) =	vpush v5, $0x6;
	[tilespmem:s31], [sflag:$0xC] =	stream.linear.gather [hbm4b:s0+s3], $0x400, $0x38;
	[tilespmem:$0x1C400] =	vst v63  }
0x91: {  	s0 =	sand.u32 $0xFFFFF80, s1  }
0x92: {  	s8 =	simm.s32 $0xC400;
	s0 =	sadd.s32 s2, s0  }
0x93: {  	[tilespmem:s8], [sflag:$0xD] =	stream.linear.gather [hbm4b:s0+s3], $0x400, $0x38;
	[tilespmem:$0x1C400] =	vst v63  }
0x94: {  	s10 =	simm.s32 $0xC800;
	s9 =	sadd.s32 $0xF4280, s0  }
0x95: {  	[tilespmem:s10], [sflag:$0xD] =	stream.linear.gather [hbm4b:s9+s3], $0x400, $0x38;
	[tilespmem:$0x1C400] =	vst v63  }
0x96: {  	s13 =	simm.s32 $0xCC00;
	s12 =	sadd.s32 $0x1E8500, s0  }
0x97: {  	[tilespmem:s13], [sflag:$0xD] =	stream.linear.gather [hbm4b:s12+s3], $0x400, $0x38;
	[tilespmem:$0x1C400] =	vst v63  }
0x98: {  	s31 =	simm.s32 $0xD000;
	s0 =	sadd.s32 $0x2DC780, s0;
	s8 =	spop (v2sf)  }
0x99: {  	[tilespmem:s31], [sflag:$0xD] =	stream.linear.gather [hbm4b:s0+s3], $0x400, $0x38;
	[tilespmem:$0x1C400] =	vst v63  }
0x9a: {  	(v2sf) =	vpush v5, $0x7;
	s0 =	sand.u32 $0xFFFFF80, s8  }
0x9b: {  	s9 =	simm.s32 $0xD400;
	s0 =	sadd.s32 s2, s0  }
0x9c: {  	[tilespmem:s9], [sflag:$0xE] =	stream.linear.gather [hbm4b:s0+s3], $0x400, $0x38;
	[tilespmem:$0x1C400] =	vst v63  }
0x9d: {  	s12 =	simm.s32 $0xD800;
	s10 =	sadd.s32 $0xF4280, s0  }
0x9e: {  	[tilespmem:s12], [sflag:$0xE] =	stream.linear.gather [hbm4b:s10+s3], $0x400, $0x38;
	[tilespmem:$0x1C400] =	vst v63  }
0x9f: {  	s13 =	sadd.s32 $0x1E8500, s0;
	s31 =	spop (v2sf)  }
0xa0: {  	[tilespmem:s14], [sflag:$0xE] =	stream.linear.gather [hbm4b:s13+s3], $0x400, $0x38;
	[tilespmem:$0x1C400] =	vst v63  }
0xa1: {  	s0 =	sadd.s32 $0x2DC780, s0;
	s8 =	sand.u32 $0xFFFFF80, s31  }
0xa2: {  	[tilespmem:s15], [sflag:$0xE] =	stream.linear.gather [hbm4b:s0+s3], $0x400, $0x38;
	[tilespmem:$0x1C400] =	vst v63  }
0xa3: {  	s0 =	sadd.s32 s2, s8  }
0xa4: {  	[tilespmem:s16], [sflag:$0xF] =	stream.linear.gather [hbm4b:s0+s3], $0x400, $0x38;
	[tilespmem:$0x1C400] =	vst v63  }
0xa5: {  	s9 =	sadd.s32 $0xF4280, s0  }
0xa6: {  	[tilespmem:s17], [sflag:$0xF] =	stream.linear.gather [hbm4b:s9+s3], $0x400, $0x38;
	[tilespmem:$0x1C400] =	vst v63  }
0xa7: {  	s10 =	sadd.s32 $0x1E8500, s0  }
0xa8: {  	[tilespmem:s18], [sflag:$0xF] =	stream.linear.gather [hbm4b:s10+s3], $0x400, $0x38;
	[tilespmem:$0x1C400] =	vst v63  }
0xa9: {  	s12 =	spop (v2sf);
	s0 =	sadd.s32 $0x2DC780, s0  }
0xaa: {  	[tilespmem:s19], [sflag:$0xF] =	stream.linear.gather [hbm4b:s0+s3], $0x400, $0x38;
	[tilespmem:$0x1C400] =	vst v63  }
0xab: {  	s0 =	sand.u32 $0xFFFFF80, s12  }
0xac: {  	s0 =	sadd.s32 s2, s0  }
0xad: {  	[tilespmem:s20], [sflag:$0x10] =	stream.linear.gather [hbm4b:s0+s3], $0x400, $0x38;
	[tilespmem:$0x1C400] =	vst v63  }
0xae: {  	s13 =	sadd.s32 $0xF4280, s0  }
0xaf: {  	[tilespmem:s21], [sflag:$0x10] =	stream.linear.gather [hbm4b:s13+s3], $0x400, $0x38;
	[tilespmem:$0x1C400] =	vst v63  }
.Ltmp2:
0xb0: {  	_ = 	snop;
	(pc) =	sbr.rel .LBB2_2-.Ltmp2, $4  }
0xb1: {  	s28 =	simm.s32 $0x7;
	s31 =	sadd.s32 $0x1E8500, s0  }
0xb2: {  	[tilespmem:s22], [sflag:$0x10] =	stream.linear.gather [hbm4b:s31+s3], $0x400, $0x38;
	[tilespmem:$0x1C400] =	vst v63  }
0xb3: {  	s29 =	simm.s32 $0x2;
	s30 =	simm.s32 $0x10;
	s0 =	sadd.s32 $0x2DC780, s0  }
0xb4: {  	[tilespmem:s23], [sflag:$0x10] =	stream.linear.gather [hbm4b:s0+s3], $0x400, $0x38;
	[tilespmem:$0x1C400] =	vst v63  }
.LBB2_4:
0xb5: {  	(v2sf) =	vpush v4, $0x0;
	_ =	sdelay $0x5  }
0xb6: {  	s1 =	smul.u32 $0xAB, s0;
	_ =	sdelay $0x1  }
0xb7: {  	s1 =	sshrl.u32 s1, $0x9  }
0xb8: {  	s1 =	sand.u32 $0x7F, s1  }
0xb9: {  	s1 =	smul.u32 $0x3, s1;
	_ =	sdelay $0x1  }
0xba: {  	s10 =	ssub.s32 s0, s1  }
0xbb: {  	s1 =	sand.u32 $0xFF, s10  }
0xbc: {  	s31 =	sshll.u32 s1, $0x3  }
0xbd: {  	s8 =	sor.u32 $0x1, s31;
	s12 =	spop (v2sf)  }
0xbe: {  	_ =	swait.ge [sflag:s8], $0x1000;
	s9 =	sand.u32 $0x7F, s12  }
0xbf: {  	s13 =	sadd.s32 $0xFFFFFFF9, s28;
	v7 =	vor.u32 s9, v0;
	(v2sf) =	vpush v4, $0x1  }
0xc0: {  	v8 =	vmov s13  }
0xc1: {  	v9 =	vshll.u32 v8, $0x3  }
0xc2: {  	v8 =	vand.u32 $0x78, v8;
	v9 =	vand.u32 $0xC00, v9;
	s0 =	sshll.u32 s1, $0xF;
	[sflag:s8] =	ssyncset.done $0x0  }
0xc3: {  	v8 =	vor.u32 v8, v9;
	s10 =	sor.u32 $0x400, s0;
	[sflag:s8] =	ssyncadd.s32 $0xFFFFF000  }
0xc4: {  	v9 =	vor.u32 v1, v8;
	v7 =	vld.idx.msk [tilespmem:v7+s10+$0x0], $0xffff  }
0xc5: {  	v10 =	vor.u32 s9, v2;
	_ =	sdelay $0x3  }
0xc6: {  	[tilespmem:v9+s24+$0x0] =	vst.idx.msk $0xffff, v7  }
0xc7: {  	v8 =	vor.u32 v3, v8;
	v7 =	vld.idx.msk [tilespmem:v10+s10+$0x0], $0xffff;
	_ =	sdelay $0x3  }
0xc8: {  	s10 =	spop (v2sf)  }
0xc9: {  	s9 =	sor.u32 $0x2, s31;
	[tilespmem:v8+s24+$0x0] =	vst.idx.msk $0xffff, v7;
	s8 =	sand.u32 $0x7F, s10  }
0xca: {  	s12 =	sadd.s32 $0xFFFFFFFA, s28;
	_ =	swait.ge [sflag:s9], $0x1000;
	v7 =	vor.u32 s8, v0  }
0xcb: {  	v44 =	vmov s12;
	(v2sf) =	vpush v4, $0x2  }
0xcc: {  	v45 =	vshll.u32 v44, $0x3  }
0xcd: {  	v9 =	vand.u32 $0xC00, v45;
	v8 =	vand.u32 $0x79, v44;
	[sflag:s9] =	ssyncset.done $0x0  }
0xce: {  	s13 =	sor.u32 $0x1400, s0;
	v8 =	vor.u32 v8, v9;
	[sflag:s9] =	ssyncadd.s32 $0xFFFFF000  }
0xcf: {  	v9 =	vor.u32 v1, v8;
	v7 =	vld.idx.msk [tilespmem:v7+s13+$0x0], $0xffff  }
0xd0: {  	v46 =	vor.u32 s8, v2;
	_ =	sdelay $0x3  }
0xd1: {  	[tilespmem:v9+s24+$0x0] =	vst.idx.msk $0xffff, v7  }
0xd2: {  	v8 =	vor.u32 v3, v8;
	v7 =	vld.idx.msk [tilespmem:v46+s13+$0x0], $0xffff;
	_ =	sdelay $0x4  }
0xd3: {  	s9 =	sor.u32 $0x3, s31;
	[tilespmem:v8+s24+$0x0] =	vst.idx.msk $0xffff, v7;
	s10 =	spop (v2sf)  }
0xd4: {  	_ =	swait.ge [sflag:s9], $0x1000;
	s8 =	sand.u32 $0x7F, s10  }
0xd5: {  	s12 =	sadd.s32 $0xFFFFFFFB, s28;
	v7 =	vor.u32 s8, v0;
	(v2sf) =	vpush v4, $0x3  }
0xd6: {  	v47 =	vmov s12  }
0xd7: {  	v48 =	vshll.u32 v47, $0x3  }
0xd8: {  	v9 =	vand.u32 $0xC00, v48;
	v8 =	vand.u32 $0x7A, v47;
	[sflag:s9] =	ssyncset.done $0x0  }
0xd9: {  	s13 =	sor.u32 $0x2400, s0;
	v8 =	vor.u32 v8, v9;
	[sflag:s9] =	ssyncadd.s32 $0xFFFFF000  }
0xda: {  	v9 =	vor.u32 v1, v8;
	v7 =	vld.idx.msk [tilespmem:v7+s13+$0x0], $0xffff  }
0xdb: {  	v49 =	vor.u32 s8, v2;
	_ =	sdelay $0x3  }
0xdc: {  	[tilespmem:v9+s24+$0x0] =	vst.idx.msk $0xffff, v7  }
0xdd: {  	v8 =	vor.u32 v3, v8;
	v7 =	vld.idx.msk [tilespmem:v49+s13+$0x0], $0xffff;
	_ =	sdelay $0x3  }
0xde: {  	s10 =	spop (v2sf)  }
0xdf: {  	s9 =	sor.u32 $0x4, s31;
	[tilespmem:v8+s24+$0x0] =	vst.idx.msk $0xffff, v7;
	s8 =	sand.u32 $0x7F, s10  }
0xe0: {  	s12 =	sadd.s32 $0xFFFFFFFC, s28;
	_ =	swait.ge [sflag:s9], $0x1000;
	v7 =	vor.u32 s8, v0  }
0xe1: {  	v50 =	vmov s12;
	(v2sf) =	vpush v4, $0x4  }
0xe2: {  	v51 =	vshll.u32 v50, $0x3  }
0xe3: {  	v9 =	vand.u32 $0xC00, v51;
	v8 =	vand.u32 $0x7B, v50;
	[sflag:s9] =	ssyncset.done $0x0  }
0xe4: {  	s13 =	sor.u32 $0x3400, s0;
	v8 =	vor.u32 v8, v9;
	[sflag:s9] =	ssyncadd.s32 $0xFFFFF000  }
0xe5: {  	v9 =	vor.u32 v1, v8;
	v7 =	vld.idx.msk [tilespmem:v7+s13+$0x0], $0xffff  }
0xe6: {  	v52 =	vor.u32 s8, v2;
	_ =	sdelay $0x3  }
0xe7: {  	[tilespmem:v9+s24+$0x0] =	vst.idx.msk $0xffff, v7  }
0xe8: {  	v8 =	vor.u32 v3, v8;
	v7 =	vld.idx.msk [tilespmem:v52+s13+$0x0], $0xffff;
	_ =	sdelay $0x4  }
0xe9: {  	s9 =	sor.u32 $0x5, s31;
	[tilespmem:v8+s24+$0x0] =	vst.idx.msk $0xffff, v7;
	s10 =	spop (v2sf)  }
0xea: {  	_ =	swait.ge [sflag:s9], $0x1000;
	s8 =	sand.u32 $0x7F, s10  }
0xeb: {  	s12 =	sadd.s32 $0xFFFFFFFD, s28;
	v7 =	vor.u32 s8, v0;
	(v2sf) =	vpush v4, $0x5  }
0xec: {  	v53 =	vmov s12  }
0xed: {  	v54 =	vshll.u32 v53, $0x3  }
0xee: {  	v9 =	vand.u32 $0xC00, v54;
	v8 =	vand.u32 $0x7C, v53;
	[sflag:s9] =	ssyncset.done $0x0  }
0xef: {  	s13 =	sor.u32 $0x4400, s0;
	v8 =	vor.u32 v8, v9;
	[sflag:s9] =	ssyncadd.s32 $0xFFFFF000  }
0xf0: {  	v9 =	vor.u32 v1, v8;
	v7 =	vld.idx.msk [tilespmem:v7+s13+$0x0], $0xffff  }
0xf1: {  	v55 =	vor.u32 s8, v2;
	_ =	sdelay $0x3  }
0xf2: {  	[tilespmem:v9+s24+$0x0] =	vst.idx.msk $0xffff, v7  }
0xf3: {  	v8 =	vor.u32 v3, v8;
	v7 =	vld.idx.msk [tilespmem:v55+s13+$0x0], $0xffff;
	_ =	sdelay $0x3  }
0xf4: {  	s10 =	spop (v2sf)  }
0xf5: {  	s9 =	sor.u32 $0x6, s31;
	[tilespmem:v8+s24+$0x0] =	vst.idx.msk $0xffff, v7;
	s8 =	sand.u32 $0x7F, s10  }
0xf6: {  	s12 =	sadd.s32 $0xFFFFFFFE, s28;
	_ =	swait.ge [sflag:s9], $0x1000;
	v7 =	vor.u32 s8, v0  }
0xf7: {  	v56 =	vmov s12;
	(v2sf) =	vpush v4, $0x6  }
0xf8: {  	v57 =	vshll.u32 v56, $0x3  }
0xf9: {  	v9 =	vand.u32 $0xC00, v57;
	v8 =	vand.u32 $0x7D, v56;
	[sflag:s9] =	ssyncset.done $0x0  }
0xfa: {  	s13 =	sor.u32 $0x5400, s0;
	v8 =	vor.u32 v8, v9;
	[sflag:s9] =	ssyncadd.s32 $0xFFFFF000  }
0xfb: {  	v9 =	vor.u32 v1, v8;
	v7 =	vld.idx.msk [tilespmem:v7+s13+$0x0], $0xffff  }
0xfc: {  	v58 =	vor.u32 s8, v2;
	_ =	sdelay $0x3  }
0xfd: {  	[tilespmem:v9+s24+$0x0] =	vst.idx.msk $0xffff, v7  }
0xfe: {  	v8 =	vor.u32 v3, v8;
	v7 =	vld.idx.msk [tilespmem:v58+s13+$0x0], $0xffff;
	_ =	sdelay $0x4  }
0xff: {  	s1 =	sshllo.u32 s1, $0x3;
	[tilespmem:v8+s24+$0x0] =	vst.idx.msk $0xffff, v7;
	s9 =	spop (v2sf)  }
0x100: {  	_ =	swait.ge [sflag:s1], $0x1000  }
0x101: {  	(v2sf) =	vpush v4, $0x7  }
0x102: {  	s8 =	sand.u32 $0x7F, s9  }
0x103: {  	s10 =	sadd.s32 $0xFFFFFFFF, s28;
	v4 =	vor.u32 s8, v0  }
0x104: {  	v7 =	vmov s10  }
0x105: {  	v59 =	vshll.u32 v7, $0x3  }
0x106: {  	v7 =	vand.u32 $0x7E, v7;
	[sflag:s1] =	ssyncset.done $0x0;
	v8 =	vand.u32 $0xC00, v59  }
0x107: {  	s12 =	sor.u32 $0x6400, s0;
	[sflag:s1] =	ssyncadd.s32 $0xFFFFF000;
	v7 =	vor.u32 v7, v8  }
0x108: {  	v8 =	vor.u32 v1, v7;
	v4 =	vld.idx.msk [tilespmem:v4+s12+$0x0], $0xffff  }
0x109: {  	v60 =	vor.u32 s8, v2;
	_ =	sdelay $0x3  }
0x10a: {  	[tilespmem:v8+s24+$0x0] =	vst.idx.msk $0xffff, v4  }
0x10b: {  	v7 =	vor.u32 v3, v7;
	v4 =	vld.idx.msk [tilespmem:v60+s12+$0x0], $0xffff;
	_ =	sdelay $0x1  }
0x10c: {  	s13 =	spop (v2sf)  }
0x10d: {  	s1 =	sand.u32 $0x7F, s13  }
0x10e: {  	v61 =	vor.u32 s1, v0  }
0x10f: {  	s31 =	sadd.s32 $0x8, s31;
	[tilespmem:v7+s24+$0x0] =	vst.idx.msk $0xffff, v4;
	v4 =	vmov s28  }
0x110: {  	_ =	swait.ge [sflag:s31], $0x1000;
	v7 =	vshll.u32 v4, $0x3  }
0x111: {  	v4 =	vand.u32 $0x7F, v4;
	[sflag:s31] =	ssyncset.done $0x0;
	v7 =	vand.u32 $0xC00, v7  }
0x112: {  	s0 =	sor.u32 $0x7400, s0;
	[sflag:s31] =	ssyncadd.s32 $0xFFFFF000;
	v4 =	vor.u32 v4, v7  }
0x113: {  	v62 =	vor.u32 v1, v4;
	v7 =	vld.idx.msk [tilespmem:v61+s0+$0x0], $0xffff  }
0x114: {  	v63 =	vor.u32 s1, v2;
	_ =	sdelay $0x3  }
0x115: {  	s28 =	sadd.s32 $0x8, s28;
	[tilespmem:v62+s24+$0x0] =	vst.idx.msk $0xffff, v7  }
0x116: {  	p0 =	sne.s32 s28, $0x207;
	v4 =	vor.u32 v3, v4;
	v7 =	vld.idx.msk [tilespmem:v63+s0+$0x0], $0xffff  }
.Ltmp3:
0x117: {  	_ = 	snop;
	(pc) =	sbr.rel @!p0 .LBB2_5-.Ltmp3, $2  }
0x118: {  	_ =	sdelay $0x2  }
0x119: {  	s29 =	sadd.s32 $0x1, s29;
	s30 =	sadd.s32 $0x8, s30;
	[tilespmem:v4+s24+$0x0] =	vst.idx.msk $0xffff, v7;
	v4 =	vmov v6  }
.LBB2_2:
0x11a: {  	s0 =	sadd.s32 $0xFFFFFFFE, s29  }
0x11b: {  	p0 =	sgt.u32 s0, $0x3D  }
.Ltmp4:
0x11c: {  	_ = 	snop;
	(pc) =	sbr.rel @p0 .LBB2_4-.Ltmp4, $2  }
0x11d: {  	_ =	sdelay $0x2  }
0x11e: {  	v6 =	vmov v5;
	v5 =	vld [tilespmem:s30+$0x0]  }
0x11f: {  	_ =	sdelay $0x3  }
0x120: {  	(v2sf) =	vpush v5, $0x0;
	_ =	sdelay $0x7  }
0x121: {  	s1 =	smul.u32 $0xAB, s29;
	(v2sf) =	vpush v5, $0x1;
	_ =	sdelay $0x1  }
0x122: {  	s1 =	sshrl.u32 s1, $0x9  }
0x123: {  	s1 =	sand.u32 $0x7F, s1  }
0x124: {  	s1 =	smul.u32 $0x3, s1;
	_ =	sdelay $0x1  }
0x125: {  	s1 =	ssub.s32 s29, s1  }
0x126: {  	s8 =	sand.u32 $0xFF, s1;
	s9 =	spop (v2sf)  }
0x127: {  	s31 =	sshll.u32 s8, $0x3;
	s1 =	sshll.u32 s8, $0xF;
	s9 =	sand.u32 $0xFFFFF80, s9  }
0x128: {  	s10 =	sor.u32 $0x1, s31;
	s12 =	sor.u32 $0x400, s1;
	(v2sf) =	vpush v5, $0x2;
	s9 =	sadd.s32 s2, s9  }
0x129: {  	[tilespmem:s12], [sflag:s10] =	stream.linear.gather [hbm4b:s9+s3], $0x400, $0x38;
	[tilespmem:$0x1C400] =	vst v63  }
0x12a: {  	s12 =	sor.u32 $0x800, s1;
	s13 =	sadd.s32 $0xF4280, s9  }
0x12b: {  	[tilespmem:s12], [sflag:s10] =	stream.linear.gather [hbm4b:s13+s3], $0x400, $0x38;
	[tilespmem:$0x1C400] =	vst v63  }
0x12c: {  	s12 =	sor.u32 $0xC00, s1;
	s13 =	sadd.s32 $0x1E8500, s9  }
0x12d: {  	[tilespmem:s12], [sflag:s10] =	stream.linear.gather [hbm4b:s13+s3], $0x400, $0x38;
	[tilespmem:$0x1C400] =	vst v63  }
0x12e: {  	s9 =	sadd.s32 $0x2DC780, s9;
	s13 =	sor.u32 $0x1000, s1;
	s12 =	spop (v2sf)  }
0x12f: {  	[tilespmem:s13], [sflag:s10] =	stream.linear.gather [hbm4b:s9+s3], $0x400, $0x38;
	[tilespmem:$0x1C400] =	vst v63  }
0x130: {  	s9 =	sand.u32 $0xFFFFF80, s12  }
0x131: {  	(v2sf) =	vpush v5, $0x3;
	s10 =	sor.u32 $0x2, s31;
	s13 =	sor.u32 $0x1400, s1;
	s9 =	sadd.s32 s2, s9  }
0x132: {  	[tilespmem:s13], [sflag:s10] =	stream.linear.gather [hbm4b:s9+s3], $0x400, $0x38;
	[tilespmem:$0x1C400] =	vst v63  }
0x133: {  	s12 =	sor.u32 $0x1800, s1;
	s13 =	sadd.s32 $0xF4280, s9  }
0x134: {  	[tilespmem:s12], [sflag:s10] =	stream.linear.gather [hbm4b:s13+s3], $0x400, $0x38;
	[tilespmem:$0x1C400] =	vst v63  }
0x135: {  	s12 =	sor.u32 $0x1C00, s1;
	s13 =	sadd.s32 $0x1E8500, s9  }
0x136: {  	[tilespmem:s12], [sflag:s10] =	stream.linear.gather [hbm4b:s13+s3], $0x400, $0x38;
	[tilespmem:$0x1C400] =	vst v63  }
0x137: {  	s9 =	sadd.s32 $0x2DC780, s9;
	s13 =	sor.u32 $0x2000, s1;
	s12 =	spop (v2sf)  }
0x138: {  	[tilespmem:s13], [sflag:s10] =	stream.linear.gather [hbm4b:s9+s3], $0x400, $0x38;
	[tilespmem:$0x1C400] =	vst v63  }
0x139: {  	s9 =	sand.u32 $0xFFFFF80, s12  }
0x13a: {  	(v2sf) =	vpush v5, $0x4;
	s10 =	sor.u32 $0x3, s31;
	s13 =	sor.u32 $0x2400, s1;
	s9 =	sadd.s32 s2, s9  }
0x13b: {  	[tilespmem:s13], [sflag:s10] =	stream.linear.gather [hbm4b:s9+s3], $0x400, $0x38;
	[tilespmem:$0x1C400] =	vst v63  }
0x13c: {  	s12 =	sor.u32 $0x2800, s1;
	s13 =	sadd.s32 $0xF4280, s9  }
0x13d: {  	[tilespmem:s12], [sflag:s10] =	stream.linear.gather [hbm4b:s13+s3], $0x400, $0x38;
	[tilespmem:$0x1C400] =	vst v63  }
0x13e: {  	s12 =	sor.u32 $0x2C00, s1;
	s13 =	sadd.s32 $0x1E8500, s9  }
0x13f: {  	[tilespmem:s12], [sflag:s10] =	stream.linear.gather [hbm4b:s13+s3], $0x400, $0x38;
	[tilespmem:$0x1C400] =	vst v63  }
0x140: {  	s9 =	sadd.s32 $0x2DC780, s9;
	s13 =	sor.u32 $0x3000, s1;
	s12 =	spop (v2sf)  }
0x141: {  	[tilespmem:s13], [sflag:s10] =	stream.linear.gather [hbm4b:s9+s3], $0x400, $0x38;
	[tilespmem:$0x1C400] =	vst v63  }
0x142: {  	s9 =	sand.u32 $0xFFFFF80, s12  }
0x143: {  	(v2sf) =	vpush v5, $0x5;
	s10 =	sor.u32 $0x4, s31;
	s13 =	sor.u32 $0x3400, s1;
	s9 =	sadd.s32 s2, s9  }
0x144: {  	[tilespmem:s13], [sflag:s10] =	stream.linear.gather [hbm4b:s9+s3], $0x400, $0x38;
	[tilespmem:$0x1C400] =	vst v63  }
0x145: {  	s12 =	sor.u32 $0x3800, s1;
	s13 =	sadd.s32 $0xF4280, s9  }
0x146: {  	[tilespmem:s12], [sflag:s10] =	stream.linear.gather [hbm4b:s13+s3], $0x400, $0x38;
	[tilespmem:$0x1C400] =	vst v63  }
0x147: {  	s12 =	sor.u32 $0x3C00, s1;
	s13 =	sadd.s32 $0x1E8500, s9  }
0x148: {  	[tilespmem:s12], [sflag:s10] =	stream.linear.gather [hbm4b:s13+s3], $0x400, $0x38;
	[tilespmem:$0x1C400] =	vst v63  }
0x149: {  	s9 =	sadd.s32 $0x2DC780, s9;
	s13 =	sor.u32 $0x4000, s1;
	s12 =	spop (v2sf)  }
0x14a: {  	[tilespmem:s13], [sflag:s10] =	stream.linear.gather [hbm4b:s9+s3], $0x400, $0x38;
	[tilespmem:$0x1C400] =	vst v63  }
0x14b: {  	s9 =	sand.u32 $0xFFFFF80, s12  }
0x14c: {  	(v2sf) =	vpush v5, $0x6;
	s10 =	sor.u32 $0x5, s31;
	s13 =	sor.u32 $0x4400, s1;
	s9 =	sadd.s32 s2, s9  }
0x14d: {  	[tilespmem:s13], [sflag:s10] =	stream.linear.gather [hbm4b:s9+s3], $0x400, $0x38;
	[tilespmem:$0x1C400] =	vst v63  }
0x14e: {  	s12 =	sor.u32 $0x4800, s1;
	s13 =	sadd.s32 $0xF4280, s9  }
0x14f: {  	[tilespmem:s12], [sflag:s10] =	stream.linear.gather [hbm4b:s13+s3], $0x400, $0x38;
	[tilespmem:$0x1C400] =	vst v63  }
0x150: {  	s12 =	sor.u32 $0x4C00, s1;
	s13 =	sadd.s32 $0x1E8500, s9  }
0x151: {  	[tilespmem:s12], [sflag:s10] =	stream.linear.gather [hbm4b:s13+s3], $0x400, $0x38;
	[tilespmem:$0x1C400] =	vst v63  }
0x152: {  	s9 =	sadd.s32 $0x2DC780, s9;
	s13 =	sor.u32 $0x5000, s1;
	s12 =	spop (v2sf)  }
0x153: {  	[tilespmem:s13], [sflag:s10] =	stream.linear.gather [hbm4b:s9+s3], $0x400, $0x38;
	[tilespmem:$0x1C400] =	vst v63  }
0x154: {  	s9 =	sand.u32 $0xFFFFF80, s12  }
0x155: {  	(v2sf) =	vpush v5, $0x7;
	s10 =	sor.u32 $0x6, s31;
	s13 =	sor.u32 $0x5400, s1;
	s9 =	sadd.s32 s2, s9  }
0x156: {  	[tilespmem:s13], [sflag:s10] =	stream.linear.gather [hbm4b:s9+s3], $0x400, $0x38;
	[tilespmem:$0x1C400] =	vst v63  }
0x157: {  	s12 =	sor.u32 $0x5800, s1;
	s13 =	sadd.s32 $0xF4280, s9  }
0x158: {  	[tilespmem:s12], [sflag:s10] =	stream.linear.gather [hbm4b:s13+s3], $0x400, $0x38;
	[tilespmem:$0x1C400] =	vst v63  }
0x159: {  	s12 =	sor.u32 $0x5C00, s1;
	s13 =	sadd.s32 $0x1E8500, s9  }
0x15a: {  	[tilespmem:s12], [sflag:s10] =	stream.linear.gather [hbm4b:s13+s3], $0x400, $0x38;
	[tilespmem:$0x1C400] =	vst v63  }
0x15b: {  	s9 =	sadd.s32 $0x2DC780, s9;
	s12 =	spop (v2sf)  }
0x15c: {  	s13 =	sor.u32 $0x6000, s1;
	s12 =	sand.u32 $0xFFFFF80, s12  }
0x15d: {  	[tilespmem:s13], [sflag:s10] =	stream.linear.gather [hbm4b:s9+s3], $0x400, $0x38;
	[tilespmem:$0x1C400] =	vst v63  }
0x15e: {  	s8 =	sshllo.u32 s8, $0x3;
	s13 =	sor.u32 $0x6400, s1;
	s9 =	sadd.s32 s2, s12  }
0x15f: {  	[tilespmem:s13], [sflag:s8] =	stream.linear.gather [hbm4b:s9+s3], $0x400, $0x38;
	[tilespmem:$0x1C400] =	vst v63  }
0x160: {  	s12 =	sor.u32 $0x6800, s1;
	s13 =	sadd.s32 $0xF4280, s9  }
0x161: {  	[tilespmem:s12], [sflag:s8] =	stream.linear.gather [hbm4b:s13+s3], $0x400, $0x38;
	[tilespmem:$0x1C400] =	vst v63  }
0x162: {  	s12 =	sor.u32 $0x6C00, s1;
	s13 =	sadd.s32 $0x1E8500, s9  }
0x163: {  	[tilespmem:s12], [sflag:s8] =	stream.linear.gather [hbm4b:s13+s3], $0x400, $0x38;
	[tilespmem:$0x1C400] =	vst v63  }
0x164: {  	s9 =	sadd.s32 $0x2DC780, s9;
	s10 =	spop (v2sf);
	s13 =	sor.u32 $0x7000, s1  }
0x165: {  	[tilespmem:s13], [sflag:s8] =	stream.linear.gather [hbm4b:s9+s3], $0x400, $0x38;
	[tilespmem:$0x1C400] =	vst v63  }
0x166: {  	s8 =	sand.u32 $0xFFFFF80, s10  }
0x167: {  	s12 =	sor.u32 $0x7400, s1;
	s9 =	sadd.s32 $0x8, s31;
	s8 =	sadd.s32 s2, s8  }
0x168: {  	[tilespmem:s12], [sflag:s9] =	stream.linear.gather [hbm4b:s8+s3], $0x400, $0x38;
	[tilespmem:$0x1C400] =	vst v63  }
0x169: {  	s13 =	sor.u32 $0x7800, s1;
	s31 =	sadd.s32 $0xF4280, s8  }
0x16a: {  	[tilespmem:s13], [sflag:s9] =	stream.linear.gather [hbm4b:s31+s3], $0x400, $0x38;
	[tilespmem:$0x1C400] =	vst v63  }
.Ltmp5:
0x16b: {  	_ = 	snop;
	(pc) =	sbr.rel .LBB2_4-.Ltmp5, $4  }
0x16c: {  	s13 =	sor.u32 $0x7C00, s1;
	s31 =	sadd.s32 $0x1E8500, s8  }
0x16d: {  	[tilespmem:s13], [sflag:s9] =	stream.linear.gather [hbm4b:s31+s3], $0x400, $0x38;
	[tilespmem:$0x1C400] =	vst v63  }
0x16e: {  	s1 =	sadd.s32 $0x8000, s1;
	s8 =	sadd.s32 $0x2DC780, s8  }
0x16f: {  	[tilespmem:s1], [sflag:s9] =	stream.linear.gather [hbm4b:s8+s3], $0x400, $0x38;
	[tilespmem:$0x1C400] =	vst v63  }
.LBB2_6:
0x170: {  	_ =	sfence.sel $0x180000  }
0x171: {  	[bflag:$0x0] =	sbarrier.arrive $0xFFFF  }
0x172: {  	_ =	strace $0x90000047  }
0x173: {  	s0 =	stileid.u32;
	[bflag:$0x2] =	sbarrier.arrive $0xFFFF  }
0x174: {  	p0 =	sne.s32 s0, $0x0;
	s0 =	rddreg [dreg:$0x3]  }
0x175: {  	s0 =	sadd.s32 @!p0 $0x100000, s0  }
0x176: {  	[sflag:s0] =	ssyncadd.tile.s32 @!p0 $0x1;
	_ =	shalt  }
.Lfunc_end2:
_tile_overlayer_lowered:
.L_overlay_start_2:
0x177: {  	(tag) =	ssettag $0x2  }
0x178: {  	s0 =	rddreg [dreg:$0x0];
	s2 =	stileid.u32  }
0x179: {  	s1 =	rddreg [dreg:$0x1];
	p0 =	sne.s32 s2, $0x0  }
0x17a: {  	s3 =	rddreg [dreg:$0x2];
	[bflag:$0x3] =	sbarrier.arrive $0xFFFF;
	s2 =	simm.s32 @!p0 $0x1C19  }
0x17b: {  	[timem:s3], [sflag:s2] =	dma.local @!p0 [hbm:s0], s1  }
0x17c: {  	s0 =	simm.s32 @!p0 $0x19  }
0x17d: {  	_ =	swait.ge @!p0 [sflag:s0], s1  }
0x17e: {  	s1 =	ssub.s32 @!p0 $0x0, s1;
	[sflag:s0] =	ssyncset.done @!p0 $0x0  }
0x17f: {  	[sflag:s0] =	ssyncadd.s32 @!p0 s1  }
0x180: {  	[bflag:$0x3] =	sbarrier.arrive $0xFFFF  }
0x181: {  	_ =	shalt  }

</sc_bundles>
